<compile_context>
chip_gen: v7x
topology: tpu7x:2x2x1
jax: 0.10.2.dev20260603
libtpu: 0.0.44.dev20260713+nightly
codegen_flags: <defaults>
</compile_context>

<pallas_src>
import functools

import jax
import jax.numpy as jnp
from jax import lax
from jax.experimental import pallas as pl
from jax.experimental.pallas import tpu as pltpu
from jax.experimental.pallas import tpu_sc as plsc

N_NODES = 1000000
DIM = 16
BATCH = 16384
L = 16

NC = 2
NS = 16
NW = NC * NS

NTC = (N_NODES + 127) // 128
FLAT = NTC * DIM * 128
TCW = (NTC + NW - 1) // NW
NODES_W = TCW * 128
T_SIZE = NODES_W

CCOLS = 12
CNODES = CCOLS * 128
CELEMS = CCOLS * DIM * 128
NCH = (TCW + CCOLS - 1) // CCOLS
SB = 128


TCG = 96
C_BLK = TCG * 128
_TGRID = (N_NODES + C_BLK - 1) // C_BLK


def _to_tiles_body(x_ref, o_ref):
    x = x_ref[...]
    o_ref[...] = jnp.transpose(jnp.reshape(x, (DIM, TCG, 128)), (1, 0, 2))


_to_tiles = pl.pallas_call(
    _to_tiles_body,
    grid=(_TGRID,),
    in_specs=[pl.BlockSpec((DIM, C_BLK), lambda j: (0, j))],
    out_specs=pl.BlockSpec((TCG, DIM, 128), lambda j: (j, 0, 0)),
    out_shape=jax.ShapeDtypeStruct((NTC, DIM, 128), jnp.float32),
)


def _from_tiles_body(z_ref, o_ref):
    z = z_ref[...]
    o_ref[...] = jnp.reshape(jnp.transpose(z, (1, 0, 2)), (DIM, C_BLK))


_from_tiles = pl.pallas_call(
    _from_tiles_body,
    grid=(_TGRID,),
    in_specs=[pl.BlockSpec((TCG, DIM, 128), lambda j: (j, 0, 0))],
    out_specs=pl.BlockSpec((DIM, C_BLK), lambda j: (0, j)),
    out_shape=jax.ShapeDtypeStruct((DIM, N_NODES), jnp.float32),
)


_mesh = plsc.VectorSubcoreMesh(core_axis_name="c", subcore_axis_name="s")

_NEG = -2147483648


@functools.partial(
    pl.kernel,
    mesh=_mesh,
    compiler_params=pltpu.CompilerParams(
        needs_layout_passes=False, use_tc_tiling_on_sc=False),
    scratch_types=[
        pltpu.VMEM((BATCH,), jnp.int32),
        pltpu.VMEM((T_SIZE,), jnp.int32),
        pltpu.VMEM((BATCH,), jnp.int32),
        pltpu.VMEM((BATCH,), jnp.int32),
        pltpu.VMEM((64,), jnp.int32),
        pltpu.VMEM((64,), jnp.int32),
        pltpu.VMEM((64,), jnp.int32),
        pltpu.VMEM((SB,), jnp.int32),
        pltpu.VMEM((SB, DIM), jnp.float32),
        pltpu.VMEM((CELEMS,), jnp.float32),
        pltpu.SemaphoreType.DMA,
        pltpu.SemaphoreType.DMA,
    ],
)
def _sc_patch(nids_hbm, val_hbm, out_hbm,
              nids_v, t_v, wb_v, wn_v, hist_v, sts_v, ends_v,
              idxg, valrows, buf,
              sem_g, sem_c):
    wid = lax.axis_index("s") * NC + lax.axis_index("c")
    tc0 = jnp.minimum(wid * TCW, NTC)
    tc1 = jnp.minimum(tc0 + TCW, NTC)
    node0 = tc0 * 128
    node1 = jnp.minimum(tc1 * 128, N_NODES)
    iota = lax.iota(jnp.int32, L)
    neg1 = jnp.full((L,), -1, jnp.int32)
    zero16 = jnp.full((L,), 0, jnp.int32)

    pltpu.sync_copy(nids_hbm, nids_v)

    def init_body(i, carry):
        t_v[pl.ds(i * L, L)] = neg1
        return carry
    lax.fori_loop(0, T_SIZE // L, init_body, 0, unroll=4)
    for i in range(4):
        hist_v[pl.ds(i * L, L)] = zero16

    def stamp_body(i, carry):
        v = nids_v[pl.ds(i * L, L)]
        inr = (v >= node0) & (v < node1)
        _, last = plsc.scan_count(v, mask=inr)
        m = inr & last
        local = jnp.where(m, v - node0, 0)
        bidx = iota + i * L
        plsc.store_scatter(t_v, [local], bidx, mask=m)
        return carry
    lax.fori_loop(0, BATCH // L, stamp_body, 0, unroll=2)

    def compact_body(k, cnt):
        t = t_v[pl.ds(k * L, L)]
        m = t >= 0
        m_i32 = m.astype(jnp.int32)
        inc = plsc.cumsum(m_i32)
        pos = cnt + inc - m_i32
        nvec = node0 + k * L + iota
        plsc.store_scatter(wb_v, [pos], t, mask=m)
        plsc.store_scatter(wn_v, [pos], nvec, mask=m)
        return cnt + jnp.max(inc)
    cnt = lax.fori_loop(0, T_SIZE // L, compact_body, jnp.int32(0), unroll=2)

    @pl.when(cnt > 0)
    def _tail():
        ones = jnp.full((L,), 1, jnp.int32)

        def hist_body(k, carry):
            p = k * L + iota
            valid = p < cnt
            nv = wn_v[pl.ds(k * L, L)]
            cid = jnp.where(valid, (nv - node0) // CNODES, 63)
            plsc.addupdate_scatter(hist_v, [cid], ones, mask=valid)
            return carry
        lax.fori_loop(0, (cnt + L - 1) // L, hist_body, 0)

        carry0 = jnp.int32(0)
        for i in range(4):
            h = hist_v[pl.ds(i * L, L)]
            inc = plsc.cumsum(h)
            sts_v[pl.ds(i * L, L)] = carry0 + inc - h
            ends_v[pl.ds(i * L, L)] = carry0 + inc
            carry0 = carry0 + jnp.max(inc)

        def chunk_body(c, carry):
            al = (c // L) * L
            lane = c - al
            sva = sts_v[pl.ds(al, L)]
            eva = ends_v[pl.ds(al, L)]
            s_c = jnp.max(jnp.where(iota == lane, sva, _NEG))
            e_c = jnp.max(jnp.where(iota == lane, eva, _NEG))

            @pl.when(e_c > s_c)
            def _do_chunk():
                ccols = jnp.minimum(tc1 - (tc0 + c * CCOLS), CCOLS)
                hbase = (tc0 + c * CCOLS) * (DIM * 128)
                cn0 = node0 + c * CNODES

                @pl.when(ccols == CCOLS)
                def _in_full():
                    pltpu.async_copy(out_hbm.at[pl.ds(hbase, CELEMS)],
                                     buf, sem_c).wait()

                @pl.when(ccols < CCOLS)
                def _in_tail():
                    def dma_in(t, carry2):
                        pltpu.async_copy(
                            out_hbm.at[pl.ds(hbase + t * 2048, 2048)],
                            buf.at[pl.ds(t * 2048, 2048)], sem_c).wait()
                        return carry2
                    lax.fori_loop(0, ccols, dma_in, 0)

                def sb_body(g, carry3):
                    sb0 = s_c + g * SB
                    def gi_body(k, carry4):
                        p = sb0 + k * L + iota
                        pcl = jnp.minimum(p, e_c - 1)
                        idxg[pl.ds(k * L, L)] = plsc.load_gather(wb_v, [pcl])
                        return carry4
                    lax.fori_loop(0, SB // L, gi_body, 0)
                    pltpu.async_copy(val_hbm.at[idxg], valrows, sem_g).wait()

                    def pv_body(k, carry5):
                        p = sb0 + k * L + iota
                        pcl = jnp.minimum(p, e_c - 1)
                        nv = plsc.load_gather(wn_v, [pcl])
                        loc = nv - cn0
                        bases = (loc // 128) * (DIM * 128) + loc % 128
                        rows = pcl - sb0
                        for j in range(L):
                            sel = iota == j
                            bj = jnp.max(jnp.where(sel, bases, _NEG))
                            rj = jnp.max(jnp.where(sel, rows, _NEG))
                            rowv = plsc.load_gather(
                                valrows, [jnp.full((L,), 0, jnp.int32) + rj,
                                          iota])
                            plsc.store_scatter(
                                buf, [bj + iota * 128], rowv)
                        return carry5
                    nv_regs = (jnp.minimum(e_c - sb0, SB) + L - 1) // L
                    lax.fori_loop(0, nv_regs, pv_body, 0)
                    return carry3
                ngb = (e_c - s_c + SB - 1) // SB
                lax.fori_loop(0, ngb, sb_body, 0)

                @pl.when(ccols == CCOLS)
                def _out_full():
                    pltpu.async_copy(buf, out_hbm.at[pl.ds(hbase, CELEMS)],
                                     sem_c).wait()

                @pl.when(ccols < CCOLS)
                def _out_tail():
                    def dma_out(t, carry6):
                        pltpu.async_copy(
                            buf.at[pl.ds(t * 2048, 2048)],
                            out_hbm.at[pl.ds(hbase + t * 2048, 2048)],
                            sem_c).wait()
                        return carry6
                    lax.fori_loop(0, ccols, dma_out, 0)
            return carry
        lax.fori_loop(0, NCH, chunk_body, 0)


def kernel(memory, nids, val):
    yt = _to_tiles(memory.T)
    r = jax.new_ref(jnp.reshape(yt, (FLAT,)))
    _sc_patch(nids, val, r)
    z = jnp.reshape(r[...], (NTC, DIM, 128))
    return _from_tiles(z).T

# --- scband reference (transcript-rebuilt; emitter-appended) ---
"""Pipeline reference for scband-memory-76759655514596 (READ-ONLY COPY).

The authoritative reference and input builder live on the scoring server;
editing this copy changes nothing except your own understanding.
"""

import jax, jax.numpy as jnp
import numpy as np

N_NODES = 1000000
DIM_MEMORY = 16
BATCH = 16384


def setup_inputs(seed: int = 0) -> dict:
    key = jax.random.key(seed)
    k1, k2, k3 = jax.random.split(key, 3)
    # Memory state (nn.Parameter in torch; orthogonal init approximated by randn --
    # values do not change the memory-access pattern of gather/scatter).
    memory = jax.random.normal(k1, (N_NODES, DIM_MEMORY), dtype=jnp.float32)
    # Node ids to update (may contain duplicates, like real TGN batches).
    nids = jax.random.randint(k2, (BATCH,), 0, N_NODES, dtype=jnp.int32)
    # New memory values to write for those nodes.
    val = jax.random.normal(k3, (BATCH, DIM_MEMORY), dtype=jnp.float32)
    return {"memory": memory, "nids": nids, "val": val}


def reference(memory, nids, val):
    # Faithful translation of Memory.set_memory: self.memory[nids, :] = memory
    # (scatter-overwrite into the node-memory table). get_memory is the matching
    # gather: memory[nids, :]; the scatter is the stateful forward op here.
    updated = memory.at[nids].set(val)
    return updated

if __name__ == "__main__":
    import jax
    _d = setup_inputs()
    print(jax.jit(kernel)(*tuple(_d.values())))

</pallas_src>

<mosaic_0001>
#map = affine_map<(d0, d1) -> (0)>
#map1 = affine_map<(d0, d1) -> (0, 0)>
module attributes {stable_mosaic.version = 14 : i64} {
  func.func @new_body(%arg0: i32, %arg1: i32, %arg2: memref<16384xi32, #tpu.memory_space<hbm>>, %arg3: memref<16384x16xf32, #tpu.memory_space<hbm>>, %arg4: memref<16001024xf32, #tpu.memory_space<hbm>>, %arg5: memref<16001024xf32, #tpu.memory_space<hbm>>, %arg6: memref<16384xi32, #tpu.memory_space<vmem>>, %arg7: memref<31360xi32, #tpu.memory_space<vmem>>, %arg8: memref<16384xi32, #tpu.memory_space<vmem>>, %arg9: memref<16384xi32, #tpu.memory_space<vmem>>, %arg10: memref<64xi32, #tpu.memory_space<vmem>>, %arg11: memref<64xi32, #tpu.memory_space<vmem>>, %arg12: memref<64xi32, #tpu.memory_space<vmem>>, %arg13: memref<128xi32, #tpu.memory_space<vmem>>, %arg14: memref<128x16xf32, #tpu.memory_space<vmem>>, %arg15: memref<24576xf32, #tpu.memory_space<vmem>>, %arg16: memref<!tpu.dma_semaphore, #tpu.memory_space<semaphore_mem>>, %arg17: memref<!tpu.dma_semaphore, #tpu.memory_space<semaphore_mem>>) attributes {dimension_semantics = [#tpu.dimension_semantics<core_parallel>, #tpu.dimension_semantics<subcore_parallel>], iteration_bounds = array<i64: 2, 16>, scalar_prefetch = 0 : i64, scratch_operands = 12 : i64, tpu.core_type = #tpu.core_type<sc_vector_subcore>, window_params = [{transform_indices = #map}, {transform_indices = #map1}, {transform_indices = #map}, {transform_indices = #map}]} {
    %mul3A = arith.constant 2 : i32
    %mul3A_0 = arith.muli %arg1, %mul3A : i32
    %add3A = arith.addi %mul3A_0, %arg0 : i32
    %mul3A_1 = arith.constant 245 : i32
    %mul3A_2 = arith.muli %add3A, %mul3A_1 : i32
    %min3A = arith.constant 7813 : i32
    %min3A_3 = arith.minsi %mul3A_2, %min3A : i32
    %add3A_4 = arith.constant 245 : i32
    %add3A_5 = arith.addi %min3A_3, %add3A_4 : i32
    %min3A_6 = arith.constant 7813 : i32
    %min3A_7 = arith.minsi %add3A_5, %min3A_6 : i32
    %mul3A_8 = arith.constant 128 : i32
    %mul3A_9 = arith.muli %min3A_3, %mul3A_8 : i32
    %mul3A_10 = arith.constant 128 : i32
    %mul3A_11 = arith.muli %min3A_7, %mul3A_10 : i32
    %min3A_12 = arith.constant 1000000 : i32
    %min3A_13 = arith.minsi %mul3A_11, %min3A_12 : i32
    %iota3A = tpu.iota {dimensions = array<i32: 0>} : vector<16xi32>
    %broadcast_in_dim3A = arith.constant -1 : i32
    %broadcast_in_dim3A_14 = vector.broadcast %broadcast_in_dim3A : i32 to vector<16xi32>
    %broadcast_in_dim3A_15 = arith.constant 0 : i32
    %broadcast_in_dim3A_16 = vector.broadcast %broadcast_in_dim3A_15 : i32 to vector<16xi32>
    "tpu.region"() ({
      %run_scoped3A = tpu.sem_alloc : memref<!tpu.dma_semaphore, #tpu.memory_space<semaphore_mem>>
      tpu.enqueue_dma source(%arg2 : memref<16384xi32, #tpu.memory_space<hbm>>) target(%arg6 : memref<16384xi32, #tpu.memory_space<vmem>>) target_semaphore(%run_scoped3A : memref<!tpu.dma_semaphore, #tpu.memory_space<semaphore_mem>>)
      tpu.wait_dma2 semaphore(%run_scoped3A : memref<!tpu.dma_semaphore, #tpu.memory_space<semaphore_mem>>) src(%arg2 : memref<16384xi32, #tpu.memory_space<hbm>>) dst(%arg6 : memref<16384xi32, #tpu.memory_space<vmem>>)
      tpu.yield
    }) : () -> ()
    %scan3A = arith.constant 0 : i32
    %scan3A_17 = arith.constant 0 : i32
    %scan3A_18 = arith.constant 1960 : i32
    %scan3A_19 = arith.addi %scan3A_17, %scan3A_18 : i32
    %scan3A_20 = arith.constant 4 : i32
    scf.for %scan3A_44 = %scan3A_17 to %scan3A_19 step %scan3A_20  : i32 {
      %mul3A_45 = arith.constant 16 : i32
      %mul3A_46 = arith.muli %scan3A_44, %mul3A_45 : i32
      %swap3A_47 = arith.index_cast %mul3A_46 : i32 to index
      %swap3A_48 = tpu.vector_load %arg7[%swap3A_47] {strides = array<i32>} : memref<31360xi32, #tpu.memory_space<vmem>>, vector<16xi32>,
      tpu.vector_store %arg7[%swap3A_47], %broadcast_in_dim3A_14 {strides = array<i32>} : memref<31360xi32, #tpu.memory_space<vmem>>, vector<16xi32>,
      %scan3A_49 = arith.constant 1 : i32
      %scan3A_50 = arith.addi %scan3A_44, %scan3A_49 : i32
      %mul3A_51 = arith.constant 16 : i32
      %mul3A_52 = arith.muli %scan3A_50, %mul3A_51 : i32
      %swap3A_53 = arith.index_cast %mul3A_52 : i32 to index
      %swap3A_54 = tpu.vector_load %arg7[%swap3A_53] {strides = array<i32>} : memref<31360xi32, #tpu.memory_space<vmem>>, vector<16xi32>,
      tpu.vector_store %arg7[%swap3A_53], %broadcast_in_dim3A_14 {strides = array<i32>} : memref<31360xi32, #tpu.memory_space<vmem>>, vector<16xi32>,
      %scan3A_55 = arith.constant 2 : i32
      %scan3A_56 = arith.addi %scan3A_44, %scan3A_55 : i32
      %mul3A_57 = arith.constant 16 : i32
      %mul3A_58 = arith.muli %scan3A_56, %mul3A_57 : i32
      %swap3A_59 = arith.index_cast %mul3A_58 : i32 to index
      %swap3A_60 = tpu.vector_load %arg7[%swap3A_59] {strides = array<i32>} : memref<31360xi32, #tpu.memory_space<vmem>>, vector<16xi32>,
      tpu.vector_store %arg7[%swap3A_59], %broadcast_in_dim3A_14 {strides = array<i32>} : memref<31360xi32, #tpu.memory_space<vmem>>, vector<16xi32>,
      %scan3A_61 = arith.constant 3 : i32
      %scan3A_62 = arith.addi %scan3A_44, %scan3A_61 : i32
      %mul3A_63 = arith.constant 16 : i32
      %mul3A_64 = arith.muli %scan3A_62, %mul3A_63 : i32
      %swap3A_65 = arith.index_cast %mul3A_64 : i32 to index
      %swap3A_66 = tpu.vector_load %arg7[%swap3A_65] {strides = array<i32>} : memref<31360xi32, #tpu.memory_space<vmem>>, vector<16xi32>,
      tpu.vector_store %arg7[%swap3A_65], %broadcast_in_dim3A_14 {strides = array<i32>} : memref<31360xi32, #tpu.memory_space<vmem>>, vector<16xi32>,
    }
    %scan3A_21 = arith.constant 1960 : i32
    %swap3A = arith.constant 0 : index
    %swap3A_22 = tpu.vector_load %arg10[%swap3A] {strides = array<i32>} : memref<64xi32, #tpu.memory_space<vmem>>, vector<16xi32>,
    tpu.vector_store %arg10[%swap3A], %broadcast_in_dim3A_16 {strides = array<i32>} : memref<64xi32, #tpu.memory_space<vmem>>, vector<16xi32>,
    %swap3A_23 = arith.constant 16 : index
    %swap3A_24 = tpu.vector_load %arg10[%swap3A_23] {strides = array<i32>} : memref<64xi32, #tpu.memory_space<vmem>>, vector<16xi32>,
    tpu.vector_store %arg10[%swap3A_23], %broadcast_in_dim3A_16 {strides = array<i32>} : memref<64xi32, #tpu.memory_space<vmem>>, vector<16xi32>,
    %swap3A_25 = arith.constant 32 : index
    %swap3A_26 = tpu.vector_load %arg10[%swap3A_25] {strides = array<i32>} : memref<64xi32, #tpu.memory_space<vmem>>, vector<16xi32>,
    tpu.vector_store %arg10[%swap3A_25], %broadcast_in_dim3A_16 {strides = array<i32>} : memref<64xi32, #tpu.memory_space<vmem>>, vector<16xi32>,
    %swap3A_27 = arith.constant 48 : index
    %swap3A_28 = tpu.vector_load %arg10[%swap3A_27] {strides = array<i32>} : memref<64xi32, #tpu.memory_space<vmem>>, vector<16xi32>,
    tpu.vector_store %arg10[%swap3A_27], %broadcast_in_dim3A_16 {strides = array<i32>} : memref<64xi32, #tpu.memory_space<vmem>>, vector<16xi32>,
    %scan3A_29 = arith.constant 0 : i32
    %scan3A_30 = arith.constant 0 : i32
    %scan3A_31 = arith.constant 1024 : i32
    %scan3A_32 = arith.addi %scan3A_30, %scan3A_31 : i32
    %scan3A_33 = arith.constant 2 : i32
    scf.for %scan3A_44 = %scan3A_30 to %scan3A_32 step %scan3A_33  : i32 {
      %mul3A_45 = arith.constant 16 : i32
      %mul3A_46 = arith.muli %scan3A_44, %mul3A_45 : i32
      %get3A = arith.index_cast %mul3A_46 : i32 to index
      %get3A_47 = tpu.vector_load %arg6[%get3A] {strides = array<i32>} : memref<16384xi32, #tpu.memory_space<vmem>>, vector<16xi32>,
      %ge3A = vector.broadcast %mul3A_9 : i32 to vector<16xi32>
      %ge3A_48 = arith.cmpi sge, %get3A_47, %ge3A : vector<16xi32>
      %lt3A = vector.broadcast %min3A_13 : i32 to vector<16xi32>
      %lt3A_49 = arith.cmpi slt, %get3A_47, %lt3A : vector<16xi32>
      %and3A = arith.andi %ge3A_48, %lt3A_49 : vector<16xi1>
      %unique3A, %unique3A_50 = tpu.scan_count mask(%and3A : vector<16xi1>) value(%get3A_47 : vector<16xi32>) : vector<16xi1>, vector<16xi32>
      %and3A_51 = arith.andi %and3A, %unique3A : vector<16xi1>
      %sub3A = vector.broadcast %mul3A_9 : i32 to vector<16xi32>
      %sub3A_52 = arith.subi %get3A_47, %sub3A : vector<16xi32>
      %jit3A = arith.constant 0 : i32
      %broadcast_in_dim3A_53 = vector.broadcast %jit3A : i32 to vector<16xi32>
      %select_n3A = arith.select %and3A_51, %sub3A_52, %broadcast_in_dim3A_53 : vector<16xi1>, vector<16xi32>
      %mul3A_54 = arith.constant 16 : i32
      %mul3A_55 = arith.muli %scan3A_44, %mul3A_54 : i32
      %add3A_56 = vector.broadcast %mul3A_55 : i32 to vector<16xi32>
      %add3A_57 = arith.addi %iota3A, %add3A_56 : vector<16xi32>
      tpu.vector_store_idx %arg7[%select_n3A], %add3A_57 masked %and3A_51 : memref<31360xi32, #tpu.memory_space<vmem>>[vector<16xi32>], vector<16xi32>, vector<16xi1>
      %scan3A_58 = arith.constant 1 : i32
      %scan3A_59 = arith.addi %scan3A_44, %scan3A_58 : i32
      %mul3A_60 = arith.constant 16 : i32
      %mul3A_61 = arith.muli %scan3A_59, %mul3A_60 : i32
      %get3A_62 = arith.index_cast %mul3A_61 : i32 to index
      %get3A_63 = tpu.vector_load %arg6[%get3A_62] {strides = array<i32>} : memref<16384xi32, #tpu.memory_space<vmem>>, vector<16xi32>,
      %ge3A_64 = vector.broadcast %mul3A_9 : i32 to vector<16xi32>
      %ge3A_65 = arith.cmpi sge, %get3A_63, %ge3A_64 : vector<16xi32>
      %lt3A_66 = vector.broadcast %min3A_13 : i32 to vector<16xi32>
      %lt3A_67 = arith.cmpi slt, %get3A_63, %lt3A_66 : vector<16xi32>
      %and3A_68 = arith.andi %ge3A_65, %lt3A_67 : vector<16xi1>
      %unique3A_69, %unique3A_70 = tpu.scan_count mask(%and3A_68 : vector<16xi1>) value(%get3A_63 : vector<16xi32>) : vector<16xi1>, vector<16xi32>
      %and3A_71 = arith.andi %and3A_68, %unique3A_69 : vector<16xi1>
      %sub3A_72 = vector.broadcast %mul3A_9 : i32 to vector<16xi32>
      %sub3A_73 = arith.subi %get3A_63, %sub3A_72 : vector<16xi32>
      %jit3A_74 = arith.constant 0 : i32
      %broadcast_in_dim3A_75 = vector.broadcast %jit3A_74 : i32 to vector<16xi32>
      %select_n3A_76 = arith.select %and3A_71, %sub3A_73, %broadcast_in_dim3A_75 : vector<16xi1>, vector<16xi32>
      %mul3A_77 = arith.constant 16 : i32
      %mul3A_78 = arith.muli %scan3A_59, %mul3A_77 : i32
      %add3A_79 = vector.broadcast %mul3A_78 : i32 to vector<16xi32>
      %add3A_80 = arith.addi %iota3A, %add3A_79 : vector<16xi32>
      tpu.vector_store_idx %arg7[%select_n3A_76], %add3A_80 masked %and3A_71 : memref<31360xi32, #tpu.memory_space<vmem>>[vector<16xi32>], vector<16xi32>, vector<16xi1>
    }
    %scan3A_34 = arith.constant 1024 : i32
    %scan3A_35 = arith.constant 0 : i32
    %scan3A_36 = arith.constant 0 : i32
    %scan3A_37 = arith.constant 1960 : i32
    %scan3A_38 = arith.addi %scan3A_36, %scan3A_37 : i32
    %scan3A_39 = arith.constant 2 : i32
    %scan3A_40 = scf.for %scan3A_44 = %scan3A_36 to %scan3A_38 step %scan3A_39 iter_args(%scan3A_45 = %scan3A_35) -> (i32)  : i32 {
      %mul3A_46 = arith.constant 16 : i32
      %mul3A_47 = arith.muli %scan3A_44, %mul3A_46 : i32
      %get3A = arith.index_cast %mul3A_47 : i32 to index
      %get3A_48 = tpu.vector_load %arg7[%get3A] {strides = array<i32>} : memref<31360xi32, #tpu.memory_space<vmem>>, vector<16xi32>,
      %ge3A = arith.constant 0 : i32
      %ge3A_49 = vector.broadcast %ge3A : i32 to vector<16xi32>
      %ge3A_50 = arith.cmpi sge, %get3A_48, %ge3A_49 : vector<16xi32>
      %convert_element_type3A_51 = arith.extui %ge3A_50 : vector<16xi1> to vector<16xi32>
      %broadcast_in_dim3A_52 = arith.constant true
      %broadcast_in_dim3A_53 = vector.broadcast %broadcast_in_dim3A_52 : i1 to vector<16xi1>
      %masked_cumsum3A = tpu.scan <sum>, %convert_element_type3A_51 masked %broadcast_in_dim3A_53 : vector<16xi32>, vector<16xi1> -> vector<16xi32>
      %add3A_54 = vector.broadcast %scan3A_45 : i32 to vector<16xi32>
      %add3A_55 = arith.addi %add3A_54, %masked_cumsum3A : vector<16xi32>
      %sub3A = arith.subi %add3A_55, %convert_element_type3A_51 : vector<16xi32>
      %mul3A_56 = arith.constant 16 : i32
      %mul3A_57 = arith.muli %scan3A_44, %mul3A_56 : i32
      %add3A_58 = arith.addi %mul3A_9, %mul3A_57 : i32
      %add3A_59 = vector.broadcast %add3A_58 : i32 to vector<16xi32>
      %add3A_60 = arith.addi %add3A_59, %iota3A : vector<16xi32>
      tpu.vector_store_idx %arg8[%sub3A], %get3A_48 masked %ge3A_50 : memref<16384xi32, #tpu.memory_space<vmem>>[vector<16xi32>], vector<16xi32>, vector<16xi1>
      tpu.vector_store_idx %arg9[%sub3A], %add3A_60 masked %ge3A_50 : memref<16384xi32, #tpu.memory_space<vmem>>[vector<16xi32>], vector<16xi32>, vector<16xi1>
      %reduce_max3A = arith.constant true
      %reduce_max3A_61 = vector.broadcast %reduce_max3A : i1 to vector<16xi1>
      %reduce_max3A_62 = arith.constant -2147483648 : i32
      %reduce_max3A_63 = vector.broadcast %reduce_max3A_62 : i32 to vector<16xi32>
      %reduce_max3A_64 = arith.xori %masked_cumsum3A, %reduce_max3A_63 : vector<16xi32>
      %reduce_max3A_65 = tpu.scan <max>, %reduce_max3A_64 masked %reduce_max3A_61 : vector<16xi32>, vector<16xi1> -> vector<16xi32>
      %reduce_max3A_66 = arith.xori %reduce_max3A_65, %reduce_max3A_63 : vector<16xi32>
      %reduce_max3A_67 = vector.extract %reduce_max3A_66[15] : i32 from vector<16xi32>
      %add3A_68 = arith.addi %scan3A_45, %reduce_max3A_67 : i32
      %scan3A_69 = arith.constant 1 : i32
      %scan3A_70 = arith.addi %scan3A_44, %scan3A_69 : i32
      %mul3A_71 = arith.constant 16 : i32
      %mul3A_72 = arith.muli %scan3A_70, %mul3A_71 : i32
      %get3A_73 = arith.index_cast %mul3A_72 : i32 to index
      %get3A_74 = tpu.vector_load %arg7[%get3A_73] {strides = array<i32>} : memref<31360xi32, #tpu.memory_space<vmem>>, vector<16xi32>,
      %ge3A_75 = arith.constant 0 : i32
      %ge3A_76 = vector.broadcast %ge3A_75 : i32 to vector<16xi32>
      %ge3A_77 = arith.cmpi sge, %get3A_74, %ge3A_76 : vector<16xi32>
      %convert_element_type3A_78 = arith.extui %ge3A_77 : vector<16xi1> to vector<16xi32>
      %broadcast_in_dim3A_79 = arith.constant true
      %broadcast_in_dim3A_80 = vector.broadcast %broadcast_in_dim3A_79 : i1 to vector<16xi1>
      %masked_cumsum3A_81 = tpu.scan <sum>, %convert_element_type3A_78 masked %broadcast_in_dim3A_80 : vector<16xi32>, vector<16xi1> -> vector<16xi32>
      %add3A_82 = vector.broadcast %add3A_68 : i32 to vector<16xi32>
      %add3A_83 = arith.addi %add3A_82, %masked_cumsum3A_81 : vector<16xi32>
      %sub3A_84 = arith.subi %add3A_83, %convert_element_type3A_78 : vector<16xi32>
      %mul3A_85 = arith.constant 16 : i32
      %mul3A_86 = arith.muli %scan3A_70, %mul3A_85 : i32
      %add3A_87 = arith.addi %mul3A_9, %mul3A_86 : i32
      %add3A_88 = vector.broadcast %add3A_87 : i32 to vector<16xi32>
      %add3A_89 = arith.addi %add3A_88, %iota3A : vector<16xi32>
      tpu.vector_store_idx %arg8[%sub3A_84], %get3A_74 masked %ge3A_77 : memref<16384xi32, #tpu.memory_space<vmem>>[vector<16xi32>], vector<16xi32>, vector<16xi1>
      tpu.vector_store_idx %arg9[%sub3A_84], %add3A_89 masked %ge3A_77 : memref<16384xi32, #tpu.memory_space<vmem>>[vector<16xi32>], vector<16xi32>, vector<16xi1>
      %reduce_max3A_90 = arith.constant true
      %reduce_max3A_91 = vector.broadcast %reduce_max3A_90 : i1 to vector<16xi1>
      %reduce_max3A_92 = arith.constant -2147483648 : i32
      %reduce_max3A_93 = vector.broadcast %reduce_max3A_92 : i32 to vector<16xi32>
      %reduce_max3A_94 = arith.xori %masked_cumsum3A_81, %reduce_max3A_93 : vector<16xi32>
      %reduce_max3A_95 = tpu.scan <max>, %reduce_max3A_94 masked %reduce_max3A_91 : vector<16xi32>, vector<16xi1> -> vector<16xi32>
      %reduce_max3A_96 = arith.xori %reduce_max3A_95, %reduce_max3A_93 : vector<16xi32>
      %reduce_max3A_97 = vector.extract %reduce_max3A_96[15] : i32 from vector<16xi32>
      %add3A_98 = arith.addi %add3A_68, %reduce_max3A_97 : i32
      scf.yield %add3A_98 : i32
    }
    %scan3A_41 = arith.constant 1960 : i32
    %gt3A = arith.constant 0 : i32
    %gt3A_42 = arith.cmpi sgt, %scan3A_40, %gt3A : i32
    %convert_element_type3A = arith.extui %gt3A_42 : i1 to i32
    %cond3A = arith.constant 0 : i32
    %cond3A_43 = arith.cmpi ne, %convert_element_type3A, %cond3A : i32
    scf.if %cond3A_43 {
      %broadcast_in_dim3A_44 = arith.constant 1 : i32
      %broadcast_in_dim3A_45 = vector.broadcast %broadcast_in_dim3A_44 : i32 to vector<16xi32>
      %add3A_46 = arith.constant 16 : i32
      %add3A_47 = arith.addi %scan3A_40, %add3A_46 : i32
      %sub3A = arith.constant 1 : i32
      %sub3A_48 = arith.subi %add3A_47, %sub3A : i32
      %jit3A = arith.constant 16 : i32
      %div3A = arith.divsi %sub3A_48, %jit3A : i32
      %sign3A = arith.constant 0 : i32
      %sign3A_49 = arith.cmpi sgt, %sub3A_48, %sign3A : i32
      %sign3A_50 = arith.extui %sign3A_49 : i1 to i32
      %sign3A_51 = arith.constant 0 : i32
      %sign3A_52 = arith.cmpi slt, %sub3A_48, %sign3A_51 : i32
      %sign3A_53 = arith.extui %sign3A_52 : i1 to i32
      %sign3A_54 = arith.subi %sign3A_50, %sign3A_53 : i32
      %sign3A_55 = arith.constant 0 : i32
      %sign3A_56 = arith.cmpi sgt, %jit3A, %sign3A_55 : i32
      %sign3A_57 = arith.extui %sign3A_56 : i1 to i32
      %sign3A_58 = arith.constant 0 : i32
      %sign3A_59 = arith.cmpi slt, %jit3A, %sign3A_58 : i32
      %sign3A_60 = arith.extui %sign3A_59 : i1 to i32
      %sign3A_61 = arith.subi %sign3A_57, %sign3A_60 : i32
      %ne3A = arith.cmpi ne, %sign3A_54, %sign3A_61 : i32
      %rem3A = arith.remsi %sub3A_48, %jit3A : i32
      %ne3A_62 = arith.constant 0 : i32
      %ne3A_63 = arith.cmpi ne, %rem3A, %ne3A_62 : i32
      %and3A = arith.andi %ne3A, %ne3A_63 : i1
      %sub3A_64 = arith.constant 1 : i32
      %sub3A_65 = arith.subi %div3A, %sub3A_64 : i32
      %select_n3A = arith.select %and3A, %sub3A_65, %div3A : i32
      %while3A = arith.constant 0 : i32
      %while3A_66 = arith.constant 0 : i32
      %while3A_67 = arith.subi %select_n3A, %while3A_66 : i32
      %while3A_68 = arith.addi %while3A_66, %while3A_67 : i32
      %while3A_69 = arith.constant 1 : i32
      %while3A_70 = arith.divsi %while3A_67, %while3A_69 : i32
      %while3A_71 = arith.muli %while3A_70, %while3A_69 : i32
      %while3A_72 = arith.addi %while3A_66, %while3A_71 : i32
      %while3A_73 = arith.constant 1 : i32
      scf.for %while3A_173 = %while3A_66 to %while3A_72 step %while3A_73  : i32 {
        %mul3A_174 = arith.constant 16 : i32
        %mul3A_175 = arith.muli %while3A_173, %mul3A_174 : i32
        %add3A_176 = vector.broadcast %mul3A_175 : i32 to vector<16xi32>
        %add3A_177 = arith.addi %add3A_176, %iota3A : vector<16xi32>
        %lt3A = vector.broadcast %scan3A_40 : i32 to vector<16xi32>
        %lt3A_178 = arith.cmpi slt, %add3A_177, %lt3A : vector<16xi32>
        %mul3A_179 = arith.constant 16 : i32
        %mul3A_180 = arith.muli %while3A_173, %mul3A_179 : i32
        %get3A_181 = arith.index_cast %mul3A_180 : i32 to index
        %get3A_182 = tpu.vector_load %arg9[%get3A_181] {strides = array<i32>} : memref<16384xi32, #tpu.memory_space<vmem>>, vector<16xi32>,
        %sub3A_183 = vector.broadcast %mul3A_9 : i32 to vector<16xi32>
        %sub3A_184 = arith.subi %get3A_182, %sub3A_183 : vector<16xi32>
        %jit3A_185 = arith.constant 1536 : i32
        %div3A_186 = vector.broadcast %jit3A_185 : i32 to vector<16xi32>
        %div3A_187 = arith.divsi %sub3A_184, %div3A_186 : vector<16xi32>
        %sign3A_188 = arith.constant 0 : i32
        %sign3A_189 = vector.broadcast %sign3A_188 : i32 to vector<16xi32>
        %sign3A_190 = arith.cmpi sgt, %sub3A_184, %sign3A_189 : vector<16xi32>
        %sign3A_191 = arith.extui %sign3A_190 : vector<16xi1> to vector<16xi32>
        %sign3A_192 = arith.constant 0 : i32
        %sign3A_193 = vector.broadcast %sign3A_192 : i32 to vector<16xi32>
        %sign3A_194 = arith.cmpi slt, %sub3A_184, %sign3A_193 : vector<16xi32>
        %sign3A_195 = arith.extui %sign3A_194 : vector<16xi1> to vector<16xi32>
        %sign3A_196 = arith.subi %sign3A_191, %sign3A_195 : vector<16xi32>
        %sign3A_197 = arith.constant 0 : i32
        %sign3A_198 = arith.cmpi sgt, %jit3A_185, %sign3A_197 : i32
        %sign3A_199 = arith.extui %sign3A_198 : i1 to i32
        %sign3A_200 = arith.constant 0 : i32
        %sign3A_201 = arith.cmpi slt, %jit3A_185, %sign3A_200 : i32
        %sign3A_202 = arith.extui %sign3A_201 : i1 to i32
        %sign3A_203 = arith.subi %sign3A_199, %sign3A_202 : i32
        %ne3A_204 = vector.broadcast %sign3A_203 : i32 to vector<16xi32>
        %ne3A_205 = arith.cmpi ne, %sign3A_196, %ne3A_204 : vector<16xi32>
        %rem3A_206 = vector.broadcast %jit3A_185 : i32 to vector<16xi32>
        %rem3A_207 = arith.remsi %sub3A_184, %rem3A_206 : vector<16xi32>
        %ne3A_208 = arith.constant 0 : i32
        %ne3A_209 = vector.broadcast %ne3A_208 : i32 to vector<16xi32>
        %ne3A_210 = arith.cmpi ne, %rem3A_207, %ne3A_209 : vector<16xi32>
        %and3A_211 = arith.andi %ne3A_205, %ne3A_210 : vector<16xi1>
        %sub3A_212 = arith.constant 1 : i32
        %sub3A_213 = vector.broadcast %sub3A_212 : i32 to vector<16xi32>
        %sub3A_214 = arith.subi %div3A_187, %sub3A_213 : vector<16xi32>
        %select_n3A_215 = arith.select %and3A_211, %sub3A_214, %div3A_187 : vector<16xi1>, vector<16xi32>
        %jit3A_216 = arith.constant 63 : i32
        %broadcast_in_dim3A_217 = vector.broadcast %jit3A_216 : i32 to vector<16xi32>
        %select_n3A_218 = arith.select %lt3A_178, %select_n3A_215, %broadcast_in_dim3A_217 : vector<16xi1>, vector<16xi32>
        tpu.vector_store_idx %arg10[%select_n3A_218], %broadcast_in_dim3A_45 masked %lt3A_178 {add = true} : memref<64xi32, #tpu.memory_space<vmem>>[vector<16xi32>], vector<16xi32>, vector<16xi1>
      }
      %while3A_74 = arith.constant 1 : i32
      scf.for %while3A_173 = %while3A_72 to %while3A_68 step %while3A_74  : i32 {
        %mul3A_174 = arith.constant 16 : i32
        %mul3A_175 = arith.muli %while3A_173, %mul3A_174 : i32
        %add3A_176 = vector.broadcast %mul3A_175 : i32 to vector<16xi32>
        %add3A_177 = arith.addi %add3A_176, %iota3A : vector<16xi32>
        %lt3A = vector.broadcast %scan3A_40 : i32 to vector<16xi32>
        %lt3A_178 = arith.cmpi slt, %add3A_177, %lt3A : vector<16xi32>
        %mul3A_179 = arith.constant 16 : i32
        %mul3A_180 = arith.muli %while3A_173, %mul3A_179 : i32
        %get3A_181 = arith.index_cast %mul3A_180 : i32 to index
        %get3A_182 = tpu.vector_load %arg9[%get3A_181] {strides = array<i32>} : memref<16384xi32, #tpu.memory_space<vmem>>, vector<16xi32>,
        %sub3A_183 = vector.broadcast %mul3A_9 : i32 to vector<16xi32>
        %sub3A_184 = arith.subi %get3A_182, %sub3A_183 : vector<16xi32>
        %jit3A_185 = arith.constant 1536 : i32
        %div3A_186 = vector.broadcast %jit3A_185 : i32 to vector<16xi32>
        %div3A_187 = arith.divsi %sub3A_184, %div3A_186 : vector<16xi32>
        %sign3A_188 = arith.constant 0 : i32
        %sign3A_189 = vector.broadcast %sign3A_188 : i32 to vector<16xi32>
        %sign3A_190 = arith.cmpi sgt, %sub3A_184, %sign3A_189 : vector<16xi32>
        %sign3A_191 = arith.extui %sign3A_190 : vector<16xi1> to vector<16xi32>
        %sign3A_192 = arith.constant 0 : i32
        %sign3A_193 = vector.broadcast %sign3A_192 : i32 to vector<16xi32>
        %sign3A_194 = arith.cmpi slt, %sub3A_184, %sign3A_193 : vector<16xi32>
        %sign3A_195 = arith.extui %sign3A_194 : vector<16xi1> to vector<16xi32>
        %sign3A_196 = arith.subi %sign3A_191, %sign3A_195 : vector<16xi32>
        %sign3A_197 = arith.constant 0 : i32
        %sign3A_198 = arith.cmpi sgt, %jit3A_185, %sign3A_197 : i32
        %sign3A_199 = arith.extui %sign3A_198 : i1 to i32
        %sign3A_200 = arith.constant 0 : i32
        %sign3A_201 = arith.cmpi slt, %jit3A_185, %sign3A_200 : i32
        %sign3A_202 = arith.extui %sign3A_201 : i1 to i32
        %sign3A_203 = arith.subi %sign3A_199, %sign3A_202 : i32
        %ne3A_204 = vector.broadcast %sign3A_203 : i32 to vector<16xi32>
        %ne3A_205 = arith.cmpi ne, %sign3A_196, %ne3A_204 : vector<16xi32>
        %rem3A_206 = vector.broadcast %jit3A_185 : i32 to vector<16xi32>
        %rem3A_207 = arith.remsi %sub3A_184, %rem3A_206 : vector<16xi32>
        %ne3A_208 = arith.constant 0 : i32
        %ne3A_209 = vector.broadcast %ne3A_208 : i32 to vector<16xi32>
        %ne3A_210 = arith.cmpi ne, %rem3A_207, %ne3A_209 : vector<16xi32>
        %and3A_211 = arith.andi %ne3A_205, %ne3A_210 : vector<16xi1>
        %sub3A_212 = arith.constant 1 : i32
        %sub3A_213 = vector.broadcast %sub3A_212 : i32 to vector<16xi32>
        %sub3A_214 = arith.subi %div3A_187, %sub3A_213 : vector<16xi32>
        %select_n3A_215 = arith.select %and3A_211, %sub3A_214, %div3A_187 : vector<16xi1>, vector<16xi32>
        %jit3A_216 = arith.constant 63 : i32
        %broadcast_in_dim3A_217 = vector.broadcast %jit3A_216 : i32 to vector<16xi32>
        %select_n3A_218 = arith.select %lt3A_178, %select_n3A_215, %broadcast_in_dim3A_217 : vector<16xi1>, vector<16xi32>
        tpu.vector_store_idx %arg10[%select_n3A_218], %broadcast_in_dim3A_45 masked %lt3A_178 {add = true} : memref<64xi32, #tpu.memory_space<vmem>>[vector<16xi32>], vector<16xi32>, vector<16xi1>
      }
      %get3A = arith.constant 0 : index
      %get3A_75 = tpu.vector_load %arg10[%get3A] {strides = array<i32>} : memref<64xi32, #tpu.memory_space<vmem>>, vector<16xi32>,
      %broadcast_in_dim3A_76 = arith.constant true
      %broadcast_in_dim3A_77 = vector.broadcast %broadcast_in_dim3A_76 : i1 to vector<16xi1>
      %masked_cumsum3A = tpu.scan <sum>, %get3A_75 masked %broadcast_in_dim3A_77 : vector<16xi32>, vector<16xi1> -> vector<16xi32>
      %add3A_78 = arith.constant 0 : i32
      %add3A_79 = vector.broadcast %add3A_78 : i32 to vector<16xi32>
      %add3A_80 = arith.addi %add3A_79, %masked_cumsum3A : vector<16xi32>
      %sub3A_81 = arith.subi %add3A_80, %get3A_75 : vector<16xi32>
      %swap3A_82 = arith.constant 0 : index
      %swap3A_83 = tpu.vector_load %arg11[%swap3A_82] {strides = array<i32>} : memref<64xi32, #tpu.memory_space<vmem>>, vector<16xi32>,
      tpu.vector_store %arg11[%swap3A_82], %sub3A_81 {strides = array<i32>} : memref<64xi32, #tpu.memory_space<vmem>>, vector<16xi32>,
      %add3A_84 = arith.constant 0 : i32
      %add3A_85 = vector.broadcast %add3A_84 : i32 to vector<16xi32>
      %add3A_86 = arith.addi %add3A_85, %masked_cumsum3A : vector<16xi32>
      %swap3A_87 = arith.constant 0 : index
      %swap3A_88 = tpu.vector_load %arg12[%swap3A_87] {strides = array<i32>} : memref<64xi32, #tpu.memory_space<vmem>>, vector<16xi32>,
      tpu.vector_store %arg12[%swap3A_87], %add3A_86 {strides = array<i32>} : memref<64xi32, #tpu.memory_space<vmem>>, vector<16xi32>,
      %reduce_max3A = arith.constant true
      %reduce_max3A_89 = vector.broadcast %reduce_max3A : i1 to vector<16xi1>
      %reduce_max3A_90 = arith.constant -2147483648 : i32
      %reduce_max3A_91 = vector.broadcast %reduce_max3A_90 : i32 to vector<16xi32>
      %reduce_max3A_92 = arith.xori %masked_cumsum3A, %reduce_max3A_91 : vector<16xi32>
      %reduce_max3A_93 = tpu.scan <max>, %reduce_max3A_92 masked %reduce_max3A_89 : vector<16xi32>, vector<16xi1> -> vector<16xi32>
      %reduce_max3A_94 = arith.xori %reduce_max3A_93, %reduce_max3A_91 : vector<16xi32>
      %reduce_max3A_95 = vector.extract %reduce_max3A_94[15] : i32 from vector<16xi32>
      %add3A_96 = arith.constant 0 : i32
      %add3A_97 = arith.addi %add3A_96, %reduce_max3A_95 : i32
      %get3A_98 = arith.constant 16 : index
      %get3A_99 = tpu.vector_load %arg10[%get3A_98] {strides = array<i32>} : memref<64xi32, #tpu.memory_space<vmem>>, vector<16xi32>,
      %broadcast_in_dim3A_100 = arith.constant true
      %broadcast_in_dim3A_101 = vector.broadcast %broadcast_in_dim3A_100 : i1 to vector<16xi1>
      %masked_cumsum3A_102 = tpu.scan <sum>, %get3A_99 masked %broadcast_in_dim3A_101 : vector<16xi32>, vector<16xi1> -> vector<16xi32>
      %add3A_103 = vector.broadcast %add3A_97 : i32 to vector<16xi32>
      %add3A_104 = arith.addi %add3A_103, %masked_cumsum3A_102 : vector<16xi32>
      %sub3A_105 = arith.subi %add3A_104, %get3A_99 : vector<16xi32>
      %swap3A_106 = arith.constant 16 : index
      %swap3A_107 = tpu.vector_load %arg11[%swap3A_106] {strides = array<i32>} : memref<64xi32, #tpu.memory_space<vmem>>, vector<16xi32>,
      tpu.vector_store %arg11[%swap3A_106], %sub3A_105 {strides = array<i32>} : memref<64xi32, #tpu.memory_space<vmem>>, vector<16xi32>,
      %add3A_108 = vector.broadcast %add3A_97 : i32 to vector<16xi32>
      %add3A_109 = arith.addi %add3A_108, %masked_cumsum3A_102 : vector<16xi32>
      %swap3A_110 = arith.constant 16 : index
      %swap3A_111 = tpu.vector_load %arg12[%swap3A_110] {strides = array<i32>} : memref<64xi32, #tpu.memory_space<vmem>>, vector<16xi32>,
      tpu.vector_store %arg12[%swap3A_110], %add3A_109 {strides = array<i32>} : memref<64xi32, #tpu.memory_space<vmem>>, vector<16xi32>,
      %reduce_max3A_112 = arith.constant true
      %reduce_max3A_113 = vector.broadcast %reduce_max3A_112 : i1 to vector<16xi1>
      %reduce_max3A_114 = arith.constant -2147483648 : i32
      %reduce_max3A_115 = vector.broadcast %reduce_max3A_114 : i32 to vector<16xi32>
      %reduce_max3A_116 = arith.xori %masked_cumsum3A_102, %reduce_max3A_115 : vector<16xi32>
      %reduce_max3A_117 = tpu.scan <max>, %reduce_max3A_116 masked %reduce_max3A_113 : vector<16xi32>, vector<16xi1> -> vector<16xi32>
      %reduce_max3A_118 = arith.xori %reduce_max3A_117, %reduce_max3A_115 : vector<16xi32>
      %reduce_max3A_119 = vector.extract %reduce_max3A_118[15] : i32 from vector<16xi32>
      %add3A_120 = arith.addi %add3A_97, %reduce_max3A_119 : i32
      %get3A_121 = arith.constant 32 : index
      %get3A_122 = tpu.vector_load %arg10[%get3A_121] {strides = array<i32>} : memref<64xi32, #tpu.memory_space<vmem>>, vector<16xi32>,
      %broadcast_in_dim3A_123 = arith.constant true
      %broadcast_in_dim3A_124 = vector.broadcast %broadcast_in_dim3A_123 : i1 to vector<16xi1>
      %masked_cumsum3A_125 = tpu.scan <sum>, %get3A_122 masked %broadcast_in_dim3A_124 : vector<16xi32>, vector<16xi1> -> vector<16xi32>
      %add3A_126 = vector.broadcast %add3A_120 : i32 to vector<16xi32>
      %add3A_127 = arith.addi %add3A_126, %masked_cumsum3A_125 : vector<16xi32>
      %sub3A_128 = arith.subi %add3A_127, %get3A_122 : vector<16xi32>
      %swap3A_129 = arith.constant 32 : index
      %swap3A_130 = tpu.vector_load %arg11[%swap3A_129] {strides = array<i32>} : memref<64xi32, #tpu.memory_space<vmem>>, vector<16xi32>,
      tpu.vector_store %arg11[%swap3A_129], %sub3A_128 {strides = array<i32>} : memref<64xi32, #tpu.memory_space<vmem>>, vector<16xi32>,
      %add3A_131 = vector.broadcast %add3A_120 : i32 to vector<16xi32>
      %add3A_132 = arith.addi %add3A_131, %masked_cumsum3A_125 : vector<16xi32>
      %swap3A_133 = arith.constant 32 : index
      %swap3A_134 = tpu.vector_load %arg12[%swap3A_133] {strides = array<i32>} : memref<64xi32, #tpu.memory_space<vmem>>, vector<16xi32>,
      tpu.vector_store %arg12[%swap3A_133], %add3A_132 {strides = array<i32>} : memref<64xi32, #tpu.memory_space<vmem>>, vector<16xi32>,
      %reduce_max3A_135 = arith.constant true
      %reduce_max3A_136 = vector.broadcast %reduce_max3A_135 : i1 to vector<16xi1>
      %reduce_max3A_137 = arith.constant -2147483648 : i32
      %reduce_max3A_138 = vector.broadcast %reduce_max3A_137 : i32 to vector<16xi32>
      %reduce_max3A_139 = arith.xori %masked_cumsum3A_125, %reduce_max3A_138 : vector<16xi32>
      %reduce_max3A_140 = tpu.scan <max>, %reduce_max3A_139 masked %reduce_max3A_136 : vector<16xi32>, vector<16xi1> -> vector<16xi32>
      %reduce_max3A_141 = arith.xori %reduce_max3A_140, %reduce_max3A_138 : vector<16xi32>
      %reduce_max3A_142 = vector.extract %reduce_max3A_141[15] : i32 from vector<16xi32>
      %add3A_143 = arith.addi %add3A_120, %reduce_max3A_142 : i32
      %get3A_144 = arith.constant 48 : index
      %get3A_145 = tpu.vector_load %arg10[%get3A_144] {strides = array<i32>} : memref<64xi32, #tpu.memory_space<vmem>>, vector<16xi32>,
      %broadcast_in_dim3A_146 = arith.constant true
      %broadcast_in_dim3A_147 = vector.broadcast %broadcast_in_dim3A_146 : i1 to vector<16xi1>
      %masked_cumsum3A_148 = tpu.scan <sum>, %get3A_145 masked %broadcast_in_dim3A_147 : vector<16xi32>, vector<16xi1> -> vector<16xi32>
      %add3A_149 = vector.broadcast %add3A_143 : i32 to vector<16xi32>
      %add3A_150 = arith.addi %add3A_149, %masked_cumsum3A_148 : vector<16xi32>
      %sub3A_151 = arith.subi %add3A_150, %get3A_145 : vector<16xi32>
      %swap3A_152 = arith.constant 48 : index
      %swap3A_153 = tpu.vector_load %arg11[%swap3A_152] {strides = array<i32>} : memref<64xi32, #tpu.memory_space<vmem>>, vector<16xi32>,
      tpu.vector_store %arg11[%swap3A_152], %sub3A_151 {strides = array<i32>} : memref<64xi32, #tpu.memory_space<vmem>>, vector<16xi32>,
      %add3A_154 = vector.broadcast %add3A_143 : i32 to vector<16xi32>
      %add3A_155 = arith.addi %add3A_154, %masked_cumsum3A_148 : vector<16xi32>
      %swap3A_156 = arith.constant 48 : index
      %swap3A_157 = tpu.vector_load %arg12[%swap3A_156] {strides = array<i32>} : memref<64xi32, #tpu.memory_space<vmem>>, vector<16xi32>,
      tpu.vector_store %arg12[%swap3A_156], %add3A_155 {strides = array<i32>} : memref<64xi32, #tpu.memory_space<vmem>>, vector<16xi32>,
      %reduce_max3A_158 = arith.constant true
      %reduce_max3A_159 = vector.broadcast %reduce_max3A_158 : i1 to vector<16xi1>
      %reduce_max3A_160 = arith.constant -2147483648 : i32
      %reduce_max3A_161 = vector.broadcast %reduce_max3A_160 : i32 to vector<16xi32>
      %reduce_max3A_162 = arith.xori %masked_cumsum3A_148, %reduce_max3A_161 : vector<16xi32>
      %reduce_max3A_163 = tpu.scan <max>, %reduce_max3A_162 masked %reduce_max3A_159 : vector<16xi32>, vector<16xi1> -> vector<16xi32>
      %reduce_max3A_164 = arith.xori %reduce_max3A_163, %reduce_max3A_161 : vector<16xi32>
      %reduce_max3A_165 = vector.extract %reduce_max3A_164[15] : i32 from vector<16xi32>
      %add3A_166 = arith.addi %add3A_143, %reduce_max3A_165 : i32
      %scan3A_167 = arith.constant 0 : i32
      %scan3A_168 = arith.constant 0 : i32
      %scan3A_169 = arith.constant 21 : i32
      %scan3A_170 = arith.addi %scan3A_168, %scan3A_169 : i32
      %scan3A_171 = arith.constant 1 : i32
      scf.for %scan3A_173 = %scan3A_168 to %scan3A_170 step %scan3A_171  : i32 {
        %jit3A_174 = arith.constant 16 : i32
        %div3A_175 = arith.divsi %scan3A_173, %jit3A_174 : i32
        %sign3A_176 = arith.constant 0 : i32
        %sign3A_177 = arith.cmpi sgt, %scan3A_173, %sign3A_176 : i32
        %sign3A_178 = arith.extui %sign3A_177 : i1 to i32
        %sign3A_179 = arith.constant 0 : i32
        %sign3A_180 = arith.cmpi slt, %scan3A_173, %sign3A_179 : i32
        %sign3A_181 = arith.extui %sign3A_180 : i1 to i32
        %sign3A_182 = arith.subi %sign3A_178, %sign3A_181 : i32
        %sign3A_183 = arith.constant 0 : i32
        %sign3A_184 = arith.cmpi sgt, %jit3A_174, %sign3A_183 : i32
        %sign3A_185 = arith.extui %sign3A_184 : i1 to i32
        %sign3A_186 = arith.constant 0 : i32
        %sign3A_187 = arith.cmpi slt, %jit3A_174, %sign3A_186 : i32
        %sign3A_188 = arith.extui %sign3A_187 : i1 to i32
        %sign3A_189 = arith.subi %sign3A_185, %sign3A_188 : i32
        %ne3A_190 = arith.cmpi ne, %sign3A_182, %sign3A_189 : i32
        %rem3A_191 = arith.remsi %scan3A_173, %jit3A_174 : i32
        %ne3A_192 = arith.constant 0 : i32
        %ne3A_193 = arith.cmpi ne, %rem3A_191, %ne3A_192 : i32
        %and3A_194 = arith.andi %ne3A_190, %ne3A_193 : i1
        %sub3A_195 = arith.constant 1 : i32
        %sub3A_196 = arith.subi %div3A_175, %sub3A_195 : i32
        %select_n3A_197 = arith.select %and3A_194, %sub3A_196, %div3A_175 : i32
        %mul3A_198 = arith.constant 16 : i32
        %mul3A_199 = arith.muli %select_n3A_197, %mul3A_198 : i32
        %sub3A_200 = arith.subi %scan3A_173, %mul3A_199 : i32
        %get3A_201 = arith.index_cast %mul3A_199 : i32 to index
        %get3A_202 = tpu.vector_load %arg11[%get3A_201] {strides = array<i32>} : memref<64xi32, #tpu.memory_space<vmem>>, vector<16xi32>,
        %get3A_203 = arith.index_cast %mul3A_199 : i32 to index
        %get3A_204 = tpu.vector_load %arg12[%get3A_203] {strides = array<i32>} : memref<64xi32, #tpu.memory_space<vmem>>, vector<16xi32>,
        %eq3A = vector.broadcast %sub3A_200 : i32 to vector<16xi32>
        %eq3A_205 = arith.cmpi eq, %iota3A, %eq3A : vector<16xi32>
        %jit3A_206 = arith.constant -2147483648 : i32
        %broadcast_in_dim3A_207 = vector.broadcast %jit3A_206 : i32 to vector<16xi32>
        %select_n3A_208 = arith.select %eq3A_205, %get3A_202, %broadcast_in_dim3A_207 : vector<16xi1>, vector<16xi32>
        %reduce_max3A_209 = arith.constant true
        %reduce_max3A_210 = vector.broadcast %reduce_max3A_209 : i1 to vector<16xi1>
        %reduce_max3A_211 = arith.constant -2147483648 : i32
        %reduce_max3A_212 = vector.broadcast %reduce_max3A_211 : i32 to vector<16xi32>
        %reduce_max3A_213 = arith.xori %select_n3A_208, %reduce_max3A_212 : vector<16xi32>
        %reduce_max3A_214 = tpu.scan <max>, %reduce_max3A_213 masked %reduce_max3A_210 : vector<16xi32>, vector<16xi1> -> vector<16xi32>
        %reduce_max3A_215 = arith.xori %reduce_max3A_214, %reduce_max3A_212 : vector<16xi32>
        %reduce_max3A_216 = vector.extract %reduce_max3A_215[15] : i32 from vector<16xi32>
        %eq3A_217 = vector.broadcast %sub3A_200 : i32 to vector<16xi32>
        %eq3A_218 = arith.cmpi eq, %iota3A, %eq3A_217 : vector<16xi32>
        %jit3A_219 = arith.constant -2147483648 : i32
        %broadcast_in_dim3A_220 = vector.broadcast %jit3A_219 : i32 to vector<16xi32>
        %select_n3A_221 = arith.select %eq3A_218, %get3A_204, %broadcast_in_dim3A_220 : vector<16xi1>, vector<16xi32>
        %reduce_max3A_222 = arith.constant true
        %reduce_max3A_223 = vector.broadcast %reduce_max3A_222 : i1 to vector<16xi1>
        %reduce_max3A_224 = arith.constant -2147483648 : i32
        %reduce_max3A_225 = vector.broadcast %reduce_max3A_224 : i32 to vector<16xi32>
        %reduce_max3A_226 = arith.xori %select_n3A_221, %reduce_max3A_225 : vector<16xi32>
        %reduce_max3A_227 = tpu.scan <max>, %reduce_max3A_226 masked %reduce_max3A_223 : vector<16xi32>, vector<16xi1> -> vector<16xi32>
        %reduce_max3A_228 = arith.xori %reduce_max3A_227, %reduce_max3A_225 : vector<16xi32>
        %reduce_max3A_229 = vector.extract %reduce_max3A_228[15] : i32 from vector<16xi32>
        %gt3A_230 = arith.cmpi sgt, %reduce_max3A_229, %reduce_max3A_216 : i32
        %convert_element_type3A_231 = arith.extui %gt3A_230 : i1 to i32
        %cond3A_232 = arith.constant 0 : i32
        %cond3A_233 = arith.cmpi ne, %convert_element_type3A_231, %cond3A_232 : i32
        scf.if %cond3A_233 {
          %mul3A_234 = arith.constant 12 : i32
          %mul3A_235 = arith.muli %scan3A_173, %mul3A_234 : i32
          %add3A_236 = arith.addi %min3A_3, %mul3A_235 : i32
          %sub3A_237 = arith.subi %min3A_7, %add3A_236 : i32
          %min3A_238 = arith.constant 12 : i32
          %min3A_239 = arith.minsi %sub3A_237, %min3A_238 : i32
          %mul3A_240 = arith.constant 12 : i32
          %mul3A_241 = arith.muli %scan3A_173, %mul3A_240 : i32
          %add3A_242 = arith.addi %min3A_3, %mul3A_241 : i32
          %mul3A_243 = arith.constant 2048 : i32
          %mul3A_244 = arith.muli %add3A_242, %mul3A_243 : i32
          %mul3A_245 = arith.constant 1536 : i32
          %mul3A_246 = arith.muli %scan3A_173, %mul3A_245 : i32
          %add3A_247 = arith.addi %mul3A_9, %mul3A_246 : i32
          %eq3A_248 = arith.constant 12 : i32
          %eq3A_249 = arith.cmpi eq, %min3A_239, %eq3A_248 : i32
          %convert_element_type3A_250 = arith.extui %eq3A_249 : i1 to i32
          %cond3A_251 = arith.constant 0 : i32
          %cond3A_252 = arith.cmpi ne, %convert_element_type3A_250, %cond3A_251 : i32
          scf.if %cond3A_252 {
            %dma_start3A = tpu.memref_slice %arg4[%mul3A_244] : memref<16001024xf32, #tpu.memory_space<hbm>> -> memref<24576xf32, #tpu.memory_space<hbm>>
            %dma_start3A_306 = tpu.memref_slice %arg4[%mul3A_244] : memref<16001024xf32, #tpu.memory_space<hbm>> -> memref<24576xf32, #tpu.memory_space<hbm>>
            tpu.enqueue_dma source(%dma_start3A_306 : memref<24576xf32, #tpu.memory_space<hbm>>) target(%arg15 : memref<24576xf32, #tpu.memory_space<vmem>>) target_semaphore(%arg17 : memref<!tpu.dma_semaphore, #tpu.memory_space<semaphore_mem>>)
            %dma_wait3A = tpu.memref_slice %arg4[%mul3A_244] : memref<16001024xf32, #tpu.memory_space<hbm>> -> memref<24576xf32, #tpu.memory_space<hbm>>
            %dma_wait3A_307 = tpu.memref_slice %arg4[%mul3A_244] : memref<16001024xf32, #tpu.memory_space<hbm>> -> memref<24576xf32, #tpu.memory_space<hbm>>
            tpu.wait_dma2 semaphore(%arg17 : memref<!tpu.dma_semaphore, #tpu.memory_space<semaphore_mem>>) src(%dma_wait3A_307 : memref<24576xf32, #tpu.memory_space<hbm>>) dst(%arg15 : memref<24576xf32, #tpu.memory_space<vmem>>)
          } else {
          }
          %lt3A = arith.constant 12 : i32
          %lt3A_253 = arith.cmpi slt, %min3A_239, %lt3A : i32
          %convert_element_type3A_254 = arith.extui %lt3A_253 : i1 to i32
          %cond3A_255 = arith.constant 0 : i32
          %cond3A_256 = arith.cmpi ne, %convert_element_type3A_254, %cond3A_255 : i32
          scf.if %cond3A_256 {
            %while3A_306 = arith.constant 0 : i32
            %while3A_307 = arith.constant 0 : i32
            %while3A_308 = arith.subi %min3A_239, %while3A_307 : i32
            %while3A_309 = arith.addi %while3A_307, %while3A_308 : i32
            %while3A_310 = arith.constant 1 : i32
            %while3A_311 = arith.divsi %while3A_308, %while3A_310 : i32
            %while3A_312 = arith.muli %while3A_311, %while3A_310 : i32
            %while3A_313 = arith.addi %while3A_307, %while3A_312 : i32
            %while3A_314 = arith.constant 1 : i32
            scf.for %while3A_316 = %while3A_307 to %while3A_313 step %while3A_314  : i32 {
              %mul3A_317 = arith.constant 2048 : i32
              %mul3A_318 = arith.muli %while3A_316, %mul3A_317 : i32
              %add3A_319 = arith.addi %mul3A_244, %mul3A_318 : i32
              %mul3A_320 = arith.constant 2048 : i32
              %mul3A_321 = arith.muli %while3A_316, %mul3A_320 : i32
              %dma_start3A = tpu.memref_slice %arg15[%mul3A_321] : memref<24576xf32, #tpu.memory_space<vmem>> -> memref<2048xf32, #tpu.memory_space<vmem>>
              %dma_start3A_322 = tpu.memref_slice %arg4[%add3A_319] : memref<16001024xf32, #tpu.memory_space<hbm>> -> memref<2048xf32, #tpu.memory_space<hbm>>
              %dma_start3A_323 = tpu.memref_slice %arg15[%mul3A_321] : memref<24576xf32, #tpu.memory_space<vmem>> -> memref<2048xf32, #tpu.memory_space<vmem>>
              %dma_start3A_324 = tpu.memref_slice %arg4[%add3A_319] : memref<16001024xf32, #tpu.memory_space<hbm>> -> memref<2048xf32, #tpu.memory_space<hbm>>
              tpu.enqueue_dma source(%dma_start3A_324 : memref<2048xf32, #tpu.memory_space<hbm>>) target(%dma_start3A_323 : memref<2048xf32, #tpu.memory_space<vmem>>) target_semaphore(%arg17 : memref<!tpu.dma_semaphore, #tpu.memory_space<semaphore_mem>>)
              %dma_wait3A = tpu.memref_slice %arg15[%mul3A_321] : memref<24576xf32, #tpu.memory_space<vmem>> -> memref<2048xf32, #tpu.memory_space<vmem>>
              %dma_wait3A_325 = tpu.memref_slice %arg4[%add3A_319] : memref<16001024xf32, #tpu.memory_space<hbm>> -> memref<2048xf32, #tpu.memory_space<hbm>>
              %dma_wait3A_326 = tpu.memref_slice %arg15[%mul3A_321] : memref<24576xf32, #tpu.memory_space<vmem>> -> memref<2048xf32, #tpu.memory_space<vmem>>
              %dma_wait3A_327 = tpu.memref_slice %arg4[%add3A_319] : memref<16001024xf32, #tpu.memory_space<hbm>> -> memref<2048xf32, #tpu.memory_space<hbm>>
              tpu.wait_dma2 semaphore(%arg17 : memref<!tpu.dma_semaphore, #tpu.memory_space<semaphore_mem>>) src(%dma_wait3A_327 : memref<2048xf32, #tpu.memory_space<hbm>>) dst(%dma_wait3A_326 : memref<2048xf32, #tpu.memory_space<vmem>>)
            }
            %while3A_315 = arith.constant 1 : i32
            scf.for %while3A_316 = %while3A_313 to %while3A_309 step %while3A_315  : i32 {
              %mul3A_317 = arith.constant 2048 : i32
              %mul3A_318 = arith.muli %while3A_316, %mul3A_317 : i32
              %add3A_319 = arith.addi %mul3A_244, %mul3A_318 : i32
              %mul3A_320 = arith.constant 2048 : i32
              %mul3A_321 = arith.muli %while3A_316, %mul3A_320 : i32
              %dma_start3A = tpu.memref_slice %arg15[%mul3A_321] : memref<24576xf32, #tpu.memory_space<vmem>> -> memref<2048xf32, #tpu.memory_space<vmem>>
              %dma_start3A_322 = tpu.memref_slice %arg4[%add3A_319] : memref<16001024xf32, #tpu.memory_space<hbm>> -> memref<2048xf32, #tpu.memory_space<hbm>>
              %dma_start3A_323 = tpu.memref_slice %arg15[%mul3A_321] : memref<24576xf32, #tpu.memory_space<vmem>> -> memref<2048xf32, #tpu.memory_space<vmem>>
              %dma_start3A_324 = tpu.memref_slice %arg4[%add3A_319] : memref<16001024xf32, #tpu.memory_space<hbm>> -> memref<2048xf32, #tpu.memory_space<hbm>>
              tpu.enqueue_dma source(%dma_start3A_324 : memref<2048xf32, #tpu.memory_space<hbm>>) target(%dma_start3A_323 : memref<2048xf32, #tpu.memory_space<vmem>>) target_semaphore(%arg17 : memref<!tpu.dma_semaphore, #tpu.memory_space<semaphore_mem>>)
              %dma_wait3A = tpu.memref_slice %arg15[%mul3A_321] : memref<24576xf32, #tpu.memory_space<vmem>> -> memref<2048xf32, #tpu.memory_space<vmem>>
              %dma_wait3A_325 = tpu.memref_slice %arg4[%add3A_319] : memref<16001024xf32, #tpu.memory_space<hbm>> -> memref<2048xf32, #tpu.memory_space<hbm>>
              %dma_wait3A_326 = tpu.memref_slice %arg15[%mul3A_321] : memref<24576xf32, #tpu.memory_space<vmem>> -> memref<2048xf32, #tpu.memory_space<vmem>>
              %dma_wait3A_327 = tpu.memref_slice %arg4[%add3A_319] : memref<16001024xf32, #tpu.memory_space<hbm>> -> memref<2048xf32, #tpu.memory_space<hbm>>
              tpu.wait_dma2 semaphore(%arg17 : memref<!tpu.dma_semaphore, #tpu.memory_space<semaphore_mem>>) src(%dma_wait3A_327 : memref<2048xf32, #tpu.memory_space<hbm>>) dst(%dma_wait3A_326 : memref<2048xf32, #tpu.memory_space<vmem>>)
            }
          } else {
          }
          %sub3A_257 = arith.subi %reduce_max3A_229, %reduce_max3A_216 : i32
          %add3A_258 = arith.constant 128 : i32
          %add3A_259 = arith.addi %sub3A_257, %add3A_258 : i32
          %sub3A_260 = arith.constant 1 : i32
          %sub3A_261 = arith.subi %add3A_259, %sub3A_260 : i32
          %jit3A_262 = arith.constant 128 : i32
          %div3A_263 = arith.divsi %sub3A_261, %jit3A_262 : i32
          %sign3A_264 = arith.constant 0 : i32
          %sign3A_265 = arith.cmpi sgt, %sub3A_261, %sign3A_264 : i32
          %sign3A_266 = arith.extui %sign3A_265 : i1 to i32
          %sign3A_267 = arith.constant 0 : i32
          %sign3A_268 = arith.cmpi slt, %sub3A_261, %sign3A_267 : i32
          %sign3A_269 = arith.extui %sign3A_268 : i1 to i32
          %sign3A_270 = arith.subi %sign3A_266, %sign3A_269 : i32
          %sign3A_271 = arith.constant 0 : i32
          %sign3A_272 = arith.cmpi sgt, %jit3A_262, %sign3A_271 : i32
          %sign3A_273 = arith.extui %sign3A_272 : i1 to i32
          %sign3A_274 = arith.constant 0 : i32
          %sign3A_275 = arith.cmpi slt, %jit3A_262, %sign3A_274 : i32
          %sign3A_276 = arith.extui %sign3A_275 : i1 to i32
          %sign3A_277 = arith.subi %sign3A_273, %sign3A_276 : i32
          %ne3A_278 = arith.cmpi ne, %sign3A_270, %sign3A_277 : i32
          %rem3A_279 = arith.remsi %sub3A_261, %jit3A_262 : i32
          %ne3A_280 = arith.constant 0 : i32
          %ne3A_281 = arith.cmpi ne, %rem3A_279, %ne3A_280 : i32
          %and3A_282 = arith.andi %ne3A_278, %ne3A_281 : i1
          %sub3A_283 = arith.constant 1 : i32
          %sub3A_284 = arith.subi %div3A_263, %sub3A_283 : i32
          %select_n3A_285 = arith.select %and3A_282, %sub3A_284, %div3A_263 : i32
          %while3A_286 = arith.constant 0 : i32
          %while3A_287 = arith.constant 0 : i32
          %while3A_288 = arith.subi %select_n3A_285, %while3A_287 : i32
          %while3A_289 = arith.addi %while3A_287, %while3A_288 : i32
          %while3A_290 = arith.constant 1 : i32
          %while3A_291 = arith.divsi %while3A_288, %while3A_290 : i32
          %while3A_292 = arith.muli %while3A_291, %while3A_290 : i32
          %while3A_293 = arith.addi %while3A_287, %while3A_292 : i32
          %while3A_294 = arith.constant 1 : i32
          scf.for %while3A_306 = %while3A_287 to %while3A_293 step %while3A_294  : i32 {
            %mul3A_307 = arith.constant 128 : i32
            %mul3A_308 = arith.muli %while3A_306, %mul3A_307 : i32
            %add3A_309 = arith.addi %reduce_max3A_216, %mul3A_308 : i32
            %scan3A_310 = arith.constant 0 : i32
            %scan3A_311 = arith.constant 0 : i32
            %scan3A_312 = arith.constant 8 : i32
            %scan3A_313 = arith.addi %scan3A_311, %scan3A_312 : i32
            %scan3A_314 = arith.constant 1 : i32
            scf.for %scan3A_361 = %scan3A_311 to %scan3A_313 step %scan3A_314  : i32 {
              %mul3A_362 = arith.constant 16 : i32
              %mul3A_363 = arith.muli %scan3A_361, %mul3A_362 : i32
              %add3A_364 = arith.addi %add3A_309, %mul3A_363 : i32
              %add3A_365 = vector.broadcast %add3A_364 : i32 to vector<16xi32>
              %add3A_366 = arith.addi %add3A_365, %iota3A : vector<16xi32>
              %sub3A_367 = arith.constant 1 : i32
              %sub3A_368 = arith.subi %reduce_max3A_229, %sub3A_367 : i32
              %min3A_369 = vector.broadcast %sub3A_368 : i32 to vector<16xi32>
              %min3A_370 = arith.minsi %add3A_366, %min3A_369 : vector<16xi32>
              %gather3A = tpu.vector_load_idx %arg8[%min3A_370] : memref<16384xi32, #tpu.memory_space<vmem>>[vector<16xi32>], vector<16xi32>,
              %mul3A_371 = arith.constant 16 : i32
              %mul3A_372 = arith.muli %scan3A_361, %mul3A_371 : i32
              %swap3A_373 = arith.index_cast %mul3A_372 : i32 to index
              %swap3A_374 = tpu.vector_load %arg13[%swap3A_373] {strides = array<i32>} : memref<128xi32, #tpu.memory_space<vmem>>, vector<16xi32>,
              tpu.vector_store %arg13[%swap3A_373], %gather3A {strides = array<i32>} : memref<128xi32, #tpu.memory_space<vmem>>, vector<16xi32>,
            }
            %scan3A_315 = arith.constant 8 : i32
            %dma_start3A = arith.constant 0 : i32
            %dma_start3A_316 = arith.constant 0 : i32
            %dma_start3A_317 = tpu.memref_slice %arg3[%dma_start3A, %dma_start3A_316] : memref<16384x16xf32, #tpu.memory_space<hbm>> -> memref<16384x16xf32, #tpu.memory_space<hbm>>
            tpu.enqueue_indirect_dma source(%dma_start3A_317 : memref<16384x16xf32, #tpu.memory_space<hbm>>) target(%arg14 : memref<128x16xf32, #tpu.memory_space<vmem>>) offsets(%arg13 : memref<128xi32, #tpu.memory_space<vmem>>) semaphore(%arg16 : memref<!tpu.dma_semaphore, #tpu.memory_space<semaphore_mem>>)
            %dma_wait3A = arith.constant 0 : i32
            %dma_wait3A_318 = arith.constant 0 : i32
            %dma_wait3A_319 = tpu.memref_slice %arg3[%dma_wait3A, %dma_wait3A_318] : memref<16384x16xf32, #tpu.memory_space<hbm>> -> memref<16384x16xf32, #tpu.memory_space<hbm>>
            tpu.wait_indirect_dma semaphore(%arg16 : memref<!tpu.dma_semaphore, #tpu.memory_space<semaphore_mem>>) src(%dma_wait3A_319 : memref<16384x16xf32, #tpu.memory_space<hbm>>) dst(%arg14 : memref<128x16xf32, #tpu.memory_space<vmem>>)
            %sub3A_320 = arith.subi %reduce_max3A_229, %add3A_309 : i32
            %min3A_321 = arith.constant 128 : i32
            %min3A_322 = arith.minsi %sub3A_320, %min3A_321 : i32
            %add3A_323 = arith.constant 16 : i32
            %add3A_324 = arith.addi %min3A_322, %add3A_323 : i32
            %sub3A_325 = arith.constant 1 : i32
            %sub3A_326 = arith.subi %add3A_324, %sub3A_325 : i32
            %jit3A_327 = arith.constant 16 : i32
            %div3A_328 = arith.divsi %sub3A_326, %jit3A_327 : i32
            %sign3A_329 = arith.constant 0 : i32
            %sign3A_330 = arith.cmpi sgt, %sub3A_326, %sign3A_329 : i32
            %sign3A_331 = arith.extui %sign3A_330 : i1 to i32
            %sign3A_332 = arith.constant 0 : i32
            %sign3A_333 = arith.cmpi slt, %sub3A_326, %sign3A_332 : i32
            %sign3A_334 = arith.extui %sign3A_333 : i1 to i32
            %sign3A_335 = arith.subi %sign3A_331, %sign3A_334 : i32
            %sign3A_336 = arith.constant 0 : i32
            %sign3A_337 = arith.cmpi sgt, %jit3A_327, %sign3A_336 : i32
            %sign3A_338 = arith.extui %sign3A_337 : i1 to i32
            %sign3A_339 = arith.constant 0 : i32
            %sign3A_340 = arith.cmpi slt, %jit3A_327, %sign3A_339 : i32
            %sign3A_341 = arith.extui %sign3A_340 : i1 to i32
            %sign3A_342 = arith.subi %sign3A_338, %sign3A_341 : i32
            %ne3A_343 = arith.cmpi ne, %sign3A_335, %sign3A_342 : i32
            %rem3A_344 = arith.remsi %sub3A_326, %jit3A_327 : i32
            %ne3A_345 = arith.constant 0 : i32
            %ne3A_346 = arith.cmpi ne, %rem3A_344, %ne3A_345 : i32
            %and3A_347 = arith.andi %ne3A_343, %ne3A_346 : i1
            %sub3A_348 = arith.constant 1 : i32
            %sub3A_349 = arith.subi %div3A_328, %sub3A_348 : i32
            %select_n3A_350 = arith.select %and3A_347, %sub3A_349, %div3A_328 : i32
            %while3A_351 = arith.constant 0 : i32
            %while3A_352 = arith.constant 0 : i32
            %while3A_353 = arith.subi %select_n3A_350, %while3A_352 : i32
            %while3A_354 = arith.addi %while3A_352, %while3A_353 : i32
            %while3A_355 = arith.constant 1 : i32
            %while3A_356 = arith.divsi %while3A_353, %while3A_355 : i32
            %while3A_357 = arith.muli %while3A_356, %while3A_355 : i32
            %while3A_358 = arith.addi %while3A_352, %while3A_357 : i32
            %while3A_359 = arith.constant 1 : i32
            scf.for %while3A_361 = %while3A_352 to %while3A_358 step %while3A_359  : i32 {
              %mul3A_362 = arith.constant 16 : i32
              %mul3A_363 = arith.muli %while3A_361, %mul3A_362 : i32
              %add3A_364 = arith.addi %add3A_309, %mul3A_363 : i32
              %add3A_365 = vector.broadcast %add3A_364 : i32 to vector<16xi32>
              %add3A_366 = arith.addi %add3A_365, %iota3A : vector<16xi32>
              %sub3A_367 = arith.constant 1 : i32
              %sub3A_368 = arith.subi %reduce_max3A_229, %sub3A_367 : i32
              %min3A_369 = vector.broadcast %sub3A_368 : i32 to vector<16xi32>
              %min3A_370 = arith.minsi %add3A_366, %min3A_369 : vector<16xi32>
              %gather3A = tpu.vector_load_idx %arg9[%min3A_370] : memref<16384xi32, #tpu.memory_space<vmem>>[vector<16xi32>], vector<16xi32>,
              %sub3A_371 = vector.broadcast %add3A_247 : i32 to vector<16xi32>
              %sub3A_372 = arith.subi %gather3A, %sub3A_371 : vector<16xi32>
              %jit3A_373 = arith.constant 128 : i32
              %div3A_374 = vector.broadcast %jit3A_373 : i32 to vector<16xi32>
              %div3A_375 = arith.divsi %sub3A_372, %div3A_374 : vector<16xi32>
              %sign3A_376 = arith.constant 0 : i32
              %sign3A_377 = vector.broadcast %sign3A_376 : i32 to vector<16xi32>
              %sign3A_378 = arith.cmpi sgt, %sub3A_372, %sign3A_377 : vector<16xi32>
              %sign3A_379 = arith.extui %sign3A_378 : vector<16xi1> to vector<16xi32>
              %sign3A_380 = arith.constant 0 : i32
              %sign3A_381 = vector.broadcast %sign3A_380 : i32 to vector<16xi32>
              %sign3A_382 = arith.cmpi slt, %sub3A_372, %sign3A_381 : vector<16xi32>
              %sign3A_383 = arith.extui %sign3A_382 : vector<16xi1> to vector<16xi32>
              %sign3A_384 = arith.subi %sign3A_379, %sign3A_383 : vector<16xi32>
              %sign3A_385 = arith.constant 0 : i32
              %sign3A_386 = arith.cmpi sgt, %jit3A_373, %sign3A_385 : i32
              %sign3A_387 = arith.extui %sign3A_386 : i1 to i32
              %sign3A_388 = arith.constant 0 : i32
              %sign3A_389 = arith.cmpi slt, %jit3A_373, %sign3A_388 : i32
              %sign3A_390 = arith.extui %sign3A_389 : i1 to i32
              %sign3A_391 = arith.subi %sign3A_387, %sign3A_390 : i32
              %ne3A_392 = vector.broadcast %sign3A_391 : i32 to vector<16xi32>
              %ne3A_393 = arith.cmpi ne, %sign3A_384, %ne3A_392 : vector<16xi32>
              %rem3A_394 = vector.broadcast %jit3A_373 : i32 to vector<16xi32>
              %rem3A_395 = arith.remsi %sub3A_372, %rem3A_394 : vector<16xi32>
              %ne3A_396 = arith.constant 0 : i32
              %ne3A_397 = vector.broadcast %ne3A_396 : i32 to vector<16xi32>
              %ne3A_398 = arith.cmpi ne, %rem3A_395, %ne3A_397 : vector<16xi32>
              %and3A_399 = arith.andi %ne3A_393, %ne3A_398 : vector<16xi1>
              %sub3A_400 = arith.constant 1 : i32
              %sub3A_401 = vector.broadcast %sub3A_400 : i32 to vector<16xi32>
              %sub3A_402 = arith.subi %div3A_375, %sub3A_401 : vector<16xi32>
              %select_n3A_403 = arith.select %and3A_399, %sub3A_402, %div3A_375 : vector<16xi1>, vector<16xi32>
              %mul3A_404 = arith.constant 2048 : i32
              %mul3A_405 = vector.broadcast %mul3A_404 : i32 to vector<16xi32>
              %mul3A_406 = arith.muli %select_n3A_403, %mul3A_405 : vector<16xi32>
              %jit3A_407 = arith.constant 128 : i32
              %eq3A_408 = arith.constant 0 : i32
              %eq3A_409 = arith.cmpi eq, %jit3A_407, %eq3A_408 : i32
              %jit3A_410 = arith.constant 1 : i32
              %select_n3A_411 = arith.select %eq3A_409, %jit3A_410, %jit3A_407 : i32
              %rem3A_412 = vector.broadcast %select_n3A_411 : i32 to vector<16xi32>
              %rem3A_413 = arith.remsi %sub3A_372, %rem3A_412 : vector<16xi32>
              %ne3A_414 = arith.constant 0 : i32
              %ne3A_415 = vector.broadcast %ne3A_414 : i32 to vector<16xi32>
              %ne3A_416 = arith.cmpi ne, %rem3A_413, %ne3A_415 : vector<16xi32>
              %lt3A_417 = arith.constant 0 : i32
              %lt3A_418 = vector.broadcast %lt3A_417 : i32 to vector<16xi32>
              %lt3A_419 = arith.cmpi slt, %rem3A_413, %lt3A_418 : vector<16xi32>
              %lt3A_420 = arith.constant 0 : i32
              %lt3A_421 = arith.cmpi slt, %select_n3A_411, %lt3A_420 : i32
              %ne3A_422 = vector.broadcast %lt3A_421 : i1 to vector<16xi1>
              %ne3A_423 = vector.broadcast %ne3A_422 : vector<16xi1> to vector<16xi1>
              %ne3A_424 = arith.xori %lt3A_419, %ne3A_423 : vector<16xi1>
              %and3A_425 = arith.andi %ne3A_424, %ne3A_416 : vector<16xi1>
              %add3A_426 = vector.broadcast %select_n3A_411 : i32 to vector<16xi32>
              %add3A_427 = arith.addi %rem3A_413, %add3A_426 : vector<16xi32>
              %select_n3A_428 = arith.select %and3A_425, %add3A_427, %rem3A_413 : vector<16xi1>, vector<16xi32>
              %add3A_429 = arith.addi %mul3A_406, %select_n3A_428 : vector<16xi32>
              %sub3A_430 = vector.broadcast %add3A_309 : i32 to vector<16xi32>
              %sub3A_431 = arith.subi %min3A_370, %sub3A_430 : vector<16xi32>
              %eq3A_432 = arith.constant 0 : i32
              %eq3A_433 = vector.broadcast %eq3A_432 : i32 to vector<16xi32>
              %eq3A_434 = arith.cmpi eq, %iota3A, %eq3A_433 : vector<16xi32>
              %jit3A_435 = arith.constant -2147483648 : i32
              %broadcast_in_dim3A_436 = vector.broadcast %jit3A_435 : i32 to vector<16xi32>
              %select_n3A_437 = arith.select %eq3A_434, %add3A_429, %broadcast_in_dim3A_436 : vector<16xi1>, vector<16xi32>
              %reduce_max3A_438 = arith.constant true
              %reduce_max3A_439 = vector.broadcast %reduce_max3A_438 : i1 to vector<16xi1>
              %reduce_max3A_440 = arith.constant -2147483648 : i32
              %reduce_max3A_441 = vector.broadcast %reduce_max3A_440 : i32 to vector<16xi32>
              %reduce_max3A_442 = arith.xori %select_n3A_437, %reduce_max3A_441 : vector<16xi32>
              %reduce_max3A_443 = tpu.scan <max>, %reduce_max3A_442 masked %reduce_max3A_439 : vector<16xi32>, vector<16xi1> -> vector<16xi32>
              %reduce_max3A_444 = arith.xori %reduce_max3A_443, %reduce_max3A_441 : vector<16xi32>
              %reduce_max3A_445 = vector.extract %reduce_max3A_444[15] : i32 from vector<16xi32>
              %jit3A_446 = arith.constant -2147483648 : i32
              %broadcast_in_dim3A_447 = vector.broadcast %jit3A_446 : i32 to vector<16xi32>
              %select_n3A_448 = arith.select %eq3A_434, %sub3A_431, %broadcast_in_dim3A_447 : vector<16xi1>, vector<16xi32>
              %reduce_max3A_449 = arith.constant true
              %reduce_max3A_450 = vector.broadcast %reduce_max3A_449 : i1 to vector<16xi1>
              %reduce_max3A_451 = arith.constant -2147483648 : i32
              %reduce_max3A_452 = vector.broadcast %reduce_max3A_451 : i32 to vector<16xi32>
              %reduce_max3A_453 = arith.xori %select_n3A_448, %reduce_max3A_452 : vector<16xi32>
              %reduce_max3A_454 = tpu.scan <max>, %reduce_max3A_453 masked %reduce_max3A_450 : vector<16xi32>, vector<16xi1> -> vector<16xi32>
              %reduce_max3A_455 = arith.xori %reduce_max3A_454, %reduce_max3A_452 : vector<16xi32>
              %reduce_max3A_456 = vector.extract %reduce_max3A_455[15] : i32 from vector<16xi32>
              %broadcast_in_dim3A_457 = arith.constant 0 : i32
              %broadcast_in_dim3A_458 = vector.broadcast %broadcast_in_dim3A_457 : i32 to vector<16xi32>
              %add3A_459 = vector.broadcast %reduce_max3A_456 : i32 to vector<16xi32>
              %add3A_460 = arith.addi %broadcast_in_dim3A_458, %add3A_459 : vector<16xi32>
              %gather3A_461 = tpu.vector_load_idx %arg14[%add3A_460, %iota3A] : memref<128x16xf32, #tpu.memory_space<vmem>>[vector<16xi32>, vector<16xi32>], vector<16xf32>,
              %mul3A_462 = arith.constant 128 : i32
              %mul3A_463 = vector.broadcast %mul3A_462 : i32 to vector<16xi32>
              %mul3A_464 = arith.muli %iota3A, %mul3A_463 : vector<16xi32>
              %add3A_465 = vector.broadcast %reduce_max3A_445 : i32 to vector<16xi32>
              %add3A_466 = arith.addi %add3A_465, %mul3A_464 : vector<16xi32>
              tpu.vector_store_idx %arg15[%add3A_466], %gather3A_461 : memref<24576xf32, #tpu.memory_space<vmem>>[vector<16xi32>], vector<16xf32>,
              %eq3A_467 = arith.constant 1 : i32
              %eq3A_468 = vector.broadcast %eq3A_467 : i32 to vector<16xi32>
              %eq3A_469 = arith.cmpi eq, %iota3A, %eq3A_468 : vector<16xi32>
              %jit3A_470 = arith.constant -2147483648 : i32
              %broadcast_in_dim3A_471 = vector.broadcast %jit3A_470 : i32 to vector<16xi32>
              %select_n3A_472 = arith.select %eq3A_469, %add3A_429, %broadcast_in_dim3A_471 : vector<16xi1>, vector<16xi32>
              %reduce_max3A_473 = arith.constant true
              %reduce_max3A_474 = vector.broadcast %reduce_max3A_473 : i1 to vector<16xi1>
              %reduce_max3A_475 = arith.constant -2147483648 : i32
              %reduce_max3A_476 = vector.broadcast %reduce_max3A_475 : i32 to vector<16xi32>
              %reduce_max3A_477 = arith.xori %select_n3A_472, %reduce_max3A_476 : vector<16xi32>
              %reduce_max3A_478 = tpu.scan <max>, %reduce_max3A_477 masked %reduce_max3A_474 : vector<16xi32>, vector<16xi1> -> vector<16xi32>
              %reduce_max3A_479 = arith.xori %reduce_max3A_478, %reduce_max3A_476 : vector<16xi32>
              %reduce_max3A_480 = vector.extract %reduce_max3A_479[15] : i32 from vector<16xi32>
              %jit3A_481 = arith.constant -2147483648 : i32
              %broadcast_in_dim3A_482 = vector.broadcast %jit3A_481 : i32 to vector<16xi32>
              %select_n3A_483 = arith.select %eq3A_469, %sub3A_431, %broadcast_in_dim3A_482 : vector<16xi1>, vector<16xi32>
              %reduce_max3A_484 = arith.constant true
              %reduce_max3A_485 = vector.broadcast %reduce_max3A_484 : i1 to vector<16xi1>
              %reduce_max3A_486 = arith.constant -2147483648 : i32
              %reduce_max3A_487 = vector.broadcast %reduce_max3A_486 : i32 to vector<16xi32>
              %reduce_max3A_488 = arith.xori %select_n3A_483, %reduce_max3A_487 : vector<16xi32>
              %reduce_max3A_489 = tpu.scan <max>, %reduce_max3A_488 masked %reduce_max3A_485 : vector<16xi32>, vector<16xi1> -> vector<16xi32>
              %reduce_max3A_490 = arith.xori %reduce_max3A_489, %reduce_max3A_487 : vector<16xi32>
              %reduce_max3A_491 = vector.extract %reduce_max3A_490[15] : i32 from vector<16xi32>
              %broadcast_in_dim3A_492 = arith.constant 0 : i32
              %broadcast_in_dim3A_493 = vector.broadcast %broadcast_in_dim3A_492 : i32 to vector<16xi32>
              %add3A_494 = vector.broadcast %reduce_max3A_491 : i32 to vector<16xi32>
              %add3A_495 = arith.addi %broadcast_in_dim3A_493, %add3A_494 : vector<16xi32>
              %gather3A_496 = tpu.vector_load_idx %arg14[%add3A_495, %iota3A] : memref<128x16xf32, #tpu.memory_space<vmem>>[vector<16xi32>, vector<16xi32>], vector<16xf32>,
              %mul3A_497 = arith.constant 128 : i32
              %mul3A_498 = vector.broadcast %mul3A_497 : i32 to vector<16xi32>
              %mul3A_499 = arith.muli %iota3A, %mul3A_498 : vector<16xi32>
              %add3A_500 = vector.broadcast %reduce_max3A_480 : i32 to vector<16xi32>
              %add3A_501 = arith.addi %add3A_500, %mul3A_499 : vector<16xi32>
              tpu.vector_store_idx %arg15[%add3A_501], %gather3A_496 : memref<24576xf32, #tpu.memory_space<vmem>>[vector<16xi32>], vector<16xf32>,
              %eq3A_502 = arith.constant 2 : i32
              %eq3A_503 = vector.broadcast %eq3A_502 : i32 to vector<16xi32>
              %eq3A_504 = arith.cmpi eq, %iota3A, %eq3A_503 : vector<16xi32>
              %jit3A_505 = arith.constant -2147483648 : i32
              %broadcast_in_dim3A_506 = vector.broadcast %jit3A_505 : i32 to vector<16xi32>
              %select_n3A_507 = arith.select %eq3A_504, %add3A_429, %broadcast_in_dim3A_506 : vector<16xi1>, vector<16xi32>
              %reduce_max3A_508 = arith.constant true
              %reduce_max3A_509 = vector.broadcast %reduce_max3A_508 : i1 to vector<16xi1>
              %reduce_max3A_510 = arith.constant -2147483648 : i32
              %reduce_max3A_511 = vector.broadcast %reduce_max3A_510 : i32 to vector<16xi32>
              %reduce_max3A_512 = arith.xori %select_n3A_507, %reduce_max3A_511 : vector<16xi32>
              %reduce_max3A_513 = tpu.scan <max>, %reduce_max3A_512 masked %reduce_max3A_509 : vector<16xi32>, vector<16xi1> -> vector<16xi32>
              %reduce_max3A_514 = arith.xori %reduce_max3A_513, %reduce_max3A_511 : vector<16xi32>
              %reduce_max3A_515 = vector.extract %reduce_max3A_514[15] : i32 from vector<16xi32>
              %jit3A_516 = arith.constant -2147483648 : i32
              %broadcast_in_dim3A_517 = vector.broadcast %jit3A_516 : i32 to vector<16xi32>
              %select_n3A_518 = arith.select %eq3A_504, %sub3A_431, %broadcast_in_dim3A_517 : vector<16xi1>, vector<16xi32>
              %reduce_max3A_519 = arith.constant true
              %reduce_max3A_520 = vector.broadcast %reduce_max3A_519 : i1 to vector<16xi1>
              %reduce_max3A_521 = arith.constant -2147483648 : i32
              %reduce_max3A_522 = vector.broadcast %reduce_max3A_521 : i32 to vector<16xi32>
              %reduce_max3A_523 = arith.xori %select_n3A_518, %reduce_max3A_522 : vector<16xi32>
              %reduce_max3A_524 = tpu.scan <max>, %reduce_max3A_523 masked %reduce_max3A_520 : vector<16xi32>, vector<16xi1> -> vector<16xi32>
              %reduce_max3A_525 = arith.xori %reduce_max3A_524, %reduce_max3A_522 : vector<16xi32>
              %reduce_max3A_526 = vector.extract %reduce_max3A_525[15] : i32 from vector<16xi32>
              %broadcast_in_dim3A_527 = arith.constant 0 : i32
              %broadcast_in_dim3A_528 = vector.broadcast %broadcast_in_dim3A_527 : i32 to vector<16xi32>
              %add3A_529 = vector.broadcast %reduce_max3A_526 : i32 to vector<16xi32>
              %add3A_530 = arith.addi %broadcast_in_dim3A_528, %add3A_529 : vector<16xi32>
              %gather3A_531 = tpu.vector_load_idx %arg14[%add3A_530, %iota3A] : memref<128x16xf32, #tpu.memory_space<vmem>>[vector<16xi32>, vector<16xi32>], vector<16xf32>,
              %mul3A_532 = arith.constant 128 : i32
              %mul3A_533 = vector.broadcast %mul3A_532 : i32 to vector<16xi32>
              %mul3A_534 = arith.muli %iota3A, %mul3A_533 : vector<16xi32>
              %add3A_535 = vector.broadcast %reduce_max3A_515 : i32 to vector<16xi32>
              %add3A_536 = arith.addi %add3A_535, %mul3A_534 : vector<16xi32>
              tpu.vector_store_idx %arg15[%add3A_536], %gather3A_531 : memref<24576xf32, #tpu.memory_space<vmem>>[vector<16xi32>], vector<16xf32>,
              %eq3A_537 = arith.constant 3 : i32
              %eq3A_538 = vector.broadcast %eq3A_537 : i32 to vector<16xi32>
              %eq3A_539 = arith.cmpi eq, %iota3A, %eq3A_538 : vector<16xi32>
              %jit3A_540 = arith.constant -2147483648 : i32
              %broadcast_in_dim3A_541 = vector.broadcast %jit3A_540 : i32 to vector<16xi32>
              %select_n3A_542 = arith.select %eq3A_539, %add3A_429, %broadcast_in_dim3A_541 : vector<16xi1>, vector<16xi32>
              %reduce_max3A_543 = arith.constant true
              %reduce_max3A_544 = vector.broadcast %reduce_max3A_543 : i1 to vector<16xi1>
              %reduce_max3A_545 = arith.constant -2147483648 : i32
              %reduce_max3A_546 = vector.broadcast %reduce_max3A_545 : i32 to vector<16xi32>
              %reduce_max3A_547 = arith.xori %select_n3A_542, %reduce_max3A_546 : vector<16xi32>
              %reduce_max3A_548 = tpu.scan <max>, %reduce_max3A_547 masked %reduce_max3A_544 : vector<16xi32>, vector<16xi1> -> vector<16xi32>
              %reduce_max3A_549 = arith.xori %reduce_max3A_548, %reduce_max3A_546 : vector<16xi32>
              %reduce_max3A_550 = vector.extract %reduce_max3A_549[15] : i32 from vector<16xi32>
              %jit3A_551 = arith.constant -2147483648 : i32
              %broadcast_in_dim3A_552 = vector.broadcast %jit3A_551 : i32 to vector<16xi32>
              %select_n3A_553 = arith.select %eq3A_539, %sub3A_431, %broadcast_in_dim3A_552 : vector<16xi1>, vector<16xi32>
              %reduce_max3A_554 = arith.constant true
              %reduce_max3A_555 = vector.broadcast %reduce_max3A_554 : i1 to vector<16xi1>
              %reduce_max3A_556 = arith.constant -2147483648 : i32
              %reduce_max3A_557 = vector.broadcast %reduce_max3A_556 : i32 to vector<16xi32>
              %reduce_max3A_558 = arith.xori %select_n3A_553, %reduce_max3A_557 : vector<16xi32>
              %reduce_max3A_559 = tpu.scan <max>, %reduce_max3A_558 masked %reduce_max3A_555 : vector<16xi32>, vector<16xi1> -> vector<16xi32>
              %reduce_max3A_560 = arith.xori %reduce_max3A_559, %reduce_max3A_557 : vector<16xi32>
              %reduce_max3A_561 = vector.extract %reduce_max3A_560[15] : i32 from vector<16xi32>
              %broadcast_in_dim3A_562 = arith.constant 0 : i32
              %broadcast_in_dim3A_563 = vector.broadcast %broadcast_in_dim3A_562 : i32 to vector<16xi32>
              %add3A_564 = vector.broadcast %reduce_max3A_561 : i32 to vector<16xi32>
              %add3A_565 = arith.addi %broadcast_in_dim3A_563, %add3A_564 : vector<16xi32>
              %gather3A_566 = tpu.vector_load_idx %arg14[%add3A_565, %iota3A] : memref<128x16xf32, #tpu.memory_space<vmem>>[vector<16xi32>, vector<16xi32>], vector<16xf32>,
              %mul3A_567 = arith.constant 128 : i32
              %mul3A_568 = vector.broadcast %mul3A_567 : i32 to vector<16xi32>
              %mul3A_569 = arith.muli %iota3A, %mul3A_568 : vector<16xi32>
              %add3A_570 = vector.broadcast %reduce_max3A_550 : i32 to vector<16xi32>
              %add3A_571 = arith.addi %add3A_570, %mul3A_569 : vector<16xi32>
              tpu.vector_store_idx %arg15[%add3A_571], %gather3A_566 : memref<24576xf32, #tpu.memory_space<vmem>>[vector<16xi32>], vector<16xf32>,
              %eq3A_572 = arith.constant 4 : i32
              %eq3A_573 = vector.broadcast %eq3A_572 : i32 to vector<16xi32>
              %eq3A_574 = arith.cmpi eq, %iota3A, %eq3A_573 : vector<16xi32>
              %jit3A_575 = arith.constant -2147483648 : i32
              %broadcast_in_dim3A_576 = vector.broadcast %jit3A_575 : i32 to vector<16xi32>
              %select_n3A_577 = arith.select %eq3A_574, %add3A_429, %broadcast_in_dim3A_576 : vector<16xi1>, vector<16xi32>
              %reduce_max3A_578 = arith.constant true
              %reduce_max3A_579 = vector.broadcast %reduce_max3A_578 : i1 to vector<16xi1>
              %reduce_max3A_580 = arith.constant -2147483648 : i32
              %reduce_max3A_581 = vector.broadcast %reduce_max3A_580 : i32 to vector<16xi32>
              %reduce_max3A_582 = arith.xori %select_n3A_577, %reduce_max3A_581 : vector<16xi32>
              %reduce_max3A_583 = tpu.scan <max>, %reduce_max3A_582 masked %reduce_max3A_579 : vector<16xi32>, vector<16xi1> -> vector<16xi32>
              %reduce_max3A_584 = arith.xori %reduce_max3A_583, %reduce_max3A_581 : vector<16xi32>
              %reduce_max3A_585 = vector.extract %reduce_max3A_584[15] : i32 from vector<16xi32>
              %jit3A_586 = arith.constant -2147483648 : i32
              %broadcast_in_dim3A_587 = vector.broadcast %jit3A_586 : i32 to vector<16xi32>
              %select_n3A_588 = arith.select %eq3A_574, %sub3A_431, %broadcast_in_dim3A_587 : vector<16xi1>, vector<16xi32>
              %reduce_max3A_589 = arith.constant true
              %reduce_max3A_590 = vector.broadcast %reduce_max3A_589 : i1 to vector<16xi1>
              %reduce_max3A_591 = arith.constant -2147483648 : i32
              %reduce_max3A_592 = vector.broadcast %reduce_max3A_591 : i32 to vector<16xi32>
              %reduce_max3A_593 = arith.xori %select_n3A_588, %reduce_max3A_592 : vector<16xi32>
              %reduce_max3A_594 = tpu.scan <max>, %reduce_max3A_593 masked %reduce_max3A_590 : vector<16xi32>, vector<16xi1> -> vector<16xi32>
              %reduce_max3A_595 = arith.xori %reduce_max3A_594, %reduce_max3A_592 : vector<16xi32>
              %reduce_max3A_596 = vector.extract %reduce_max3A_595[15] : i32 from vector<16xi32>
              %broadcast_in_dim3A_597 = arith.constant 0 : i32
              %broadcast_in_dim3A_598 = vector.broadcast %broadcast_in_dim3A_597 : i32 to vector<16xi32>
              %add3A_599 = vector.broadcast %reduce_max3A_596 : i32 to vector<16xi32>
              %add3A_600 = arith.addi %broadcast_in_dim3A_598, %add3A_599 : vector<16xi32>
              %gather3A_601 = tpu.vector_load_idx %arg14[%add3A_600, %iota3A] : memref<128x16xf32, #tpu.memory_space<vmem>>[vector<16xi32>, vector<16xi32>], vector<16xf32>,
              %mul3A_602 = arith.constant 128 : i32
              %mul3A_603 = vector.broadcast %mul3A_602 : i32 to vector<16xi32>
              %mul3A_604 = arith.muli %iota3A, %mul3A_603 : vector<16xi32>
              %add3A_605 = vector.broadcast %reduce_max3A_585 : i32 to vector<16xi32>
              %add3A_606 = arith.addi %add3A_605, %mul3A_604 : vector<16xi32>
              tpu.vector_store_idx %arg15[%add3A_606], %gather3A_601 : memref<24576xf32, #tpu.memory_space<vmem>>[vector<16xi32>], vector<16xf32>,
              %eq3A_607 = arith.constant 5 : i32
              %eq3A_608 = vector.broadcast %eq3A_607 : i32 to vector<16xi32>
              %eq3A_609 = arith.cmpi eq, %iota3A, %eq3A_608 : vector<16xi32>
              %jit3A_610 = arith.constant -2147483648 : i32
              %broadcast_in_dim3A_611 = vector.broadcast %jit3A_610 : i32 to vector<16xi32>
              %select_n3A_612 = arith.select %eq3A_609, %add3A_429, %broadcast_in_dim3A_611 : vector<16xi1>, vector<16xi32>
              %reduce_max3A_613 = arith.constant true
              %reduce_max3A_614 = vector.broadcast %reduce_max3A_613 : i1 to vector<16xi1>
              %reduce_max3A_615 = arith.constant -2147483648 : i32
              %reduce_max3A_616 = vector.broadcast %reduce_max3A_615 : i32 to vector<16xi32>
              %reduce_max3A_617 = arith.xori %select_n3A_612, %reduce_max3A_616 : vector<16xi32>
              %reduce_max3A_618 = tpu.scan <max>, %reduce_max3A_617 masked %reduce_max3A_614 : vector<16xi32>, vector<16xi1> -> vector<16xi32>
              %reduce_max3A_619 = arith.xori %reduce_max3A_618, %reduce_max3A_616 : vector<16xi32>
              %reduce_max3A_620 = vector.extract %reduce_max3A_619[15] : i32 from vector<16xi32>
              %jit3A_621 = arith.constant -2147483648 : i32
              %broadcast_in_dim3A_622 = vector.broadcast %jit3A_621 : i32 to vector<16xi32>
              %select_n3A_623 = arith.select %eq3A_609, %sub3A_431, %broadcast_in_dim3A_622 : vector<16xi1>, vector<16xi32>
              %reduce_max3A_624 = arith.constant true
              %reduce_max3A_625 = vector.broadcast %reduce_max3A_624 : i1 to vector<16xi1>
              %reduce_max3A_626 = arith.constant -2147483648 : i32
              %reduce_max3A_627 = vector.broadcast %reduce_max3A_626 : i32 to vector<16xi32>
              %reduce_max3A_628 = arith.xori %select_n3A_623, %reduce_max3A_627 : vector<16xi32>
              %reduce_max3A_629 = tpu.scan <max>, %reduce_max3A_628 masked %reduce_max3A_625 : vector<16xi32>, vector<16xi1> -> vector<16xi32>
              %reduce_max3A_630 = arith.xori %reduce_max3A_629, %reduce_max3A_627 : vector<16xi32>
              %reduce_max3A_631 = vector.extract %reduce_max3A_630[15] : i32 from vector<16xi32>
              %broadcast_in_dim3A_632 = arith.constant 0 : i32
              %broadcast_in_dim3A_633 = vector.broadcast %broadcast_in_dim3A_632 : i32 to vector<16xi32>
              %add3A_634 = vector.broadcast %reduce_max3A_631 : i32 to vector<16xi32>
              %add3A_635 = arith.addi %broadcast_in_dim3A_633, %add3A_634 : vector<16xi32>
              %gather3A_636 = tpu.vector_load_idx %arg14[%add3A_635, %iota3A] : memref<128x16xf32, #tpu.memory_space<vmem>>[vector<16xi32>, vector<16xi32>], vector<16xf32>,
              %mul3A_637 = arith.constant 128 : i32
              %mul3A_638 = vector.broadcast %mul3A_637 : i32 to vector<16xi32>
              %mul3A_639 = arith.muli %iota3A, %mul3A_638 : vector<16xi32>
              %add3A_640 = vector.broadcast %reduce_max3A_620 : i32 to vector<16xi32>
              %add3A_641 = arith.addi %add3A_640, %mul3A_639 : vector<16xi32>
              tpu.vector_store_idx %arg15[%add3A_641], %gather3A_636 : memref<24576xf32, #tpu.memory_space<vmem>>[vector<16xi32>], vector<16xf32>,
              %eq3A_642 = arith.constant 6 : i32
              %eq3A_643 = vector.broadcast %eq3A_642 : i32 to vector<16xi32>
              %eq3A_644 = arith.cmpi eq, %iota3A, %eq3A_643 : vector<16xi32>
              %jit3A_645 = arith.constant -2147483648 : i32
              %broadcast_in_dim3A_646 = vector.broadcast %jit3A_645 : i32 to vector<16xi32>
              %select_n3A_647 = arith.select %eq3A_644, %add3A_429, %broadcast_in_dim3A_646 : vector<16xi1>, vector<16xi32>
              %reduce_max3A_648 = arith.constant true
              %reduce_max3A_649 = vector.broadcast %reduce_max3A_648 : i1 to vector<16xi1>
              %reduce_max3A_650 = arith.constant -2147483648 : i32
              %reduce_max3A_651 = vector.broadcast %reduce_max3A_650 : i32 to vector<16xi32>
              %reduce_max3A_652 = arith.xori %select_n3A_647, %reduce_max3A_651 : vector<16xi32>
              %reduce_max3A_653 = tpu.scan <max>, %reduce_max3A_652 masked %reduce_max3A_649 : vector<16xi32>, vector<16xi1> -> vector<16xi32>
              %reduce_max3A_654 = arith.xori %reduce_max3A_653, %reduce_max3A_651 : vector<16xi32>
              %reduce_max3A_655 = vector.extract %reduce_max3A_654[15] : i32 from vector<16xi32>
              %jit3A_656 = arith.constant -2147483648 : i32
              %broadcast_in_dim3A_657 = vector.broadcast %jit3A_656 : i32 to vector<16xi32>
              %select_n3A_658 = arith.select %eq3A_644, %sub3A_431, %broadcast_in_dim3A_657 : vector<16xi1>, vector<16xi32>
              %reduce_max3A_659 = arith.constant true
              %reduce_max3A_660 = vector.broadcast %reduce_max3A_659 : i1 to vector<16xi1>
              %reduce_max3A_661 = arith.constant -2147483648 : i32
              %reduce_max3A_662 = vector.broadcast %reduce_max3A_661 : i32 to vector<16xi32>
              %reduce_max3A_663 = arith.xori %select_n3A_658, %reduce_max3A_662 : vector<16xi32>
              %reduce_max3A_664 = tpu.scan <max>, %reduce_max3A_663 masked %reduce_max3A_660 : vector<16xi32>, vector<16xi1> -> vector<16xi32>
              %reduce_max3A_665 = arith.xori %reduce_max3A_664, %reduce_max3A_662 : vector<16xi32>
              %reduce_max3A_666 = vector.extract %reduce_max3A_665[15] : i32 from vector<16xi32>
              %broadcast_in_dim3A_667 = arith.constant 0 : i32
              %broadcast_in_dim3A_668 = vector.broadcast %broadcast_in_dim3A_667 : i32 to vector<16xi32>
              %add3A_669 = vector.broadcast %reduce_max3A_666 : i32 to vector<16xi32>
              %add3A_670 = arith.addi %broadcast_in_dim3A_668, %add3A_669 : vector<16xi32>
              %gather3A_671 = tpu.vector_load_idx %arg14[%add3A_670, %iota3A] : memref<128x16xf32, #tpu.memory_space<vmem>>[vector<16xi32>, vector<16xi32>], vector<16xf32>,
              %mul3A_672 = arith.constant 128 : i32
              %mul3A_673 = vector.broadcast %mul3A_672 : i32 to vector<16xi32>
              %mul3A_674 = arith.muli %iota3A, %mul3A_673 : vector<16xi32>
              %add3A_675 = vector.broadcast %reduce_max3A_655 : i32 to vector<16xi32>
              %add3A_676 = arith.addi %add3A_675, %mul3A_674 : vector<16xi32>
              tpu.vector_store_idx %arg15[%add3A_676], %gather3A_671 : memref<24576xf32, #tpu.memory_space<vmem>>[vector<16xi32>], vector<16xf32>,
              %eq3A_677 = arith.constant 7 : i32
              %eq3A_678 = vector.broadcast %eq3A_677 : i32 to vector<16xi32>
              %eq3A_679 = arith.cmpi eq, %iota3A, %eq3A_678 : vector<16xi32>
              %jit3A_680 = arith.constant -2147483648 : i32
              %broadcast_in_dim3A_681 = vector.broadcast %jit3A_680 : i32 to vector<16xi32>
              %select_n3A_682 = arith.select %eq3A_679, %add3A_429, %broadcast_in_dim3A_681 : vector<16xi1>, vector<16xi32>
              %reduce_max3A_683 = arith.constant true
              %reduce_max3A_684 = vector.broadcast %reduce_max3A_683 : i1 to vector<16xi1>
              %reduce_max3A_685 = arith.constant -2147483648 : i32
              %reduce_max3A_686 = vector.broadcast %reduce_max3A_685 : i32 to vector<16xi32>
              %reduce_max3A_687 = arith.xori %select_n3A_682, %reduce_max3A_686 : vector<16xi32>
              %reduce_max3A_688 = tpu.scan <max>, %reduce_max3A_687 masked %reduce_max3A_684 : vector<16xi32>, vector<16xi1> -> vector<16xi32>
              %reduce_max3A_689 = arith.xori %reduce_max3A_688, %reduce_max3A_686 : vector<16xi32>
              %reduce_max3A_690 = vector.extract %reduce_max3A_689[15] : i32 from vector<16xi32>
              %jit3A_691 = arith.constant -2147483648 : i32
              %broadcast_in_dim3A_692 = vector.broadcast %jit3A_691 : i32 to vector<16xi32>
              %select_n3A_693 = arith.select %eq3A_679, %sub3A_431, %broadcast_in_dim3A_692 : vector<16xi1>, vector<16xi32>
              %reduce_max3A_694 = arith.constant true
              %reduce_max3A_695 = vector.broadcast %reduce_max3A_694 : i1 to vector<16xi1>
              %reduce_max3A_696 = arith.constant -2147483648 : i32
              %reduce_max3A_697 = vector.broadcast %reduce_max3A_696 : i32 to vector<16xi32>
              %reduce_max3A_698 = arith.xori %select_n3A_693, %reduce_max3A_697 : vector<16xi32>
              %reduce_max3A_699 = tpu.scan <max>, %reduce_max3A_698 masked %reduce_max3A_695 : vector<16xi32>, vector<16xi1> -> vector<16xi32>
              %reduce_max3A_700 = arith.xori %reduce_max3A_699, %reduce_max3A_697 : vector<16xi32>
              %reduce_max3A_701 = vector.extract %reduce_max3A_700[15] : i32 from vector<16xi32>
              %broadcast_in_dim3A_702 = arith.constant 0 : i32
              %broadcast_in_dim3A_703 = vector.broadcast %broadcast_in_dim3A_702 : i32 to vector<16xi32>
              %add3A_704 = vector.broadcast %reduce_max3A_701 : i32 to vector<16xi32>
              %add3A_705 = arith.addi %broadcast_in_dim3A_703, %add3A_704 : vector<16xi32>
              %gather3A_706 = tpu.vector_load_idx %arg14[%add3A_705, %iota3A] : memref<128x16xf32, #tpu.memory_space<vmem>>[vector<16xi32>, vector<16xi32>], vector<16xf32>,
              %mul3A_707 = arith.constant 128 : i32
              %mul3A_708 = vector.broadcast %mul3A_707 : i32 to vector<16xi32>
              %mul3A_709 = arith.muli %iota3A, %mul3A_708 : vector<16xi32>
              %add3A_710 = vector.broadcast %reduce_max3A_690 : i32 to vector<16xi32>
              %add3A_711 = arith.addi %add3A_710, %mul3A_709 : vector<16xi32>
              tpu.vector_store_idx %arg15[%add3A_711], %gather3A_706 : memref<24576xf32, #tpu.memory_space<vmem>>[vector<16xi32>], vector<16xf32>,
              %eq3A_712 = arith.constant 8 : i32
              %eq3A_713 = vector.broadcast %eq3A_712 : i32 to vector<16xi32>
              %eq3A_714 = arith.cmpi eq, %iota3A, %eq3A_713 : vector<16xi32>
              %jit3A_715 = arith.constant -2147483648 : i32
              %broadcast_in_dim3A_716 = vector.broadcast %jit3A_715 : i32 to vector<16xi32>
              %select_n3A_717 = arith.select %eq3A_714, %add3A_429, %broadcast_in_dim3A_716 : vector<16xi1>, vector<16xi32>
              %reduce_max3A_718 = arith.constant true
              %reduce_max3A_719 = vector.broadcast %reduce_max3A_718 : i1 to vector<16xi1>
              %reduce_max3A_720 = arith.constant -2147483648 : i32
              %reduce_max3A_721 = vector.broadcast %reduce_max3A_720 : i32 to vector<16xi32>
              %reduce_max3A_722 = arith.xori %select_n3A_717, %reduce_max3A_721 : vector<16xi32>
              %reduce_max3A_723 = tpu.scan <max>, %reduce_max3A_722 masked %reduce_max3A_719 : vector<16xi32>, vector<16xi1> -> vector<16xi32>
              %reduce_max3A_724 = arith.xori %reduce_max3A_723, %reduce_max3A_721 : vector<16xi32>
              %reduce_max3A_725 = vector.extract %reduce_max3A_724[15] : i32 from vector<16xi32>
              %jit3A_726 = arith.constant -2147483648 : i32
              %broadcast_in_dim3A_727 = vector.broadcast %jit3A_726 : i32 to vector<16xi32>
              %select_n3A_728 = arith.select %eq3A_714, %sub3A_431, %broadcast_in_dim3A_727 : vector<16xi1>, vector<16xi32>
              %reduce_max3A_729 = arith.constant true
              %reduce_max3A_730 = vector.broadcast %reduce_max3A_729 : i1 to vector<16xi1>
              %reduce_max3A_731 = arith.constant -2147483648 : i32
              %reduce_max3A_732 = vector.broadcast %reduce_max3A_731 : i32 to vector<16xi32>
              %reduce_max3A_733 = arith.xori %select_n3A_728, %reduce_max3A_732 : vector<16xi32>
              %reduce_max3A_734 = tpu.scan <max>, %reduce_max3A_733 masked %reduce_max3A_730 : vector<16xi32>, vector<16xi1> -> vector<16xi32>
              %reduce_max3A_735 = arith.xori %reduce_max3A_734, %reduce_max3A_732 : vector<16xi32>
              %reduce_max3A_736 = vector.extract %reduce_max3A_735[15] : i32 from vector<16xi32>
              %broadcast_in_dim3A_737 = arith.constant 0 : i32
              %broadcast_in_dim3A_738 = vector.broadcast %broadcast_in_dim3A_737 : i32 to vector<16xi32>
              %add3A_739 = vector.broadcast %reduce_max3A_736 : i32 to vector<16xi32>
              %add3A_740 = arith.addi %broadcast_in_dim3A_738, %add3A_739 : vector<16xi32>
              %gather3A_741 = tpu.vector_load_idx %arg14[%add3A_740, %iota3A] : memref<128x16xf32, #tpu.memory_space<vmem>>[vector<16xi32>, vector<16xi32>], vector<16xf32>,
              %mul3A_742 = arith.constant 128 : i32
              %mul3A_743 = vector.broadcast %mul3A_742 : i32 to vector<16xi32>
              %mul3A_744 = arith.muli %iota3A, %mul3A_743 : vector<16xi32>
              %add3A_745 = vector.broadcast %reduce_max3A_725 : i32 to vector<16xi32>
              %add3A_746 = arith.addi %add3A_745, %mul3A_744 : vector<16xi32>
              tpu.vector_store_idx %arg15[%add3A_746], %gather3A_741 : memref<24576xf32, #tpu.memory_space<vmem>>[vector<16xi32>], vector<16xf32>,
              %eq3A_747 = arith.constant 9 : i32
              %eq3A_748 = vector.broadcast %eq3A_747 : i32 to vector<16xi32>
              %eq3A_749 = arith.cmpi eq, %iota3A, %eq3A_748 : vector<16xi32>
              %jit3A_750 = arith.constant -2147483648 : i32
              %broadcast_in_dim3A_751 = vector.broadcast %jit3A_750 : i32 to vector<16xi32>
              %select_n3A_752 = arith.select %eq3A_749, %add3A_429, %broadcast_in_dim3A_751 : vector<16xi1>, vector<16xi32>
              %reduce_max3A_753 = arith.constant true
              %reduce_max3A_754 = vector.broadcast %reduce_max3A_753 : i1 to vector<16xi1>
              %reduce_max3A_755 = arith.constant -2147483648 : i32
              %reduce_max3A_756 = vector.broadcast %reduce_max3A_755 : i32 to vector<16xi32>
              %reduce_max3A_757 = arith.xori %select_n3A_752, %reduce_max3A_756 : vector<16xi32>
              %reduce_max3A_758 = tpu.scan <max>, %reduce_max3A_757 masked %reduce_max3A_754 : vector<16xi32>, vector<16xi1> -> vector<16xi32>
              %reduce_max3A_759 = arith.xori %reduce_max3A_758, %reduce_max3A_756 : vector<16xi32>
              %reduce_max3A_760 = vector.extract %reduce_max3A_759[15] : i32 from vector<16xi32>
              %jit3A_761 = arith.constant -2147483648 : i32
              %broadcast_in_dim3A_762 = vector.broadcast %jit3A_761 : i32 to vector<16xi32>
              %select_n3A_763 = arith.select %eq3A_749, %sub3A_431, %broadcast_in_dim3A_762 : vector<16xi1>, vector<16xi32>
              %reduce_max3A_764 = arith.constant true
              %reduce_max3A_765 = vector.broadcast %reduce_max3A_764 : i1 to vector<16xi1>
              %reduce_max3A_766 = arith.constant -2147483648 : i32
              %reduce_max3A_767 = vector.broadcast %reduce_max3A_766 : i32 to vector<16xi32>
              %reduce_max3A_768 = arith.xori %select_n3A_763, %reduce_max3A_767 : vector<16xi32>
              %reduce_max3A_769 = tpu.scan <max>, %reduce_max3A_768 masked %reduce_max3A_765 : vector<16xi32>, vector<16xi1> -> vector<16xi32>
              %reduce_max3A_770 = arith.xori %reduce_max3A_769, %reduce_max3A_767 : vector<16xi32>
              %reduce_max3A_771 = vector.extract %reduce_max3A_770[15] : i32 from vector<16xi32>
              %broadcast_in_dim3A_772 = arith.constant 0 : i32
              %broadcast_in_dim3A_773 = vector.broadcast %broadcast_in_dim3A_772 : i32 to vector<16xi32>
              %add3A_774 = vector.broadcast %reduce_max3A_771 : i32 to vector<16xi32>
              %add3A_775 = arith.addi %broadcast_in_dim3A_773, %add3A_774 : vector<16xi32>
              %gather3A_776 = tpu.vector_load_idx %arg14[%add3A_775, %iota3A] : memref<128x16xf32, #tpu.memory_space<vmem>>[vector<16xi32>, vector<16xi32>], vector<16xf32>,
              %mul3A_777 = arith.constant 128 : i32
              %mul3A_778 = vector.broadcast %mul3A_777 : i32 to vector<16xi32>
              %mul3A_779 = arith.muli %iota3A, %mul3A_778 : vector<16xi32>
              %add3A_780 = vector.broadcast %reduce_max3A_760 : i32 to vector<16xi32>
              %add3A_781 = arith.addi %add3A_780, %mul3A_779 : vector<16xi32>
              tpu.vector_store_idx %arg15[%add3A_781], %gather3A_776 : memref<24576xf32, #tpu.memory_space<vmem>>[vector<16xi32>], vector<16xf32>,
              %eq3A_782 = arith.constant 10 : i32
              %eq3A_783 = vector.broadcast %eq3A_782 : i32 to vector<16xi32>
              %eq3A_784 = arith.cmpi eq, %iota3A, %eq3A_783 : vector<16xi32>
              %jit3A_785 = arith.constant -2147483648 : i32
              %broadcast_in_dim3A_786 = vector.broadcast %jit3A_785 : i32 to vector<16xi32>
              %select_n3A_787 = arith.select %eq3A_784, %add3A_429, %broadcast_in_dim3A_786 : vector<16xi1>, vector<16xi32>
              %reduce_max3A_788 = arith.constant true
              %reduce_max3A_789 = vector.broadcast %reduce_max3A_788 : i1 to vector<16xi1>
              %reduce_max3A_790 = arith.constant -2147483648 : i32
              %reduce_max3A_791 = vector.broadcast %reduce_max3A_790 : i32 to vector<16xi32>
              %reduce_max3A_792 = arith.xori %select_n3A_787, %reduce_max3A_791 : vector<16xi32>
              %reduce_max3A_793 = tpu.scan <max>, %reduce_max3A_792 masked %reduce_max3A_789 : vector<16xi32>, vector<16xi1> -> vector<16xi32>
              %reduce_max3A_794 = arith.xori %reduce_max3A_793, %reduce_max3A_791 : vector<16xi32>
              %reduce_max3A_795 = vector.extract %reduce_max3A_794[15] : i32 from vector<16xi32>
              %jit3A_796 = arith.constant -2147483648 : i32
              %broadcast_in_dim3A_797 = vector.broadcast %jit3A_796 : i32 to vector<16xi32>
              %select_n3A_798 = arith.select %eq3A_784, %sub3A_431, %broadcast_in_dim3A_797 : vector<16xi1>, vector<16xi32>
              %reduce_max3A_799 = arith.constant true
              %reduce_max3A_800 = vector.broadcast %reduce_max3A_799 : i1 to vector<16xi1>
              %reduce_max3A_801 = arith.constant -2147483648 : i32
              %reduce_max3A_802 = vector.broadcast %reduce_max3A_801 : i32 to vector<16xi32>
              %reduce_max3A_803 = arith.xori %select_n3A_798, %reduce_max3A_802 : vector<16xi32>
              %reduce_max3A_804 = tpu.scan <max>, %reduce_max3A_803 masked %reduce_max3A_800 : vector<16xi32>, vector<16xi1> -> vector<16xi32>
              %reduce_max3A_805 = arith.xori %reduce_max3A_804, %reduce_max3A_802 : vector<16xi32>
              %reduce_max3A_806 = vector.extract %reduce_max3A_805[15] : i32 from vector<16xi32>
              %broadcast_in_dim3A_807 = arith.constant 0 : i32
              %broadcast_in_dim3A_808 = vector.broadcast %broadcast_in_dim3A_807 : i32 to vector<16xi32>
              %add3A_809 = vector.broadcast %reduce_max3A_806 : i32 to vector<16xi32>
              %add3A_810 = arith.addi %broadcast_in_dim3A_808, %add3A_809 : vector<16xi32>
              %gather3A_811 = tpu.vector_load_idx %arg14[%add3A_810, %iota3A] : memref<128x16xf32, #tpu.memory_space<vmem>>[vector<16xi32>, vector<16xi32>], vector<16xf32>,
              %mul3A_812 = arith.constant 128 : i32
              %mul3A_813 = vector.broadcast %mul3A_812 : i32 to vector<16xi32>
              %mul3A_814 = arith.muli %iota3A, %mul3A_813 : vector<16xi32>
              %add3A_815 = vector.broadcast %reduce_max3A_795 : i32 to vector<16xi32>
              %add3A_816 = arith.addi %add3A_815, %mul3A_814 : vector<16xi32>
              tpu.vector_store_idx %arg15[%add3A_816], %gather3A_811 : memref<24576xf32, #tpu.memory_space<vmem>>[vector<16xi32>], vector<16xf32>,
              %eq3A_817 = arith.constant 11 : i32
              %eq3A_818 = vector.broadcast %eq3A_817 : i32 to vector<16xi32>
              %eq3A_819 = arith.cmpi eq, %iota3A, %eq3A_818 : vector<16xi32>
              %jit3A_820 = arith.constant -2147483648 : i32
              %broadcast_in_dim3A_821 = vector.broadcast %jit3A_820 : i32 to vector<16xi32>
              %select_n3A_822 = arith.select %eq3A_819, %add3A_429, %broadcast_in_dim3A_821 : vector<16xi1>, vector<16xi32>
              %reduce_max3A_823 = arith.constant true
              %reduce_max3A_824 = vector.broadcast %reduce_max3A_823 : i1 to vector<16xi1>
              %reduce_max3A_825 = arith.constant -2147483648 : i32
              %reduce_max3A_826 = vector.broadcast %reduce_max3A_825 : i32 to vector<16xi32>
              %reduce_max3A_827 = arith.xori %select_n3A_822, %reduce_max3A_826 : vector<16xi32>
              %reduce_max3A_828 = tpu.scan <max>, %reduce_max3A_827 masked %reduce_max3A_824 : vector<16xi32>, vector<16xi1> -> vector<16xi32>
              %reduce_max3A_829 = arith.xori %reduce_max3A_828, %reduce_max3A_826 : vector<16xi32>
              %reduce_max3A_830 = vector.extract %reduce_max3A_829[15] : i32 from vector<16xi32>
              %jit3A_831 = arith.constant -2147483648 : i32
              %broadcast_in_dim3A_832 = vector.broadcast %jit3A_831 : i32 to vector<16xi32>
              %select_n3A_833 = arith.select %eq3A_819, %sub3A_431, %broadcast_in_dim3A_832 : vector<16xi1>, vector<16xi32>
              %reduce_max3A_834 = arith.constant true
              %reduce_max3A_835 = vector.broadcast %reduce_max3A_834 : i1 to vector<16xi1>
              %reduce_max3A_836 = arith.constant -2147483648 : i32
              %reduce_max3A_837 = vector.broadcast %reduce_max3A_836 : i32 to vector<16xi32>
              %reduce_max3A_838 = arith.xori %select_n3A_833, %reduce_max3A_837 : vector<16xi32>
              %reduce_max3A_839 = tpu.scan <max>, %reduce_max3A_838 masked %reduce_max3A_835 : vector<16xi32>, vector<16xi1> -> vector<16xi32>
              %reduce_max3A_840 = arith.xori %reduce_max3A_839, %reduce_max3A_837 : vector<16xi32>
              %reduce_max3A_841 = vector.extract %reduce_max3A_840[15] : i32 from vector<16xi32>
              %broadcast_in_dim3A_842 = arith.constant 0 : i32
              %broadcast_in_dim3A_843 = vector.broadcast %broadcast_in_dim3A_842 : i32 to vector<16xi32>
              %add3A_844 = vector.broadcast %reduce_max3A_841 : i32 to vector<16xi32>
              %add3A_845 = arith.addi %broadcast_in_dim3A_843, %add3A_844 : vector<16xi32>
              %gather3A_846 = tpu.vector_load_idx %arg14[%add3A_845, %iota3A] : memref<128x16xf32, #tpu.memory_space<vmem>>[vector<16xi32>, vector<16xi32>], vector<16xf32>,
              %mul3A_847 = arith.constant 128 : i32
              %mul3A_848 = vector.broadcast %mul3A_847 : i32 to vector<16xi32>
              %mul3A_849 = arith.muli %iota3A, %mul3A_848 : vector<16xi32>
              %add3A_850 = vector.broadcast %reduce_max3A_830 : i32 to vector<16xi32>
              %add3A_851 = arith.addi %add3A_850, %mul3A_849 : vector<16xi32>
              tpu.vector_store_idx %arg15[%add3A_851], %gather3A_846 : memref<24576xf32, #tpu.memory_space<vmem>>[vector<16xi32>], vector<16xf32>,
              %eq3A_852 = arith.constant 12 : i32
              %eq3A_853 = vector.broadcast %eq3A_852 : i32 to vector<16xi32>
              %eq3A_854 = arith.cmpi eq, %iota3A, %eq3A_853 : vector<16xi32>
              %jit3A_855 = arith.constant -2147483648 : i32
              %broadcast_in_dim3A_856 = vector.broadcast %jit3A_855 : i32 to vector<16xi32>
              %select_n3A_857 = arith.select %eq3A_854, %add3A_429, %broadcast_in_dim3A_856 : vector<16xi1>, vector<16xi32>
              %reduce_max3A_858 = arith.constant true
              %reduce_max3A_859 = vector.broadcast %reduce_max3A_858 : i1 to vector<16xi1>
              %reduce_max3A_860 = arith.constant -2147483648 : i32
              %reduce_max3A_861 = vector.broadcast %reduce_max3A_860 : i32 to vector<16xi32>
              %reduce_max3A_862 = arith.xori %select_n3A_857, %reduce_max3A_861 : vector<16xi32>
              %reduce_max3A_863 = tpu.scan <max>, %reduce_max3A_862 masked %reduce_max3A_859 : vector<16xi32>, vector<16xi1> -> vector<16xi32>
              %reduce_max3A_864 = arith.xori %reduce_max3A_863, %reduce_max3A_861 : vector<16xi32>
              %reduce_max3A_865 = vector.extract %reduce_max3A_864[15] : i32 from vector<16xi32>
              %jit3A_866 = arith.constant -2147483648 : i32
              %broadcast_in_dim3A_867 = vector.broadcast %jit3A_866 : i32 to vector<16xi32>
              %select_n3A_868 = arith.select %eq3A_854, %sub3A_431, %broadcast_in_dim3A_867 : vector<16xi1>, vector<16xi32>
              %reduce_max3A_869 = arith.constant true
              %reduce_max3A_870 = vector.broadcast %reduce_max3A_869 : i1 to vector<16xi1>
              %reduce_max3A_871 = arith.constant -2147483648 : i32
              %reduce_max3A_872 = vector.broadcast %reduce_max3A_871 : i32 to vector<16xi32>
              %reduce_max3A_873 = arith.xori %select_n3A_868, %reduce_max3A_872 : vector<16xi32>
              %reduce_max3A_874 = tpu.scan <max>, %reduce_max3A_873 masked %reduce_max3A_870 : vector<16xi32>, vector<16xi1> -> vector<16xi32>
              %reduce_max3A_875 = arith.xori %reduce_max3A_874, %reduce_max3A_872 : vector<16xi32>
              %reduce_max3A_876 = vector.extract %reduce_max3A_875[15] : i32 from vector<16xi32>
              %broadcast_in_dim3A_877 = arith.constant 0 : i32
              %broadcast_in_dim3A_878 = vector.broadcast %broadcast_in_dim3A_877 : i32 to vector<16xi32>
              %add3A_879 = vector.broadcast %reduce_max3A_876 : i32 to vector<16xi32>
              %add3A_880 = arith.addi %broadcast_in_dim3A_878, %add3A_879 : vector<16xi32>
              %gather3A_881 = tpu.vector_load_idx %arg14[%add3A_880, %iota3A] : memref<128x16xf32, #tpu.memory_space<vmem>>[vector<16xi32>, vector<16xi32>], vector<16xf32>,
              %mul3A_882 = arith.constant 128 : i32
              %mul3A_883 = vector.broadcast %mul3A_882 : i32 to vector<16xi32>
              %mul3A_884 = arith.muli %iota3A, %mul3A_883 : vector<16xi32>
              %add3A_885 = vector.broadcast %reduce_max3A_865 : i32 to vector<16xi32>
              %add3A_886 = arith.addi %add3A_885, %mul3A_884 : vector<16xi32>
              tpu.vector_store_idx %arg15[%add3A_886], %gather3A_881 : memref<24576xf32, #tpu.memory_space<vmem>>[vector<16xi32>], vector<16xf32>,
              %eq3A_887 = arith.constant 13 : i32
              %eq3A_888 = vector.broadcast %eq3A_887 : i32 to vector<16xi32>
              %eq3A_889 = arith.cmpi eq, %iota3A, %eq3A_888 : vector<16xi32>
              %jit3A_890 = arith.constant -2147483648 : i32
              %broadcast_in_dim3A_891 = vector.broadcast %jit3A_890 : i32 to vector<16xi32>
              %select_n3A_892 = arith.select %eq3A_889, %add3A_429, %broadcast_in_dim3A_891 : vector<16xi1>, vector<16xi32>
              %reduce_max3A_893 = arith.constant true
              %reduce_max3A_894 = vector.broadcast %reduce_max3A_893 : i1 to vector<16xi1>
              %reduce_max3A_895 = arith.constant -2147483648 : i32
              %reduce_max3A_896 = vector.broadcast %reduce_max3A_895 : i32 to vector<16xi32>
              %reduce_max3A_897 = arith.xori %select_n3A_892, %reduce_max3A_896 : vector<16xi32>
              %reduce_max3A_898 = tpu.scan <max>, %reduce_max3A_897 masked %reduce_max3A_894 : vector<16xi32>, vector<16xi1> -> vector<16xi32>
              %reduce_max3A_899 = arith.xori %reduce_max3A_898, %reduce_max3A_896 : vector<16xi32>
              %reduce_max3A_900 = vector.extract %reduce_max3A_899[15] : i32 from vector<16xi32>
              %jit3A_901 = arith.constant -2147483648 : i32
              %broadcast_in_dim3A_902 = vector.broadcast %jit3A_901 : i32 to vector<16xi32>
              %select_n3A_903 = arith.select %eq3A_889, %sub3A_431, %broadcast_in_dim3A_902 : vector<16xi1>, vector<16xi32>
              %reduce_max3A_904 = arith.constant true
              %reduce_max3A_905 = vector.broadcast %reduce_max3A_904 : i1 to vector<16xi1>
              %reduce_max3A_906 = arith.constant -2147483648 : i32
              %reduce_max3A_907 = vector.broadcast %reduce_max3A_906 : i32 to vector<16xi32>
              %reduce_max3A_908 = arith.xori %select_n3A_903, %reduce_max3A_907 : vector<16xi32>
              %reduce_max3A_909 = tpu.scan <max>, %reduce_max3A_908 masked %reduce_max3A_905 : vector<16xi32>, vector<16xi1> -> vector<16xi32>
              %reduce_max3A_910 = arith.xori %reduce_max3A_909, %reduce_max3A_907 : vector<16xi32>
              %reduce_max3A_911 = vector.extract %reduce_max3A_910[15] : i32 from vector<16xi32>
              %broadcast_in_dim3A_912 = arith.constant 0 : i32
              %broadcast_in_dim3A_913 = vector.broadcast %broadcast_in_dim3A_912 : i32 to vector<16xi32>
              %add3A_914 = vector.broadcast %reduce_max3A_911 : i32 to vector<16xi32>
              %add3A_915 = arith.addi %broadcast_in_dim3A_913, %add3A_914 : vector<16xi32>
              %gather3A_916 = tpu.vector_load_idx %arg14[%add3A_915, %iota3A] : memref<128x16xf32, #tpu.memory_space<vmem>>[vector<16xi32>, vector<16xi32>], vector<16xf32>,
              %mul3A_917 = arith.constant 128 : i32
              %mul3A_918 = vector.broadcast %mul3A_917 : i32 to vector<16xi32>
              %mul3A_919 = arith.muli %iota3A, %mul3A_918 : vector<16xi32>
              %add3A_920 = vector.broadcast %reduce_max3A_900 : i32 to vector<16xi32>
              %add3A_921 = arith.addi %add3A_920, %mul3A_919 : vector<16xi32>
              tpu.vector_store_idx %arg15[%add3A_921], %gather3A_916 : memref<24576xf32, #tpu.memory_space<vmem>>[vector<16xi32>], vector<16xf32>,
              %eq3A_922 = arith.constant 14 : i32
              %eq3A_923 = vector.broadcast %eq3A_922 : i32 to vector<16xi32>
              %eq3A_924 = arith.cmpi eq, %iota3A, %eq3A_923 : vector<16xi32>
              %jit3A_925 = arith.constant -2147483648 : i32
              %broadcast_in_dim3A_926 = vector.broadcast %jit3A_925 : i32 to vector<16xi32>
              %select_n3A_927 = arith.select %eq3A_924, %add3A_429, %broadcast_in_dim3A_926 : vector<16xi1>, vector<16xi32>
              %reduce_max3A_928 = arith.constant true
              %reduce_max3A_929 = vector.broadcast %reduce_max3A_928 : i1 to vector<16xi1>
              %reduce_max3A_930 = arith.constant -2147483648 : i32
              %reduce_max3A_931 = vector.broadcast %reduce_max3A_930 : i32 to vector<16xi32>
              %reduce_max3A_932 = arith.xori %select_n3A_927, %reduce_max3A_931 : vector<16xi32>
              %reduce_max3A_933 = tpu.scan <max>, %reduce_max3A_932 masked %reduce_max3A_929 : vector<16xi32>, vector<16xi1> -> vector<16xi32>
              %reduce_max3A_934 = arith.xori %reduce_max3A_933, %reduce_max3A_931 : vector<16xi32>
              %reduce_max3A_935 = vector.extract %reduce_max3A_934[15] : i32 from vector<16xi32>
              %jit3A_936 = arith.constant -2147483648 : i32
              %broadcast_in_dim3A_937 = vector.broadcast %jit3A_936 : i32 to vector<16xi32>
              %select_n3A_938 = arith.select %eq3A_924, %sub3A_431, %broadcast_in_dim3A_937 : vector<16xi1>, vector<16xi32>
              %reduce_max3A_939 = arith.constant true
              %reduce_max3A_940 = vector.broadcast %reduce_max3A_939 : i1 to vector<16xi1>
              %reduce_max3A_941 = arith.constant -2147483648 : i32
              %reduce_max3A_942 = vector.broadcast %reduce_max3A_941 : i32 to vector<16xi32>
              %reduce_max3A_943 = arith.xori %select_n3A_938, %reduce_max3A_942 : vector<16xi32>
              %reduce_max3A_944 = tpu.scan <max>, %reduce_max3A_943 masked %reduce_max3A_940 : vector<16xi32>, vector<16xi1> -> vector<16xi32>
              %reduce_max3A_945 = arith.xori %reduce_max3A_944, %reduce_max3A_942 : vector<16xi32>
              %reduce_max3A_946 = vector.extract %reduce_max3A_945[15] : i32 from vector<16xi32>
              %broadcast_in_dim3A_947 = arith.constant 0 : i32
              %broadcast_in_dim3A_948 = vector.broadcast %broadcast_in_dim3A_947 : i32 to vector<16xi32>
              %add3A_949 = vector.broadcast %reduce_max3A_946 : i32 to vector<16xi32>
              %add3A_950 = arith.addi %broadcast_in_dim3A_948, %add3A_949 : vector<16xi32>
              %gather3A_951 = tpu.vector_load_idx %arg14[%add3A_950, %iota3A] : memref<128x16xf32, #tpu.memory_space<vmem>>[vector<16xi32>, vector<16xi32>], vector<16xf32>,
              %mul3A_952 = arith.constant 128 : i32
              %mul3A_953 = vector.broadcast %mul3A_952 : i32 to vector<16xi32>
              %mul3A_954 = arith.muli %iota3A, %mul3A_953 : vector<16xi32>
              %add3A_955 = vector.broadcast %reduce_max3A_935 : i32 to vector<16xi32>
              %add3A_956 = arith.addi %add3A_955, %mul3A_954 : vector<16xi32>
              tpu.vector_store_idx %arg15[%add3A_956], %gather3A_951 : memref<24576xf32, #tpu.memory_space<vmem>>[vector<16xi32>], vector<16xf32>,
              %eq3A_957 = arith.constant 15 : i32
              %eq3A_958 = vector.broadcast %eq3A_957 : i32 to vector<16xi32>
              %eq3A_959 = arith.cmpi eq, %iota3A, %eq3A_958 : vector<16xi32>
              %jit3A_960 = arith.constant -2147483648 : i32
              %broadcast_in_dim3A_961 = vector.broadcast %jit3A_960 : i32 to vector<16xi32>
              %select_n3A_962 = arith.select %eq3A_959, %add3A_429, %broadcast_in_dim3A_961 : vector<16xi1>, vector<16xi32>
              %reduce_max3A_963 = arith.constant true
              %reduce_max3A_964 = vector.broadcast %reduce_max3A_963 : i1 to vector<16xi1>
              %reduce_max3A_965 = arith.constant -2147483648 : i32
              %reduce_max3A_966 = vector.broadcast %reduce_max3A_965 : i32 to vector<16xi32>
              %reduce_max3A_967 = arith.xori %select_n3A_962, %reduce_max3A_966 : vector<16xi32>
              %reduce_max3A_968 = tpu.scan <max>, %reduce_max3A_967 masked %reduce_max3A_964 : vector<16xi32>, vector<16xi1> -> vector<16xi32>
              %reduce_max3A_969 = arith.xori %reduce_max3A_968, %reduce_max3A_966 : vector<16xi32>
              %reduce_max3A_970 = vector.extract %reduce_max3A_969[15] : i32 from vector<16xi32>
              %jit3A_971 = arith.constant -2147483648 : i32
              %broadcast_in_dim3A_972 = vector.broadcast %jit3A_971 : i32 to vector<16xi32>
              %select_n3A_973 = arith.select %eq3A_959, %sub3A_431, %broadcast_in_dim3A_972 : vector<16xi1>, vector<16xi32>
              %reduce_max3A_974 = arith.constant true
              %reduce_max3A_975 = vector.broadcast %reduce_max3A_974 : i1 to vector<16xi1>
              %reduce_max3A_976 = arith.constant -2147483648 : i32
              %reduce_max3A_977 = vector.broadcast %reduce_max3A_976 : i32 to vector<16xi32>
              %reduce_max3A_978 = arith.xori %select_n3A_973, %reduce_max3A_977 : vector<16xi32>
              %reduce_max3A_979 = tpu.scan <max>, %reduce_max3A_978 masked %reduce_max3A_975 : vector<16xi32>, vector<16xi1> -> vector<16xi32>
              %reduce_max3A_980 = arith.xori %reduce_max3A_979, %reduce_max3A_977 : vector<16xi32>
              %reduce_max3A_981 = vector.extract %reduce_max3A_980[15] : i32 from vector<16xi32>
              %broadcast_in_dim3A_982 = arith.constant 0 : i32
              %broadcast_in_dim3A_983 = vector.broadcast %broadcast_in_dim3A_982 : i32 to vector<16xi32>
              %add3A_984 = vector.broadcast %reduce_max3A_981 : i32 to vector<16xi32>
              %add3A_985 = arith.addi %broadcast_in_dim3A_983, %add3A_984 : vector<16xi32>
              %gather3A_986 = tpu.vector_load_idx %arg14[%add3A_985, %iota3A] : memref<128x16xf32, #tpu.memory_space<vmem>>[vector<16xi32>, vector<16xi32>], vector<16xf32>,
              %mul3A_987 = arith.constant 128 : i32
              %mul3A_988 = vector.broadcast %mul3A_987 : i32 to vector<16xi32>
              %mul3A_989 = arith.muli %iota3A, %mul3A_988 : vector<16xi32>
              %add3A_990 = vector.broadcast %reduce_max3A_970 : i32 to vector<16xi32>
              %add3A_991 = arith.addi %add3A_990, %mul3A_989 : vector<16xi32>
              tpu.vector_store_idx %arg15[%add3A_991], %gather3A_986 : memref<24576xf32, #tpu.memory_space<vmem>>[vector<16xi32>], vector<16xf32>,
            }
            %while3A_360 = arith.constant 1 : i32
            scf.for %while3A_361 = %while3A_358 to %while3A_354 step %while3A_360  : i32 {
              %mul3A_362 = arith.constant 16 : i32
              %mul3A_363 = arith.muli %while3A_361, %mul3A_362 : i32
              %add3A_364 = arith.addi %add3A_309, %mul3A_363 : i32
              %add3A_365 = vector.broadcast %add3A_364 : i32 to vector<16xi32>
              %add3A_366 = arith.addi %add3A_365, %iota3A : vector<16xi32>
              %sub3A_367 = arith.constant 1 : i32
              %sub3A_368 = arith.subi %reduce_max3A_229, %sub3A_367 : i32
              %min3A_369 = vector.broadcast %sub3A_368 : i32 to vector<16xi32>
              %min3A_370 = arith.minsi %add3A_366, %min3A_369 : vector<16xi32>
              %gather3A = tpu.vector_load_idx %arg9[%min3A_370] : memref<16384xi32, #tpu.memory_space<vmem>>[vector<16xi32>], vector<16xi32>,
              %sub3A_371 = vector.broadcast %add3A_247 : i32 to vector<16xi32>
              %sub3A_372 = arith.subi %gather3A, %sub3A_371 : vector<16xi32>
              %jit3A_373 = arith.constant 128 : i32
              %div3A_374 = vector.broadcast %jit3A_373 : i32 to vector<16xi32>
              %div3A_375 = arith.divsi %sub3A_372, %div3A_374 : vector<16xi32>
              %sign3A_376 = arith.constant 0 : i32
              %sign3A_377 = vector.broadcast %sign3A_376 : i32 to vector<16xi32>
              %sign3A_378 = arith.cmpi sgt, %sub3A_372, %sign3A_377 : vector<16xi32>
              %sign3A_379 = arith.extui %sign3A_378 : vector<16xi1> to vector<16xi32>
              %sign3A_380 = arith.constant 0 : i32
              %sign3A_381 = vector.broadcast %sign3A_380 : i32 to vector<16xi32>
              %sign3A_382 = arith.cmpi slt, %sub3A_372, %sign3A_381 : vector<16xi32>
              %sign3A_383 = arith.extui %sign3A_382 : vector<16xi1> to vector<16xi32>
              %sign3A_384 = arith.subi %sign3A_379, %sign3A_383 : vector<16xi32>
              %sign3A_385 = arith.constant 0 : i32
              %sign3A_386 = arith.cmpi sgt, %jit3A_373, %sign3A_385 : i32
              %sign3A_387 = arith.extui %sign3A_386 : i1 to i32
              %sign3A_388 = arith.constant 0 : i32
              %sign3A_389 = arith.cmpi slt, %jit3A_373, %sign3A_388 : i32
              %sign3A_390 = arith.extui %sign3A_389 : i1 to i32
              %sign3A_391 = arith.subi %sign3A_387, %sign3A_390 : i32
              %ne3A_392 = vector.broadcast %sign3A_391 : i32 to vector<16xi32>
              %ne3A_393 = arith.cmpi ne, %sign3A_384, %ne3A_392 : vector<16xi32>
              %rem3A_394 = vector.broadcast %jit3A_373 : i32 to vector<16xi32>
              %rem3A_395 = arith.remsi %sub3A_372, %rem3A_394 : vector<16xi32>
              %ne3A_396 = arith.constant 0 : i32
              %ne3A_397 = vector.broadcast %ne3A_396 : i32 to vector<16xi32>
              %ne3A_398 = arith.cmpi ne, %rem3A_395, %ne3A_397 : vector<16xi32>
              %and3A_399 = arith.andi %ne3A_393, %ne3A_398 : vector<16xi1>
              %sub3A_400 = arith.constant 1 : i32
              %sub3A_401 = vector.broadcast %sub3A_400 : i32 to vector<16xi32>
              %sub3A_402 = arith.subi %div3A_375, %sub3A_401 : vector<16xi32>
              %select_n3A_403 = arith.select %and3A_399, %sub3A_402, %div3A_375 : vector<16xi1>, vector<16xi32>
              %mul3A_404 = arith.constant 2048 : i32
              %mul3A_405 = vector.broadcast %mul3A_404 : i32 to vector<16xi32>
              %mul3A_406 = arith.muli %select_n3A_403, %mul3A_405 : vector<16xi32>
              %jit3A_407 = arith.constant 128 : i32
              %eq3A_408 = arith.constant 0 : i32
              %eq3A_409 = arith.cmpi eq, %jit3A_407, %eq3A_408 : i32
              %jit3A_410 = arith.constant 1 : i32
              %select_n3A_411 = arith.select %eq3A_409, %jit3A_410, %jit3A_407 : i32
              %rem3A_412 = vector.broadcast %select_n3A_411 : i32 to vector<16xi32>
              %rem3A_413 = arith.remsi %sub3A_372, %rem3A_412 : vector<16xi32>
              %ne3A_414 = arith.constant 0 : i32
              %ne3A_415 = vector.broadcast %ne3A_414 : i32 to vector<16xi32>
              %ne3A_416 = arith.cmpi ne, %rem3A_413, %ne3A_415 : vector<16xi32>
              %lt3A_417 = arith.constant 0 : i32
              %lt3A_418 = vector.broadcast %lt3A_417 : i32 to vector<16xi32>
              %lt3A_419 = arith.cmpi slt, %rem3A_413, %lt3A_418 : vector<16xi32>
              %lt3A_420 = arith.constant 0 : i32
              %lt3A_421 = arith.cmpi slt, %select_n3A_411, %lt3A_420 : i32
              %ne3A_422 = vector.broadcast %lt3A_421 : i1 to vector<16xi1>
              %ne3A_423 = vector.broadcast %ne3A_422 : vector<16xi1> to vector<16xi1>
              %ne3A_424 = arith.xori %lt3A_419, %ne3A_423 : vector<16xi1>
              %and3A_425 = arith.andi %ne3A_424, %ne3A_416 : vector<16xi1>
              %add3A_426 = vector.broadcast %select_n3A_411 : i32 to vector<16xi32>
              %add3A_427 = arith.addi %rem3A_413, %add3A_426 : vector<16xi32>
              %select_n3A_428 = arith.select %and3A_425, %add3A_427, %rem3A_413 : vector<16xi1>, vector<16xi32>
              %add3A_429 = arith.addi %mul3A_406, %select_n3A_428 : vector<16xi32>
              %sub3A_430 = vector.broadcast %add3A_309 : i32 to vector<16xi32>
              %sub3A_431 = arith.subi %min3A_370, %sub3A_430 : vector<16xi32>
              %eq3A_432 = arith.constant 0 : i32
              %eq3A_433 = vector.broadcast %eq3A_432 : i32 to vector<16xi32>
              %eq3A_434 = arith.cmpi eq, %iota3A, %eq3A_433 : vector<16xi32>
              %jit3A_435 = arith.constant -2147483648 : i32
              %broadcast_in_dim3A_436 = vector.broadcast %jit3A_435 : i32 to vector<16xi32>
              %select_n3A_437 = arith.select %eq3A_434, %add3A_429, %broadcast_in_dim3A_436 : vector<16xi1>, vector<16xi32>
              %reduce_max3A_438 = arith.constant true
              %reduce_max3A_439 = vector.broadcast %reduce_max3A_438 : i1 to vector<16xi1>
              %reduce_max3A_440 = arith.constant -2147483648 : i32
              %reduce_max3A_441 = vector.broadcast %reduce_max3A_440 : i32 to vector<16xi32>
              %reduce_max3A_442 = arith.xori %select_n3A_437, %reduce_max3A_441 : vector<16xi32>
              %reduce_max3A_443 = tpu.scan <max>, %reduce_max3A_442 masked %reduce_max3A_439 : vector<16xi32>, vector<16xi1> -> vector<16xi32>
              %reduce_max3A_444 = arith.xori %reduce_max3A_443, %reduce_max3A_441 : vector<16xi32>
              %reduce_max3A_445 = vector.extract %reduce_max3A_444[15] : i32 from vector<16xi32>
              %jit3A_446 = arith.constant -2147483648 : i32
              %broadcast_in_dim3A_447 = vector.broadcast %jit3A_446 : i32 to vector<16xi32>
              %select_n3A_448 = arith.select %eq3A_434, %sub3A_431, %broadcast_in_dim3A_447 : vector<16xi1>, vector<16xi32>
              %reduce_max3A_449 = arith.constant true
              %reduce_max3A_450 = vector.broadcast %reduce_max3A_449 : i1 to vector<16xi1>
              %reduce_max3A_451 = arith.constant -2147483648 : i32
              %reduce_max3A_452 = vector.broadcast %reduce_max3A_451 : i32 to vector<16xi32>
              %reduce_max3A_453 = arith.xori %select_n3A_448, %reduce_max3A_452 : vector<16xi32>
              %reduce_max3A_454 = tpu.scan <max>, %reduce_max3A_453 masked %reduce_max3A_450 : vector<16xi32>, vector<16xi1> -> vector<16xi32>
              %reduce_max3A_455 = arith.xori %reduce_max3A_454, %reduce_max3A_452 : vector<16xi32>
              %reduce_max3A_456 = vector.extract %reduce_max3A_455[15] : i32 from vector<16xi32>
              %broadcast_in_dim3A_457 = arith.constant 0 : i32
              %broadcast_in_dim3A_458 = vector.broadcast %broadcast_in_dim3A_457 : i32 to vector<16xi32>
              %add3A_459 = vector.broadcast %reduce_max3A_456 : i32 to vector<16xi32>
              %add3A_460 = arith.addi %broadcast_in_dim3A_458, %add3A_459 : vector<16xi32>
              %gather3A_461 = tpu.vector_load_idx %arg14[%add3A_460, %iota3A] : memref<128x16xf32, #tpu.memory_space<vmem>>[vector<16xi32>, vector<16xi32>], vector<16xf32>,
              %mul3A_462 = arith.constant 128 : i32
              %mul3A_463 = vector.broadcast %mul3A_462 : i32 to vector<16xi32>
              %mul3A_464 = arith.muli %iota3A, %mul3A_463 : vector<16xi32>
              %add3A_465 = vector.broadcast %reduce_max3A_445 : i32 to vector<16xi32>
              %add3A_466 = arith.addi %add3A_465, %mul3A_464 : vector<16xi32>
              tpu.vector_store_idx %arg15[%add3A_466], %gather3A_461 : memref<24576xf32, #tpu.memory_space<vmem>>[vector<16xi32>], vector<16xf32>,
              %eq3A_467 = arith.constant 1 : i32
              %eq3A_468 = vector.broadcast %eq3A_467 : i32 to vector<16xi32>
              %eq3A_469 = arith.cmpi eq, %iota3A, %eq3A_468 : vector<16xi32>
              %jit3A_470 = arith.constant -2147483648 : i32
              %broadcast_in_dim3A_471 = vector.broadcast %jit3A_470 : i32 to vector<16xi32>
              %select_n3A_472 = arith.select %eq3A_469, %add3A_429, %broadcast_in_dim3A_471 : vector<16xi1>, vector<16xi32>
              %reduce_max3A_473 = arith.constant true
              %reduce_max3A_474 = vector.broadcast %reduce_max3A_473 : i1 to vector<16xi1>
              %reduce_max3A_475 = arith.constant -2147483648 : i32
              %reduce_max3A_476 = vector.broadcast %reduce_max3A_475 : i32 to vector<16xi32>
              %reduce_max3A_477 = arith.xori %select_n3A_472, %reduce_max3A_476 : vector<16xi32>
              %reduce_max3A_478 = tpu.scan <max>, %reduce_max3A_477 masked %reduce_max3A_474 : vector<16xi32>, vector<16xi1> -> vector<16xi32>
              %reduce_max3A_479 = arith.xori %reduce_max3A_478, %reduce_max3A_476 : vector<16xi32>
              %reduce_max3A_480 = vector.extract %reduce_max3A_479[15] : i32 from vector<16xi32>
              %jit3A_481 = arith.constant -2147483648 : i32
              %broadcast_in_dim3A_482 = vector.broadcast %jit3A_481 : i32 to vector<16xi32>
              %select_n3A_483 = arith.select %eq3A_469, %sub3A_431, %broadcast_in_dim3A_482 : vector<16xi1>, vector<16xi32>
              %reduce_max3A_484 = arith.constant true
              %reduce_max3A_485 = vector.broadcast %reduce_max3A_484 : i1 to vector<16xi1>
              %reduce_max3A_486 = arith.constant -2147483648 : i32
              %reduce_max3A_487 = vector.broadcast %reduce_max3A_486 : i32 to vector<16xi32>
              %reduce_max3A_488 = arith.xori %select_n3A_483, %reduce_max3A_487 : vector<16xi32>
              %reduce_max3A_489 = tpu.scan <max>, %reduce_max3A_488 masked %reduce_max3A_485 : vector<16xi32>, vector<16xi1> -> vector<16xi32>
              %reduce_max3A_490 = arith.xori %reduce_max3A_489, %reduce_max3A_487 : vector<16xi32>
              %reduce_max3A_491 = vector.extract %reduce_max3A_490[15] : i32 from vector<16xi32>
              %broadcast_in_dim3A_492 = arith.constant 0 : i32
              %broadcast_in_dim3A_493 = vector.broadcast %broadcast_in_dim3A_492 : i32 to vector<16xi32>
              %add3A_494 = vector.broadcast %reduce_max3A_491 : i32 to vector<16xi32>
              %add3A_495 = arith.addi %broadcast_in_dim3A_493, %add3A_494 : vector<16xi32>
              %gather3A_496 = tpu.vector_load_idx %arg14[%add3A_495, %iota3A] : memref<128x16xf32, #tpu.memory_space<vmem>>[vector<16xi32>, vector<16xi32>], vector<16xf32>,
              %mul3A_497 = arith.constant 128 : i32
              %mul3A_498 = vector.broadcast %mul3A_497 : i32 to vector<16xi32>
              %mul3A_499 = arith.muli %iota3A, %mul3A_498 : vector<16xi32>
              %add3A_500 = vector.broadcast %reduce_max3A_480 : i32 to vector<16xi32>
              %add3A_501 = arith.addi %add3A_500, %mul3A_499 : vector<16xi32>
              tpu.vector_store_idx %arg15[%add3A_501], %gather3A_496 : memref<24576xf32, #tpu.memory_space<vmem>>[vector<16xi32>], vector<16xf32>,
              %eq3A_502 = arith.constant 2 : i32
              %eq3A_503 = vector.broadcast %eq3A_502 : i32 to vector<16xi32>
              %eq3A_504 = arith.cmpi eq, %iota3A, %eq3A_503 : vector<16xi32>
              %jit3A_505 = arith.constant -2147483648 : i32
              %broadcast_in_dim3A_506 = vector.broadcast %jit3A_505 : i32 to vector<16xi32>
              %select_n3A_507 = arith.select %eq3A_504, %add3A_429, %broadcast_in_dim3A_506 : vector<16xi1>, vector<16xi32>
              %reduce_max3A_508 = arith.constant true
              %reduce_max3A_509 = vector.broadcast %reduce_max3A_508 : i1 to vector<16xi1>
              %reduce_max3A_510 = arith.constant -2147483648 : i32
              %reduce_max3A_511 = vector.broadcast %reduce_max3A_510 : i32 to vector<16xi32>
              %reduce_max3A_512 = arith.xori %select_n3A_507, %reduce_max3A_511 : vector<16xi32>
              %reduce_max3A_513 = tpu.scan <max>, %reduce_max3A_512 masked %reduce_max3A_509 : vector<16xi32>, vector<16xi1> -> vector<16xi32>
              %reduce_max3A_514 = arith.xori %reduce_max3A_513, %reduce_max3A_511 : vector<16xi32>
              %reduce_max3A_515 = vector.extract %reduce_max3A_514[15] : i32 from vector<16xi32>
              %jit3A_516 = arith.constant -2147483648 : i32
              %broadcast_in_dim3A_517 = vector.broadcast %jit3A_516 : i32 to vector<16xi32>
              %select_n3A_518 = arith.select %eq3A_504, %sub3A_431, %broadcast_in_dim3A_517 : vector<16xi1>, vector<16xi32>
              %reduce_max3A_519 = arith.constant true
              %reduce_max3A_520 = vector.broadcast %reduce_max3A_519 : i1 to vector<16xi1>
              %reduce_max3A_521 = arith.constant -2147483648 : i32
              %reduce_max3A_522 = vector.broadcast %reduce_max3A_521 : i32 to vector<16xi32>
              %reduce_max3A_523 = arith.xori %select_n3A_518, %reduce_max3A_522 : vector<16xi32>
              %reduce_max3A_524 = tpu.scan <max>, %reduce_max3A_523 masked %reduce_max3A_520 : vector<16xi32>, vector<16xi1> -> vector<16xi32>
              %reduce_max3A_525 = arith.xori %reduce_max3A_524, %reduce_max3A_522 : vector<16xi32>
              %reduce_max3A_526 = vector.extract %reduce_max3A_525[15] : i32 from vector<16xi32>
              %broadcast_in_dim3A_527 = arith.constant 0 : i32
              %broadcast_in_dim3A_528 = vector.broadcast %broadcast_in_dim3A_527 : i32 to vector<16xi32>
              %add3A_529 = vector.broadcast %reduce_max3A_526 : i32 to vector<16xi32>
              %add3A_530 = arith.addi %broadcast_in_dim3A_528, %add3A_529 : vector<16xi32>
              %gather3A_531 = tpu.vector_load_idx %arg14[%add3A_530, %iota3A] : memref<128x16xf32, #tpu.memory_space<vmem>>[vector<16xi32>, vector<16xi32>], vector<16xf32>,
              %mul3A_532 = arith.constant 128 : i32
              %mul3A_533 = vector.broadcast %mul3A_532 : i32 to vector<16xi32>
              %mul3A_534 = arith.muli %iota3A, %mul3A_533 : vector<16xi32>
              %add3A_535 = vector.broadcast %reduce_max3A_515 : i32 to vector<16xi32>
              %add3A_536 = arith.addi %add3A_535, %mul3A_534 : vector<16xi32>
              tpu.vector_store_idx %arg15[%add3A_536], %gather3A_531 : memref<24576xf32, #tpu.memory_space<vmem>>[vector<16xi32>], vector<16xf32>,
              %eq3A_537 = arith.constant 3 : i32
              %eq3A_538 = vector.broadcast %eq3A_537 : i32 to vector<16xi32>
              %eq3A_539 = arith.cmpi eq, %iota3A, %eq3A_538 : vector<16xi32>
              %jit3A_540 = arith.constant -2147483648 : i32
              %broadcast_in_dim3A_541 = vector.broadcast %jit3A_540 : i32 to vector<16xi32>
              %select_n3A_542 = arith.select %eq3A_539, %add3A_429, %broadcast_in_dim3A_541 : vector<16xi1>, vector<16xi32>
              %reduce_max3A_543 = arith.constant true
              %reduce_max3A_544 = vector.broadcast %reduce_max3A_543 : i1 to vector<16xi1>
              %reduce_max3A_545 = arith.constant -2147483648 : i32
              %reduce_max3A_546 = vector.broadcast %reduce_max3A_545 : i32 to vector<16xi32>
              %reduce_max3A_547 = arith.xori %select_n3A_542, %reduce_max3A_546 : vector<16xi32>
              %reduce_max3A_548 = tpu.scan <max>, %reduce_max3A_547 masked %reduce_max3A_544 : vector<16xi32>, vector<16xi1> -> vector<16xi32>
              %reduce_max3A_549 = arith.xori %reduce_max3A_548, %reduce_max3A_546 : vector<16xi32>
              %reduce_max3A_550 = vector.extract %reduce_max3A_549[15] : i32 from vector<16xi32>
              %jit3A_551 = arith.constant -2147483648 : i32
              %broadcast_in_dim3A_552 = vector.broadcast %jit3A_551 : i32 to vector<16xi32>
              %select_n3A_553 = arith.select %eq3A_539, %sub3A_431, %broadcast_in_dim3A_552 : vector<16xi1>, vector<16xi32>
              %reduce_max3A_554 = arith.constant true
              %reduce_max3A_555 = vector.broadcast %reduce_max3A_554 : i1 to vector<16xi1>
              %reduce_max3A_556 = arith.constant -2147483648 : i32
              %reduce_max3A_557 = vector.broadcast %reduce_max3A_556 : i32 to vector<16xi32>
              %reduce_max3A_558 = arith.xori %select_n3A_553, %reduce_max3A_557 : vector<16xi32>
              %reduce_max3A_559 = tpu.scan <max>, %reduce_max3A_558 masked %reduce_max3A_555 : vector<16xi32>, vector<16xi1> -> vector<16xi32>
              %reduce_max3A_560 = arith.xori %reduce_max3A_559, %reduce_max3A_557 : vector<16xi32>
              %reduce_max3A_561 = vector.extract %reduce_max3A_560[15] : i32 from vector<16xi32>
              %broadcast_in_dim3A_562 = arith.constant 0 : i32
              %broadcast_in_dim3A_563 = vector.broadcast %broadcast_in_dim3A_562 : i32 to vector<16xi32>
              %add3A_564 = vector.broadcast %reduce_max3A_561 : i32 to vector<16xi32>
              %add3A_565 = arith.addi %broadcast_in_dim3A_563, %add3A_564 : vector<16xi32>
              %gather3A_566 = tpu.vector_load_idx %arg14[%add3A_565, %iota3A] : memref<128x16xf32, #tpu.memory_space<vmem>>[vector<16xi32>, vector<16xi32>], vector<16xf32>,
              %mul3A_567 = arith.constant 128 : i32
              %mul3A_568 = vector.broadcast %mul3A_567 : i32 to vector<16xi32>
              %mul3A_569 = arith.muli %iota3A, %mul3A_568 : vector<16xi32>
              %add3A_570 = vector.broadcast %reduce_max3A_550 : i32 to vector<16xi32>
              %add3A_571 = arith.addi %add3A_570, %mul3A_569 : vector<16xi32>
              tpu.vector_store_idx %arg15[%add3A_571], %gather3A_566 : memref<24576xf32, #tpu.memory_space<vmem>>[vector<16xi32>], vector<16xf32>,
              %eq3A_572 = arith.constant 4 : i32
              %eq3A_573 = vector.broadcast %eq3A_572 : i32 to vector<16xi32>
              %eq3A_574 = arith.cmpi eq, %iota3A, %eq3A_573 : vector<16xi32>
              %jit3A_575 = arith.constant -2147483648 : i32
              %broadcast_in_dim3A_576 = vector.broadcast %jit3A_575 : i32 to vector<16xi32>
              %select_n3A_577 = arith.select %eq3A_574, %add3A_429, %broadcast_in_dim3A_576 : vector<16xi1>, vector<16xi32>
              %reduce_max3A_578 = arith.constant true
              %reduce_max3A_579 = vector.broadcast %reduce_max3A_578 : i1 to vector<16xi1>
              %reduce_max3A_580 = arith.constant -2147483648 : i32
              %reduce_max3A_581 = vector.broadcast %reduce_max3A_580 : i32 to vector<16xi32>
              %reduce_max3A_582 = arith.xori %select_n3A_577, %reduce_max3A_581 : vector<16xi32>
              %reduce_max3A_583 = tpu.scan <max>, %reduce_max3A_582 masked %reduce_max3A_579 : vector<16xi32>, vector<16xi1> -> vector<16xi32>
              %reduce_max3A_584 = arith.xori %reduce_max3A_583, %reduce_max3A_581 : vector<16xi32>
              %reduce_max3A_585 = vector.extract %reduce_max3A_584[15] : i32 from vector<16xi32>
              %jit3A_586 = arith.constant -2147483648 : i32
              %broadcast_in_dim3A_587 = vector.broadcast %jit3A_586 : i32 to vector<16xi32>
              %select_n3A_588 = arith.select %eq3A_574, %sub3A_431, %broadcast_in_dim3A_587 : vector<16xi1>, vector<16xi32>
              %reduce_max3A_589 = arith.constant true
              %reduce_max3A_590 = vector.broadcast %reduce_max3A_589 : i1 to vector<16xi1>
              %reduce_max3A_591 = arith.constant -2147483648 : i32
              %reduce_max3A_592 = vector.broadcast %reduce_max3A_591 : i32 to vector<16xi32>
              %reduce_max3A_593 = arith.xori %select_n3A_588, %reduce_max3A_592 : vector<16xi32>
              %reduce_max3A_594 = tpu.scan <max>, %reduce_max3A_593 masked %reduce_max3A_590 : vector<16xi32>, vector<16xi1> -> vector<16xi32>
              %reduce_max3A_595 = arith.xori %reduce_max3A_594, %reduce_max3A_592 : vector<16xi32>
              %reduce_max3A_596 = vector.extract %reduce_max3A_595[15] : i32 from vector<16xi32>
              %broadcast_in_dim3A_597 = arith.constant 0 : i32
              %broadcast_in_dim3A_598 = vector.broadcast %broadcast_in_dim3A_597 : i32 to vector<16xi32>
              %add3A_599 = vector.broadcast %reduce_max3A_596 : i32 to vector<16xi32>
              %add3A_600 = arith.addi %broadcast_in_dim3A_598, %add3A_599 : vector<16xi32>
              %gather3A_601 = tpu.vector_load_idx %arg14[%add3A_600, %iota3A] : memref<128x16xf32, #tpu.memory_space<vmem>>[vector<16xi32>, vector<16xi32>], vector<16xf32>,
              %mul3A_602 = arith.constant 128 : i32
              %mul3A_603 = vector.broadcast %mul3A_602 : i32 to vector<16xi32>
              %mul3A_604 = arith.muli %iota3A, %mul3A_603 : vector<16xi32>
              %add3A_605 = vector.broadcast %reduce_max3A_585 : i32 to vector<16xi32>
              %add3A_606 = arith.addi %add3A_605, %mul3A_604 : vector<16xi32>
              tpu.vector_store_idx %arg15[%add3A_606], %gather3A_601 : memref<24576xf32, #tpu.memory_space<vmem>>[vector<16xi32>], vector<16xf32>,
              %eq3A_607 = arith.constant 5 : i32
              %eq3A_608 = vector.broadcast %eq3A_607 : i32 to vector<16xi32>
              %eq3A_609 = arith.cmpi eq, %iota3A, %eq3A_608 : vector<16xi32>
              %jit3A_610 = arith.constant -2147483648 : i32
              %broadcast_in_dim3A_611 = vector.broadcast %jit3A_610 : i32 to vector<16xi32>
              %select_n3A_612 = arith.select %eq3A_609, %add3A_429, %broadcast_in_dim3A_611 : vector<16xi1>, vector<16xi32>
              %reduce_max3A_613 = arith.constant true
              %reduce_max3A_614 = vector.broadcast %reduce_max3A_613 : i1 to vector<16xi1>
              %reduce_max3A_615 = arith.constant -2147483648 : i32
              %reduce_max3A_616 = vector.broadcast %reduce_max3A_615 : i32 to vector<16xi32>
              %reduce_max3A_617 = arith.xori %select_n3A_612, %reduce_max3A_616 : vector<16xi32>
              %reduce_max3A_618 = tpu.scan <max>, %reduce_max3A_617 masked %reduce_max3A_614 : vector<16xi32>, vector<16xi1> -> vector<16xi32>
              %reduce_max3A_619 = arith.xori %reduce_max3A_618, %reduce_max3A_616 : vector<16xi32>
              %reduce_max3A_620 = vector.extract %reduce_max3A_619[15] : i32 from vector<16xi32>
              %jit3A_621 = arith.constant -2147483648 : i32
              %broadcast_in_dim3A_622 = vector.broadcast %jit3A_621 : i32 to vector<16xi32>
              %select_n3A_623 = arith.select %eq3A_609, %sub3A_431, %broadcast_in_dim3A_622 : vector<16xi1>, vector<16xi32>
              %reduce_max3A_624 = arith.constant true
              %reduce_max3A_625 = vector.broadcast %reduce_max3A_624 : i1 to vector<16xi1>
              %reduce_max3A_626 = arith.constant -2147483648 : i32
              %reduce_max3A_627 = vector.broadcast %reduce_max3A_626 : i32 to vector<16xi32>
              %reduce_max3A_628 = arith.xori %select_n3A_623, %reduce_max3A_627 : vector<16xi32>
              %reduce_max3A_629 = tpu.scan <max>, %reduce_max3A_628 masked %reduce_max3A_625 : vector<16xi32>, vector<16xi1> -> vector<16xi32>
              %reduce_max3A_630 = arith.xori %reduce_max3A_629, %reduce_max3A_627 : vector<16xi32>
              %reduce_max3A_631 = vector.extract %reduce_max3A_630[15] : i32 from vector<16xi32>
              %broadcast_in_dim3A_632 = arith.constant 0 : i32
              %broadcast_in_dim3A_633 = vector.broadcast %broadcast_in_dim3A_632 : i32 to vector<16xi32>
              %add3A_634 = vector.broadcast %reduce_max3A_631 : i32 to vector<16xi32>
              %add3A_635 = arith.addi %broadcast_in_dim3A_633, %add3A_634 : vector<16xi32>
              %gather3A_636 = tpu.vector_load_idx %arg14[%add3A_635, %iota3A] : memref<128x16xf32, #tpu.memory_space<vmem>>[vector<16xi32>, vector<16xi32>], vector<16xf32>,
              %mul3A_637 = arith.constant 128 : i32
              %mul3A_638 = vector.broadcast %mul3A_637 : i32 to vector<16xi32>
              %mul3A_639 = arith.muli %iota3A, %mul3A_638 : vector<16xi32>
              %add3A_640 = vector.broadcast %reduce_max3A_620 : i32 to vector<16xi32>
              %add3A_641 = arith.addi %add3A_640, %mul3A_639 : vector<16xi32>
              tpu.vector_store_idx %arg15[%add3A_641], %gather3A_636 : memref<24576xf32, #tpu.memory_space<vmem>>[vector<16xi32>], vector<16xf32>,
              %eq3A_642 = arith.constant 6 : i32
              %eq3A_643 = vector.broadcast %eq3A_642 : i32 to vector<16xi32>
              %eq3A_644 = arith.cmpi eq, %iota3A, %eq3A_643 : vector<16xi32>
              %jit3A_645 = arith.constant -2147483648 : i32
              %broadcast_in_dim3A_646 = vector.broadcast %jit3A_645 : i32 to vector<16xi32>
              %select_n3A_647 = arith.select %eq3A_644, %add3A_429, %broadcast_in_dim3A_646 : vector<16xi1>, vector<16xi32>
              %reduce_max3A_648 = arith.constant true
              %reduce_max3A_649 = vector.broadcast %reduce_max3A_648 : i1 to vector<16xi1>
              %reduce_max3A_650 = arith.constant -2147483648 : i32
              %reduce_max3A_651 = vector.broadcast %reduce_max3A_650 : i32 to vector<16xi32>
              %reduce_max3A_652 = arith.xori %select_n3A_647, %reduce_max3A_651 : vector<16xi32>
              %reduce_max3A_653 = tpu.scan <max>, %reduce_max3A_652 masked %reduce_max3A_649 : vector<16xi32>, vector<16xi1> -> vector<16xi32>
              %reduce_max3A_654 = arith.xori %reduce_max3A_653, %reduce_max3A_651 : vector<16xi32>
              %reduce_max3A_655 = vector.extract %reduce_max3A_654[15] : i32 from vector<16xi32>
              %jit3A_656 = arith.constant -2147483648 : i32
              %broadcast_in_dim3A_657 = vector.broadcast %jit3A_656 : i32 to vector<16xi32>
              %select_n3A_658 = arith.select %eq3A_644, %sub3A_431, %broadcast_in_dim3A_657 : vector<16xi1>, vector<16xi32>
              %reduce_max3A_659 = arith.constant true
              %reduce_max3A_660 = vector.broadcast %reduce_max3A_659 : i1 to vector<16xi1>
              %reduce_max3A_661 = arith.constant -2147483648 : i32
              %reduce_max3A_662 = vector.broadcast %reduce_max3A_661 : i32 to vector<16xi32>
              %reduce_max3A_663 = arith.xori %select_n3A_658, %reduce_max3A_662 : vector<16xi32>
              %reduce_max3A_664 = tpu.scan <max>, %reduce_max3A_663 masked %reduce_max3A_660 : vector<16xi32>, vector<16xi1> -> vector<16xi32>
              %reduce_max3A_665 = arith.xori %reduce_max3A_664, %reduce_max3A_662 : vector<16xi32>
              %reduce_max3A_666 = vector.extract %reduce_max3A_665[15] : i32 from vector<16xi32>
              %broadcast_in_dim3A_667 = arith.constant 0 : i32
              %broadcast_in_dim3A_668 = vector.broadcast %broadcast_in_dim3A_667 : i32 to vector<16xi32>
              %add3A_669 = vector.broadcast %reduce_max3A_666 : i32 to vector<16xi32>
              %add3A_670 = arith.addi %broadcast_in_dim3A_668, %add3A_669 : vector<16xi32>
              %gather3A_671 = tpu.vector_load_idx %arg14[%add3A_670, %iota3A] : memref<128x16xf32, #tpu.memory_space<vmem>>[vector<16xi32>, vector<16xi32>], vector<16xf32>,
              %mul3A_672 = arith.constant 128 : i32
              %mul3A_673 = vector.broadcast %mul3A_672 : i32 to vector<16xi32>
              %mul3A_674 = arith.muli %iota3A, %mul3A_673 : vector<16xi32>
              %add3A_675 = vector.broadcast %reduce_max3A_655 : i32 to vector<16xi32>
              %add3A_676 = arith.addi %add3A_675, %mul3A_674 : vector<16xi32>
              tpu.vector_store_idx %arg15[%add3A_676], %gather3A_671 : memref<24576xf32, #tpu.memory_space<vmem>>[vector<16xi32>], vector<16xf32>,
              %eq3A_677 = arith.constant 7 : i32
              %eq3A_678 = vector.broadcast %eq3A_677 : i32 to vector<16xi32>
              %eq3A_679 = arith.cmpi eq, %iota3A, %eq3A_678 : vector<16xi32>
              %jit3A_680 = arith.constant -2147483648 : i32
              %broadcast_in_dim3A_681 = vector.broadcast %jit3A_680 : i32 to vector<16xi32>
              %select_n3A_682 = arith.select %eq3A_679, %add3A_429, %broadcast_in_dim3A_681 : vector<16xi1>, vector<16xi32>
              %reduce_max3A_683 = arith.constant true
              %reduce_max3A_684 = vector.broadcast %reduce_max3A_683 : i1 to vector<16xi1>
              %reduce_max3A_685 = arith.constant -2147483648 : i32
              %reduce_max3A_686 = vector.broadcast %reduce_max3A_685 : i32 to vector<16xi32>
              %reduce_max3A_687 = arith.xori %select_n3A_682, %reduce_max3A_686 : vector<16xi32>
              %reduce_max3A_688 = tpu.scan <max>, %reduce_max3A_687 masked %reduce_max3A_684 : vector<16xi32>, vector<16xi1> -> vector<16xi32>
              %reduce_max3A_689 = arith.xori %reduce_max3A_688, %reduce_max3A_686 : vector<16xi32>
              %reduce_max3A_690 = vector.extract %reduce_max3A_689[15] : i32 from vector<16xi32>
              %jit3A_691 = arith.constant -2147483648 : i32
              %broadcast_in_dim3A_692 = vector.broadcast %jit3A_691 : i32 to vector<16xi32>
              %select_n3A_693 = arith.select %eq3A_679, %sub3A_431, %broadcast_in_dim3A_692 : vector<16xi1>, vector<16xi32>
              %reduce_max3A_694 = arith.constant true
              %reduce_max3A_695 = vector.broadcast %reduce_max3A_694 : i1 to vector<16xi1>
              %reduce_max3A_696 = arith.constant -2147483648 : i32
              %reduce_max3A_697 = vector.broadcast %reduce_max3A_696 : i32 to vector<16xi32>
              %reduce_max3A_698 = arith.xori %select_n3A_693, %reduce_max3A_697 : vector<16xi32>
              %reduce_max3A_699 = tpu.scan <max>, %reduce_max3A_698 masked %reduce_max3A_695 : vector<16xi32>, vector<16xi1> -> vector<16xi32>
              %reduce_max3A_700 = arith.xori %reduce_max3A_699, %reduce_max3A_697 : vector<16xi32>
              %reduce_max3A_701 = vector.extract %reduce_max3A_700[15] : i32 from vector<16xi32>
              %broadcast_in_dim3A_702 = arith.constant 0 : i32
              %broadcast_in_dim3A_703 = vector.broadcast %broadcast_in_dim3A_702 : i32 to vector<16xi32>
              %add3A_704 = vector.broadcast %reduce_max3A_701 : i32 to vector<16xi32>
              %add3A_705 = arith.addi %broadcast_in_dim3A_703, %add3A_704 : vector<16xi32>
              %gather3A_706 = tpu.vector_load_idx %arg14[%add3A_705, %iota3A] : memref<128x16xf32, #tpu.memory_space<vmem>>[vector<16xi32>, vector<16xi32>], vector<16xf32>,
              %mul3A_707 = arith.constant 128 : i32
              %mul3A_708 = vector.broadcast %mul3A_707 : i32 to vector<16xi32>
              %mul3A_709 = arith.muli %iota3A, %mul3A_708 : vector<16xi32>
              %add3A_710 = vector.broadcast %reduce_max3A_690 : i32 to vector<16xi32>
              %add3A_711 = arith.addi %add3A_710, %mul3A_709 : vector<16xi32>
              tpu.vector_store_idx %arg15[%add3A_711], %gather3A_706 : memref<24576xf32, #tpu.memory_space<vmem>>[vector<16xi32>], vector<16xf32>,
              %eq3A_712 = arith.constant 8 : i32
              %eq3A_713 = vector.broadcast %eq3A_712 : i32 to vector<16xi32>
              %eq3A_714 = arith.cmpi eq, %iota3A, %eq3A_713 : vector<16xi32>
              %jit3A_715 = arith.constant -2147483648 : i32
              %broadcast_in_dim3A_716 = vector.broadcast %jit3A_715 : i32 to vector<16xi32>
              %select_n3A_717 = arith.select %eq3A_714, %add3A_429, %broadcast_in_dim3A_716 : vector<16xi1>, vector<16xi32>
              %reduce_max3A_718 = arith.constant true
              %reduce_max3A_719 = vector.broadcast %reduce_max3A_718 : i1 to vector<16xi1>
              %reduce_max3A_720 = arith.constant -2147483648 : i32
              %reduce_max3A_721 = vector.broadcast %reduce_max3A_720 : i32 to vector<16xi32>
              %reduce_max3A_722 = arith.xori %select_n3A_717, %reduce_max3A_721 : vector<16xi32>
              %reduce_max3A_723 = tpu.scan <max>, %reduce_max3A_722 masked %reduce_max3A_719 : vector<16xi32>, vector<16xi1> -> vector<16xi32>
              %reduce_max3A_724 = arith.xori %reduce_max3A_723, %reduce_max3A_721 : vector<16xi32>
              %reduce_max3A_725 = vector.extract %reduce_max3A_724[15] : i32 from vector<16xi32>
              %jit3A_726 = arith.constant -2147483648 : i32
              %broadcast_in_dim3A_727 = vector.broadcast %jit3A_726 : i32 to vector<16xi32>
              %select_n3A_728 = arith.select %eq3A_714, %sub3A_431, %broadcast_in_dim3A_727 : vector<16xi1>, vector<16xi32>
              %reduce_max3A_729 = arith.constant true
              %reduce_max3A_730 = vector.broadcast %reduce_max3A_729 : i1 to vector<16xi1>
              %reduce_max3A_731 = arith.constant -2147483648 : i32
              %reduce_max3A_732 = vector.broadcast %reduce_max3A_731 : i32 to vector<16xi32>
              %reduce_max3A_733 = arith.xori %select_n3A_728, %reduce_max3A_732 : vector<16xi32>
              %reduce_max3A_734 = tpu.scan <max>, %reduce_max3A_733 masked %reduce_max3A_730 : vector<16xi32>, vector<16xi1> -> vector<16xi32>
              %reduce_max3A_735 = arith.xori %reduce_max3A_734, %reduce_max3A_732 : vector<16xi32>
              %reduce_max3A_736 = vector.extract %reduce_max3A_735[15] : i32 from vector<16xi32>
              %broadcast_in_dim3A_737 = arith.constant 0 : i32
              %broadcast_in_dim3A_738 = vector.broadcast %broadcast_in_dim3A_737 : i32 to vector<16xi32>
              %add3A_739 = vector.broadcast %reduce_max3A_736 : i32 to vector<16xi32>
              %add3A_740 = arith.addi %broadcast_in_dim3A_738, %add3A_739 : vector<16xi32>
              %gather3A_741 = tpu.vector_load_idx %arg14[%add3A_740, %iota3A] : memref<128x16xf32, #tpu.memory_space<vmem>>[vector<16xi32>, vector<16xi32>], vector<16xf32>,
              %mul3A_742 = arith.constant 128 : i32
              %mul3A_743 = vector.broadcast %mul3A_742 : i32 to vector<16xi32>
              %mul3A_744 = arith.muli %iota3A, %mul3A_743 : vector<16xi32>
              %add3A_745 = vector.broadcast %reduce_max3A_725 : i32 to vector<16xi32>
              %add3A_746 = arith.addi %add3A_745, %mul3A_744 : vector<16xi32>
              tpu.vector_store_idx %arg15[%add3A_746], %gather3A_741 : memref<24576xf32, #tpu.memory_space<vmem>>[vector<16xi32>], vector<16xf32>,
              %eq3A_747 = arith.constant 9 : i32
              %eq3A_748 = vector.broadcast %eq3A_747 : i32 to vector<16xi32>
              %eq3A_749 = arith.cmpi eq, %iota3A, %eq3A_748 : vector<16xi32>
              %jit3A_750 = arith.constant -2147483648 : i32
              %broadcast_in_dim3A_751 = vector.broadcast %jit3A_750 : i32 to vector<16xi32>
              %select_n3A_752 = arith.select %eq3A_749, %add3A_429, %broadcast_in_dim3A_751 : vector<16xi1>, vector<16xi32>
              %reduce_max3A_753 = arith.constant true
              %reduce_max3A_754 = vector.broadcast %reduce_max3A_753 : i1 to vector<16xi1>
              %reduce_max3A_755 = arith.constant -2147483648 : i32
              %reduce_max3A_756 = vector.broadcast %reduce_max3A_755 : i32 to vector<16xi32>
              %reduce_max3A_757 = arith.xori %select_n3A_752, %reduce_max3A_756 : vector<16xi32>
              %reduce_max3A_758 = tpu.scan <max>, %reduce_max3A_757 masked %reduce_max3A_754 : vector<16xi32>, vector<16xi1> -> vector<16xi32>
              %reduce_max3A_759 = arith.xori %reduce_max3A_758, %reduce_max3A_756 : vector<16xi32>
              %reduce_max3A_760 = vector.extract %reduce_max3A_759[15] : i32 from vector<16xi32>
              %jit3A_761 = arith.constant -2147483648 : i32
              %broadcast_in_dim3A_762 = vector.broadcast %jit3A_761 : i32 to vector<16xi32>
              %select_n3A_763 = arith.select %eq3A_749, %sub3A_431, %broadcast_in_dim3A_762 : vector<16xi1>, vector<16xi32>
              %reduce_max3A_764 = arith.constant true
              %reduce_max3A_765 = vector.broadcast %reduce_max3A_764 : i1 to vector<16xi1>
              %reduce_max3A_766 = arith.constant -2147483648 : i32
              %reduce_max3A_767 = vector.broadcast %reduce_max3A_766 : i32 to vector<16xi32>
              %reduce_max3A_768 = arith.xori %select_n3A_763, %reduce_max3A_767 : vector<16xi32>
              %reduce_max3A_769 = tpu.scan <max>, %reduce_max3A_768 masked %reduce_max3A_765 : vector<16xi32>, vector<16xi1> -> vector<16xi32>
              %reduce_max3A_770 = arith.xori %reduce_max3A_769, %reduce_max3A_767 : vector<16xi32>
              %reduce_max3A_771 = vector.extract %reduce_max3A_770[15] : i32 from vector<16xi32>
              %broadcast_in_dim3A_772 = arith.constant 0 : i32
              %broadcast_in_dim3A_773 = vector.broadcast %broadcast_in_dim3A_772 : i32 to vector<16xi32>
              %add3A_774 = vector.broadcast %reduce_max3A_771 : i32 to vector<16xi32>
              %add3A_775 = arith.addi %broadcast_in_dim3A_773, %add3A_774 : vector<16xi32>
              %gather3A_776 = tpu.vector_load_idx %arg14[%add3A_775, %iota3A] : memref<128x16xf32, #tpu.memory_space<vmem>>[vector<16xi32>, vector<16xi32>], vector<16xf32>,
              %mul3A_777 = arith.constant 128 : i32
              %mul3A_778 = vector.broadcast %mul3A_777 : i32 to vector<16xi32>
              %mul3A_779 = arith.muli %iota3A, %mul3A_778 : vector<16xi32>
              %add3A_780 = vector.broadcast %reduce_max3A_760 : i32 to vector<16xi32>
              %add3A_781 = arith.addi %add3A_780, %mul3A_779 : vector<16xi32>
              tpu.vector_store_idx %arg15[%add3A_781], %gather3A_776 : memref<24576xf32, #tpu.memory_space<vmem>>[vector<16xi32>], vector<16xf32>,
              %eq3A_782 = arith.constant 10 : i32
              %eq3A_783 = vector.broadcast %eq3A_782 : i32 to vector<16xi32>
              %eq3A_784 = arith.cmpi eq, %iota3A, %eq3A_783 : vector<16xi32>
              %jit3A_785 = arith.constant -2147483648 : i32
              %broadcast_in_dim3A_786 = vector.broadcast %jit3A_785 : i32 to vector<16xi32>
              %select_n3A_787 = arith.select %eq3A_784, %add3A_429, %broadcast_in_dim3A_786 : vector<16xi1>, vector<16xi32>
              %reduce_max3A_788 = arith.constant true
              %reduce_max3A_789 = vector.broadcast %reduce_max3A_788 : i1 to vector<16xi1>
              %reduce_max3A_790 = arith.constant -2147483648 : i32
              %reduce_max3A_791 = vector.broadcast %reduce_max3A_790 : i32 to vector<16xi32>
              %reduce_max3A_792 = arith.xori %select_n3A_787, %reduce_max3A_791 : vector<16xi32>
              %reduce_max3A_793 = tpu.scan <max>, %reduce_max3A_792 masked %reduce_max3A_789 : vector<16xi32>, vector<16xi1> -> vector<16xi32>
              %reduce_max3A_794 = arith.xori %reduce_max3A_793, %reduce_max3A_791 : vector<16xi32>
              %reduce_max3A_795 = vector.extract %reduce_max3A_794[15] : i32 from vector<16xi32>
              %jit3A_796 = arith.constant -2147483648 : i32
              %broadcast_in_dim3A_797 = vector.broadcast %jit3A_796 : i32 to vector<16xi32>
              %select_n3A_798 = arith.select %eq3A_784, %sub3A_431, %broadcast_in_dim3A_797 : vector<16xi1>, vector<16xi32>
              %reduce_max3A_799 = arith.constant true
              %reduce_max3A_800 = vector.broadcast %reduce_max3A_799 : i1 to vector<16xi1>
              %reduce_max3A_801 = arith.constant -2147483648 : i32
              %reduce_max3A_802 = vector.broadcast %reduce_max3A_801 : i32 to vector<16xi32>
              %reduce_max3A_803 = arith.xori %select_n3A_798, %reduce_max3A_802 : vector<16xi32>
              %reduce_max3A_804 = tpu.scan <max>, %reduce_max3A_803 masked %reduce_max3A_800 : vector<16xi32>, vector<16xi1> -> vector<16xi32>
              %reduce_max3A_805 = arith.xori %reduce_max3A_804, %reduce_max3A_802 : vector<16xi32>
              %reduce_max3A_806 = vector.extract %reduce_max3A_805[15] : i32 from vector<16xi32>
              %broadcast_in_dim3A_807 = arith.constant 0 : i32
              %broadcast_in_dim3A_808 = vector.broadcast %broadcast_in_dim3A_807 : i32 to vector<16xi32>
              %add3A_809 = vector.broadcast %reduce_max3A_806 : i32 to vector<16xi32>
              %add3A_810 = arith.addi %broadcast_in_dim3A_808, %add3A_809 : vector<16xi32>
              %gather3A_811 = tpu.vector_load_idx %arg14[%add3A_810, %iota3A] : memref<128x16xf32, #tpu.memory_space<vmem>>[vector<16xi32>, vector<16xi32>], vector<16xf32>,
              %mul3A_812 = arith.constant 128 : i32
              %mul3A_813 = vector.broadcast %mul3A_812 : i32 to vector<16xi32>
              %mul3A_814 = arith.muli %iota3A, %mul3A_813 : vector<16xi32>
              %add3A_815 = vector.broadcast %reduce_max3A_795 : i32 to vector<16xi32>
              %add3A_816 = arith.addi %add3A_815, %mul3A_814 : vector<16xi32>
              tpu.vector_store_idx %arg15[%add3A_816], %gather3A_811 : memref<24576xf32, #tpu.memory_space<vmem>>[vector<16xi32>], vector<16xf32>,
              %eq3A_817 = arith.constant 11 : i32
              %eq3A_818 = vector.broadcast %eq3A_817 : i32 to vector<16xi32>
              %eq3A_819 = arith.cmpi eq, %iota3A, %eq3A_818 : vector<16xi32>
              %jit3A_820 = arith.constant -2147483648 : i32
              %broadcast_in_dim3A_821 = vector.broadcast %jit3A_820 : i32 to vector<16xi32>
              %select_n3A_822 = arith.select %eq3A_819, %add3A_429, %broadcast_in_dim3A_821 : vector<16xi1>, vector<16xi32>
              %reduce_max3A_823 = arith.constant true
              %reduce_max3A_824 = vector.broadcast %reduce_max3A_823 : i1 to vector<16xi1>
              %reduce_max3A_825 = arith.constant -2147483648 : i32
              %reduce_max3A_826 = vector.broadcast %reduce_max3A_825 : i32 to vector<16xi32>
              %reduce_max3A_827 = arith.xori %select_n3A_822, %reduce_max3A_826 : vector<16xi32>
              %reduce_max3A_828 = tpu.scan <max>, %reduce_max3A_827 masked %reduce_max3A_824 : vector<16xi32>, vector<16xi1> -> vector<16xi32>
              %reduce_max3A_829 = arith.xori %reduce_max3A_828, %reduce_max3A_826 : vector<16xi32>
              %reduce_max3A_830 = vector.extract %reduce_max3A_829[15] : i32 from vector<16xi32>
              %jit3A_831 = arith.constant -2147483648 : i32
              %broadcast_in_dim3A_832 = vector.broadcast %jit3A_831 : i32 to vector<16xi32>
              %select_n3A_833 = arith.select %eq3A_819, %sub3A_431, %broadcast_in_dim3A_832 : vector<16xi1>, vector<16xi32>
              %reduce_max3A_834 = arith.constant true
              %reduce_max3A_835 = vector.broadcast %reduce_max3A_834 : i1 to vector<16xi1>
              %reduce_max3A_836 = arith.constant -2147483648 : i32
              %reduce_max3A_837 = vector.broadcast %reduce_max3A_836 : i32 to vector<16xi32>
              %reduce_max3A_838 = arith.xori %select_n3A_833, %reduce_max3A_837 : vector<16xi32>
              %reduce_max3A_839 = tpu.scan <max>, %reduce_max3A_838 masked %reduce_max3A_835 : vector<16xi32>, vector<16xi1> -> vector<16xi32>
              %reduce_max3A_840 = arith.xori %reduce_max3A_839, %reduce_max3A_837 : vector<16xi32>
              %reduce_max3A_841 = vector.extract %reduce_max3A_840[15] : i32 from vector<16xi32>
              %broadcast_in_dim3A_842 = arith.constant 0 : i32
              %broadcast_in_dim3A_843 = vector.broadcast %broadcast_in_dim3A_842 : i32 to vector<16xi32>
              %add3A_844 = vector.broadcast %reduce_max3A_841 : i32 to vector<16xi32>
              %add3A_845 = arith.addi %broadcast_in_dim3A_843, %add3A_844 : vector<16xi32>
              %gather3A_846 = tpu.vector_load_idx %arg14[%add3A_845, %iota3A] : memref<128x16xf32, #tpu.memory_space<vmem>>[vector<16xi32>, vector<16xi32>], vector<16xf32>,
              %mul3A_847 = arith.constant 128 : i32
              %mul3A_848 = vector.broadcast %mul3A_847 : i32 to vector<16xi32>
              %mul3A_849 = arith.muli %iota3A, %mul3A_848 : vector<16xi32>
              %add3A_850 = vector.broadcast %reduce_max3A_830 : i32 to vector<16xi32>
              %add3A_851 = arith.addi %add3A_850, %mul3A_849 : vector<16xi32>
              tpu.vector_store_idx %arg15[%add3A_851], %gather3A_846 : memref<24576xf32, #tpu.memory_space<vmem>>[vector<16xi32>], vector<16xf32>,
              %eq3A_852 = arith.constant 12 : i32
              %eq3A_853 = vector.broadcast %eq3A_852 : i32 to vector<16xi32>
              %eq3A_854 = arith.cmpi eq, %iota3A, %eq3A_853 : vector<16xi32>
              %jit3A_855 = arith.constant -2147483648 : i32
              %broadcast_in_dim3A_856 = vector.broadcast %jit3A_855 : i32 to vector<16xi32>
              %select_n3A_857 = arith.select %eq3A_854, %add3A_429, %broadcast_in_dim3A_856 : vector<16xi1>, vector<16xi32>
              %reduce_max3A_858 = arith.constant true
              %reduce_max3A_859 = vector.broadcast %reduce_max3A_858 : i1 to vector<16xi1>
              %reduce_max3A_860 = arith.constant -2147483648 : i32
              %reduce_max3A_861 = vector.broadcast %reduce_max3A_860 : i32 to vector<16xi32>
              %reduce_max3A_862 = arith.xori %select_n3A_857, %reduce_max3A_861 : vector<16xi32>
              %reduce_max3A_863 = tpu.scan <max>, %reduce_max3A_862 masked %reduce_max3A_859 : vector<16xi32>, vector<16xi1> -> vector<16xi32>
              %reduce_max3A_864 = arith.xori %reduce_max3A_863, %reduce_max3A_861 : vector<16xi32>
              %reduce_max3A_865 = vector.extract %reduce_max3A_864[15] : i32 from vector<16xi32>
              %jit3A_866 = arith.constant -2147483648 : i32
              %broadcast_in_dim3A_867 = vector.broadcast %jit3A_866 : i32 to vector<16xi32>
              %select_n3A_868 = arith.select %eq3A_854, %sub3A_431, %broadcast_in_dim3A_867 : vector<16xi1>, vector<16xi32>
              %reduce_max3A_869 = arith.constant true
              %reduce_max3A_870 = vector.broadcast %reduce_max3A_869 : i1 to vector<16xi1>
              %reduce_max3A_871 = arith.constant -2147483648 : i32
              %reduce_max3A_872 = vector.broadcast %reduce_max3A_871 : i32 to vector<16xi32>
              %reduce_max3A_873 = arith.xori %select_n3A_868, %reduce_max3A_872 : vector<16xi32>
              %reduce_max3A_874 = tpu.scan <max>, %reduce_max3A_873 masked %reduce_max3A_870 : vector<16xi32>, vector<16xi1> -> vector<16xi32>
              %reduce_max3A_875 = arith.xori %reduce_max3A_874, %reduce_max3A_872 : vector<16xi32>
              %reduce_max3A_876 = vector.extract %reduce_max3A_875[15] : i32 from vector<16xi32>
              %broadcast_in_dim3A_877 = arith.constant 0 : i32
              %broadcast_in_dim3A_878 = vector.broadcast %broadcast_in_dim3A_877 : i32 to vector<16xi32>
              %add3A_879 = vector.broadcast %reduce_max3A_876 : i32 to vector<16xi32>
              %add3A_880 = arith.addi %broadcast_in_dim3A_878, %add3A_879 : vector<16xi32>
              %gather3A_881 = tpu.vector_load_idx %arg14[%add3A_880, %iota3A] : memref<128x16xf32, #tpu.memory_space<vmem>>[vector<16xi32>, vector<16xi32>], vector<16xf32>,
              %mul3A_882 = arith.constant 128 : i32
              %mul3A_883 = vector.broadcast %mul3A_882 : i32 to vector<16xi32>
              %mul3A_884 = arith.muli %iota3A, %mul3A_883 : vector<16xi32>
              %add3A_885 = vector.broadcast %reduce_max3A_865 : i32 to vector<16xi32>
              %add3A_886 = arith.addi %add3A_885, %mul3A_884 : vector<16xi32>
              tpu.vector_store_idx %arg15[%add3A_886], %gather3A_881 : memref<24576xf32, #tpu.memory_space<vmem>>[vector<16xi32>], vector<16xf32>,
              %eq3A_887 = arith.constant 13 : i32
              %eq3A_888 = vector.broadcast %eq3A_887 : i32 to vector<16xi32>
              %eq3A_889 = arith.cmpi eq, %iota3A, %eq3A_888 : vector<16xi32>
              %jit3A_890 = arith.constant -2147483648 : i32
              %broadcast_in_dim3A_891 = vector.broadcast %jit3A_890 : i32 to vector<16xi32>
              %select_n3A_892 = arith.select %eq3A_889, %add3A_429, %broadcast_in_dim3A_891 : vector<16xi1>, vector<16xi32>
              %reduce_max3A_893 = arith.constant true
              %reduce_max3A_894 = vector.broadcast %reduce_max3A_893 : i1 to vector<16xi1>
              %reduce_max3A_895 = arith.constant -2147483648 : i32
              %reduce_max3A_896 = vector.broadcast %reduce_max3A_895 : i32 to vector<16xi32>
              %reduce_max3A_897 = arith.xori %select_n3A_892, %reduce_max3A_896 : vector<16xi32>
              %reduce_max3A_898 = tpu.scan <max>, %reduce_max3A_897 masked %reduce_max3A_894 : vector<16xi32>, vector<16xi1> -> vector<16xi32>
              %reduce_max3A_899 = arith.xori %reduce_max3A_898, %reduce_max3A_896 : vector<16xi32>
              %reduce_max3A_900 = vector.extract %reduce_max3A_899[15] : i32 from vector<16xi32>
              %jit3A_901 = arith.constant -2147483648 : i32
              %broadcast_in_dim3A_902 = vector.broadcast %jit3A_901 : i32 to vector<16xi32>
              %select_n3A_903 = arith.select %eq3A_889, %sub3A_431, %broadcast_in_dim3A_902 : vector<16xi1>, vector<16xi32>
              %reduce_max3A_904 = arith.constant true
              %reduce_max3A_905 = vector.broadcast %reduce_max3A_904 : i1 to vector<16xi1>
              %reduce_max3A_906 = arith.constant -2147483648 : i32
              %reduce_max3A_907 = vector.broadcast %reduce_max3A_906 : i32 to vector<16xi32>
              %reduce_max3A_908 = arith.xori %select_n3A_903, %reduce_max3A_907 : vector<16xi32>
              %reduce_max3A_909 = tpu.scan <max>, %reduce_max3A_908 masked %reduce_max3A_905 : vector<16xi32>, vector<16xi1> -> vector<16xi32>
              %reduce_max3A_910 = arith.xori %reduce_max3A_909, %reduce_max3A_907 : vector<16xi32>
              %reduce_max3A_911 = vector.extract %reduce_max3A_910[15] : i32 from vector<16xi32>
              %broadcast_in_dim3A_912 = arith.constant 0 : i32
              %broadcast_in_dim3A_913 = vector.broadcast %broadcast_in_dim3A_912 : i32 to vector<16xi32>
              %add3A_914 = vector.broadcast %reduce_max3A_911 : i32 to vector<16xi32>
              %add3A_915 = arith.addi %broadcast_in_dim3A_913, %add3A_914 : vector<16xi32>
              %gather3A_916 = tpu.vector_load_idx %arg14[%add3A_915, %iota3A] : memref<128x16xf32, #tpu.memory_space<vmem>>[vector<16xi32>, vector<16xi32>], vector<16xf32>,
              %mul3A_917 = arith.constant 128 : i32
              %mul3A_918 = vector.broadcast %mul3A_917 : i32 to vector<16xi32>
              %mul3A_919 = arith.muli %iota3A, %mul3A_918 : vector<16xi32>
              %add3A_920 = vector.broadcast %reduce_max3A_900 : i32 to vector<16xi32>
              %add3A_921 = arith.addi %add3A_920, %mul3A_919 : vector<16xi32>
              tpu.vector_store_idx %arg15[%add3A_921], %gather3A_916 : memref<24576xf32, #tpu.memory_space<vmem>>[vector<16xi32>], vector<16xf32>,
              %eq3A_922 = arith.constant 14 : i32
              %eq3A_923 = vector.broadcast %eq3A_922 : i32 to vector<16xi32>
              %eq3A_924 = arith.cmpi eq, %iota3A, %eq3A_923 : vector<16xi32>
              %jit3A_925 = arith.constant -2147483648 : i32
              %broadcast_in_dim3A_926 = vector.broadcast %jit3A_925 : i32 to vector<16xi32>
              %select_n3A_927 = arith.select %eq3A_924, %add3A_429, %broadcast_in_dim3A_926 : vector<16xi1>, vector<16xi32>
              %reduce_max3A_928 = arith.constant true
              %reduce_max3A_929 = vector.broadcast %reduce_max3A_928 : i1 to vector<16xi1>
              %reduce_max3A_930 = arith.constant -2147483648 : i32
              %reduce_max3A_931 = vector.broadcast %reduce_max3A_930 : i32 to vector<16xi32>
              %reduce_max3A_932 = arith.xori %select_n3A_927, %reduce_max3A_931 : vector<16xi32>
              %reduce_max3A_933 = tpu.scan <max>, %reduce_max3A_932 masked %reduce_max3A_929 : vector<16xi32>, vector<16xi1> -> vector<16xi32>
              %reduce_max3A_934 = arith.xori %reduce_max3A_933, %reduce_max3A_931 : vector<16xi32>
              %reduce_max3A_935 = vector.extract %reduce_max3A_934[15] : i32 from vector<16xi32>
              %jit3A_936 = arith.constant -2147483648 : i32
              %broadcast_in_dim3A_937 = vector.broadcast %jit3A_936 : i32 to vector<16xi32>
              %select_n3A_938 = arith.select %eq3A_924, %sub3A_431, %broadcast_in_dim3A_937 : vector<16xi1>, vector<16xi32>
              %reduce_max3A_939 = arith.constant true
              %reduce_max3A_940 = vector.broadcast %reduce_max3A_939 : i1 to vector<16xi1>
              %reduce_max3A_941 = arith.constant -2147483648 : i32
              %reduce_max3A_942 = vector.broadcast %reduce_max3A_941 : i32 to vector<16xi32>
              %reduce_max3A_943 = arith.xori %select_n3A_938, %reduce_max3A_942 : vector<16xi32>
              %reduce_max3A_944 = tpu.scan <max>, %reduce_max3A_943 masked %reduce_max3A_940 : vector<16xi32>, vector<16xi1> -> vector<16xi32>
              %reduce_max3A_945 = arith.xori %reduce_max3A_944, %reduce_max3A_942 : vector<16xi32>
              %reduce_max3A_946 = vector.extract %reduce_max3A_945[15] : i32 from vector<16xi32>
              %broadcast_in_dim3A_947 = arith.constant 0 : i32
              %broadcast_in_dim3A_948 = vector.broadcast %broadcast_in_dim3A_947 : i32 to vector<16xi32>
              %add3A_949 = vector.broadcast %reduce_max3A_946 : i32 to vector<16xi32>
              %add3A_950 = arith.addi %broadcast_in_dim3A_948, %add3A_949 : vector<16xi32>
              %gather3A_951 = tpu.vector_load_idx %arg14[%add3A_950, %iota3A] : memref<128x16xf32, #tpu.memory_space<vmem>>[vector<16xi32>, vector<16xi32>], vector<16xf32>,
              %mul3A_952 = arith.constant 128 : i32
              %mul3A_953 = vector.broadcast %mul3A_952 : i32 to vector<16xi32>
              %mul3A_954 = arith.muli %iota3A, %mul3A_953 : vector<16xi32>
              %add3A_955 = vector.broadcast %reduce_max3A_935 : i32 to vector<16xi32>
              %add3A_956 = arith.addi %add3A_955, %mul3A_954 : vector<16xi32>
              tpu.vector_store_idx %arg15[%add3A_956], %gather3A_951 : memref<24576xf32, #tpu.memory_space<vmem>>[vector<16xi32>], vector<16xf32>,
              %eq3A_957 = arith.constant 15 : i32
              %eq3A_958 = vector.broadcast %eq3A_957 : i32 to vector<16xi32>
              %eq3A_959 = arith.cmpi eq, %iota3A, %eq3A_958 : vector<16xi32>
              %jit3A_960 = arith.constant -2147483648 : i32
              %broadcast_in_dim3A_961 = vector.broadcast %jit3A_960 : i32 to vector<16xi32>
              %select_n3A_962 = arith.select %eq3A_959, %add3A_429, %broadcast_in_dim3A_961 : vector<16xi1>, vector<16xi32>
              %reduce_max3A_963 = arith.constant true
              %reduce_max3A_964 = vector.broadcast %reduce_max3A_963 : i1 to vector<16xi1>
              %reduce_max3A_965 = arith.constant -2147483648 : i32
              %reduce_max3A_966 = vector.broadcast %reduce_max3A_965 : i32 to vector<16xi32>
              %reduce_max3A_967 = arith.xori %select_n3A_962, %reduce_max3A_966 : vector<16xi32>
              %reduce_max3A_968 = tpu.scan <max>, %reduce_max3A_967 masked %reduce_max3A_964 : vector<16xi32>, vector<16xi1> -> vector<16xi32>
              %reduce_max3A_969 = arith.xori %reduce_max3A_968, %reduce_max3A_966 : vector<16xi32>
              %reduce_max3A_970 = vector.extract %reduce_max3A_969[15] : i32 from vector<16xi32>
              %jit3A_971 = arith.constant -2147483648 : i32
              %broadcast_in_dim3A_972 = vector.broadcast %jit3A_971 : i32 to vector<16xi32>
              %select_n3A_973 = arith.select %eq3A_959, %sub3A_431, %broadcast_in_dim3A_972 : vector<16xi1>, vector<16xi32>
              %reduce_max3A_974 = arith.constant true
              %reduce_max3A_975 = vector.broadcast %reduce_max3A_974 : i1 to vector<16xi1>
              %reduce_max3A_976 = arith.constant -2147483648 : i32
              %reduce_max3A_977 = vector.broadcast %reduce_max3A_976 : i32 to vector<16xi32>
              %reduce_max3A_978 = arith.xori %select_n3A_973, %reduce_max3A_977 : vector<16xi32>
              %reduce_max3A_979 = tpu.scan <max>, %reduce_max3A_978 masked %reduce_max3A_975 : vector<16xi32>, vector<16xi1> -> vector<16xi32>
              %reduce_max3A_980 = arith.xori %reduce_max3A_979, %reduce_max3A_977 : vector<16xi32>
              %reduce_max3A_981 = vector.extract %reduce_max3A_980[15] : i32 from vector<16xi32>
              %broadcast_in_dim3A_982 = arith.constant 0 : i32
              %broadcast_in_dim3A_983 = vector.broadcast %broadcast_in_dim3A_982 : i32 to vector<16xi32>
              %add3A_984 = vector.broadcast %reduce_max3A_981 : i32 to vector<16xi32>
              %add3A_985 = arith.addi %broadcast_in_dim3A_983, %add3A_984 : vector<16xi32>
              %gather3A_986 = tpu.vector_load_idx %arg14[%add3A_985, %iota3A] : memref<128x16xf32, #tpu.memory_space<vmem>>[vector<16xi32>, vector<16xi32>], vector<16xf32>,
              %mul3A_987 = arith.constant 128 : i32
              %mul3A_988 = vector.broadcast %mul3A_987 : i32 to vector<16xi32>
              %mul3A_989 = arith.muli %iota3A, %mul3A_988 : vector<16xi32>
              %add3A_990 = vector.broadcast %reduce_max3A_970 : i32 to vector<16xi32>
              %add3A_991 = arith.addi %add3A_990, %mul3A_989 : vector<16xi32>
              tpu.vector_store_idx %arg15[%add3A_991], %gather3A_986 : memref<24576xf32, #tpu.memory_space<vmem>>[vector<16xi32>], vector<16xf32>,
            }
          }
          %while3A_295 = arith.constant 1 : i32
          scf.for %while3A_306 = %while3A_293 to %while3A_289 step %while3A_295  : i32 {
            %mul3A_307 = arith.constant 128 : i32
            %mul3A_308 = arith.muli %while3A_306, %mul3A_307 : i32
            %add3A_309 = arith.addi %reduce_max3A_216, %mul3A_308 : i32
            %scan3A_310 = arith.constant 0 : i32
            %scan3A_311 = arith.constant 0 : i32
            %scan3A_312 = arith.constant 8 : i32
            %scan3A_313 = arith.addi %scan3A_311, %scan3A_312 : i32
            %scan3A_314 = arith.constant 1 : i32
            scf.for %scan3A_361 = %scan3A_311 to %scan3A_313 step %scan3A_314  : i32 {
              %mul3A_362 = arith.constant 16 : i32
              %mul3A_363 = arith.muli %scan3A_361, %mul3A_362 : i32
              %add3A_364 = arith.addi %add3A_309, %mul3A_363 : i32
              %add3A_365 = vector.broadcast %add3A_364 : i32 to vector<16xi32>
              %add3A_366 = arith.addi %add3A_365, %iota3A : vector<16xi32>
              %sub3A_367 = arith.constant 1 : i32
              %sub3A_368 = arith.subi %reduce_max3A_229, %sub3A_367 : i32
              %min3A_369 = vector.broadcast %sub3A_368 : i32 to vector<16xi32>
              %min3A_370 = arith.minsi %add3A_366, %min3A_369 : vector<16xi32>
              %gather3A = tpu.vector_load_idx %arg8[%min3A_370] : memref<16384xi32, #tpu.memory_space<vmem>>[vector<16xi32>], vector<16xi32>,
              %mul3A_371 = arith.constant 16 : i32
              %mul3A_372 = arith.muli %scan3A_361, %mul3A_371 : i32
              %swap3A_373 = arith.index_cast %mul3A_372 : i32 to index
              %swap3A_374 = tpu.vector_load %arg13[%swap3A_373] {strides = array<i32>} : memref<128xi32, #tpu.memory_space<vmem>>, vector<16xi32>,
              tpu.vector_store %arg13[%swap3A_373], %gather3A {strides = array<i32>} : memref<128xi32, #tpu.memory_space<vmem>>, vector<16xi32>,
            }
            %scan3A_315 = arith.constant 8 : i32
            %dma_start3A = arith.constant 0 : i32
            %dma_start3A_316 = arith.constant 0 : i32
            %dma_start3A_317 = tpu.memref_slice %arg3[%dma_start3A, %dma_start3A_316] : memref<16384x16xf32, #tpu.memory_space<hbm>> -> memref<16384x16xf32, #tpu.memory_space<hbm>>
            tpu.enqueue_indirect_dma source(%dma_start3A_317 : memref<16384x16xf32, #tpu.memory_space<hbm>>) target(%arg14 : memref<128x16xf32, #tpu.memory_space<vmem>>) offsets(%arg13 : memref<128xi32, #tpu.memory_space<vmem>>) semaphore(%arg16 : memref<!tpu.dma_semaphore, #tpu.memory_space<semaphore_mem>>)
            %dma_wait3A = arith.constant 0 : i32
            %dma_wait3A_318 = arith.constant 0 : i32
            %dma_wait3A_319 = tpu.memref_slice %arg3[%dma_wait3A, %dma_wait3A_318] : memref<16384x16xf32, #tpu.memory_space<hbm>> -> memref<16384x16xf32, #tpu.memory_space<hbm>>
            tpu.wait_indirect_dma semaphore(%arg16 : memref<!tpu.dma_semaphore, #tpu.memory_space<semaphore_mem>>) src(%dma_wait3A_319 : memref<16384x16xf32, #tpu.memory_space<hbm>>) dst(%arg14 : memref<128x16xf32, #tpu.memory_space<vmem>>)
            %sub3A_320 = arith.subi %reduce_max3A_229, %add3A_309 : i32
            %min3A_321 = arith.constant 128 : i32
            %min3A_322 = arith.minsi %sub3A_320, %min3A_321 : i32
            %add3A_323 = arith.constant 16 : i32
            %add3A_324 = arith.addi %min3A_322, %add3A_323 : i32
            %sub3A_325 = arith.constant 1 : i32
            %sub3A_326 = arith.subi %add3A_324, %sub3A_325 : i32
            %jit3A_327 = arith.constant 16 : i32
            %div3A_328 = arith.divsi %sub3A_326, %jit3A_327 : i32
            %sign3A_329 = arith.constant 0 : i32
            %sign3A_330 = arith.cmpi sgt, %sub3A_326, %sign3A_329 : i32
            %sign3A_331 = arith.extui %sign3A_330 : i1 to i32
            %sign3A_332 = arith.constant 0 : i32
            %sign3A_333 = arith.cmpi slt, %sub3A_326, %sign3A_332 : i32
            %sign3A_334 = arith.extui %sign3A_333 : i1 to i32
            %sign3A_335 = arith.subi %sign3A_331, %sign3A_334 : i32
            %sign3A_336 = arith.constant 0 : i32
            %sign3A_337 = arith.cmpi sgt, %jit3A_327, %sign3A_336 : i32
            %sign3A_338 = arith.extui %sign3A_337 : i1 to i32
            %sign3A_339 = arith.constant 0 : i32
            %sign3A_340 = arith.cmpi slt, %jit3A_327, %sign3A_339 : i32
            %sign3A_341 = arith.extui %sign3A_340 : i1 to i32
            %sign3A_342 = arith.subi %sign3A_338, %sign3A_341 : i32
            %ne3A_343 = arith.cmpi ne, %sign3A_335, %sign3A_342 : i32
            %rem3A_344 = arith.remsi %sub3A_326, %jit3A_327 : i32
            %ne3A_345 = arith.constant 0 : i32
            %ne3A_346 = arith.cmpi ne, %rem3A_344, %ne3A_345 : i32
            %and3A_347 = arith.andi %ne3A_343, %ne3A_346 : i1
            %sub3A_348 = arith.constant 1 : i32
            %sub3A_349 = arith.subi %div3A_328, %sub3A_348 : i32
            %select_n3A_350 = arith.select %and3A_347, %sub3A_349, %div3A_328 : i32
            %while3A_351 = arith.constant 0 : i32
            %while3A_352 = arith.constant 0 : i32
            %while3A_353 = arith.subi %select_n3A_350, %while3A_352 : i32
            %while3A_354 = arith.addi %while3A_352, %while3A_353 : i32
            %while3A_355 = arith.constant 1 : i32
            %while3A_356 = arith.divsi %while3A_353, %while3A_355 : i32
            %while3A_357 = arith.muli %while3A_356, %while3A_355 : i32
            %while3A_358 = arith.addi %while3A_352, %while3A_357 : i32
            %while3A_359 = arith.constant 1 : i32
            scf.for %while3A_361 = %while3A_352 to %while3A_358 step %while3A_359  : i32 {
              %mul3A_362 = arith.constant 16 : i32
              %mul3A_363 = arith.muli %while3A_361, %mul3A_362 : i32
              %add3A_364 = arith.addi %add3A_309, %mul3A_363 : i32
              %add3A_365 = vector.broadcast %add3A_364 : i32 to vector<16xi32>
              %add3A_366 = arith.addi %add3A_365, %iota3A : vector<16xi32>
              %sub3A_367 = arith.constant 1 : i32
              %sub3A_368 = arith.subi %reduce_max3A_229, %sub3A_367 : i32
              %min3A_369 = vector.broadcast %sub3A_368 : i32 to vector<16xi32>
              %min3A_370 = arith.minsi %add3A_366, %min3A_369 : vector<16xi32>
              %gather3A = tpu.vector_load_idx %arg9[%min3A_370] : memref<16384xi32, #tpu.memory_space<vmem>>[vector<16xi32>], vector<16xi32>,
              %sub3A_371 = vector.broadcast %add3A_247 : i32 to vector<16xi32>
              %sub3A_372 = arith.subi %gather3A, %sub3A_371 : vector<16xi32>
              %jit3A_373 = arith.constant 128 : i32
              %div3A_374 = vector.broadcast %jit3A_373 : i32 to vector<16xi32>
              %div3A_375 = arith.divsi %sub3A_372, %div3A_374 : vector<16xi32>
              %sign3A_376 = arith.constant 0 : i32
              %sign3A_377 = vector.broadcast %sign3A_376 : i32 to vector<16xi32>
              %sign3A_378 = arith.cmpi sgt, %sub3A_372, %sign3A_377 : vector<16xi32>
              %sign3A_379 = arith.extui %sign3A_378 : vector<16xi1> to vector<16xi32>
              %sign3A_380 = arith.constant 0 : i32
              %sign3A_381 = vector.broadcast %sign3A_380 : i32 to vector<16xi32>
              %sign3A_382 = arith.cmpi slt, %sub3A_372, %sign3A_381 : vector<16xi32>
              %sign3A_383 = arith.extui %sign3A_382 : vector<16xi1> to vector<16xi32>
              %sign3A_384 = arith.subi %sign3A_379, %sign3A_383 : vector<16xi32>
              %sign3A_385 = arith.constant 0 : i32
              %sign3A_386 = arith.cmpi sgt, %jit3A_373, %sign3A_385 : i32
              %sign3A_387 = arith.extui %sign3A_386 : i1 to i32
              %sign3A_388 = arith.constant 0 : i32
              %sign3A_389 = arith.cmpi slt, %jit3A_373, %sign3A_388 : i32
              %sign3A_390 = arith.extui %sign3A_389 : i1 to i32
              %sign3A_391 = arith.subi %sign3A_387, %sign3A_390 : i32
              %ne3A_392 = vector.broadcast %sign3A_391 : i32 to vector<16xi32>
              %ne3A_393 = arith.cmpi ne, %sign3A_384, %ne3A_392 : vector<16xi32>
              %rem3A_394 = vector.broadcast %jit3A_373 : i32 to vector<16xi32>
              %rem3A_395 = arith.remsi %sub3A_372, %rem3A_394 : vector<16xi32>
              %ne3A_396 = arith.constant 0 : i32
              %ne3A_397 = vector.broadcast %ne3A_396 : i32 to vector<16xi32>
              %ne3A_398 = arith.cmpi ne, %rem3A_395, %ne3A_397 : vector<16xi32>
              %and3A_399 = arith.andi %ne3A_393, %ne3A_398 : vector<16xi1>
              %sub3A_400 = arith.constant 1 : i32
              %sub3A_401 = vector.broadcast %sub3A_400 : i32 to vector<16xi32>
              %sub3A_402 = arith.subi %div3A_375, %sub3A_401 : vector<16xi32>
              %select_n3A_403 = arith.select %and3A_399, %sub3A_402, %div3A_375 : vector<16xi1>, vector<16xi32>
              %mul3A_404 = arith.constant 2048 : i32
              %mul3A_405 = vector.broadcast %mul3A_404 : i32 to vector<16xi32>
              %mul3A_406 = arith.muli %select_n3A_403, %mul3A_405 : vector<16xi32>
              %jit3A_407 = arith.constant 128 : i32
              %eq3A_408 = arith.constant 0 : i32
              %eq3A_409 = arith.cmpi eq, %jit3A_407, %eq3A_408 : i32
              %jit3A_410 = arith.constant 1 : i32
              %select_n3A_411 = arith.select %eq3A_409, %jit3A_410, %jit3A_407 : i32
              %rem3A_412 = vector.broadcast %select_n3A_411 : i32 to vector<16xi32>
              %rem3A_413 = arith.remsi %sub3A_372, %rem3A_412 : vector<16xi32>
              %ne3A_414 = arith.constant 0 : i32
              %ne3A_415 = vector.broadcast %ne3A_414 : i32 to vector<16xi32>
              %ne3A_416 = arith.cmpi ne, %rem3A_413, %ne3A_415 : vector<16xi32>
              %lt3A_417 = arith.constant 0 : i32
              %lt3A_418 = vector.broadcast %lt3A_417 : i32 to vector<16xi32>
              %lt3A_419 = arith.cmpi slt, %rem3A_413, %lt3A_418 : vector<16xi32>
              %lt3A_420 = arith.constant 0 : i32
              %lt3A_421 = arith.cmpi slt, %select_n3A_411, %lt3A_420 : i32
              %ne3A_422 = vector.broadcast %lt3A_421 : i1 to vector<16xi1>
              %ne3A_423 = vector.broadcast %ne3A_422 : vector<16xi1> to vector<16xi1>
              %ne3A_424 = arith.xori %lt3A_419, %ne3A_423 : vector<16xi1>
              %and3A_425 = arith.andi %ne3A_424, %ne3A_416 : vector<16xi1>
              %add3A_426 = vector.broadcast %select_n3A_411 : i32 to vector<16xi32>
              %add3A_427 = arith.addi %rem3A_413, %add3A_426 : vector<16xi32>
              %select_n3A_428 = arith.select %and3A_425, %add3A_427, %rem3A_413 : vector<16xi1>, vector<16xi32>
              %add3A_429 = arith.addi %mul3A_406, %select_n3A_428 : vector<16xi32>
              %sub3A_430 = vector.broadcast %add3A_309 : i32 to vector<16xi32>
              %sub3A_431 = arith.subi %min3A_370, %sub3A_430 : vector<16xi32>
              %eq3A_432 = arith.constant 0 : i32
              %eq3A_433 = vector.broadcast %eq3A_432 : i32 to vector<16xi32>
              %eq3A_434 = arith.cmpi eq, %iota3A, %eq3A_433 : vector<16xi32>
              %jit3A_435 = arith.constant -2147483648 : i32
              %broadcast_in_dim3A_436 = vector.broadcast %jit3A_435 : i32 to vector<16xi32>
              %select_n3A_437 = arith.select %eq3A_434, %add3A_429, %broadcast_in_dim3A_436 : vector<16xi1>, vector<16xi32>
              %reduce_max3A_438 = arith.constant true
              %reduce_max3A_439 = vector.broadcast %reduce_max3A_438 : i1 to vector<16xi1>
              %reduce_max3A_440 = arith.constant -2147483648 : i32
              %reduce_max3A_441 = vector.broadcast %reduce_max3A_440 : i32 to vector<16xi32>
              %reduce_max3A_442 = arith.xori %select_n3A_437, %reduce_max3A_441 : vector<16xi32>
              %reduce_max3A_443 = tpu.scan <max>, %reduce_max3A_442 masked %reduce_max3A_439 : vector<16xi32>, vector<16xi1> -> vector<16xi32>
              %reduce_max3A_444 = arith.xori %reduce_max3A_443, %reduce_max3A_441 : vector<16xi32>
              %reduce_max3A_445 = vector.extract %reduce_max3A_444[15] : i32 from vector<16xi32>
              %jit3A_446 = arith.constant -2147483648 : i32
              %broadcast_in_dim3A_447 = vector.broadcast %jit3A_446 : i32 to vector<16xi32>
              %select_n3A_448 = arith.select %eq3A_434, %sub3A_431, %broadcast_in_dim3A_447 : vector<16xi1>, vector<16xi32>
              %reduce_max3A_449 = arith.constant true
              %reduce_max3A_450 = vector.broadcast %reduce_max3A_449 : i1 to vector<16xi1>
              %reduce_max3A_451 = arith.constant -2147483648 : i32
              %reduce_max3A_452 = vector.broadcast %reduce_max3A_451 : i32 to vector<16xi32>
              %reduce_max3A_453 = arith.xori %select_n3A_448, %reduce_max3A_452 : vector<16xi32>
              %reduce_max3A_454 = tpu.scan <max>, %reduce_max3A_453 masked %reduce_max3A_450 : vector<16xi32>, vector<16xi1> -> vector<16xi32>
              %reduce_max3A_455 = arith.xori %reduce_max3A_454, %reduce_max3A_452 : vector<16xi32>
              %reduce_max3A_456 = vector.extract %reduce_max3A_455[15] : i32 from vector<16xi32>
              %broadcast_in_dim3A_457 = arith.constant 0 : i32
              %broadcast_in_dim3A_458 = vector.broadcast %broadcast_in_dim3A_457 : i32 to vector<16xi32>
              %add3A_459 = vector.broadcast %reduce_max3A_456 : i32 to vector<16xi32>
              %add3A_460 = arith.addi %broadcast_in_dim3A_458, %add3A_459 : vector<16xi32>
              %gather3A_461 = tpu.vector_load_idx %arg14[%add3A_460, %iota3A] : memref<128x16xf32, #tpu.memory_space<vmem>>[vector<16xi32>, vector<16xi32>], vector<16xf32>,
              %mul3A_462 = arith.constant 128 : i32
              %mul3A_463 = vector.broadcast %mul3A_462 : i32 to vector<16xi32>
              %mul3A_464 = arith.muli %iota3A, %mul3A_463 : vector<16xi32>
              %add3A_465 = vector.broadcast %reduce_max3A_445 : i32 to vector<16xi32>
              %add3A_466 = arith.addi %add3A_465, %mul3A_464 : vector<16xi32>
              tpu.vector_store_idx %arg15[%add3A_466], %gather3A_461 : memref<24576xf32, #tpu.memory_space<vmem>>[vector<16xi32>], vector<16xf32>,
              %eq3A_467 = arith.constant 1 : i32
              %eq3A_468 = vector.broadcast %eq3A_467 : i32 to vector<16xi32>
              %eq3A_469 = arith.cmpi eq, %iota3A, %eq3A_468 : vector<16xi32>
              %jit3A_470 = arith.constant -2147483648 : i32
              %broadcast_in_dim3A_471 = vector.broadcast %jit3A_470 : i32 to vector<16xi32>
              %select_n3A_472 = arith.select %eq3A_469, %add3A_429, %broadcast_in_dim3A_471 : vector<16xi1>, vector<16xi32>
              %reduce_max3A_473 = arith.constant true
              %reduce_max3A_474 = vector.broadcast %reduce_max3A_473 : i1 to vector<16xi1>
              %reduce_max3A_475 = arith.constant -2147483648 : i32
              %reduce_max3A_476 = vector.broadcast %reduce_max3A_475 : i32 to vector<16xi32>
              %reduce_max3A_477 = arith.xori %select_n3A_472, %reduce_max3A_476 : vector<16xi32>
              %reduce_max3A_478 = tpu.scan <max>, %reduce_max3A_477 masked %reduce_max3A_474 : vector<16xi32>, vector<16xi1> -> vector<16xi32>
              %reduce_max3A_479 = arith.xori %reduce_max3A_478, %reduce_max3A_476 : vector<16xi32>
              %reduce_max3A_480 = vector.extract %reduce_max3A_479[15] : i32 from vector<16xi32>
              %jit3A_481 = arith.constant -2147483648 : i32
              %broadcast_in_dim3A_482 = vector.broadcast %jit3A_481 : i32 to vector<16xi32>
              %select_n3A_483 = arith.select %eq3A_469, %sub3A_431, %broadcast_in_dim3A_482 : vector<16xi1>, vector<16xi32>
              %reduce_max3A_484 = arith.constant true
              %reduce_max3A_485 = vector.broadcast %reduce_max3A_484 : i1 to vector<16xi1>
              %reduce_max3A_486 = arith.constant -2147483648 : i32
              %reduce_max3A_487 = vector.broadcast %reduce_max3A_486 : i32 to vector<16xi32>
              %reduce_max3A_488 = arith.xori %select_n3A_483, %reduce_max3A_487 : vector<16xi32>
              %reduce_max3A_489 = tpu.scan <max>, %reduce_max3A_488 masked %reduce_max3A_485 : vector<16xi32>, vector<16xi1> -> vector<16xi32>
              %reduce_max3A_490 = arith.xori %reduce_max3A_489, %reduce_max3A_487 : vector<16xi32>
              %reduce_max3A_491 = vector.extract %reduce_max3A_490[15] : i32 from vector<16xi32>
              %broadcast_in_dim3A_492 = arith.constant 0 : i32
              %broadcast_in_dim3A_493 = vector.broadcast %broadcast_in_dim3A_492 : i32 to vector<16xi32>
              %add3A_494 = vector.broadcast %reduce_max3A_491 : i32 to vector<16xi32>
              %add3A_495 = arith.addi %broadcast_in_dim3A_493, %add3A_494 : vector<16xi32>
              %gather3A_496 = tpu.vector_load_idx %arg14[%add3A_495, %iota3A] : memref<128x16xf32, #tpu.memory_space<vmem>>[vector<16xi32>, vector<16xi32>], vector<16xf32>,
              %mul3A_497 = arith.constant 128 : i32
              %mul3A_498 = vector.broadcast %mul3A_497 : i32 to vector<16xi32>
              %mul3A_499 = arith.muli %iota3A, %mul3A_498 : vector<16xi32>
              %add3A_500 = vector.broadcast %reduce_max3A_480 : i32 to vector<16xi32>
              %add3A_501 = arith.addi %add3A_500, %mul3A_499 : vector<16xi32>
              tpu.vector_store_idx %arg15[%add3A_501], %gather3A_496 : memref<24576xf32, #tpu.memory_space<vmem>>[vector<16xi32>], vector<16xf32>,
              %eq3A_502 = arith.constant 2 : i32
              %eq3A_503 = vector.broadcast %eq3A_502 : i32 to vector<16xi32>
              %eq3A_504 = arith.cmpi eq, %iota3A, %eq3A_503 : vector<16xi32>
              %jit3A_505 = arith.constant -2147483648 : i32
              %broadcast_in_dim3A_506 = vector.broadcast %jit3A_505 : i32 to vector<16xi32>
              %select_n3A_507 = arith.select %eq3A_504, %add3A_429, %broadcast_in_dim3A_506 : vector<16xi1>, vector<16xi32>
              %reduce_max3A_508 = arith.constant true
              %reduce_max3A_509 = vector.broadcast %reduce_max3A_508 : i1 to vector<16xi1>
              %reduce_max3A_510 = arith.constant -2147483648 : i32
              %reduce_max3A_511 = vector.broadcast %reduce_max3A_510 : i32 to vector<16xi32>
              %reduce_max3A_512 = arith.xori %select_n3A_507, %reduce_max3A_511 : vector<16xi32>
              %reduce_max3A_513 = tpu.scan <max>, %reduce_max3A_512 masked %reduce_max3A_509 : vector<16xi32>, vector<16xi1> -> vector<16xi32>
              %reduce_max3A_514 = arith.xori %reduce_max3A_513, %reduce_max3A_511 : vector<16xi32>
              %reduce_max3A_515 = vector.extract %reduce_max3A_514[15] : i32 from vector<16xi32>
              %jit3A_516 = arith.constant -2147483648 : i32
              %broadcast_in_dim3A_517 = vector.broadcast %jit3A_516 : i32 to vector<16xi32>
              %select_n3A_518 = arith.select %eq3A_504, %sub3A_431, %broadcast_in_dim3A_517 : vector<16xi1>, vector<16xi32>
              %reduce_max3A_519 = arith.constant true
              %reduce_max3A_520 = vector.broadcast %reduce_max3A_519 : i1 to vector<16xi1>
              %reduce_max3A_521 = arith.constant -2147483648 : i32
              %reduce_max3A_522 = vector.broadcast %reduce_max3A_521 : i32 to vector<16xi32>
              %reduce_max3A_523 = arith.xori %select_n3A_518, %reduce_max3A_522 : vector<16xi32>
              %reduce_max3A_524 = tpu.scan <max>, %reduce_max3A_523 masked %reduce_max3A_520 : vector<16xi32>, vector<16xi1> -> vector<16xi32>
              %reduce_max3A_525 = arith.xori %reduce_max3A_524, %reduce_max3A_522 : vector<16xi32>
              %reduce_max3A_526 = vector.extract %reduce_max3A_525[15] : i32 from vector<16xi32>
              %broadcast_in_dim3A_527 = arith.constant 0 : i32
              %broadcast_in_dim3A_528 = vector.broadcast %broadcast_in_dim3A_527 : i32 to vector<16xi32>
              %add3A_529 = vector.broadcast %reduce_max3A_526 : i32 to vector<16xi32>
              %add3A_530 = arith.addi %broadcast_in_dim3A_528, %add3A_529 : vector<16xi32>
              %gather3A_531 = tpu.vector_load_idx %arg14[%add3A_530, %iota3A] : memref<128x16xf32, #tpu.memory_space<vmem>>[vector<16xi32>, vector<16xi32>], vector<16xf32>,
              %mul3A_532 = arith.constant 128 : i32
              %mul3A_533 = vector.broadcast %mul3A_532 : i32 to vector<16xi32>
              %mul3A_534 = arith.muli %iota3A, %mul3A_533 : vector<16xi32>
              %add3A_535 = vector.broadcast %reduce_max3A_515 : i32 to vector<16xi32>
              %add3A_536 = arith.addi %add3A_535, %mul3A_534 : vector<16xi32>
              tpu.vector_store_idx %arg15[%add3A_536], %gather3A_531 : memref<24576xf32, #tpu.memory_space<vmem>>[vector<16xi32>], vector<16xf32>,
              %eq3A_537 = arith.constant 3 : i32
              %eq3A_538 = vector.broadcast %eq3A_537 : i32 to vector<16xi32>
              %eq3A_539 = arith.cmpi eq, %iota3A, %eq3A_538 : vector<16xi32>
              %jit3A_540 = arith.constant -2147483648 : i32
              %broadcast_in_dim3A_541 = vector.broadcast %jit3A_540 : i32 to vector<16xi32>
              %select_n3A_542 = arith.select %eq3A_539, %add3A_429, %broadcast_in_dim3A_541 : vector<16xi1>, vector<16xi32>
              %reduce_max3A_543 = arith.constant true
              %reduce_max3A_544 = vector.broadcast %reduce_max3A_543 : i1 to vector<16xi1>
              %reduce_max3A_545 = arith.constant -2147483648 : i32
              %reduce_max3A_546 = vector.broadcast %reduce_max3A_545 : i32 to vector<16xi32>
              %reduce_max3A_547 = arith.xori %select_n3A_542, %reduce_max3A_546 : vector<16xi32>
              %reduce_max3A_548 = tpu.scan <max>, %reduce_max3A_547 masked %reduce_max3A_544 : vector<16xi32>, vector<16xi1> -> vector<16xi32>
              %reduce_max3A_549 = arith.xori %reduce_max3A_548, %reduce_max3A_546 : vector<16xi32>
              %reduce_max3A_550 = vector.extract %reduce_max3A_549[15] : i32 from vector<16xi32>
              %jit3A_551 = arith.constant -2147483648 : i32
              %broadcast_in_dim3A_552 = vector.broadcast %jit3A_551 : i32 to vector<16xi32>
              %select_n3A_553 = arith.select %eq3A_539, %sub3A_431, %broadcast_in_dim3A_552 : vector<16xi1>, vector<16xi32>
              %reduce_max3A_554 = arith.constant true
              %reduce_max3A_555 = vector.broadcast %reduce_max3A_554 : i1 to vector<16xi1>
              %reduce_max3A_556 = arith.constant -2147483648 : i32
              %reduce_max3A_557 = vector.broadcast %reduce_max3A_556 : i32 to vector<16xi32>
              %reduce_max3A_558 = arith.xori %select_n3A_553, %reduce_max3A_557 : vector<16xi32>
              %reduce_max3A_559 = tpu.scan <max>, %reduce_max3A_558 masked %reduce_max3A_555 : vector<16xi32>, vector<16xi1> -> vector<16xi32>
              %reduce_max3A_560 = arith.xori %reduce_max3A_559, %reduce_max3A_557 : vector<16xi32>
              %reduce_max3A_561 = vector.extract %reduce_max3A_560[15] : i32 from vector<16xi32>
              %broadcast_in_dim3A_562 = arith.constant 0 : i32
              %broadcast_in_dim3A_563 = vector.broadcast %broadcast_in_dim3A_562 : i32 to vector<16xi32>
              %add3A_564 = vector.broadcast %reduce_max3A_561 : i32 to vector<16xi32>
              %add3A_565 = arith.addi %broadcast_in_dim3A_563, %add3A_564 : vector<16xi32>
              %gather3A_566 = tpu.vector_load_idx %arg14[%add3A_565, %iota3A] : memref<128x16xf32, #tpu.memory_space<vmem>>[vector<16xi32>, vector<16xi32>], vector<16xf32>,
              %mul3A_567 = arith.constant 128 : i32
              %mul3A_568 = vector.broadcast %mul3A_567 : i32 to vector<16xi32>
              %mul3A_569 = arith.muli %iota3A, %mul3A_568 : vector<16xi32>
              %add3A_570 = vector.broadcast %reduce_max3A_550 : i32 to vector<16xi32>
              %add3A_571 = arith.addi %add3A_570, %mul3A_569 : vector<16xi32>
              tpu.vector_store_idx %arg15[%add3A_571], %gather3A_566 : memref<24576xf32, #tpu.memory_space<vmem>>[vector<16xi32>], vector<16xf32>,
              %eq3A_572 = arith.constant 4 : i32
              %eq3A_573 = vector.broadcast %eq3A_572 : i32 to vector<16xi32>
              %eq3A_574 = arith.cmpi eq, %iota3A, %eq3A_573 : vector<16xi32>
              %jit3A_575 = arith.constant -2147483648 : i32
              %broadcast_in_dim3A_576 = vector.broadcast %jit3A_575 : i32 to vector<16xi32>
              %select_n3A_577 = arith.select %eq3A_574, %add3A_429, %broadcast_in_dim3A_576 : vector<16xi1>, vector<16xi32>
              %reduce_max3A_578 = arith.constant true
              %reduce_max3A_579 = vector.broadcast %reduce_max3A_578 : i1 to vector<16xi1>
              %reduce_max3A_580 = arith.constant -2147483648 : i32
              %reduce_max3A_581 = vector.broadcast %reduce_max3A_580 : i32 to vector<16xi32>
              %reduce_max3A_582 = arith.xori %select_n3A_577, %reduce_max3A_581 : vector<16xi32>
              %reduce_max3A_583 = tpu.scan <max>, %reduce_max3A_582 masked %reduce_max3A_579 : vector<16xi32>, vector<16xi1> -> vector<16xi32>
              %reduce_max3A_584 = arith.xori %reduce_max3A_583, %reduce_max3A_581 : vector<16xi32>
              %reduce_max3A_585 = vector.extract %reduce_max3A_584[15] : i32 from vector<16xi32>
              %jit3A_586 = arith.constant -2147483648 : i32
              %broadcast_in_dim3A_587 = vector.broadcast %jit3A_586 : i32 to vector<16xi32>
              %select_n3A_588 = arith.select %eq3A_574, %sub3A_431, %broadcast_in_dim3A_587 : vector<16xi1>, vector<16xi32>
              %reduce_max3A_589 = arith.constant true
              %reduce_max3A_590 = vector.broadcast %reduce_max3A_589 : i1 to vector<16xi1>
              %reduce_max3A_591 = arith.constant -2147483648 : i32
              %reduce_max3A_592 = vector.broadcast %reduce_max3A_591 : i32 to vector<16xi32>
              %reduce_max3A_593 = arith.xori %select_n3A_588, %reduce_max3A_592 : vector<16xi32>
              %reduce_max3A_594 = tpu.scan <max>, %reduce_max3A_593 masked %reduce_max3A_590 : vector<16xi32>, vector<16xi1> -> vector<16xi32>
              %reduce_max3A_595 = arith.xori %reduce_max3A_594, %reduce_max3A_592 : vector<16xi32>
              %reduce_max3A_596 = vector.extract %reduce_max3A_595[15] : i32 from vector<16xi32>
              %broadcast_in_dim3A_597 = arith.constant 0 : i32
              %broadcast_in_dim3A_598 = vector.broadcast %broadcast_in_dim3A_597 : i32 to vector<16xi32>
              %add3A_599 = vector.broadcast %reduce_max3A_596 : i32 to vector<16xi32>
              %add3A_600 = arith.addi %broadcast_in_dim3A_598, %add3A_599 : vector<16xi32>
              %gather3A_601 = tpu.vector_load_idx %arg14[%add3A_600, %iota3A] : memref<128x16xf32, #tpu.memory_space<vmem>>[vector<16xi32>, vector<16xi32>], vector<16xf32>,
              %mul3A_602 = arith.constant 128 : i32
              %mul3A_603 = vector.broadcast %mul3A_602 : i32 to vector<16xi32>
              %mul3A_604 = arith.muli %iota3A, %mul3A_603 : vector<16xi32>
              %add3A_605 = vector.broadcast %reduce_max3A_585 : i32 to vector<16xi32>
              %add3A_606 = arith.addi %add3A_605, %mul3A_604 : vector<16xi32>
              tpu.vector_store_idx %arg15[%add3A_606], %gather3A_601 : memref<24576xf32, #tpu.memory_space<vmem>>[vector<16xi32>], vector<16xf32>,
              %eq3A_607 = arith.constant 5 : i32
              %eq3A_608 = vector.broadcast %eq3A_607 : i32 to vector<16xi32>
              %eq3A_609 = arith.cmpi eq, %iota3A, %eq3A_608 : vector<16xi32>
              %jit3A_610 = arith.constant -2147483648 : i32
              %broadcast_in_dim3A_611 = vector.broadcast %jit3A_610 : i32 to vector<16xi32>
              %select_n3A_612 = arith.select %eq3A_609, %add3A_429, %broadcast_in_dim3A_611 : vector<16xi1>, vector<16xi32>
              %reduce_max3A_613 = arith.constant true
              %reduce_max3A_614 = vector.broadcast %reduce_max3A_613 : i1 to vector<16xi1>
              %reduce_max3A_615 = arith.constant -2147483648 : i32
              %reduce_max3A_616 = vector.broadcast %reduce_max3A_615 : i32 to vector<16xi32>
              %reduce_max3A_617 = arith.xori %select_n3A_612, %reduce_max3A_616 : vector<16xi32>
              %reduce_max3A_618 = tpu.scan <max>, %reduce_max3A_617 masked %reduce_max3A_614 : vector<16xi32>, vector<16xi1> -> vector<16xi32>
              %reduce_max3A_619 = arith.xori %reduce_max3A_618, %reduce_max3A_616 : vector<16xi32>
              %reduce_max3A_620 = vector.extract %reduce_max3A_619[15] : i32 from vector<16xi32>
              %jit3A_621 = arith.constant -2147483648 : i32
              %broadcast_in_dim3A_622 = vector.broadcast %jit3A_621 : i32 to vector<16xi32>
              %select_n3A_623 = arith.select %eq3A_609, %sub3A_431, %broadcast_in_dim3A_622 : vector<16xi1>, vector<16xi32>
              %reduce_max3A_624 = arith.constant true
              %reduce_max3A_625 = vector.broadcast %reduce_max3A_624 : i1 to vector<16xi1>
              %reduce_max3A_626 = arith.constant -2147483648 : i32
              %reduce_max3A_627 = vector.broadcast %reduce_max3A_626 : i32 to vector<16xi32>
              %reduce_max3A_628 = arith.xori %select_n3A_623, %reduce_max3A_627 : vector<16xi32>
              %reduce_max3A_629 = tpu.scan <max>, %reduce_max3A_628 masked %reduce_max3A_625 : vector<16xi32>, vector<16xi1> -> vector<16xi32>
              %reduce_max3A_630 = arith.xori %reduce_max3A_629, %reduce_max3A_627 : vector<16xi32>
              %reduce_max3A_631 = vector.extract %reduce_max3A_630[15] : i32 from vector<16xi32>
              %broadcast_in_dim3A_632 = arith.constant 0 : i32
              %broadcast_in_dim3A_633 = vector.broadcast %broadcast_in_dim3A_632 : i32 to vector<16xi32>
              %add3A_634 = vector.broadcast %reduce_max3A_631 : i32 to vector<16xi32>
              %add3A_635 = arith.addi %broadcast_in_dim3A_633, %add3A_634 : vector<16xi32>
              %gather3A_636 = tpu.vector_load_idx %arg14[%add3A_635, %iota3A] : memref<128x16xf32, #tpu.memory_space<vmem>>[vector<16xi32>, vector<16xi32>], vector<16xf32>,
              %mul3A_637 = arith.constant 128 : i32
              %mul3A_638 = vector.broadcast %mul3A_637 : i32 to vector<16xi32>
              %mul3A_639 = arith.muli %iota3A, %mul3A_638 : vector<16xi32>
              %add3A_640 = vector.broadcast %reduce_max3A_620 : i32 to vector<16xi32>
              %add3A_641 = arith.addi %add3A_640, %mul3A_639 : vector<16xi32>
              tpu.vector_store_idx %arg15[%add3A_641], %gather3A_636 : memref<24576xf32, #tpu.memory_space<vmem>>[vector<16xi32>], vector<16xf32>,
              %eq3A_642 = arith.constant 6 : i32
              %eq3A_643 = vector.broadcast %eq3A_642 : i32 to vector<16xi32>
              %eq3A_644 = arith.cmpi eq, %iota3A, %eq3A_643 : vector<16xi32>
              %jit3A_645 = arith.constant -2147483648 : i32
              %broadcast_in_dim3A_646 = vector.broadcast %jit3A_645 : i32 to vector<16xi32>
              %select_n3A_647 = arith.select %eq3A_644, %add3A_429, %broadcast_in_dim3A_646 : vector<16xi1>, vector<16xi32>
              %reduce_max3A_648 = arith.constant true
              %reduce_max3A_649 = vector.broadcast %reduce_max3A_648 : i1 to vector<16xi1>
              %reduce_max3A_650 = arith.constant -2147483648 : i32
              %reduce_max3A_651 = vector.broadcast %reduce_max3A_650 : i32 to vector<16xi32>
              %reduce_max3A_652 = arith.xori %select_n3A_647, %reduce_max3A_651 : vector<16xi32>
              %reduce_max3A_653 = tpu.scan <max>, %reduce_max3A_652 masked %reduce_max3A_649 : vector<16xi32>, vector<16xi1> -> vector<16xi32>
              %reduce_max3A_654 = arith.xori %reduce_max3A_653, %reduce_max3A_651 : vector<16xi32>
              %reduce_max3A_655 = vector.extract %reduce_max3A_654[15] : i32 from vector<16xi32>
              %jit3A_656 = arith.constant -2147483648 : i32
              %broadcast_in_dim3A_657 = vector.broadcast %jit3A_656 : i32 to vector<16xi32>
              %select_n3A_658 = arith.select %eq3A_644, %sub3A_431, %broadcast_in_dim3A_657 : vector<16xi1>, vector<16xi32>
              %reduce_max3A_659 = arith.constant true
              %reduce_max3A_660 = vector.broadcast %reduce_max3A_659 : i1 to vector<16xi1>
              %reduce_max3A_661 = arith.constant -2147483648 : i32
              %reduce_max3A_662 = vector.broadcast %reduce_max3A_661 : i32 to vector<16xi32>
              %reduce_max3A_663 = arith.xori %select_n3A_658, %reduce_max3A_662 : vector<16xi32>
              %reduce_max3A_664 = tpu.scan <max>, %reduce_max3A_663 masked %reduce_max3A_660 : vector<16xi32>, vector<16xi1> -> vector<16xi32>
              %reduce_max3A_665 = arith.xori %reduce_max3A_664, %reduce_max3A_662 : vector<16xi32>
              %reduce_max3A_666 = vector.extract %reduce_max3A_665[15] : i32 from vector<16xi32>
              %broadcast_in_dim3A_667 = arith.constant 0 : i32
              %broadcast_in_dim3A_668 = vector.broadcast %broadcast_in_dim3A_667 : i32 to vector<16xi32>
              %add3A_669 = vector.broadcast %reduce_max3A_666 : i32 to vector<16xi32>
              %add3A_670 = arith.addi %broadcast_in_dim3A_668, %add3A_669 : vector<16xi32>
              %gather3A_671 = tpu.vector_load_idx %arg14[%add3A_670, %iota3A] : memref<128x16xf32, #tpu.memory_space<vmem>>[vector<16xi32>, vector<16xi32>], vector<16xf32>,
              %mul3A_672 = arith.constant 128 : i32
              %mul3A_673 = vector.broadcast %mul3A_672 : i32 to vector<16xi32>
              %mul3A_674 = arith.muli %iota3A, %mul3A_673 : vector<16xi32>
              %add3A_675 = vector.broadcast %reduce_max3A_655 : i32 to vector<16xi32>
              %add3A_676 = arith.addi %add3A_675, %mul3A_674 : vector<16xi32>
              tpu.vector_store_idx %arg15[%add3A_676], %gather3A_671 : memref<24576xf32, #tpu.memory_space<vmem>>[vector<16xi32>], vector<16xf32>,
              %eq3A_677 = arith.constant 7 : i32
              %eq3A_678 = vector.broadcast %eq3A_677 : i32 to vector<16xi32>
              %eq3A_679 = arith.cmpi eq, %iota3A, %eq3A_678 : vector<16xi32>
              %jit3A_680 = arith.constant -2147483648 : i32
              %broadcast_in_dim3A_681 = vector.broadcast %jit3A_680 : i32 to vector<16xi32>
              %select_n3A_682 = arith.select %eq3A_679, %add3A_429, %broadcast_in_dim3A_681 : vector<16xi1>, vector<16xi32>
              %reduce_max3A_683 = arith.constant true
              %reduce_max3A_684 = vector.broadcast %reduce_max3A_683 : i1 to vector<16xi1>
              %reduce_max3A_685 = arith.constant -2147483648 : i32
              %reduce_max3A_686 = vector.broadcast %reduce_max3A_685 : i32 to vector<16xi32>
              %reduce_max3A_687 = arith.xori %select_n3A_682, %reduce_max3A_686 : vector<16xi32>
              %reduce_max3A_688 = tpu.scan <max>, %reduce_max3A_687 masked %reduce_max3A_684 : vector<16xi32>, vector<16xi1> -> vector<16xi32>
              %reduce_max3A_689 = arith.xori %reduce_max3A_688, %reduce_max3A_686 : vector<16xi32>
              %reduce_max3A_690 = vector.extract %reduce_max3A_689[15] : i32 from vector<16xi32>
              %jit3A_691 = arith.constant -2147483648 : i32
              %broadcast_in_dim3A_692 = vector.broadcast %jit3A_691 : i32 to vector<16xi32>
              %select_n3A_693 = arith.select %eq3A_679, %sub3A_431, %broadcast_in_dim3A_692 : vector<16xi1>, vector<16xi32>
              %reduce_max3A_694 = arith.constant true
              %reduce_max3A_695 = vector.broadcast %reduce_max3A_694 : i1 to vector<16xi1>
              %reduce_max3A_696 = arith.constant -2147483648 : i32
              %reduce_max3A_697 = vector.broadcast %reduce_max3A_696 : i32 to vector<16xi32>
              %reduce_max3A_698 = arith.xori %select_n3A_693, %reduce_max3A_697 : vector<16xi32>
              %reduce_max3A_699 = tpu.scan <max>, %reduce_max3A_698 masked %reduce_max3A_695 : vector<16xi32>, vector<16xi1> -> vector<16xi32>
              %reduce_max3A_700 = arith.xori %reduce_max3A_699, %reduce_max3A_697 : vector<16xi32>
              %reduce_max3A_701 = vector.extract %reduce_max3A_700[15] : i32 from vector<16xi32>
              %broadcast_in_dim3A_702 = arith.constant 0 : i32
              %broadcast_in_dim3A_703 = vector.broadcast %broadcast_in_dim3A_702 : i32 to vector<16xi32>
              %add3A_704 = vector.broadcast %reduce_max3A_701 : i32 to vector<16xi32>
              %add3A_705 = arith.addi %broadcast_in_dim3A_703, %add3A_704 : vector<16xi32>
              %gather3A_706 = tpu.vector_load_idx %arg14[%add3A_705, %iota3A] : memref<128x16xf32, #tpu.memory_space<vmem>>[vector<16xi32>, vector<16xi32>], vector<16xf32>,
              %mul3A_707 = arith.constant 128 : i32
              %mul3A_708 = vector.broadcast %mul3A_707 : i32 to vector<16xi32>
              %mul3A_709 = arith.muli %iota3A, %mul3A_708 : vector<16xi32>
              %add3A_710 = vector.broadcast %reduce_max3A_690 : i32 to vector<16xi32>
              %add3A_711 = arith.addi %add3A_710, %mul3A_709 : vector<16xi32>
              tpu.vector_store_idx %arg15[%add3A_711], %gather3A_706 : memref<24576xf32, #tpu.memory_space<vmem>>[vector<16xi32>], vector<16xf32>,
              %eq3A_712 = arith.constant 8 : i32
              %eq3A_713 = vector.broadcast %eq3A_712 : i32 to vector<16xi32>
              %eq3A_714 = arith.cmpi eq, %iota3A, %eq3A_713 : vector<16xi32>
              %jit3A_715 = arith.constant -2147483648 : i32
              %broadcast_in_dim3A_716 = vector.broadcast %jit3A_715 : i32 to vector<16xi32>
              %select_n3A_717 = arith.select %eq3A_714, %add3A_429, %broadcast_in_dim3A_716 : vector<16xi1>, vector<16xi32>
              %reduce_max3A_718 = arith.constant true
              %reduce_max3A_719 = vector.broadcast %reduce_max3A_718 : i1 to vector<16xi1>
              %reduce_max3A_720 = arith.constant -2147483648 : i32
              %reduce_max3A_721 = vector.broadcast %reduce_max3A_720 : i32 to vector<16xi32>
              %reduce_max3A_722 = arith.xori %select_n3A_717, %reduce_max3A_721 : vector<16xi32>
              %reduce_max3A_723 = tpu.scan <max>, %reduce_max3A_722 masked %reduce_max3A_719 : vector<16xi32>, vector<16xi1> -> vector<16xi32>
              %reduce_max3A_724 = arith.xori %reduce_max3A_723, %reduce_max3A_721 : vector<16xi32>
              %reduce_max3A_725 = vector.extract %reduce_max3A_724[15] : i32 from vector<16xi32>
              %jit3A_726 = arith.constant -2147483648 : i32
              %broadcast_in_dim3A_727 = vector.broadcast %jit3A_726 : i32 to vector<16xi32>
              %select_n3A_728 = arith.select %eq3A_714, %sub3A_431, %broadcast_in_dim3A_727 : vector<16xi1>, vector<16xi32>
              %reduce_max3A_729 = arith.constant true
              %reduce_max3A_730 = vector.broadcast %reduce_max3A_729 : i1 to vector<16xi1>
              %reduce_max3A_731 = arith.constant -2147483648 : i32
              %reduce_max3A_732 = vector.broadcast %reduce_max3A_731 : i32 to vector<16xi32>
              %reduce_max3A_733 = arith.xori %select_n3A_728, %reduce_max3A_732 : vector<16xi32>
              %reduce_max3A_734 = tpu.scan <max>, %reduce_max3A_733 masked %reduce_max3A_730 : vector<16xi32>, vector<16xi1> -> vector<16xi32>
              %reduce_max3A_735 = arith.xori %reduce_max3A_734, %reduce_max3A_732 : vector<16xi32>
              %reduce_max3A_736 = vector.extract %reduce_max3A_735[15] : i32 from vector<16xi32>
              %broadcast_in_dim3A_737 = arith.constant 0 : i32
              %broadcast_in_dim3A_738 = vector.broadcast %broadcast_in_dim3A_737 : i32 to vector<16xi32>
              %add3A_739 = vector.broadcast %reduce_max3A_736 : i32 to vector<16xi32>
              %add3A_740 = arith.addi %broadcast_in_dim3A_738, %add3A_739 : vector<16xi32>
              %gather3A_741 = tpu.vector_load_idx %arg14[%add3A_740, %iota3A] : memref<128x16xf32, #tpu.memory_space<vmem>>[vector<16xi32>, vector<16xi32>], vector<16xf32>,
              %mul3A_742 = arith.constant 128 : i32
              %mul3A_743 = vector.broadcast %mul3A_742 : i32 to vector<16xi32>
              %mul3A_744 = arith.muli %iota3A, %mul3A_743 : vector<16xi32>
              %add3A_745 = vector.broadcast %reduce_max3A_725 : i32 to vector<16xi32>
              %add3A_746 = arith.addi %add3A_745, %mul3A_744 : vector<16xi32>
              tpu.vector_store_idx %arg15[%add3A_746], %gather3A_741 : memref<24576xf32, #tpu.memory_space<vmem>>[vector<16xi32>], vector<16xf32>,
              %eq3A_747 = arith.constant 9 : i32
              %eq3A_748 = vector.broadcast %eq3A_747 : i32 to vector<16xi32>
              %eq3A_749 = arith.cmpi eq, %iota3A, %eq3A_748 : vector<16xi32>
              %jit3A_750 = arith.constant -2147483648 : i32
              %broadcast_in_dim3A_751 = vector.broadcast %jit3A_750 : i32 to vector<16xi32>
              %select_n3A_752 = arith.select %eq3A_749, %add3A_429, %broadcast_in_dim3A_751 : vector<16xi1>, vector<16xi32>
              %reduce_max3A_753 = arith.constant true
              %reduce_max3A_754 = vector.broadcast %reduce_max3A_753 : i1 to vector<16xi1>
              %reduce_max3A_755 = arith.constant -2147483648 : i32
              %reduce_max3A_756 = vector.broadcast %reduce_max3A_755 : i32 to vector<16xi32>
              %reduce_max3A_757 = arith.xori %select_n3A_752, %reduce_max3A_756 : vector<16xi32>
              %reduce_max3A_758 = tpu.scan <max>, %reduce_max3A_757 masked %reduce_max3A_754 : vector<16xi32>, vector<16xi1> -> vector<16xi32>
              %reduce_max3A_759 = arith.xori %reduce_max3A_758, %reduce_max3A_756 : vector<16xi32>
              %reduce_max3A_760 = vector.extract %reduce_max3A_759[15] : i32 from vector<16xi32>
              %jit3A_761 = arith.constant -2147483648 : i32
              %broadcast_in_dim3A_762 = vector.broadcast %jit3A_761 : i32 to vector<16xi32>
              %select_n3A_763 = arith.select %eq3A_749, %sub3A_431, %broadcast_in_dim3A_762 : vector<16xi1>, vector<16xi32>
              %reduce_max3A_764 = arith.constant true
              %reduce_max3A_765 = vector.broadcast %reduce_max3A_764 : i1 to vector<16xi1>
              %reduce_max3A_766 = arith.constant -2147483648 : i32
              %reduce_max3A_767 = vector.broadcast %reduce_max3A_766 : i32 to vector<16xi32>
              %reduce_max3A_768 = arith.xori %select_n3A_763, %reduce_max3A_767 : vector<16xi32>
              %reduce_max3A_769 = tpu.scan <max>, %reduce_max3A_768 masked %reduce_max3A_765 : vector<16xi32>, vector<16xi1> -> vector<16xi32>
              %reduce_max3A_770 = arith.xori %reduce_max3A_769, %reduce_max3A_767 : vector<16xi32>
              %reduce_max3A_771 = vector.extract %reduce_max3A_770[15] : i32 from vector<16xi32>
              %broadcast_in_dim3A_772 = arith.constant 0 : i32
              %broadcast_in_dim3A_773 = vector.broadcast %broadcast_in_dim3A_772 : i32 to vector<16xi32>
              %add3A_774 = vector.broadcast %reduce_max3A_771 : i32 to vector<16xi32>
              %add3A_775 = arith.addi %broadcast_in_dim3A_773, %add3A_774 : vector<16xi32>
              %gather3A_776 = tpu.vector_load_idx %arg14[%add3A_775, %iota3A] : memref<128x16xf32, #tpu.memory_space<vmem>>[vector<16xi32>, vector<16xi32>], vector<16xf32>,
              %mul3A_777 = arith.constant 128 : i32
              %mul3A_778 = vector.broadcast %mul3A_777 : i32 to vector<16xi32>
              %mul3A_779 = arith.muli %iota3A, %mul3A_778 : vector<16xi32>
              %add3A_780 = vector.broadcast %reduce_max3A_760 : i32 to vector<16xi32>
              %add3A_781 = arith.addi %add3A_780, %mul3A_779 : vector<16xi32>
              tpu.vector_store_idx %arg15[%add3A_781], %gather3A_776 : memref<24576xf32, #tpu.memory_space<vmem>>[vector<16xi32>], vector<16xf32>,
              %eq3A_782 = arith.constant 10 : i32
              %eq3A_783 = vector.broadcast %eq3A_782 : i32 to vector<16xi32>
              %eq3A_784 = arith.cmpi eq, %iota3A, %eq3A_783 : vector<16xi32>
              %jit3A_785 = arith.constant -2147483648 : i32
              %broadcast_in_dim3A_786 = vector.broadcast %jit3A_785 : i32 to vector<16xi32>
              %select_n3A_787 = arith.select %eq3A_784, %add3A_429, %broadcast_in_dim3A_786 : vector<16xi1>, vector<16xi32>
              %reduce_max3A_788 = arith.constant true
              %reduce_max3A_789 = vector.broadcast %reduce_max3A_788 : i1 to vector<16xi1>
              %reduce_max3A_790 = arith.constant -2147483648 : i32
              %reduce_max3A_791 = vector.broadcast %reduce_max3A_790 : i32 to vector<16xi32>
              %reduce_max3A_792 = arith.xori %select_n3A_787, %reduce_max3A_791 : vector<16xi32>
              %reduce_max3A_793 = tpu.scan <max>, %reduce_max3A_792 masked %reduce_max3A_789 : vector<16xi32>, vector<16xi1> -> vector<16xi32>
              %reduce_max3A_794 = arith.xori %reduce_max3A_793, %reduce_max3A_791 : vector<16xi32>
              %reduce_max3A_795 = vector.extract %reduce_max3A_794[15] : i32 from vector<16xi32>
              %jit3A_796 = arith.constant -2147483648 : i32
              %broadcast_in_dim3A_797 = vector.broadcast %jit3A_796 : i32 to vector<16xi32>
              %select_n3A_798 = arith.select %eq3A_784, %sub3A_431, %broadcast_in_dim3A_797 : vector<16xi1>, vector<16xi32>
              %reduce_max3A_799 = arith.constant true
              %reduce_max3A_800 = vector.broadcast %reduce_max3A_799 : i1 to vector<16xi1>
              %reduce_max3A_801 = arith.constant -2147483648 : i32
              %reduce_max3A_802 = vector.broadcast %reduce_max3A_801 : i32 to vector<16xi32>
              %reduce_max3A_803 = arith.xori %select_n3A_798, %reduce_max3A_802 : vector<16xi32>
              %reduce_max3A_804 = tpu.scan <max>, %reduce_max3A_803 masked %reduce_max3A_800 : vector<16xi32>, vector<16xi1> -> vector<16xi32>
              %reduce_max3A_805 = arith.xori %reduce_max3A_804, %reduce_max3A_802 : vector<16xi32>
              %reduce_max3A_806 = vector.extract %reduce_max3A_805[15] : i32 from vector<16xi32>
              %broadcast_in_dim3A_807 = arith.constant 0 : i32
              %broadcast_in_dim3A_808 = vector.broadcast %broadcast_in_dim3A_807 : i32 to vector<16xi32>
              %add3A_809 = vector.broadcast %reduce_max3A_806 : i32 to vector<16xi32>
              %add3A_810 = arith.addi %broadcast_in_dim3A_808, %add3A_809 : vector<16xi32>
              %gather3A_811 = tpu.vector_load_idx %arg14[%add3A_810, %iota3A] : memref<128x16xf32, #tpu.memory_space<vmem>>[vector<16xi32>, vector<16xi32>], vector<16xf32>,
              %mul3A_812 = arith.constant 128 : i32
              %mul3A_813 = vector.broadcast %mul3A_812 : i32 to vector<16xi32>
              %mul3A_814 = arith.muli %iota3A, %mul3A_813 : vector<16xi32>
              %add3A_815 = vector.broadcast %reduce_max3A_795 : i32 to vector<16xi32>
              %add3A_816 = arith.addi %add3A_815, %mul3A_814 : vector<16xi32>
              tpu.vector_store_idx %arg15[%add3A_816], %gather3A_811 : memref<24576xf32, #tpu.memory_space<vmem>>[vector<16xi32>], vector<16xf32>,
              %eq3A_817 = arith.constant 11 : i32
              %eq3A_818 = vector.broadcast %eq3A_817 : i32 to vector<16xi32>
              %eq3A_819 = arith.cmpi eq, %iota3A, %eq3A_818 : vector<16xi32>
              %jit3A_820 = arith.constant -2147483648 : i32
              %broadcast_in_dim3A_821 = vector.broadcast %jit3A_820 : i32 to vector<16xi32>
              %select_n3A_822 = arith.select %eq3A_819, %add3A_429, %broadcast_in_dim3A_821 : vector<16xi1>, vector<16xi32>
              %reduce_max3A_823 = arith.constant true
              %reduce_max3A_824 = vector.broadcast %reduce_max3A_823 : i1 to vector<16xi1>
              %reduce_max3A_825 = arith.constant -2147483648 : i32
              %reduce_max3A_826 = vector.broadcast %reduce_max3A_825 : i32 to vector<16xi32>
              %reduce_max3A_827 = arith.xori %select_n3A_822, %reduce_max3A_826 : vector<16xi32>
              %reduce_max3A_828 = tpu.scan <max>, %reduce_max3A_827 masked %reduce_max3A_824 : vector<16xi32>, vector<16xi1> -> vector<16xi32>
              %reduce_max3A_829 = arith.xori %reduce_max3A_828, %reduce_max3A_826 : vector<16xi32>
              %reduce_max3A_830 = vector.extract %reduce_max3A_829[15] : i32 from vector<16xi32>
              %jit3A_831 = arith.constant -2147483648 : i32
              %broadcast_in_dim3A_832 = vector.broadcast %jit3A_831 : i32 to vector<16xi32>
              %select_n3A_833 = arith.select %eq3A_819, %sub3A_431, %broadcast_in_dim3A_832 : vector<16xi1>, vector<16xi32>
              %reduce_max3A_834 = arith.constant true
              %reduce_max3A_835 = vector.broadcast %reduce_max3A_834 : i1 to vector<16xi1>
              %reduce_max3A_836 = arith.constant -2147483648 : i32
              %reduce_max3A_837 = vector.broadcast %reduce_max3A_836 : i32 to vector<16xi32>
              %reduce_max3A_838 = arith.xori %select_n3A_833, %reduce_max3A_837 : vector<16xi32>
              %reduce_max3A_839 = tpu.scan <max>, %reduce_max3A_838 masked %reduce_max3A_835 : vector<16xi32>, vector<16xi1> -> vector<16xi32>
              %reduce_max3A_840 = arith.xori %reduce_max3A_839, %reduce_max3A_837 : vector<16xi32>
              %reduce_max3A_841 = vector.extract %reduce_max3A_840[15] : i32 from vector<16xi32>
              %broadcast_in_dim3A_842 = arith.constant 0 : i32
              %broadcast_in_dim3A_843 = vector.broadcast %broadcast_in_dim3A_842 : i32 to vector<16xi32>
              %add3A_844 = vector.broadcast %reduce_max3A_841 : i32 to vector<16xi32>
              %add3A_845 = arith.addi %broadcast_in_dim3A_843, %add3A_844 : vector<16xi32>
              %gather3A_846 = tpu.vector_load_idx %arg14[%add3A_845, %iota3A] : memref<128x16xf32, #tpu.memory_space<vmem>>[vector<16xi32>, vector<16xi32>], vector<16xf32>,
              %mul3A_847 = arith.constant 128 : i32
              %mul3A_848 = vector.broadcast %mul3A_847 : i32 to vector<16xi32>
              %mul3A_849 = arith.muli %iota3A, %mul3A_848 : vector<16xi32>
              %add3A_850 = vector.broadcast %reduce_max3A_830 : i32 to vector<16xi32>
              %add3A_851 = arith.addi %add3A_850, %mul3A_849 : vector<16xi32>
              tpu.vector_store_idx %arg15[%add3A_851], %gather3A_846 : memref<24576xf32, #tpu.memory_space<vmem>>[vector<16xi32>], vector<16xf32>,
              %eq3A_852 = arith.constant 12 : i32
              %eq3A_853 = vector.broadcast %eq3A_852 : i32 to vector<16xi32>
              %eq3A_854 = arith.cmpi eq, %iota3A, %eq3A_853 : vector<16xi32>
              %jit3A_855 = arith.constant -2147483648 : i32
              %broadcast_in_dim3A_856 = vector.broadcast %jit3A_855 : i32 to vector<16xi32>
              %select_n3A_857 = arith.select %eq3A_854, %add3A_429, %broadcast_in_dim3A_856 : vector<16xi1>, vector<16xi32>
              %reduce_max3A_858 = arith.constant true
              %reduce_max3A_859 = vector.broadcast %reduce_max3A_858 : i1 to vector<16xi1>
              %reduce_max3A_860 = arith.constant -2147483648 : i32
              %reduce_max3A_861 = vector.broadcast %reduce_max3A_860 : i32 to vector<16xi32>
              %reduce_max3A_862 = arith.xori %select_n3A_857, %reduce_max3A_861 : vector<16xi32>
              %reduce_max3A_863 = tpu.scan <max>, %reduce_max3A_862 masked %reduce_max3A_859 : vector<16xi32>, vector<16xi1> -> vector<16xi32>
              %reduce_max3A_864 = arith.xori %reduce_max3A_863, %reduce_max3A_861 : vector<16xi32>
              %reduce_max3A_865 = vector.extract %reduce_max3A_864[15] : i32 from vector<16xi32>
              %jit3A_866 = arith.constant -2147483648 : i32
              %broadcast_in_dim3A_867 = vector.broadcast %jit3A_866 : i32 to vector<16xi32>
              %select_n3A_868 = arith.select %eq3A_854, %sub3A_431, %broadcast_in_dim3A_867 : vector<16xi1>, vector<16xi32>
              %reduce_max3A_869 = arith.constant true
              %reduce_max3A_870 = vector.broadcast %reduce_max3A_869 : i1 to vector<16xi1>
              %reduce_max3A_871 = arith.constant -2147483648 : i32
              %reduce_max3A_872 = vector.broadcast %reduce_max3A_871 : i32 to vector<16xi32>
              %reduce_max3A_873 = arith.xori %select_n3A_868, %reduce_max3A_872 : vector<16xi32>
              %reduce_max3A_874 = tpu.scan <max>, %reduce_max3A_873 masked %reduce_max3A_870 : vector<16xi32>, vector<16xi1> -> vector<16xi32>
              %reduce_max3A_875 = arith.xori %reduce_max3A_874, %reduce_max3A_872 : vector<16xi32>
              %reduce_max3A_876 = vector.extract %reduce_max3A_875[15] : i32 from vector<16xi32>
              %broadcast_in_dim3A_877 = arith.constant 0 : i32
              %broadcast_in_dim3A_878 = vector.broadcast %broadcast_in_dim3A_877 : i32 to vector<16xi32>
              %add3A_879 = vector.broadcast %reduce_max3A_876 : i32 to vector<16xi32>
              %add3A_880 = arith.addi %broadcast_in_dim3A_878, %add3A_879 : vector<16xi32>
              %gather3A_881 = tpu.vector_load_idx %arg14[%add3A_880, %iota3A] : memref<128x16xf32, #tpu.memory_space<vmem>>[vector<16xi32>, vector<16xi32>], vector<16xf32>,
              %mul3A_882 = arith.constant 128 : i32
              %mul3A_883 = vector.broadcast %mul3A_882 : i32 to vector<16xi32>
              %mul3A_884 = arith.muli %iota3A, %mul3A_883 : vector<16xi32>
              %add3A_885 = vector.broadcast %reduce_max3A_865 : i32 to vector<16xi32>
              %add3A_886 = arith.addi %add3A_885, %mul3A_884 : vector<16xi32>
              tpu.vector_store_idx %arg15[%add3A_886], %gather3A_881 : memref<24576xf32, #tpu.memory_space<vmem>>[vector<16xi32>], vector<16xf32>,
              %eq3A_887 = arith.constant 13 : i32
              %eq3A_888 = vector.broadcast %eq3A_887 : i32 to vector<16xi32>
              %eq3A_889 = arith.cmpi eq, %iota3A, %eq3A_888 : vector<16xi32>
              %jit3A_890 = arith.constant -2147483648 : i32
              %broadcast_in_dim3A_891 = vector.broadcast %jit3A_890 : i32 to vector<16xi32>
              %select_n3A_892 = arith.select %eq3A_889, %add3A_429, %broadcast_in_dim3A_891 : vector<16xi1>, vector<16xi32>
              %reduce_max3A_893 = arith.constant true
              %reduce_max3A_894 = vector.broadcast %reduce_max3A_893 : i1 to vector<16xi1>
              %reduce_max3A_895 = arith.constant -2147483648 : i32
              %reduce_max3A_896 = vector.broadcast %reduce_max3A_895 : i32 to vector<16xi32>
              %reduce_max3A_897 = arith.xori %select_n3A_892, %reduce_max3A_896 : vector<16xi32>
              %reduce_max3A_898 = tpu.scan <max>, %reduce_max3A_897 masked %reduce_max3A_894 : vector<16xi32>, vector<16xi1> -> vector<16xi32>
              %reduce_max3A_899 = arith.xori %reduce_max3A_898, %reduce_max3A_896 : vector<16xi32>
              %reduce_max3A_900 = vector.extract %reduce_max3A_899[15] : i32 from vector<16xi32>
              %jit3A_901 = arith.constant -2147483648 : i32
              %broadcast_in_dim3A_902 = vector.broadcast %jit3A_901 : i32 to vector<16xi32>
              %select_n3A_903 = arith.select %eq3A_889, %sub3A_431, %broadcast_in_dim3A_902 : vector<16xi1>, vector<16xi32>
              %reduce_max3A_904 = arith.constant true
              %reduce_max3A_905 = vector.broadcast %reduce_max3A_904 : i1 to vector<16xi1>
              %reduce_max3A_906 = arith.constant -2147483648 : i32
              %reduce_max3A_907 = vector.broadcast %reduce_max3A_906 : i32 to vector<16xi32>
              %reduce_max3A_908 = arith.xori %select_n3A_903, %reduce_max3A_907 : vector<16xi32>
              %reduce_max3A_909 = tpu.scan <max>, %reduce_max3A_908 masked %reduce_max3A_905 : vector<16xi32>, vector<16xi1> -> vector<16xi32>
              %reduce_max3A_910 = arith.xori %reduce_max3A_909, %reduce_max3A_907 : vector<16xi32>
              %reduce_max3A_911 = vector.extract %reduce_max3A_910[15] : i32 from vector<16xi32>
              %broadcast_in_dim3A_912 = arith.constant 0 : i32
              %broadcast_in_dim3A_913 = vector.broadcast %broadcast_in_dim3A_912 : i32 to vector<16xi32>
              %add3A_914 = vector.broadcast %reduce_max3A_911 : i32 to vector<16xi32>
              %add3A_915 = arith.addi %broadcast_in_dim3A_913, %add3A_914 : vector<16xi32>
              %gather3A_916 = tpu.vector_load_idx %arg14[%add3A_915, %iota3A] : memref<128x16xf32, #tpu.memory_space<vmem>>[vector<16xi32>, vector<16xi32>], vector<16xf32>,
              %mul3A_917 = arith.constant 128 : i32
              %mul3A_918 = vector.broadcast %mul3A_917 : i32 to vector<16xi32>
              %mul3A_919 = arith.muli %iota3A, %mul3A_918 : vector<16xi32>
              %add3A_920 = vector.broadcast %reduce_max3A_900 : i32 to vector<16xi32>
              %add3A_921 = arith.addi %add3A_920, %mul3A_919 : vector<16xi32>
              tpu.vector_store_idx %arg15[%add3A_921], %gather3A_916 : memref<24576xf32, #tpu.memory_space<vmem>>[vector<16xi32>], vector<16xf32>,
              %eq3A_922 = arith.constant 14 : i32
              %eq3A_923 = vector.broadcast %eq3A_922 : i32 to vector<16xi32>
              %eq3A_924 = arith.cmpi eq, %iota3A, %eq3A_923 : vector<16xi32>
              %jit3A_925 = arith.constant -2147483648 : i32
              %broadcast_in_dim3A_926 = vector.broadcast %jit3A_925 : i32 to vector<16xi32>
              %select_n3A_927 = arith.select %eq3A_924, %add3A_429, %broadcast_in_dim3A_926 : vector<16xi1>, vector<16xi32>
              %reduce_max3A_928 = arith.constant true
              %reduce_max3A_929 = vector.broadcast %reduce_max3A_928 : i1 to vector<16xi1>
              %reduce_max3A_930 = arith.constant -2147483648 : i32
              %reduce_max3A_931 = vector.broadcast %reduce_max3A_930 : i32 to vector<16xi32>
              %reduce_max3A_932 = arith.xori %select_n3A_927, %reduce_max3A_931 : vector<16xi32>
              %reduce_max3A_933 = tpu.scan <max>, %reduce_max3A_932 masked %reduce_max3A_929 : vector<16xi32>, vector<16xi1> -> vector<16xi32>
              %reduce_max3A_934 = arith.xori %reduce_max3A_933, %reduce_max3A_931 : vector<16xi32>
              %reduce_max3A_935 = vector.extract %reduce_max3A_934[15] : i32 from vector<16xi32>
              %jit3A_936 = arith.constant -2147483648 : i32
              %broadcast_in_dim3A_937 = vector.broadcast %jit3A_936 : i32 to vector<16xi32>
              %select_n3A_938 = arith.select %eq3A_924, %sub3A_431, %broadcast_in_dim3A_937 : vector<16xi1>, vector<16xi32>
              %reduce_max3A_939 = arith.constant true
              %reduce_max3A_940 = vector.broadcast %reduce_max3A_939 : i1 to vector<16xi1>
              %reduce_max3A_941 = arith.constant -2147483648 : i32
              %reduce_max3A_942 = vector.broadcast %reduce_max3A_941 : i32 to vector<16xi32>
              %reduce_max3A_943 = arith.xori %select_n3A_938, %reduce_max3A_942 : vector<16xi32>
              %reduce_max3A_944 = tpu.scan <max>, %reduce_max3A_943 masked %reduce_max3A_940 : vector<16xi32>, vector<16xi1> -> vector<16xi32>
              %reduce_max3A_945 = arith.xori %reduce_max3A_944, %reduce_max3A_942 : vector<16xi32>
              %reduce_max3A_946 = vector.extract %reduce_max3A_945[15] : i32 from vector<16xi32>
              %broadcast_in_dim3A_947 = arith.constant 0 : i32
              %broadcast_in_dim3A_948 = vector.broadcast %broadcast_in_dim3A_947 : i32 to vector<16xi32>
              %add3A_949 = vector.broadcast %reduce_max3A_946 : i32 to vector<16xi32>
              %add3A_950 = arith.addi %broadcast_in_dim3A_948, %add3A_949 : vector<16xi32>
              %gather3A_951 = tpu.vector_load_idx %arg14[%add3A_950, %iota3A] : memref<128x16xf32, #tpu.memory_space<vmem>>[vector<16xi32>, vector<16xi32>], vector<16xf32>,
              %mul3A_952 = arith.constant 128 : i32
              %mul3A_953 = vector.broadcast %mul3A_952 : i32 to vector<16xi32>
              %mul3A_954 = arith.muli %iota3A, %mul3A_953 : vector<16xi32>
              %add3A_955 = vector.broadcast %reduce_max3A_935 : i32 to vector<16xi32>
              %add3A_956 = arith.addi %add3A_955, %mul3A_954 : vector<16xi32>
              tpu.vector_store_idx %arg15[%add3A_956], %gather3A_951 : memref<24576xf32, #tpu.memory_space<vmem>>[vector<16xi32>], vector<16xf32>,
              %eq3A_957 = arith.constant 15 : i32
              %eq3A_958 = vector.broadcast %eq3A_957 : i32 to vector<16xi32>
              %eq3A_959 = arith.cmpi eq, %iota3A, %eq3A_958 : vector<16xi32>
              %jit3A_960 = arith.constant -2147483648 : i32
              %broadcast_in_dim3A_961 = vector.broadcast %jit3A_960 : i32 to vector<16xi32>
              %select_n3A_962 = arith.select %eq3A_959, %add3A_429, %broadcast_in_dim3A_961 : vector<16xi1>, vector<16xi32>
              %reduce_max3A_963 = arith.constant true
              %reduce_max3A_964 = vector.broadcast %reduce_max3A_963 : i1 to vector<16xi1>
              %reduce_max3A_965 = arith.constant -2147483648 : i32
              %reduce_max3A_966 = vector.broadcast %reduce_max3A_965 : i32 to vector<16xi32>
              %reduce_max3A_967 = arith.xori %select_n3A_962, %reduce_max3A_966 : vector<16xi32>
              %reduce_max3A_968 = tpu.scan <max>, %reduce_max3A_967 masked %reduce_max3A_964 : vector<16xi32>, vector<16xi1> -> vector<16xi32>
              %reduce_max3A_969 = arith.xori %reduce_max3A_968, %reduce_max3A_966 : vector<16xi32>
              %reduce_max3A_970 = vector.extract %reduce_max3A_969[15] : i32 from vector<16xi32>
              %jit3A_971 = arith.constant -2147483648 : i32
              %broadcast_in_dim3A_972 = vector.broadcast %jit3A_971 : i32 to vector<16xi32>
              %select_n3A_973 = arith.select %eq3A_959, %sub3A_431, %broadcast_in_dim3A_972 : vector<16xi1>, vector<16xi32>
              %reduce_max3A_974 = arith.constant true
              %reduce_max3A_975 = vector.broadcast %reduce_max3A_974 : i1 to vector<16xi1>
              %reduce_max3A_976 = arith.constant -2147483648 : i32
              %reduce_max3A_977 = vector.broadcast %reduce_max3A_976 : i32 to vector<16xi32>
              %reduce_max3A_978 = arith.xori %select_n3A_973, %reduce_max3A_977 : vector<16xi32>
              %reduce_max3A_979 = tpu.scan <max>, %reduce_max3A_978 masked %reduce_max3A_975 : vector<16xi32>, vector<16xi1> -> vector<16xi32>
              %reduce_max3A_980 = arith.xori %reduce_max3A_979, %reduce_max3A_977 : vector<16xi32>
              %reduce_max3A_981 = vector.extract %reduce_max3A_980[15] : i32 from vector<16xi32>
              %broadcast_in_dim3A_982 = arith.constant 0 : i32
              %broadcast_in_dim3A_983 = vector.broadcast %broadcast_in_dim3A_982 : i32 to vector<16xi32>
              %add3A_984 = vector.broadcast %reduce_max3A_981 : i32 to vector<16xi32>
              %add3A_985 = arith.addi %broadcast_in_dim3A_983, %add3A_984 : vector<16xi32>
              %gather3A_986 = tpu.vector_load_idx %arg14[%add3A_985, %iota3A] : memref<128x16xf32, #tpu.memory_space<vmem>>[vector<16xi32>, vector<16xi32>], vector<16xf32>,
              %mul3A_987 = arith.constant 128 : i32
              %mul3A_988 = vector.broadcast %mul3A_987 : i32 to vector<16xi32>
              %mul3A_989 = arith.muli %iota3A, %mul3A_988 : vector<16xi32>
              %add3A_990 = vector.broadcast %reduce_max3A_970 : i32 to vector<16xi32>
              %add3A_991 = arith.addi %add3A_990, %mul3A_989 : vector<16xi32>
              tpu.vector_store_idx %arg15[%add3A_991], %gather3A_986 : memref<24576xf32, #tpu.memory_space<vmem>>[vector<16xi32>], vector<16xf32>,
            }
            %while3A_360 = arith.constant 1 : i32
            scf.for %while3A_361 = %while3A_358 to %while3A_354 step %while3A_360  : i32 {
              %mul3A_362 = arith.constant 16 : i32
              %mul3A_363 = arith.muli %while3A_361, %mul3A_362 : i32
              %add3A_364 = arith.addi %add3A_309, %mul3A_363 : i32
              %add3A_365 = vector.broadcast %add3A_364 : i32 to vector<16xi32>
              %add3A_366 = arith.addi %add3A_365, %iota3A : vector<16xi32>
              %sub3A_367 = arith.constant 1 : i32
              %sub3A_368 = arith.subi %reduce_max3A_229, %sub3A_367 : i32
              %min3A_369 = vector.broadcast %sub3A_368 : i32 to vector<16xi32>
              %min3A_370 = arith.minsi %add3A_366, %min3A_369 : vector<16xi32>
              %gather3A = tpu.vector_load_idx %arg9[%min3A_370] : memref<16384xi32, #tpu.memory_space<vmem>>[vector<16xi32>], vector<16xi32>,
              %sub3A_371 = vector.broadcast %add3A_247 : i32 to vector<16xi32>
              %sub3A_372 = arith.subi %gather3A, %sub3A_371 : vector<16xi32>
              %jit3A_373 = arith.constant 128 : i32
              %div3A_374 = vector.broadcast %jit3A_373 : i32 to vector<16xi32>
              %div3A_375 = arith.divsi %sub3A_372, %div3A_374 : vector<16xi32>
              %sign3A_376 = arith.constant 0 : i32
              %sign3A_377 = vector.broadcast %sign3A_376 : i32 to vector<16xi32>
              %sign3A_378 = arith.cmpi sgt, %sub3A_372, %sign3A_377 : vector<16xi32>
              %sign3A_379 = arith.extui %sign3A_378 : vector<16xi1> to vector<16xi32>
              %sign3A_380 = arith.constant 0 : i32
              %sign3A_381 = vector.broadcast %sign3A_380 : i32 to vector<16xi32>
              %sign3A_382 = arith.cmpi slt, %sub3A_372, %sign3A_381 : vector<16xi32>
              %sign3A_383 = arith.extui %sign3A_382 : vector<16xi1> to vector<16xi32>
              %sign3A_384 = arith.subi %sign3A_379, %sign3A_383 : vector<16xi32>
              %sign3A_385 = arith.constant 0 : i32
              %sign3A_386 = arith.cmpi sgt, %jit3A_373, %sign3A_385 : i32
              %sign3A_387 = arith.extui %sign3A_386 : i1 to i32
              %sign3A_388 = arith.constant 0 : i32
              %sign3A_389 = arith.cmpi slt, %jit3A_373, %sign3A_388 : i32
              %sign3A_390 = arith.extui %sign3A_389 : i1 to i32
              %sign3A_391 = arith.subi %sign3A_387, %sign3A_390 : i32
              %ne3A_392 = vector.broadcast %sign3A_391 : i32 to vector<16xi32>
              %ne3A_393 = arith.cmpi ne, %sign3A_384, %ne3A_392 : vector<16xi32>
              %rem3A_394 = vector.broadcast %jit3A_373 : i32 to vector<16xi32>
              %rem3A_395 = arith.remsi %sub3A_372, %rem3A_394 : vector<16xi32>
              %ne3A_396 = arith.constant 0 : i32
              %ne3A_397 = vector.broadcast %ne3A_396 : i32 to vector<16xi32>
              %ne3A_398 = arith.cmpi ne, %rem3A_395, %ne3A_397 : vector<16xi32>
              %and3A_399 = arith.andi %ne3A_393, %ne3A_398 : vector<16xi1>
              %sub3A_400 = arith.constant 1 : i32
              %sub3A_401 = vector.broadcast %sub3A_400 : i32 to vector<16xi32>
              %sub3A_402 = arith.subi %div3A_375, %sub3A_401 : vector<16xi32>
              %select_n3A_403 = arith.select %and3A_399, %sub3A_402, %div3A_375 : vector<16xi1>, vector<16xi32>
              %mul3A_404 = arith.constant 2048 : i32
              %mul3A_405 = vector.broadcast %mul3A_404 : i32 to vector<16xi32>
              %mul3A_406 = arith.muli %select_n3A_403, %mul3A_405 : vector<16xi32>
              %jit3A_407 = arith.constant 128 : i32
              %eq3A_408 = arith.constant 0 : i32
              %eq3A_409 = arith.cmpi eq, %jit3A_407, %eq3A_408 : i32
              %jit3A_410 = arith.constant 1 : i32
              %select_n3A_411 = arith.select %eq3A_409, %jit3A_410, %jit3A_407 : i32
              %rem3A_412 = vector.broadcast %select_n3A_411 : i32 to vector<16xi32>
              %rem3A_413 = arith.remsi %sub3A_372, %rem3A_412 : vector<16xi32>
              %ne3A_414 = arith.constant 0 : i32
              %ne3A_415 = vector.broadcast %ne3A_414 : i32 to vector<16xi32>
              %ne3A_416 = arith.cmpi ne, %rem3A_413, %ne3A_415 : vector<16xi32>
              %lt3A_417 = arith.constant 0 : i32
              %lt3A_418 = vector.broadcast %lt3A_417 : i32 to vector<16xi32>
              %lt3A_419 = arith.cmpi slt, %rem3A_413, %lt3A_418 : vector<16xi32>
              %lt3A_420 = arith.constant 0 : i32
              %lt3A_421 = arith.cmpi slt, %select_n3A_411, %lt3A_420 : i32
              %ne3A_422 = vector.broadcast %lt3A_421 : i1 to vector<16xi1>
              %ne3A_423 = vector.broadcast %ne3A_422 : vector<16xi1> to vector<16xi1>
              %ne3A_424 = arith.xori %lt3A_419, %ne3A_423 : vector<16xi1>
              %and3A_425 = arith.andi %ne3A_424, %ne3A_416 : vector<16xi1>
              %add3A_426 = vector.broadcast %select_n3A_411 : i32 to vector<16xi32>
              %add3A_427 = arith.addi %rem3A_413, %add3A_426 : vector<16xi32>
              %select_n3A_428 = arith.select %and3A_425, %add3A_427, %rem3A_413 : vector<16xi1>, vector<16xi32>
              %add3A_429 = arith.addi %mul3A_406, %select_n3A_428 : vector<16xi32>
              %sub3A_430 = vector.broadcast %add3A_309 : i32 to vector<16xi32>
              %sub3A_431 = arith.subi %min3A_370, %sub3A_430 : vector<16xi32>
              %eq3A_432 = arith.constant 0 : i32
              %eq3A_433 = vector.broadcast %eq3A_432 : i32 to vector<16xi32>
              %eq3A_434 = arith.cmpi eq, %iota3A, %eq3A_433 : vector<16xi32>
              %jit3A_435 = arith.constant -2147483648 : i32
              %broadcast_in_dim3A_436 = vector.broadcast %jit3A_435 : i32 to vector<16xi32>
              %select_n3A_437 = arith.select %eq3A_434, %add3A_429, %broadcast_in_dim3A_436 : vector<16xi1>, vector<16xi32>
              %reduce_max3A_438 = arith.constant true
              %reduce_max3A_439 = vector.broadcast %reduce_max3A_438 : i1 to vector<16xi1>
              %reduce_max3A_440 = arith.constant -2147483648 : i32
              %reduce_max3A_441 = vector.broadcast %reduce_max3A_440 : i32 to vector<16xi32>
              %reduce_max3A_442 = arith.xori %select_n3A_437, %reduce_max3A_441 : vector<16xi32>
              %reduce_max3A_443 = tpu.scan <max>, %reduce_max3A_442 masked %reduce_max3A_439 : vector<16xi32>, vector<16xi1> -> vector<16xi32>
              %reduce_max3A_444 = arith.xori %reduce_max3A_443, %reduce_max3A_441 : vector<16xi32>
              %reduce_max3A_445 = vector.extract %reduce_max3A_444[15] : i32 from vector<16xi32>
              %jit3A_446 = arith.constant -2147483648 : i32
              %broadcast_in_dim3A_447 = vector.broadcast %jit3A_446 : i32 to vector<16xi32>
              %select_n3A_448 = arith.select %eq3A_434, %sub3A_431, %broadcast_in_dim3A_447 : vector<16xi1>, vector<16xi32>
              %reduce_max3A_449 = arith.constant true
              %reduce_max3A_450 = vector.broadcast %reduce_max3A_449 : i1 to vector<16xi1>
              %reduce_max3A_451 = arith.constant -2147483648 : i32
              %reduce_max3A_452 = vector.broadcast %reduce_max3A_451 : i32 to vector<16xi32>
              %reduce_max3A_453 = arith.xori %select_n3A_448, %reduce_max3A_452 : vector<16xi32>
              %reduce_max3A_454 = tpu.scan <max>, %reduce_max3A_453 masked %reduce_max3A_450 : vector<16xi32>, vector<16xi1> -> vector<16xi32>
              %reduce_max3A_455 = arith.xori %reduce_max3A_454, %reduce_max3A_452 : vector<16xi32>
              %reduce_max3A_456 = vector.extract %reduce_max3A_455[15] : i32 from vector<16xi32>
              %broadcast_in_dim3A_457 = arith.constant 0 : i32
              %broadcast_in_dim3A_458 = vector.broadcast %broadcast_in_dim3A_457 : i32 to vector<16xi32>
              %add3A_459 = vector.broadcast %reduce_max3A_456 : i32 to vector<16xi32>
              %add3A_460 = arith.addi %broadcast_in_dim3A_458, %add3A_459 : vector<16xi32>
              %gather3A_461 = tpu.vector_load_idx %arg14[%add3A_460, %iota3A] : memref<128x16xf32, #tpu.memory_space<vmem>>[vector<16xi32>, vector<16xi32>], vector<16xf32>,
              %mul3A_462 = arith.constant 128 : i32
              %mul3A_463 = vector.broadcast %mul3A_462 : i32 to vector<16xi32>
              %mul3A_464 = arith.muli %iota3A, %mul3A_463 : vector<16xi32>
              %add3A_465 = vector.broadcast %reduce_max3A_445 : i32 to vector<16xi32>
              %add3A_466 = arith.addi %add3A_465, %mul3A_464 : vector<16xi32>
              tpu.vector_store_idx %arg15[%add3A_466], %gather3A_461 : memref<24576xf32, #tpu.memory_space<vmem>>[vector<16xi32>], vector<16xf32>,
              %eq3A_467 = arith.constant 1 : i32
              %eq3A_468 = vector.broadcast %eq3A_467 : i32 to vector<16xi32>
              %eq3A_469 = arith.cmpi eq, %iota3A, %eq3A_468 : vector<16xi32>
              %jit3A_470 = arith.constant -2147483648 : i32
              %broadcast_in_dim3A_471 = vector.broadcast %jit3A_470 : i32 to vector<16xi32>
              %select_n3A_472 = arith.select %eq3A_469, %add3A_429, %broadcast_in_dim3A_471 : vector<16xi1>, vector<16xi32>
              %reduce_max3A_473 = arith.constant true
              %reduce_max3A_474 = vector.broadcast %reduce_max3A_473 : i1 to vector<16xi1>
              %reduce_max3A_475 = arith.constant -2147483648 : i32
              %reduce_max3A_476 = vector.broadcast %reduce_max3A_475 : i32 to vector<16xi32>
              %reduce_max3A_477 = arith.xori %select_n3A_472, %reduce_max3A_476 : vector<16xi32>
              %reduce_max3A_478 = tpu.scan <max>, %reduce_max3A_477 masked %reduce_max3A_474 : vector<16xi32>, vector<16xi1> -> vector<16xi32>
              %reduce_max3A_479 = arith.xori %reduce_max3A_478, %reduce_max3A_476 : vector<16xi32>
              %reduce_max3A_480 = vector.extract %reduce_max3A_479[15] : i32 from vector<16xi32>
              %jit3A_481 = arith.constant -2147483648 : i32
              %broadcast_in_dim3A_482 = vector.broadcast %jit3A_481 : i32 to vector<16xi32>
              %select_n3A_483 = arith.select %eq3A_469, %sub3A_431, %broadcast_in_dim3A_482 : vector<16xi1>, vector<16xi32>
              %reduce_max3A_484 = arith.constant true
              %reduce_max3A_485 = vector.broadcast %reduce_max3A_484 : i1 to vector<16xi1>
              %reduce_max3A_486 = arith.constant -2147483648 : i32
              %reduce_max3A_487 = vector.broadcast %reduce_max3A_486 : i32 to vector<16xi32>
              %reduce_max3A_488 = arith.xori %select_n3A_483, %reduce_max3A_487 : vector<16xi32>
              %reduce_max3A_489 = tpu.scan <max>, %reduce_max3A_488 masked %reduce_max3A_485 : vector<16xi32>, vector<16xi1> -> vector<16xi32>
              %reduce_max3A_490 = arith.xori %reduce_max3A_489, %reduce_max3A_487 : vector<16xi32>
              %reduce_max3A_491 = vector.extract %reduce_max3A_490[15] : i32 from vector<16xi32>
              %broadcast_in_dim3A_492 = arith.constant 0 : i32
              %broadcast_in_dim3A_493 = vector.broadcast %broadcast_in_dim3A_492 : i32 to vector<16xi32>
              %add3A_494 = vector.broadcast %reduce_max3A_491 : i32 to vector<16xi32>
              %add3A_495 = arith.addi %broadcast_in_dim3A_493, %add3A_494 : vector<16xi32>
              %gather3A_496 = tpu.vector_load_idx %arg14[%add3A_495, %iota3A] : memref<128x16xf32, #tpu.memory_space<vmem>>[vector<16xi32>, vector<16xi32>], vector<16xf32>,
              %mul3A_497 = arith.constant 128 : i32
              %mul3A_498 = vector.broadcast %mul3A_497 : i32 to vector<16xi32>
              %mul3A_499 = arith.muli %iota3A, %mul3A_498 : vector<16xi32>
              %add3A_500 = vector.broadcast %reduce_max3A_480 : i32 to vector<16xi32>
              %add3A_501 = arith.addi %add3A_500, %mul3A_499 : vector<16xi32>
              tpu.vector_store_idx %arg15[%add3A_501], %gather3A_496 : memref<24576xf32, #tpu.memory_space<vmem>>[vector<16xi32>], vector<16xf32>,
              %eq3A_502 = arith.constant 2 : i32
              %eq3A_503 = vector.broadcast %eq3A_502 : i32 to vector<16xi32>
              %eq3A_504 = arith.cmpi eq, %iota3A, %eq3A_503 : vector<16xi32>
              %jit3A_505 = arith.constant -2147483648 : i32
              %broadcast_in_dim3A_506 = vector.broadcast %jit3A_505 : i32 to vector<16xi32>
              %select_n3A_507 = arith.select %eq3A_504, %add3A_429, %broadcast_in_dim3A_506 : vector<16xi1>, vector<16xi32>
              %reduce_max3A_508 = arith.constant true
              %reduce_max3A_509 = vector.broadcast %reduce_max3A_508 : i1 to vector<16xi1>
              %reduce_max3A_510 = arith.constant -2147483648 : i32
              %reduce_max3A_511 = vector.broadcast %reduce_max3A_510 : i32 to vector<16xi32>
              %reduce_max3A_512 = arith.xori %select_n3A_507, %reduce_max3A_511 : vector<16xi32>
              %reduce_max3A_513 = tpu.scan <max>, %reduce_max3A_512 masked %reduce_max3A_509 : vector<16xi32>, vector<16xi1> -> vector<16xi32>
              %reduce_max3A_514 = arith.xori %reduce_max3A_513, %reduce_max3A_511 : vector<16xi32>
              %reduce_max3A_515 = vector.extract %reduce_max3A_514[15] : i32 from vector<16xi32>
              %jit3A_516 = arith.constant -2147483648 : i32
              %broadcast_in_dim3A_517 = vector.broadcast %jit3A_516 : i32 to vector<16xi32>
              %select_n3A_518 = arith.select %eq3A_504, %sub3A_431, %broadcast_in_dim3A_517 : vector<16xi1>, vector<16xi32>
              %reduce_max3A_519 = arith.constant true
              %reduce_max3A_520 = vector.broadcast %reduce_max3A_519 : i1 to vector<16xi1>
              %reduce_max3A_521 = arith.constant -2147483648 : i32
              %reduce_max3A_522 = vector.broadcast %reduce_max3A_521 : i32 to vector<16xi32>
              %reduce_max3A_523 = arith.xori %select_n3A_518, %reduce_max3A_522 : vector<16xi32>
              %reduce_max3A_524 = tpu.scan <max>, %reduce_max3A_523 masked %reduce_max3A_520 : vector<16xi32>, vector<16xi1> -> vector<16xi32>
              %reduce_max3A_525 = arith.xori %reduce_max3A_524, %reduce_max3A_522 : vector<16xi32>
              %reduce_max3A_526 = vector.extract %reduce_max3A_525[15] : i32 from vector<16xi32>
              %broadcast_in_dim3A_527 = arith.constant 0 : i32
              %broadcast_in_dim3A_528 = vector.broadcast %broadcast_in_dim3A_527 : i32 to vector<16xi32>
              %add3A_529 = vector.broadcast %reduce_max3A_526 : i32 to vector<16xi32>
              %add3A_530 = arith.addi %broadcast_in_dim3A_528, %add3A_529 : vector<16xi32>
              %gather3A_531 = tpu.vector_load_idx %arg14[%add3A_530, %iota3A] : memref<128x16xf32, #tpu.memory_space<vmem>>[vector<16xi32>, vector<16xi32>], vector<16xf32>,
              %mul3A_532 = arith.constant 128 : i32
              %mul3A_533 = vector.broadcast %mul3A_532 : i32 to vector<16xi32>
              %mul3A_534 = arith.muli %iota3A, %mul3A_533 : vector<16xi32>
              %add3A_535 = vector.broadcast %reduce_max3A_515 : i32 to vector<16xi32>
              %add3A_536 = arith.addi %add3A_535, %mul3A_534 : vector<16xi32>
              tpu.vector_store_idx %arg15[%add3A_536], %gather3A_531 : memref<24576xf32, #tpu.memory_space<vmem>>[vector<16xi32>], vector<16xf32>,
              %eq3A_537 = arith.constant 3 : i32
              %eq3A_538 = vector.broadcast %eq3A_537 : i32 to vector<16xi32>
              %eq3A_539 = arith.cmpi eq, %iota3A, %eq3A_538 : vector<16xi32>
              %jit3A_540 = arith.constant -2147483648 : i32
              %broadcast_in_dim3A_541 = vector.broadcast %jit3A_540 : i32 to vector<16xi32>
              %select_n3A_542 = arith.select %eq3A_539, %add3A_429, %broadcast_in_dim3A_541 : vector<16xi1>, vector<16xi32>
              %reduce_max3A_543 = arith.constant true
              %reduce_max3A_544 = vector.broadcast %reduce_max3A_543 : i1 to vector<16xi1>
              %reduce_max3A_545 = arith.constant -2147483648 : i32
              %reduce_max3A_546 = vector.broadcast %reduce_max3A_545 : i32 to vector<16xi32>
              %reduce_max3A_547 = arith.xori %select_n3A_542, %reduce_max3A_546 : vector<16xi32>
              %reduce_max3A_548 = tpu.scan <max>, %reduce_max3A_547 masked %reduce_max3A_544 : vector<16xi32>, vector<16xi1> -> vector<16xi32>
              %reduce_max3A_549 = arith.xori %reduce_max3A_548, %reduce_max3A_546 : vector<16xi32>
              %reduce_max3A_550 = vector.extract %reduce_max3A_549[15] : i32 from vector<16xi32>
              %jit3A_551 = arith.constant -2147483648 : i32
              %broadcast_in_dim3A_552 = vector.broadcast %jit3A_551 : i32 to vector<16xi32>
              %select_n3A_553 = arith.select %eq3A_539, %sub3A_431, %broadcast_in_dim3A_552 : vector<16xi1>, vector<16xi32>
              %reduce_max3A_554 = arith.constant true
              %reduce_max3A_555 = vector.broadcast %reduce_max3A_554 : i1 to vector<16xi1>
              %reduce_max3A_556 = arith.constant -2147483648 : i32
              %reduce_max3A_557 = vector.broadcast %reduce_max3A_556 : i32 to vector<16xi32>
              %reduce_max3A_558 = arith.xori %select_n3A_553, %reduce_max3A_557 : vector<16xi32>
              %reduce_max3A_559 = tpu.scan <max>, %reduce_max3A_558 masked %reduce_max3A_555 : vector<16xi32>, vector<16xi1> -> vector<16xi32>
              %reduce_max3A_560 = arith.xori %reduce_max3A_559, %reduce_max3A_557 : vector<16xi32>
              %reduce_max3A_561 = vector.extract %reduce_max3A_560[15] : i32 from vector<16xi32>
              %broadcast_in_dim3A_562 = arith.constant 0 : i32
              %broadcast_in_dim3A_563 = vector.broadcast %broadcast_in_dim3A_562 : i32 to vector<16xi32>
              %add3A_564 = vector.broadcast %reduce_max3A_561 : i32 to vector<16xi32>
              %add3A_565 = arith.addi %broadcast_in_dim3A_563, %add3A_564 : vector<16xi32>
              %gather3A_566 = tpu.vector_load_idx %arg14[%add3A_565, %iota3A] : memref<128x16xf32, #tpu.memory_space<vmem>>[vector<16xi32>, vector<16xi32>], vector<16xf32>,
              %mul3A_567 = arith.constant 128 : i32
              %mul3A_568 = vector.broadcast %mul3A_567 : i32 to vector<16xi32>
              %mul3A_569 = arith.muli %iota3A, %mul3A_568 : vector<16xi32>
              %add3A_570 = vector.broadcast %reduce_max3A_550 : i32 to vector<16xi32>
              %add3A_571 = arith.addi %add3A_570, %mul3A_569 : vector<16xi32>
              tpu.vector_store_idx %arg15[%add3A_571], %gather3A_566 : memref<24576xf32, #tpu.memory_space<vmem>>[vector<16xi32>], vector<16xf32>,
              %eq3A_572 = arith.constant 4 : i32
              %eq3A_573 = vector.broadcast %eq3A_572 : i32 to vector<16xi32>
              %eq3A_574 = arith.cmpi eq, %iota3A, %eq3A_573 : vector<16xi32>
              %jit3A_575 = arith.constant -2147483648 : i32
              %broadcast_in_dim3A_576 = vector.broadcast %jit3A_575 : i32 to vector<16xi32>
              %select_n3A_577 = arith.select %eq3A_574, %add3A_429, %broadcast_in_dim3A_576 : vector<16xi1>, vector<16xi32>
              %reduce_max3A_578 = arith.constant true
              %reduce_max3A_579 = vector.broadcast %reduce_max3A_578 : i1 to vector<16xi1>
              %reduce_max3A_580 = arith.constant -2147483648 : i32
              %reduce_max3A_581 = vector.broadcast %reduce_max3A_580 : i32 to vector<16xi32>
              %reduce_max3A_582 = arith.xori %select_n3A_577, %reduce_max3A_581 : vector<16xi32>
              %reduce_max3A_583 = tpu.scan <max>, %reduce_max3A_582 masked %reduce_max3A_579 : vector<16xi32>, vector<16xi1> -> vector<16xi32>
              %reduce_max3A_584 = arith.xori %reduce_max3A_583, %reduce_max3A_581 : vector<16xi32>
              %reduce_max3A_585 = vector.extract %reduce_max3A_584[15] : i32 from vector<16xi32>
              %jit3A_586 = arith.constant -2147483648 : i32
              %broadcast_in_dim3A_587 = vector.broadcast %jit3A_586 : i32 to vector<16xi32>
              %select_n3A_588 = arith.select %eq3A_574, %sub3A_431, %broadcast_in_dim3A_587 : vector<16xi1>, vector<16xi32>
              %reduce_max3A_589 = arith.constant true
              %reduce_max3A_590 = vector.broadcast %reduce_max3A_589 : i1 to vector<16xi1>
              %reduce_max3A_591 = arith.constant -2147483648 : i32
              %reduce_max3A_592 = vector.broadcast %reduce_max3A_591 : i32 to vector<16xi32>
              %reduce_max3A_593 = arith.xori %select_n3A_588, %reduce_max3A_592 : vector<16xi32>
              %reduce_max3A_594 = tpu.scan <max>, %reduce_max3A_593 masked %reduce_max3A_590 : vector<16xi32>, vector<16xi1> -> vector<16xi32>
              %reduce_max3A_595 = arith.xori %reduce_max3A_594, %reduce_max3A_592 : vector<16xi32>
              %reduce_max3A_596 = vector.extract %reduce_max3A_595[15] : i32 from vector<16xi32>
              %broadcast_in_dim3A_597 = arith.constant 0 : i32
              %broadcast_in_dim3A_598 = vector.broadcast %broadcast_in_dim3A_597 : i32 to vector<16xi32>
              %add3A_599 = vector.broadcast %reduce_max3A_596 : i32 to vector<16xi32>
              %add3A_600 = arith.addi %broadcast_in_dim3A_598, %add3A_599 : vector<16xi32>
              %gather3A_601 = tpu.vector_load_idx %arg14[%add3A_600, %iota3A] : memref<128x16xf32, #tpu.memory_space<vmem>>[vector<16xi32>, vector<16xi32>], vector<16xf32>,
              %mul3A_602 = arith.constant 128 : i32
              %mul3A_603 = vector.broadcast %mul3A_602 : i32 to vector<16xi32>
              %mul3A_604 = arith.muli %iota3A, %mul3A_603 : vector<16xi32>
              %add3A_605 = vector.broadcast %reduce_max3A_585 : i32 to vector<16xi32>
              %add3A_606 = arith.addi %add3A_605, %mul3A_604 : vector<16xi32>
              tpu.vector_store_idx %arg15[%add3A_606], %gather3A_601 : memref<24576xf32, #tpu.memory_space<vmem>>[vector<16xi32>], vector<16xf32>,
              %eq3A_607 = arith.constant 5 : i32
              %eq3A_608 = vector.broadcast %eq3A_607 : i32 to vector<16xi32>
              %eq3A_609 = arith.cmpi eq, %iota3A, %eq3A_608 : vector<16xi32>
              %jit3A_610 = arith.constant -2147483648 : i32
              %broadcast_in_dim3A_611 = vector.broadcast %jit3A_610 : i32 to vector<16xi32>
              %select_n3A_612 = arith.select %eq3A_609, %add3A_429, %broadcast_in_dim3A_611 : vector<16xi1>, vector<16xi32>
              %reduce_max3A_613 = arith.constant true
              %reduce_max3A_614 = vector.broadcast %reduce_max3A_613 : i1 to vector<16xi1>
              %reduce_max3A_615 = arith.constant -2147483648 : i32
              %reduce_max3A_616 = vector.broadcast %reduce_max3A_615 : i32 to vector<16xi32>
              %reduce_max3A_617 = arith.xori %select_n3A_612, %reduce_max3A_616 : vector<16xi32>
              %reduce_max3A_618 = tpu.scan <max>, %reduce_max3A_617 masked %reduce_max3A_614 : vector<16xi32>, vector<16xi1> -> vector<16xi32>
              %reduce_max3A_619 = arith.xori %reduce_max3A_618, %reduce_max3A_616 : vector<16xi32>
              %reduce_max3A_620 = vector.extract %reduce_max3A_619[15] : i32 from vector<16xi32>
              %jit3A_621 = arith.constant -2147483648 : i32
              %broadcast_in_dim3A_622 = vector.broadcast %jit3A_621 : i32 to vector<16xi32>
              %select_n3A_623 = arith.select %eq3A_609, %sub3A_431, %broadcast_in_dim3A_622 : vector<16xi1>, vector<16xi32>
              %reduce_max3A_624 = arith.constant true
              %reduce_max3A_625 = vector.broadcast %reduce_max3A_624 : i1 to vector<16xi1>
              %reduce_max3A_626 = arith.constant -2147483648 : i32
              %reduce_max3A_627 = vector.broadcast %reduce_max3A_626 : i32 to vector<16xi32>
              %reduce_max3A_628 = arith.xori %select_n3A_623, %reduce_max3A_627 : vector<16xi32>
              %reduce_max3A_629 = tpu.scan <max>, %reduce_max3A_628 masked %reduce_max3A_625 : vector<16xi32>, vector<16xi1> -> vector<16xi32>
              %reduce_max3A_630 = arith.xori %reduce_max3A_629, %reduce_max3A_627 : vector<16xi32>
              %reduce_max3A_631 = vector.extract %reduce_max3A_630[15] : i32 from vector<16xi32>
              %broadcast_in_dim3A_632 = arith.constant 0 : i32
              %broadcast_in_dim3A_633 = vector.broadcast %broadcast_in_dim3A_632 : i32 to vector<16xi32>
              %add3A_634 = vector.broadcast %reduce_max3A_631 : i32 to vector<16xi32>
              %add3A_635 = arith.addi %broadcast_in_dim3A_633, %add3A_634 : vector<16xi32>
              %gather3A_636 = tpu.vector_load_idx %arg14[%add3A_635, %iota3A] : memref<128x16xf32, #tpu.memory_space<vmem>>[vector<16xi32>, vector<16xi32>], vector<16xf32>,
              %mul3A_637 = arith.constant 128 : i32
              %mul3A_638 = vector.broadcast %mul3A_637 : i32 to vector<16xi32>
              %mul3A_639 = arith.muli %iota3A, %mul3A_638 : vector<16xi32>
              %add3A_640 = vector.broadcast %reduce_max3A_620 : i32 to vector<16xi32>
              %add3A_641 = arith.addi %add3A_640, %mul3A_639 : vector<16xi32>
              tpu.vector_store_idx %arg15[%add3A_641], %gather3A_636 : memref<24576xf32, #tpu.memory_space<vmem>>[vector<16xi32>], vector<16xf32>,
              %eq3A_642 = arith.constant 6 : i32
              %eq3A_643 = vector.broadcast %eq3A_642 : i32 to vector<16xi32>
              %eq3A_644 = arith.cmpi eq, %iota3A, %eq3A_643 : vector<16xi32>
              %jit3A_645 = arith.constant -2147483648 : i32
              %broadcast_in_dim3A_646 = vector.broadcast %jit3A_645 : i32 to vector<16xi32>
              %select_n3A_647 = arith.select %eq3A_644, %add3A_429, %broadcast_in_dim3A_646 : vector<16xi1>, vector<16xi32>
              %reduce_max3A_648 = arith.constant true
              %reduce_max3A_649 = vector.broadcast %reduce_max3A_648 : i1 to vector<16xi1>
              %reduce_max3A_650 = arith.constant -2147483648 : i32
              %reduce_max3A_651 = vector.broadcast %reduce_max3A_650 : i32 to vector<16xi32>
              %reduce_max3A_652 = arith.xori %select_n3A_647, %reduce_max3A_651 : vector<16xi32>
              %reduce_max3A_653 = tpu.scan <max>, %reduce_max3A_652 masked %reduce_max3A_649 : vector<16xi32>, vector<16xi1> -> vector<16xi32>
              %reduce_max3A_654 = arith.xori %reduce_max3A_653, %reduce_max3A_651 : vector<16xi32>
              %reduce_max3A_655 = vector.extract %reduce_max3A_654[15] : i32 from vector<16xi32>
              %jit3A_656 = arith.constant -2147483648 : i32
              %broadcast_in_dim3A_657 = vector.broadcast %jit3A_656 : i32 to vector<16xi32>
              %select_n3A_658 = arith.select %eq3A_644, %sub3A_431, %broadcast_in_dim3A_657 : vector<16xi1>, vector<16xi32>
              %reduce_max3A_659 = arith.constant true
              %reduce_max3A_660 = vector.broadcast %reduce_max3A_659 : i1 to vector<16xi1>
              %reduce_max3A_661 = arith.constant -2147483648 : i32
              %reduce_max3A_662 = vector.broadcast %reduce_max3A_661 : i32 to vector<16xi32>
              %reduce_max3A_663 = arith.xori %select_n3A_658, %reduce_max3A_662 : vector<16xi32>
              %reduce_max3A_664 = tpu.scan <max>, %reduce_max3A_663 masked %reduce_max3A_660 : vector<16xi32>, vector<16xi1> -> vector<16xi32>
              %reduce_max3A_665 = arith.xori %reduce_max3A_664, %reduce_max3A_662 : vector<16xi32>
              %reduce_max3A_666 = vector.extract %reduce_max3A_665[15] : i32 from vector<16xi32>
              %broadcast_in_dim3A_667 = arith.constant 0 : i32
              %broadcast_in_dim3A_668 = vector.broadcast %broadcast_in_dim3A_667 : i32 to vector<16xi32>
              %add3A_669 = vector.broadcast %reduce_max3A_666 : i32 to vector<16xi32>
              %add3A_670 = arith.addi %broadcast_in_dim3A_668, %add3A_669 : vector<16xi32>
              %gather3A_671 = tpu.vector_load_idx %arg14[%add3A_670, %iota3A] : memref<128x16xf32, #tpu.memory_space<vmem>>[vector<16xi32>, vector<16xi32>], vector<16xf32>,
              %mul3A_672 = arith.constant 128 : i32
              %mul3A_673 = vector.broadcast %mul3A_672 : i32 to vector<16xi32>
              %mul3A_674 = arith.muli %iota3A, %mul3A_673 : vector<16xi32>
              %add3A_675 = vector.broadcast %reduce_max3A_655 : i32 to vector<16xi32>
              %add3A_676 = arith.addi %add3A_675, %mul3A_674 : vector<16xi32>
              tpu.vector_store_idx %arg15[%add3A_676], %gather3A_671 : memref<24576xf32, #tpu.memory_space<vmem>>[vector<16xi32>], vector<16xf32>,
              %eq3A_677 = arith.constant 7 : i32
              %eq3A_678 = vector.broadcast %eq3A_677 : i32 to vector<16xi32>
              %eq3A_679 = arith.cmpi eq, %iota3A, %eq3A_678 : vector<16xi32>
              %jit3A_680 = arith.constant -2147483648 : i32
              %broadcast_in_dim3A_681 = vector.broadcast %jit3A_680 : i32 to vector<16xi32>
              %select_n3A_682 = arith.select %eq3A_679, %add3A_429, %broadcast_in_dim3A_681 : vector<16xi1>, vector<16xi32>
              %reduce_max3A_683 = arith.constant true
              %reduce_max3A_684 = vector.broadcast %reduce_max3A_683 : i1 to vector<16xi1>
              %reduce_max3A_685 = arith.constant -2147483648 : i32
              %reduce_max3A_686 = vector.broadcast %reduce_max3A_685 : i32 to vector<16xi32>
              %reduce_max3A_687 = arith.xori %select_n3A_682, %reduce_max3A_686 : vector<16xi32>
              %reduce_max3A_688 = tpu.scan <max>, %reduce_max3A_687 masked %reduce_max3A_684 : vector<16xi32>, vector<16xi1> -> vector<16xi32>
              %reduce_max3A_689 = arith.xori %reduce_max3A_688, %reduce_max3A_686 : vector<16xi32>
              %reduce_max3A_690 = vector.extract %reduce_max3A_689[15] : i32 from vector<16xi32>
              %jit3A_691 = arith.constant -2147483648 : i32
              %broadcast_in_dim3A_692 = vector.broadcast %jit3A_691 : i32 to vector<16xi32>
              %select_n3A_693 = arith.select %eq3A_679, %sub3A_431, %broadcast_in_dim3A_692 : vector<16xi1>, vector<16xi32>
              %reduce_max3A_694 = arith.constant true
              %reduce_max3A_695 = vector.broadcast %reduce_max3A_694 : i1 to vector<16xi1>
              %reduce_max3A_696 = arith.constant -2147483648 : i32
              %reduce_max3A_697 = vector.broadcast %reduce_max3A_696 : i32 to vector<16xi32>
              %reduce_max3A_698 = arith.xori %select_n3A_693, %reduce_max3A_697 : vector<16xi32>
              %reduce_max3A_699 = tpu.scan <max>, %reduce_max3A_698 masked %reduce_max3A_695 : vector<16xi32>, vector<16xi1> -> vector<16xi32>
              %reduce_max3A_700 = arith.xori %reduce_max3A_699, %reduce_max3A_697 : vector<16xi32>
              %reduce_max3A_701 = vector.extract %reduce_max3A_700[15] : i32 from vector<16xi32>
              %broadcast_in_dim3A_702 = arith.constant 0 : i32
              %broadcast_in_dim3A_703 = vector.broadcast %broadcast_in_dim3A_702 : i32 to vector<16xi32>
              %add3A_704 = vector.broadcast %reduce_max3A_701 : i32 to vector<16xi32>
              %add3A_705 = arith.addi %broadcast_in_dim3A_703, %add3A_704 : vector<16xi32>
              %gather3A_706 = tpu.vector_load_idx %arg14[%add3A_705, %iota3A] : memref<128x16xf32, #tpu.memory_space<vmem>>[vector<16xi32>, vector<16xi32>], vector<16xf32>,
              %mul3A_707 = arith.constant 128 : i32
              %mul3A_708 = vector.broadcast %mul3A_707 : i32 to vector<16xi32>
              %mul3A_709 = arith.muli %iota3A, %mul3A_708 : vector<16xi32>
              %add3A_710 = vector.broadcast %reduce_max3A_690 : i32 to vector<16xi32>
              %add3A_711 = arith.addi %add3A_710, %mul3A_709 : vector<16xi32>
              tpu.vector_store_idx %arg15[%add3A_711], %gather3A_706 : memref<24576xf32, #tpu.memory_space<vmem>>[vector<16xi32>], vector<16xf32>,
              %eq3A_712 = arith.constant 8 : i32
              %eq3A_713 = vector.broadcast %eq3A_712 : i32 to vector<16xi32>
              %eq3A_714 = arith.cmpi eq, %iota3A, %eq3A_713 : vector<16xi32>
              %jit3A_715 = arith.constant -2147483648 : i32
              %broadcast_in_dim3A_716 = vector.broadcast %jit3A_715 : i32 to vector<16xi32>
              %select_n3A_717 = arith.select %eq3A_714, %add3A_429, %broadcast_in_dim3A_716 : vector<16xi1>, vector<16xi32>
              %reduce_max3A_718 = arith.constant true
              %reduce_max3A_719 = vector.broadcast %reduce_max3A_718 : i1 to vector<16xi1>
              %reduce_max3A_720 = arith.constant -2147483648 : i32
              %reduce_max3A_721 = vector.broadcast %reduce_max3A_720 : i32 to vector<16xi32>
              %reduce_max3A_722 = arith.xori %select_n3A_717, %reduce_max3A_721 : vector<16xi32>
              %reduce_max3A_723 = tpu.scan <max>, %reduce_max3A_722 masked %reduce_max3A_719 : vector<16xi32>, vector<16xi1> -> vector<16xi32>
              %reduce_max3A_724 = arith.xori %reduce_max3A_723, %reduce_max3A_721 : vector<16xi32>
              %reduce_max3A_725 = vector.extract %reduce_max3A_724[15] : i32 from vector<16xi32>
              %jit3A_726 = arith.constant -2147483648 : i32
              %broadcast_in_dim3A_727 = vector.broadcast %jit3A_726 : i32 to vector<16xi32>
              %select_n3A_728 = arith.select %eq3A_714, %sub3A_431, %broadcast_in_dim3A_727 : vector<16xi1>, vector<16xi32>
              %reduce_max3A_729 = arith.constant true
              %reduce_max3A_730 = vector.broadcast %reduce_max3A_729 : i1 to vector<16xi1>
              %reduce_max3A_731 = arith.constant -2147483648 : i32
              %reduce_max3A_732 = vector.broadcast %reduce_max3A_731 : i32 to vector<16xi32>
              %reduce_max3A_733 = arith.xori %select_n3A_728, %reduce_max3A_732 : vector<16xi32>
              %reduce_max3A_734 = tpu.scan <max>, %reduce_max3A_733 masked %reduce_max3A_730 : vector<16xi32>, vector<16xi1> -> vector<16xi32>
              %reduce_max3A_735 = arith.xori %reduce_max3A_734, %reduce_max3A_732 : vector<16xi32>
              %reduce_max3A_736 = vector.extract %reduce_max3A_735[15] : i32 from vector<16xi32>
              %broadcast_in_dim3A_737 = arith.constant 0 : i32
              %broadcast_in_dim3A_738 = vector.broadcast %broadcast_in_dim3A_737 : i32 to vector<16xi32>
              %add3A_739 = vector.broadcast %reduce_max3A_736 : i32 to vector<16xi32>
              %add3A_740 = arith.addi %broadcast_in_dim3A_738, %add3A_739 : vector<16xi32>
              %gather3A_741 = tpu.vector_load_idx %arg14[%add3A_740, %iota3A] : memref<128x16xf32, #tpu.memory_space<vmem>>[vector<16xi32>, vector<16xi32>], vector<16xf32>,
              %mul3A_742 = arith.constant 128 : i32
              %mul3A_743 = vector.broadcast %mul3A_742 : i32 to vector<16xi32>
              %mul3A_744 = arith.muli %iota3A, %mul3A_743 : vector<16xi32>
              %add3A_745 = vector.broadcast %reduce_max3A_725 : i32 to vector<16xi32>
              %add3A_746 = arith.addi %add3A_745, %mul3A_744 : vector<16xi32>
              tpu.vector_store_idx %arg15[%add3A_746], %gather3A_741 : memref<24576xf32, #tpu.memory_space<vmem>>[vector<16xi32>], vector<16xf32>,
              %eq3A_747 = arith.constant 9 : i32
              %eq3A_748 = vector.broadcast %eq3A_747 : i32 to vector<16xi32>
              %eq3A_749 = arith.cmpi eq, %iota3A, %eq3A_748 : vector<16xi32>
              %jit3A_750 = arith.constant -2147483648 : i32
              %broadcast_in_dim3A_751 = vector.broadcast %jit3A_750 : i32 to vector<16xi32>
              %select_n3A_752 = arith.select %eq3A_749, %add3A_429, %broadcast_in_dim3A_751 : vector<16xi1>, vector<16xi32>
              %reduce_max3A_753 = arith.constant true
              %reduce_max3A_754 = vector.broadcast %reduce_max3A_753 : i1 to vector<16xi1>
              %reduce_max3A_755 = arith.constant -2147483648 : i32
              %reduce_max3A_756 = vector.broadcast %reduce_max3A_755 : i32 to vector<16xi32>
              %reduce_max3A_757 = arith.xori %select_n3A_752, %reduce_max3A_756 : vector<16xi32>
              %reduce_max3A_758 = tpu.scan <max>, %reduce_max3A_757 masked %reduce_max3A_754 : vector<16xi32>, vector<16xi1> -> vector<16xi32>
              %reduce_max3A_759 = arith.xori %reduce_max3A_758, %reduce_max3A_756 : vector<16xi32>
              %reduce_max3A_760 = vector.extract %reduce_max3A_759[15] : i32 from vector<16xi32>
              %jit3A_761 = arith.constant -2147483648 : i32
              %broadcast_in_dim3A_762 = vector.broadcast %jit3A_761 : i32 to vector<16xi32>
              %select_n3A_763 = arith.select %eq3A_749, %sub3A_431, %broadcast_in_dim3A_762 : vector<16xi1>, vector<16xi32>
              %reduce_max3A_764 = arith.constant true
              %reduce_max3A_765 = vector.broadcast %reduce_max3A_764 : i1 to vector<16xi1>
              %reduce_max3A_766 = arith.constant -2147483648 : i32
              %reduce_max3A_767 = vector.broadcast %reduce_max3A_766 : i32 to vector<16xi32>
              %reduce_max3A_768 = arith.xori %select_n3A_763, %reduce_max3A_767 : vector<16xi32>
              %reduce_max3A_769 = tpu.scan <max>, %reduce_max3A_768 masked %reduce_max3A_765 : vector<16xi32>, vector<16xi1> -> vector<16xi32>
              %reduce_max3A_770 = arith.xori %reduce_max3A_769, %reduce_max3A_767 : vector<16xi32>
              %reduce_max3A_771 = vector.extract %reduce_max3A_770[15] : i32 from vector<16xi32>
              %broadcast_in_dim3A_772 = arith.constant 0 : i32
              %broadcast_in_dim3A_773 = vector.broadcast %broadcast_in_dim3A_772 : i32 to vector<16xi32>
              %add3A_774 = vector.broadcast %reduce_max3A_771 : i32 to vector<16xi32>
              %add3A_775 = arith.addi %broadcast_in_dim3A_773, %add3A_774 : vector<16xi32>
              %gather3A_776 = tpu.vector_load_idx %arg14[%add3A_775, %iota3A] : memref<128x16xf32, #tpu.memory_space<vmem>>[vector<16xi32>, vector<16xi32>], vector<16xf32>,
              %mul3A_777 = arith.constant 128 : i32
              %mul3A_778 = vector.broadcast %mul3A_777 : i32 to vector<16xi32>
              %mul3A_779 = arith.muli %iota3A, %mul3A_778 : vector<16xi32>
              %add3A_780 = vector.broadcast %reduce_max3A_760 : i32 to vector<16xi32>
              %add3A_781 = arith.addi %add3A_780, %mul3A_779 : vector<16xi32>
              tpu.vector_store_idx %arg15[%add3A_781], %gather3A_776 : memref<24576xf32, #tpu.memory_space<vmem>>[vector<16xi32>], vector<16xf32>,
              %eq3A_782 = arith.constant 10 : i32
              %eq3A_783 = vector.broadcast %eq3A_782 : i32 to vector<16xi32>
              %eq3A_784 = arith.cmpi eq, %iota3A, %eq3A_783 : vector<16xi32>
              %jit3A_785 = arith.constant -2147483648 : i32
              %broadcast_in_dim3A_786 = vector.broadcast %jit3A_785 : i32 to vector<16xi32>
              %select_n3A_787 = arith.select %eq3A_784, %add3A_429, %broadcast_in_dim3A_786 : vector<16xi1>, vector<16xi32>
              %reduce_max3A_788 = arith.constant true
              %reduce_max3A_789 = vector.broadcast %reduce_max3A_788 : i1 to vector<16xi1>
              %reduce_max3A_790 = arith.constant -2147483648 : i32
              %reduce_max3A_791 = vector.broadcast %reduce_max3A_790 : i32 to vector<16xi32>
              %reduce_max3A_792 = arith.xori %select_n3A_787, %reduce_max3A_791 : vector<16xi32>
              %reduce_max3A_793 = tpu.scan <max>, %reduce_max3A_792 masked %reduce_max3A_789 : vector<16xi32>, vector<16xi1> -> vector<16xi32>
              %reduce_max3A_794 = arith.xori %reduce_max3A_793, %reduce_max3A_791 : vector<16xi32>
              %reduce_max3A_795 = vector.extract %reduce_max3A_794[15] : i32 from vector<16xi32>
              %jit3A_796 = arith.constant -2147483648 : i32
              %broadcast_in_dim3A_797 = vector.broadcast %jit3A_796 : i32 to vector<16xi32>
              %select_n3A_798 = arith.select %eq3A_784, %sub3A_431, %broadcast_in_dim3A_797 : vector<16xi1>, vector<16xi32>
              %reduce_max3A_799 = arith.constant true
              %reduce_max3A_800 = vector.broadcast %reduce_max3A_799 : i1 to vector<16xi1>
              %reduce_max3A_801 = arith.constant -2147483648 : i32
              %reduce_max3A_802 = vector.broadcast %reduce_max3A_801 : i32 to vector<16xi32>
              %reduce_max3A_803 = arith.xori %select_n3A_798, %reduce_max3A_802 : vector<16xi32>
              %reduce_max3A_804 = tpu.scan <max>, %reduce_max3A_803 masked %reduce_max3A_800 : vector<16xi32>, vector<16xi1> -> vector<16xi32>
              %reduce_max3A_805 = arith.xori %reduce_max3A_804, %reduce_max3A_802 : vector<16xi32>
              %reduce_max3A_806 = vector.extract %reduce_max3A_805[15] : i32 from vector<16xi32>
              %broadcast_in_dim3A_807 = arith.constant 0 : i32
              %broadcast_in_dim3A_808 = vector.broadcast %broadcast_in_dim3A_807 : i32 to vector<16xi32>
              %add3A_809 = vector.broadcast %reduce_max3A_806 : i32 to vector<16xi32>
              %add3A_810 = arith.addi %broadcast_in_dim3A_808, %add3A_809 : vector<16xi32>
              %gather3A_811 = tpu.vector_load_idx %arg14[%add3A_810, %iota3A] : memref<128x16xf32, #tpu.memory_space<vmem>>[vector<16xi32>, vector<16xi32>], vector<16xf32>,
              %mul3A_812 = arith.constant 128 : i32
              %mul3A_813 = vector.broadcast %mul3A_812 : i32 to vector<16xi32>
              %mul3A_814 = arith.muli %iota3A, %mul3A_813 : vector<16xi32>
              %add3A_815 = vector.broadcast %reduce_max3A_795 : i32 to vector<16xi32>
              %add3A_816 = arith.addi %add3A_815, %mul3A_814 : vector<16xi32>
              tpu.vector_store_idx %arg15[%add3A_816], %gather3A_811 : memref<24576xf32, #tpu.memory_space<vmem>>[vector<16xi32>], vector<16xf32>,
              %eq3A_817 = arith.constant 11 : i32
              %eq3A_818 = vector.broadcast %eq3A_817 : i32 to vector<16xi32>
              %eq3A_819 = arith.cmpi eq, %iota3A, %eq3A_818 : vector<16xi32>
              %jit3A_820 = arith.constant -2147483648 : i32
              %broadcast_in_dim3A_821 = vector.broadcast %jit3A_820 : i32 to vector<16xi32>
              %select_n3A_822 = arith.select %eq3A_819, %add3A_429, %broadcast_in_dim3A_821 : vector<16xi1>, vector<16xi32>
              %reduce_max3A_823 = arith.constant true
              %reduce_max3A_824 = vector.broadcast %reduce_max3A_823 : i1 to vector<16xi1>
              %reduce_max3A_825 = arith.constant -2147483648 : i32
              %reduce_max3A_826 = vector.broadcast %reduce_max3A_825 : i32 to vector<16xi32>
              %reduce_max3A_827 = arith.xori %select_n3A_822, %reduce_max3A_826 : vector<16xi32>
              %reduce_max3A_828 = tpu.scan <max>, %reduce_max3A_827 masked %reduce_max3A_824 : vector<16xi32>, vector<16xi1> -> vector<16xi32>
              %reduce_max3A_829 = arith.xori %reduce_max3A_828, %reduce_max3A_826 : vector<16xi32>
              %reduce_max3A_830 = vector.extract %reduce_max3A_829[15] : i32 from vector<16xi32>
              %jit3A_831 = arith.constant -2147483648 : i32
              %broadcast_in_dim3A_832 = vector.broadcast %jit3A_831 : i32 to vector<16xi32>
              %select_n3A_833 = arith.select %eq3A_819, %sub3A_431, %broadcast_in_dim3A_832 : vector<16xi1>, vector<16xi32>
              %reduce_max3A_834 = arith.constant true
              %reduce_max3A_835 = vector.broadcast %reduce_max3A_834 : i1 to vector<16xi1>
              %reduce_max3A_836 = arith.constant -2147483648 : i32
              %reduce_max3A_837 = vector.broadcast %reduce_max3A_836 : i32 to vector<16xi32>
              %reduce_max3A_838 = arith.xori %select_n3A_833, %reduce_max3A_837 : vector<16xi32>
              %reduce_max3A_839 = tpu.scan <max>, %reduce_max3A_838 masked %reduce_max3A_835 : vector<16xi32>, vector<16xi1> -> vector<16xi32>
              %reduce_max3A_840 = arith.xori %reduce_max3A_839, %reduce_max3A_837 : vector<16xi32>
              %reduce_max3A_841 = vector.extract %reduce_max3A_840[15] : i32 from vector<16xi32>
              %broadcast_in_dim3A_842 = arith.constant 0 : i32
              %broadcast_in_dim3A_843 = vector.broadcast %broadcast_in_dim3A_842 : i32 to vector<16xi32>
              %add3A_844 = vector.broadcast %reduce_max3A_841 : i32 to vector<16xi32>
              %add3A_845 = arith.addi %broadcast_in_dim3A_843, %add3A_844 : vector<16xi32>
              %gather3A_846 = tpu.vector_load_idx %arg14[%add3A_845, %iota3A] : memref<128x16xf32, #tpu.memory_space<vmem>>[vector<16xi32>, vector<16xi32>], vector<16xf32>,
              %mul3A_847 = arith.constant 128 : i32
              %mul3A_848 = vector.broadcast %mul3A_847 : i32 to vector<16xi32>
              %mul3A_849 = arith.muli %iota3A, %mul3A_848 : vector<16xi32>
              %add3A_850 = vector.broadcast %reduce_max3A_830 : i32 to vector<16xi32>
              %add3A_851 = arith.addi %add3A_850, %mul3A_849 : vector<16xi32>
              tpu.vector_store_idx %arg15[%add3A_851], %gather3A_846 : memref<24576xf32, #tpu.memory_space<vmem>>[vector<16xi32>], vector<16xf32>,
              %eq3A_852 = arith.constant 12 : i32
              %eq3A_853 = vector.broadcast %eq3A_852 : i32 to vector<16xi32>
              %eq3A_854 = arith.cmpi eq, %iota3A, %eq3A_853 : vector<16xi32>
              %jit3A_855 = arith.constant -2147483648 : i32
              %broadcast_in_dim3A_856 = vector.broadcast %jit3A_855 : i32 to vector<16xi32>
              %select_n3A_857 = arith.select %eq3A_854, %add3A_429, %broadcast_in_dim3A_856 : vector<16xi1>, vector<16xi32>
              %reduce_max3A_858 = arith.constant true
              %reduce_max3A_859 = vector.broadcast %reduce_max3A_858 : i1 to vector<16xi1>
              %reduce_max3A_860 = arith.constant -2147483648 : i32
              %reduce_max3A_861 = vector.broadcast %reduce_max3A_860 : i32 to vector<16xi32>
              %reduce_max3A_862 = arith.xori %select_n3A_857, %reduce_max3A_861 : vector<16xi32>
              %reduce_max3A_863 = tpu.scan <max>, %reduce_max3A_862 masked %reduce_max3A_859 : vector<16xi32>, vector<16xi1> -> vector<16xi32>
              %reduce_max3A_864 = arith.xori %reduce_max3A_863, %reduce_max3A_861 : vector<16xi32>
              %reduce_max3A_865 = vector.extract %reduce_max3A_864[15] : i32 from vector<16xi32>
              %jit3A_866 = arith.constant -2147483648 : i32
              %broadcast_in_dim3A_867 = vector.broadcast %jit3A_866 : i32 to vector<16xi32>
              %select_n3A_868 = arith.select %eq3A_854, %sub3A_431, %broadcast_in_dim3A_867 : vector<16xi1>, vector<16xi32>
              %reduce_max3A_869 = arith.constant true
              %reduce_max3A_870 = vector.broadcast %reduce_max3A_869 : i1 to vector<16xi1>
              %reduce_max3A_871 = arith.constant -2147483648 : i32
              %reduce_max3A_872 = vector.broadcast %reduce_max3A_871 : i32 to vector<16xi32>
              %reduce_max3A_873 = arith.xori %select_n3A_868, %reduce_max3A_872 : vector<16xi32>
              %reduce_max3A_874 = tpu.scan <max>, %reduce_max3A_873 masked %reduce_max3A_870 : vector<16xi32>, vector<16xi1> -> vector<16xi32>
              %reduce_max3A_875 = arith.xori %reduce_max3A_874, %reduce_max3A_872 : vector<16xi32>
              %reduce_max3A_876 = vector.extract %reduce_max3A_875[15] : i32 from vector<16xi32>
              %broadcast_in_dim3A_877 = arith.constant 0 : i32
              %broadcast_in_dim3A_878 = vector.broadcast %broadcast_in_dim3A_877 : i32 to vector<16xi32>
              %add3A_879 = vector.broadcast %reduce_max3A_876 : i32 to vector<16xi32>
              %add3A_880 = arith.addi %broadcast_in_dim3A_878, %add3A_879 : vector<16xi32>
              %gather3A_881 = tpu.vector_load_idx %arg14[%add3A_880, %iota3A] : memref<128x16xf32, #tpu.memory_space<vmem>>[vector<16xi32>, vector<16xi32>], vector<16xf32>,
              %mul3A_882 = arith.constant 128 : i32
              %mul3A_883 = vector.broadcast %mul3A_882 : i32 to vector<16xi32>
              %mul3A_884 = arith.muli %iota3A, %mul3A_883 : vector<16xi32>
              %add3A_885 = vector.broadcast %reduce_max3A_865 : i32 to vector<16xi32>
              %add3A_886 = arith.addi %add3A_885, %mul3A_884 : vector<16xi32>
              tpu.vector_store_idx %arg15[%add3A_886], %gather3A_881 : memref<24576xf32, #tpu.memory_space<vmem>>[vector<16xi32>], vector<16xf32>,
              %eq3A_887 = arith.constant 13 : i32
              %eq3A_888 = vector.broadcast %eq3A_887 : i32 to vector<16xi32>
              %eq3A_889 = arith.cmpi eq, %iota3A, %eq3A_888 : vector<16xi32>
              %jit3A_890 = arith.constant -2147483648 : i32
              %broadcast_in_dim3A_891 = vector.broadcast %jit3A_890 : i32 to vector<16xi32>
              %select_n3A_892 = arith.select %eq3A_889, %add3A_429, %broadcast_in_dim3A_891 : vector<16xi1>, vector<16xi32>
              %reduce_max3A_893 = arith.constant true
              %reduce_max3A_894 = vector.broadcast %reduce_max3A_893 : i1 to vector<16xi1>
              %reduce_max3A_895 = arith.constant -2147483648 : i32
              %reduce_max3A_896 = vector.broadcast %reduce_max3A_895 : i32 to vector<16xi32>
              %reduce_max3A_897 = arith.xori %select_n3A_892, %reduce_max3A_896 : vector<16xi32>
              %reduce_max3A_898 = tpu.scan <max>, %reduce_max3A_897 masked %reduce_max3A_894 : vector<16xi32>, vector<16xi1> -> vector<16xi32>
              %reduce_max3A_899 = arith.xori %reduce_max3A_898, %reduce_max3A_896 : vector<16xi32>
              %reduce_max3A_900 = vector.extract %reduce_max3A_899[15] : i32 from vector<16xi32>
              %jit3A_901 = arith.constant -2147483648 : i32
              %broadcast_in_dim3A_902 = vector.broadcast %jit3A_901 : i32 to vector<16xi32>
              %select_n3A_903 = arith.select %eq3A_889, %sub3A_431, %broadcast_in_dim3A_902 : vector<16xi1>, vector<16xi32>
              %reduce_max3A_904 = arith.constant true
              %reduce_max3A_905 = vector.broadcast %reduce_max3A_904 : i1 to vector<16xi1>
              %reduce_max3A_906 = arith.constant -2147483648 : i32
              %reduce_max3A_907 = vector.broadcast %reduce_max3A_906 : i32 to vector<16xi32>
              %reduce_max3A_908 = arith.xori %select_n3A_903, %reduce_max3A_907 : vector<16xi32>
              %reduce_max3A_909 = tpu.scan <max>, %reduce_max3A_908 masked %reduce_max3A_905 : vector<16xi32>, vector<16xi1> -> vector<16xi32>
              %reduce_max3A_910 = arith.xori %reduce_max3A_909, %reduce_max3A_907 : vector<16xi32>
              %reduce_max3A_911 = vector.extract %reduce_max3A_910[15] : i32 from vector<16xi32>
              %broadcast_in_dim3A_912 = arith.constant 0 : i32
              %broadcast_in_dim3A_913 = vector.broadcast %broadcast_in_dim3A_912 : i32 to vector<16xi32>
              %add3A_914 = vector.broadcast %reduce_max3A_911 : i32 to vector<16xi32>
              %add3A_915 = arith.addi %broadcast_in_dim3A_913, %add3A_914 : vector<16xi32>
              %gather3A_916 = tpu.vector_load_idx %arg14[%add3A_915, %iota3A] : memref<128x16xf32, #tpu.memory_space<vmem>>[vector<16xi32>, vector<16xi32>], vector<16xf32>,
              %mul3A_917 = arith.constant 128 : i32
              %mul3A_918 = vector.broadcast %mul3A_917 : i32 to vector<16xi32>
              %mul3A_919 = arith.muli %iota3A, %mul3A_918 : vector<16xi32>
              %add3A_920 = vector.broadcast %reduce_max3A_900 : i32 to vector<16xi32>
              %add3A_921 = arith.addi %add3A_920, %mul3A_919 : vector<16xi32>
              tpu.vector_store_idx %arg15[%add3A_921], %gather3A_916 : memref<24576xf32, #tpu.memory_space<vmem>>[vector<16xi32>], vector<16xf32>,
              %eq3A_922 = arith.constant 14 : i32
              %eq3A_923 = vector.broadcast %eq3A_922 : i32 to vector<16xi32>
              %eq3A_924 = arith.cmpi eq, %iota3A, %eq3A_923 : vector<16xi32>
              %jit3A_925 = arith.constant -2147483648 : i32
              %broadcast_in_dim3A_926 = vector.broadcast %jit3A_925 : i32 to vector<16xi32>
              %select_n3A_927 = arith.select %eq3A_924, %add3A_429, %broadcast_in_dim3A_926 : vector<16xi1>, vector<16xi32>
              %reduce_max3A_928 = arith.constant true
              %reduce_max3A_929 = vector.broadcast %reduce_max3A_928 : i1 to vector<16xi1>
              %reduce_max3A_930 = arith.constant -2147483648 : i32
              %reduce_max3A_931 = vector.broadcast %reduce_max3A_930 : i32 to vector<16xi32>
              %reduce_max3A_932 = arith.xori %select_n3A_927, %reduce_max3A_931 : vector<16xi32>
              %reduce_max3A_933 = tpu.scan <max>, %reduce_max3A_932 masked %reduce_max3A_929 : vector<16xi32>, vector<16xi1> -> vector<16xi32>
              %reduce_max3A_934 = arith.xori %reduce_max3A_933, %reduce_max3A_931 : vector<16xi32>
              %reduce_max3A_935 = vector.extract %reduce_max3A_934[15] : i32 from vector<16xi32>
              %jit3A_936 = arith.constant -2147483648 : i32
              %broadcast_in_dim3A_937 = vector.broadcast %jit3A_936 : i32 to vector<16xi32>
              %select_n3A_938 = arith.select %eq3A_924, %sub3A_431, %broadcast_in_dim3A_937 : vector<16xi1>, vector<16xi32>
              %reduce_max3A_939 = arith.constant true
              %reduce_max3A_940 = vector.broadcast %reduce_max3A_939 : i1 to vector<16xi1>
              %reduce_max3A_941 = arith.constant -2147483648 : i32
              %reduce_max3A_942 = vector.broadcast %reduce_max3A_941 : i32 to vector<16xi32>
              %reduce_max3A_943 = arith.xori %select_n3A_938, %reduce_max3A_942 : vector<16xi32>
              %reduce_max3A_944 = tpu.scan <max>, %reduce_max3A_943 masked %reduce_max3A_940 : vector<16xi32>, vector<16xi1> -> vector<16xi32>
              %reduce_max3A_945 = arith.xori %reduce_max3A_944, %reduce_max3A_942 : vector<16xi32>
              %reduce_max3A_946 = vector.extract %reduce_max3A_945[15] : i32 from vector<16xi32>
              %broadcast_in_dim3A_947 = arith.constant 0 : i32
              %broadcast_in_dim3A_948 = vector.broadcast %broadcast_in_dim3A_947 : i32 to vector<16xi32>
              %add3A_949 = vector.broadcast %reduce_max3A_946 : i32 to vector<16xi32>
              %add3A_950 = arith.addi %broadcast_in_dim3A_948, %add3A_949 : vector<16xi32>
              %gather3A_951 = tpu.vector_load_idx %arg14[%add3A_950, %iota3A] : memref<128x16xf32, #tpu.memory_space<vmem>>[vector<16xi32>, vector<16xi32>], vector<16xf32>,
              %mul3A_952 = arith.constant 128 : i32
              %mul3A_953 = vector.broadcast %mul3A_952 : i32 to vector<16xi32>
              %mul3A_954 = arith.muli %iota3A, %mul3A_953 : vector<16xi32>
              %add3A_955 = vector.broadcast %reduce_max3A_935 : i32 to vector<16xi32>
              %add3A_956 = arith.addi %add3A_955, %mul3A_954 : vector<16xi32>
              tpu.vector_store_idx %arg15[%add3A_956], %gather3A_951 : memref<24576xf32, #tpu.memory_space<vmem>>[vector<16xi32>], vector<16xf32>,
              %eq3A_957 = arith.constant 15 : i32
              %eq3A_958 = vector.broadcast %eq3A_957 : i32 to vector<16xi32>
              %eq3A_959 = arith.cmpi eq, %iota3A, %eq3A_958 : vector<16xi32>
              %jit3A_960 = arith.constant -2147483648 : i32
              %broadcast_in_dim3A_961 = vector.broadcast %jit3A_960 : i32 to vector<16xi32>
              %select_n3A_962 = arith.select %eq3A_959, %add3A_429, %broadcast_in_dim3A_961 : vector<16xi1>, vector<16xi32>
              %reduce_max3A_963 = arith.constant true
              %reduce_max3A_964 = vector.broadcast %reduce_max3A_963 : i1 to vector<16xi1>
              %reduce_max3A_965 = arith.constant -2147483648 : i32
              %reduce_max3A_966 = vector.broadcast %reduce_max3A_965 : i32 to vector<16xi32>
              %reduce_max3A_967 = arith.xori %select_n3A_962, %reduce_max3A_966 : vector<16xi32>
              %reduce_max3A_968 = tpu.scan <max>, %reduce_max3A_967 masked %reduce_max3A_964 : vector<16xi32>, vector<16xi1> -> vector<16xi32>
              %reduce_max3A_969 = arith.xori %reduce_max3A_968, %reduce_max3A_966 : vector<16xi32>
              %reduce_max3A_970 = vector.extract %reduce_max3A_969[15] : i32 from vector<16xi32>
              %jit3A_971 = arith.constant -2147483648 : i32
              %broadcast_in_dim3A_972 = vector.broadcast %jit3A_971 : i32 to vector<16xi32>
              %select_n3A_973 = arith.select %eq3A_959, %sub3A_431, %broadcast_in_dim3A_972 : vector<16xi1>, vector<16xi32>
              %reduce_max3A_974 = arith.constant true
              %reduce_max3A_975 = vector.broadcast %reduce_max3A_974 : i1 to vector<16xi1>
              %reduce_max3A_976 = arith.constant -2147483648 : i32
              %reduce_max3A_977 = vector.broadcast %reduce_max3A_976 : i32 to vector<16xi32>
              %reduce_max3A_978 = arith.xori %select_n3A_973, %reduce_max3A_977 : vector<16xi32>
              %reduce_max3A_979 = tpu.scan <max>, %reduce_max3A_978 masked %reduce_max3A_975 : vector<16xi32>, vector<16xi1> -> vector<16xi32>
              %reduce_max3A_980 = arith.xori %reduce_max3A_979, %reduce_max3A_977 : vector<16xi32>
              %reduce_max3A_981 = vector.extract %reduce_max3A_980[15] : i32 from vector<16xi32>
              %broadcast_in_dim3A_982 = arith.constant 0 : i32
              %broadcast_in_dim3A_983 = vector.broadcast %broadcast_in_dim3A_982 : i32 to vector<16xi32>
              %add3A_984 = vector.broadcast %reduce_max3A_981 : i32 to vector<16xi32>
              %add3A_985 = arith.addi %broadcast_in_dim3A_983, %add3A_984 : vector<16xi32>
              %gather3A_986 = tpu.vector_load_idx %arg14[%add3A_985, %iota3A] : memref<128x16xf32, #tpu.memory_space<vmem>>[vector<16xi32>, vector<16xi32>], vector<16xf32>,
              %mul3A_987 = arith.constant 128 : i32
              %mul3A_988 = vector.broadcast %mul3A_987 : i32 to vector<16xi32>
              %mul3A_989 = arith.muli %iota3A, %mul3A_988 : vector<16xi32>
              %add3A_990 = vector.broadcast %reduce_max3A_970 : i32 to vector<16xi32>
              %add3A_991 = arith.addi %add3A_990, %mul3A_989 : vector<16xi32>
              tpu.vector_store_idx %arg15[%add3A_991], %gather3A_986 : memref<24576xf32, #tpu.memory_space<vmem>>[vector<16xi32>], vector<16xf32>,
            }
          }
          %eq3A_296 = arith.constant 12 : i32
          %eq3A_297 = arith.cmpi eq, %min3A_239, %eq3A_296 : i32
          %convert_element_type3A_298 = arith.extui %eq3A_297 : i1 to i32
          %cond3A_299 = arith.constant 0 : i32
          %cond3A_300 = arith.cmpi ne, %convert_element_type3A_298, %cond3A_299 : i32
          scf.if %cond3A_300 {
            %dma_start3A = tpu.memref_slice %arg4[%mul3A_244] : memref<16001024xf32, #tpu.memory_space<hbm>> -> memref<24576xf32, #tpu.memory_space<hbm>>
            %dma_start3A_306 = tpu.memref_slice %arg4[%mul3A_244] : memref<16001024xf32, #tpu.memory_space<hbm>> -> memref<24576xf32, #tpu.memory_space<hbm>>
            tpu.enqueue_dma source(%arg15 : memref<24576xf32, #tpu.memory_space<vmem>>) target(%dma_start3A_306 : memref<24576xf32, #tpu.memory_space<hbm>>) target_semaphore(%arg17 : memref<!tpu.dma_semaphore, #tpu.memory_space<semaphore_mem>>)
            %dma_wait3A = tpu.memref_slice %arg4[%mul3A_244] : memref<16001024xf32, #tpu.memory_space<hbm>> -> memref<24576xf32, #tpu.memory_space<hbm>>
            %dma_wait3A_307 = tpu.memref_slice %arg4[%mul3A_244] : memref<16001024xf32, #tpu.memory_space<hbm>> -> memref<24576xf32, #tpu.memory_space<hbm>>
            tpu.wait_dma2 semaphore(%arg17 : memref<!tpu.dma_semaphore, #tpu.memory_space<semaphore_mem>>) src(%arg15 : memref<24576xf32, #tpu.memory_space<vmem>>) dst(%dma_wait3A_307 : memref<24576xf32, #tpu.memory_space<hbm>>)
          } else {
          }
          %lt3A_301 = arith.constant 12 : i32
          %lt3A_302 = arith.cmpi slt, %min3A_239, %lt3A_301 : i32
          %convert_element_type3A_303 = arith.extui %lt3A_302 : i1 to i32
          %cond3A_304 = arith.constant 0 : i32
          %cond3A_305 = arith.cmpi ne, %convert_element_type3A_303, %cond3A_304 : i32
          scf.if %cond3A_305 {
            %while3A_306 = arith.constant 0 : i32
            %while3A_307 = arith.constant 0 : i32
            %while3A_308 = arith.subi %min3A_239, %while3A_307 : i32
            %while3A_309 = arith.addi %while3A_307, %while3A_308 : i32
            %while3A_310 = arith.constant 1 : i32
            %while3A_311 = arith.divsi %while3A_308, %while3A_310 : i32
            %while3A_312 = arith.muli %while3A_311, %while3A_310 : i32
            %while3A_313 = arith.addi %while3A_307, %while3A_312 : i32
            %while3A_314 = arith.constant 1 : i32
            scf.for %while3A_316 = %while3A_307 to %while3A_313 step %while3A_314  : i32 {
              %mul3A_317 = arith.constant 2048 : i32
              %mul3A_318 = arith.muli %while3A_316, %mul3A_317 : i32
              %mul3A_319 = arith.constant 2048 : i32
              %mul3A_320 = arith.muli %while3A_316, %mul3A_319 : i32
              %add3A_321 = arith.addi %mul3A_244, %mul3A_320 : i32
              %dma_start3A = tpu.memref_slice %arg15[%mul3A_318] : memref<24576xf32, #tpu.memory_space<vmem>> -> memref<2048xf32, #tpu.memory_space<vmem>>
              %dma_start3A_322 = tpu.memref_slice %arg4[%add3A_321] : memref<16001024xf32, #tpu.memory_space<hbm>> -> memref<2048xf32, #tpu.memory_space<hbm>>
              %dma_start3A_323 = tpu.memref_slice %arg4[%add3A_321] : memref<16001024xf32, #tpu.memory_space<hbm>> -> memref<2048xf32, #tpu.memory_space<hbm>>
              %dma_start3A_324 = tpu.memref_slice %arg15[%mul3A_318] : memref<24576xf32, #tpu.memory_space<vmem>> -> memref<2048xf32, #tpu.memory_space<vmem>>
              tpu.enqueue_dma source(%dma_start3A_324 : memref<2048xf32, #tpu.memory_space<vmem>>) target(%dma_start3A_323 : memref<2048xf32, #tpu.memory_space<hbm>>) target_semaphore(%arg17 : memref<!tpu.dma_semaphore, #tpu.memory_space<semaphore_mem>>)
              %dma_wait3A = tpu.memref_slice %arg15[%mul3A_318] : memref<24576xf32, #tpu.memory_space<vmem>> -> memref<2048xf32, #tpu.memory_space<vmem>>
              %dma_wait3A_325 = tpu.memref_slice %arg4[%add3A_321] : memref<16001024xf32, #tpu.memory_space<hbm>> -> memref<2048xf32, #tpu.memory_space<hbm>>
              %dma_wait3A_326 = tpu.memref_slice %arg4[%add3A_321] : memref<16001024xf32, #tpu.memory_space<hbm>> -> memref<2048xf32, #tpu.memory_space<hbm>>
              %dma_wait3A_327 = tpu.memref_slice %arg15[%mul3A_318] : memref<24576xf32, #tpu.memory_space<vmem>> -> memref<2048xf32, #tpu.memory_space<vmem>>
              tpu.wait_dma2 semaphore(%arg17 : memref<!tpu.dma_semaphore, #tpu.memory_space<semaphore_mem>>) src(%dma_wait3A_327 : memref<2048xf32, #tpu.memory_space<vmem>>) dst(%dma_wait3A_326 : memref<2048xf32, #tpu.memory_space<hbm>>)
            }
            %while3A_315 = arith.constant 1 : i32
            scf.for %while3A_316 = %while3A_313 to %while3A_309 step %while3A_315  : i32 {
              %mul3A_317 = arith.constant 2048 : i32
              %mul3A_318 = arith.muli %while3A_316, %mul3A_317 : i32
              %mul3A_319 = arith.constant 2048 : i32
              %mul3A_320 = arith.muli %while3A_316, %mul3A_319 : i32
              %add3A_321 = arith.addi %mul3A_244, %mul3A_320 : i32
              %dma_start3A = tpu.memref_slice %arg15[%mul3A_318] : memref<24576xf32, #tpu.memory_space<vmem>> -> memref<2048xf32, #tpu.memory_space<vmem>>
              %dma_start3A_322 = tpu.memref_slice %arg4[%add3A_321] : memref<16001024xf32, #tpu.memory_space<hbm>> -> memref<2048xf32, #tpu.memory_space<hbm>>
              %dma_start3A_323 = tpu.memref_slice %arg4[%add3A_321] : memref<16001024xf32, #tpu.memory_space<hbm>> -> memref<2048xf32, #tpu.memory_space<hbm>>
              %dma_start3A_324 = tpu.memref_slice %arg15[%mul3A_318] : memref<24576xf32, #tpu.memory_space<vmem>> -> memref<2048xf32, #tpu.memory_space<vmem>>
              tpu.enqueue_dma source(%dma_start3A_324 : memref<2048xf32, #tpu.memory_space<vmem>>) target(%dma_start3A_323 : memref<2048xf32, #tpu.memory_space<hbm>>) target_semaphore(%arg17 : memref<!tpu.dma_semaphore, #tpu.memory_space<semaphore_mem>>)
              %dma_wait3A = tpu.memref_slice %arg15[%mul3A_318] : memref<24576xf32, #tpu.memory_space<vmem>> -> memref<2048xf32, #tpu.memory_space<vmem>>
              %dma_wait3A_325 = tpu.memref_slice %arg4[%add3A_321] : memref<16001024xf32, #tpu.memory_space<hbm>> -> memref<2048xf32, #tpu.memory_space<hbm>>
              %dma_wait3A_326 = tpu.memref_slice %arg4[%add3A_321] : memref<16001024xf32, #tpu.memory_space<hbm>> -> memref<2048xf32, #tpu.memory_space<hbm>>
              %dma_wait3A_327 = tpu.memref_slice %arg15[%mul3A_318] : memref<24576xf32, #tpu.memory_space<vmem>> -> memref<2048xf32, #tpu.memory_space<vmem>>
              tpu.wait_dma2 semaphore(%arg17 : memref<!tpu.dma_semaphore, #tpu.memory_space<semaphore_mem>>) src(%dma_wait3A_327 : memref<2048xf32, #tpu.memory_space<vmem>>) dst(%dma_wait3A_326 : memref<2048xf32, #tpu.memory_space<hbm>>)
            }
          } else {
          }
        } else {
        }
      }
      %scan3A_172 = arith.constant 21 : i32
    } else {
    }
    return
  }
}

module attributes {stable_mosaic.version = 14 : i64} {
  func.func @_to_tiles_body(%arg0: i32, %arg1: memref<16x12288xf32, #tpu.memory_space<vmem>>, %arg2: memref<96x16x128xf32, #tpu.memory_space<vmem>>) attributes {dimension_semantics = [#tpu.dimension_semantics<arbitrary>], iteration_bounds = array<i64: 82>, scalar_prefetch = 0 : i64, scratch_operands = 0 : i64, tpu.core_type = #tpu.core_type<tc>, window_params = [{transform_indices = @transform_0, window_bounds = array<i64: 16, 12288>}, {transform_indices = @transform_1, window_bounds = array<i64: 96, 16, 128>}]} {
    %get3A = arith.constant 0 : index
    %get3A_0 = arith.constant 0 : index
    %get3A_1 = vector.load %arg1[%get3A, %get3A_0] : memref<16x12288xf32, #tpu.memory_space<vmem>>, vector<16x12288xf32>
    %reshape3A = vector.shape_cast %get3A_1 : vector<16x12288xf32> to vector<16x96x128xf32>
    %transpose3A = tpu.transpose %reshape3A, [1, 0, 2] : vector<16x96x128xf32> -> vector<96x16x128xf32>
    %swap3A = arith.constant 0 : index
    %swap3A_2 = arith.constant 0 : index
    %swap3A_3 = arith.constant 0 : index
    %swap3A_4 = vector.load %arg2[%swap3A, %swap3A_2, %swap3A_3] : memref<96x16x128xf32, #tpu.memory_space<vmem>>, vector<96x16x128xf32>
    tpu.vector_store %arg2[%swap3A, %swap3A_2, %swap3A_3], %transpose3A {strides = array<i32>} : memref<96x16x128xf32, #tpu.memory_space<vmem>>, vector<96x16x128xf32>,
    return
  }
  func.func @transform_0(%arg0: i32) -> (i32, i32) {
    %c0_i32 = arith.constant 0 : i32
    %c0_i32_0 = arith.constant 0 : i32
    return %c0_i32, %arg0 : i32, i32
  }
  func.func @transform_1(%arg0: i32) -> (i32, i32, i32) {
    %c0_i32 = arith.constant 0 : i32
    %c0_i32_0 = arith.constant 0 : i32
    %c0_i32_1 = arith.constant 0 : i32
    return %arg0, %c0_i32, %c0_i32_0 : i32, i32, i32
  }
}

module attributes {stable_mosaic.version = 14 : i64} {
  func.func @_from_tiles_body(%arg0: i32, %arg1: memref<96x16x128xf32, #tpu.memory_space<vmem>>, %arg2: memref<16x12288xf32, #tpu.memory_space<vmem>>) attributes {dimension_semantics = [#tpu.dimension_semantics<arbitrary>], iteration_bounds = array<i64: 82>, scalar_prefetch = 0 : i64, scratch_operands = 0 : i64, tpu.core_type = #tpu.core_type<tc>, window_params = [{transform_indices = @transform_0, window_bounds = array<i64: 96, 16, 128>}, {transform_indices = @transform_1, window_bounds = array<i64: 16, 12288>}]} {
    %get3A = arith.constant 0 : index
    %get3A_0 = arith.constant 0 : index
    %get3A_1 = arith.constant 0 : index
    %get3A_2 = vector.load %arg1[%get3A, %get3A_0, %get3A_1] : memref<96x16x128xf32, #tpu.memory_space<vmem>>, vector<96x16x128xf32>
    %transpose3A = tpu.transpose %get3A_2, [1, 0, 2] : vector<96x16x128xf32> -> vector<16x96x128xf32>
    %reshape3A = vector.shape_cast %transpose3A : vector<16x96x128xf32> to vector<16x12288xf32>
    %swap3A = arith.constant 0 : index
    %swap3A_3 = arith.constant 0 : index
    %swap3A_4 = vector.load %arg2[%swap3A, %swap3A_3] : memref<16x12288xf32, #tpu.memory_space<vmem>>, vector<16x12288xf32>
    tpu.vector_store %arg2[%swap3A, %swap3A_3], %reshape3A {strides = array<i32>} : memref<16x12288xf32, #tpu.memory_space<vmem>>, vector<16x12288xf32>,
    return
  }
  func.func @transform_0(%arg0: i32) -> (i32, i32, i32) {
    %c0_i32 = arith.constant 0 : i32
    %c0_i32_0 = arith.constant 0 : i32
    %c0_i32_1 = arith.constant 0 : i32
    return %arg0, %c0_i32, %c0_i32_0 : i32, i32, i32
  }
  func.func @transform_1(%arg0: i32) -> (i32, i32) {
    %c0_i32 = arith.constant 0 : i32
    %c0_i32_0 = arith.constant 0 : i32
    return %c0_i32, %arg0 : i32, i32
  }
}

</mosaic_0001>

<sc_bundles>
// kernel: kernel.5.cloned.1.call-start
scs
__scs_entry_jumppad:
0x0: {  	(pc) =	sbr.rel $0x88, $3  }
0x1: {  	(tag) =	ssettag $0x0;
	lr =	simm.s32 $0x1  }
0x2: {  	[smem:$0x3F9E] =	sst lr;
	_ =	strace $0xD0000000  }
0x3: {  	_ = 	snop  }
0x4: {  	_ = 	snop  }
0x5: {  	_ = 	snop  }
0x6: {  	_ = 	snop  }
0x7: {  	_ = 	snop  }
__scs_overlays_trampoline_lowered:
0x8: {  	[smem:$0x3FAD] =	sst s0  }
0x9: {  	[smem:$0x3FAE] =	sst s1  }
0xa: {  	[smem:$0x3FAF] =	sst s2  }
0xb: {  	[smem:$0x3FB0] =	sst s3  }
0xc: {  	[smem:$0x3FB1] =	sst s4  }
0xd: {  	[smem:$0x3FB2] =	sst s5  }
0xe: {  	[smem:$0x3FB3] =	sst s6  }
0xf: {  	[smem:$0x3FB4] =	sst s7  }
0x10: {  	[smem:$0x3FB5] =	sst s8  }
0x11: {  	[smem:$0x3FB6] =	sst s9;
	s0 =	simm.s32 @!p0 $0x0  }
0x12: {  	s1 =	sld [smem:$0x3F9C];
	s0 =	simm.s32 @p0 $0x1  }
0x13: {  	[smem:$0x3FB7] =	sst s0;
	s0 =	simm.s32 @!p1 $0x0  }
0x14: {  	s2 =	sld [smem:$0x3F9B];
	s0 =	simm.s32 @p1 $0x1  }
0x15: {  	[smem:$0x3FB8] =	sst s0;
	s0 =	simm.s32 @!p2 $0x0  }
0x16: {  	s3 =	sld [smem:$0x3FDB];
	s0 =	simm.s32 @p2 $0x1  }
0x17: {  	s4 =	simm.s32 $0x1BF5;
	[smem:$0x3FBA] =	sst s0  }
0x18: {  	s0 =	sld [smem:$0x3F9D];
	_ =	swait.ge [sflag:s4], $0x0  }
0x19: {  	s7 =	sld [smem:$0x3F9E]  }
0x1a: {  	s8 =	sadd.s32 $0xFFFFE003, lr  }
0x1b: {  	s9 =	sadd.s32 $0xFFFFFEF7, lr;
	s5 =	simm.s32 $0xFFFFFFFF;
	p2 =	slt.u32 s8, $0xFFFFF086  }
0x1c: {  	p1 =	slt.u32 s9, $0xF7A;
	s5 =	simm.s32 @!p2 $0x0  }
0x1d: {  	s5 =	simm.s32 @p1 $0x1;
	p0 =	seq.s32 s7, s2  }
0x1e: {  	s7 =	smul.u32 @!p0 $0xF7A, s2;
	p2 =	seq.s32 @!p0 s5, $0x0  }
0x1f: {  	s9 =	smul.u32 $0xF7A, s1;
	s8 =	simm.s32 @!p0 $0x1BF5;
	p2 =	por !p2, p0  }
0x20: {  	[sflag:s8] =	ssyncset.s32 @!p0 $0xFFFFF086;
	s6 =	sadd.s32 @!p0 s3, s7;
	s7 =	simm.s32 @!p0 $0x108  }
0x21: {  	s3 =	sadd.s32 s3, s9;
	s6 =	sadd.s32 @!p0 $0x88, s6;
	s7 =	simm.s32 @p2 $0x1082  }
0x22: {  	[simem:s7], [sflag:s8] =	dma.local @!p0 [hbm:s6], $0xF7A  }
0x23: {  	s9 =	sor.u32 $0xD0000000, s2;
	s6 =	simm.s32 $0x108;
	_ =	swait.ge @!p0 [sflag:s8], $0x0  }
0x24: {  	s3 =	sadd.s32 $0x88, s3;
	s6 =	simm.s32 @!p1 $0x1082;
	[sflag:s4] =	ssyncset.s32 $0xFFFFF086  }
0x25: {  	[simem:s6], [sflag:s4] =	dma.local [hbm:s3], $0xF7A  }
0x26: {  	[smem:$0x3F9E] =	sst s1;
	(tag) =	ssettag s2;
	_ =	strace s9  }
0x27: {  	s1 =	sld [smem:$0x3FAE]  }
0x28: {  	s2 =	sld [smem:$0x3FAF]  }
0x29: {  	s4 =	sld [smem:$0x3FB1]  }
0x2a: {  	p0 =	seq.s32 s5, $0x0;
	s5 =	sld [smem:$0x3FB2]  }
0x2b: {  	s6 =	sld [smem:$0x3FB3]  }
0x2c: {  	s7 =	sld [smem:$0x3FB4]  }
0x2d: {  	s3 =	simm.s32 $0x108;
	s8 =	sld [smem:$0x3FB5]  }
0x2e: {  	s3 =	simm.s32 @!p0 $0x1082;
	s9 =	sld [smem:$0x3FB6]  }
0x2f: {  	lr =	sadd.s32 s0, s3;
	s0 =	sld [smem:$0x3FAD]  }
0x30: {  	s3 =	sld [smem:$0x3FB0]  }
0x31: {  	[smem:$0x3FB9] =	sst s10  }
0x32: {  	s10 =	sld [smem:$0x3FB7];
	_ =	sdelay $0x3  }
0x33: {  	p0 =	seq.s32 s10, $0x1;
	s10 =	sld [smem:$0x3FB9];
	_ =	sdelay $0x3  }
0x34: {  	[smem:$0x3FB9] =	sst s10  }
0x35: {  	s10 =	sld [smem:$0x3FB8];
	_ =	sdelay $0x3  }
0x36: {  	p1 =	seq.s32 s10, $0x1;
	s10 =	sld [smem:$0x3FB9];
	_ =	sdelay $0x3  }
0x37: {  	[smem:$0x3FB9] =	sst s10  }
0x38: {  	s10 =	sld [smem:$0x3FBA]  }
0x39: {  	_ = 	snop;
	(pc) =	sbr.ind lr, $3  }
0x3a: {  	_ = 	snop  }
0x3b: {  	_ = 	snop  }
0x3c: {  	p2 =	seq.s32 s10, $0x1;
	s10 =	sld [smem:$0x3FB9]  }
0x3d: {  	_ =	shalt  }
0x3e: {  	_ =	shalt  }
0x3f: {  	_ =	shalt  }
0x40: {  	_ =	shalt  }
0x41: {  	_ =	shalt  }
0x42: {  	_ =	shalt  }
0x43: {  	_ =	shalt  }
0x44: {  	_ =	shalt  }
0x45: {  	_ =	shalt  }
0x46: {  	_ =	shalt  }
0x47: {  	_ =	shalt  }
0x48: {  	_ =	shalt  }
0x49: {  	_ =	shalt  }
0x4a: {  	_ =	shalt  }
0x4b: {  	_ =	shalt  }
0x4c: {  	_ =	shalt  }
0x4d: {  	_ =	shalt  }
0x4e: {  	_ =	shalt  }
0x4f: {  	_ =	shalt  }
0x50: {  	_ =	shalt  }
0x51: {  	_ =	shalt  }
0x52: {  	_ =	shalt  }
0x53: {  	_ =	shalt  }
0x54: {  	_ =	shalt  }
0x55: {  	_ =	shalt  }
0x56: {  	_ =	shalt  }
0x57: {  	_ =	shalt  }
0x58: {  	_ =	shalt  }
0x59: {  	_ =	shalt  }
0x5a: {  	_ =	shalt  }
0x5b: {  	_ =	shalt  }
0x5c: {  	_ =	shalt  }
0x5d: {  	_ =	shalt  }
0x5e: {  	_ =	shalt  }
0x5f: {  	_ =	shalt  }
0x60: {  	_ =	shalt  }
0x61: {  	_ =	shalt  }
0x62: {  	_ =	shalt  }
0x63: {  	_ =	shalt  }
0x64: {  	_ =	shalt  }
0x65: {  	_ =	shalt  }
0x66: {  	_ =	shalt  }
0x67: {  	_ =	shalt  }
0x68: {  	_ =	shalt  }
0x69: {  	_ =	shalt  }
0x6a: {  	_ =	shalt  }
0x6b: {  	_ =	shalt  }
0x6c: {  	_ =	shalt  }
0x6d: {  	_ =	shalt  }
0x6e: {  	_ =	shalt  }
0x6f: {  	_ =	shalt  }
0x70: {  	_ =	shalt  }
0x71: {  	_ =	shalt  }
0x72: {  	_ =	shalt  }
0x73: {  	_ =	shalt  }
0x74: {  	_ =	shalt  }
0x75: {  	_ =	shalt  }
0x76: {  	_ =	shalt  }
0x77: {  	_ =	shalt  }
0x78: {  	_ =	shalt  }
0x79: {  	_ =	shalt  }
0x7a: {  	_ =	shalt  }
0x7b: {  	_ =	shalt  }
0x7c: {  	_ =	shalt  }
0x7d: {  	_ =	shalt  }
0x7e: {  	_ =	shalt  }
0x7f: {  	_ =	shalt  }
0x80: {  	_ =	shalt  }
0x81: {  	_ =	shalt  }
0x82: {  	_ =	shalt  }
0x83: {  	_ =	shalt  }
0x84: {  	_ =	shalt  }
0x85: {  	_ =	shalt  }
0x86: {  	_ =	shalt  }
0x87: {  	_ =	shalt  }
.Lfunc_end0:
.L_simem_size_0:
called_computation_lowered:
.L_overlay_start_0:
0x88: {  	s2 =	sld [smem:$0x3FD9]  }
0x89: {  	s3 =	sld [smem:$0x3FFE];
	_ =	sdelay $0x1  }
0x8a: {  	s1 =	srdreg.scid  }
0x8b: {  	s0 =	sand.u32 $0x1, s1  }
0x8c: {  	s17 =	sshll.u32 s0, $0xA;
	s2 =	sadd.s32 s3, s2  }
0x8d: {  	s2 =	sadd.s32 s2, s17  }
0x8e: {  	[smem:$0x3FC5] =	sst s2  }
0x8f: {  	_ = 	snop  }
0x90: {  	s2 =	sld [smem:$0x3FC8]  }
0x91: {  	s18 =	sld [smem:$0x3FD0];
	(tm) =	ssettm $0x1  }
0x92: {  	s4 =	sld [smem:$0x3FFB];
	_ =	sdelay $0x3  }
0x93: {  	_ =	strace s4  }
0x94: {  	s4 =	sld [smem:$0x3FFC];
	_ =	sdelay $0x3  }
0x95: {  	_ =	strace s4  }
0x96: {  	s4 =	sld [smem:$0x3FFD];
	_ =	sdelay $0x3  }
0x97: {  	_ =	strace s4  }
0x98: {  	_ =	strace $0x8FFFFFFF  }
0x99: {  	s19 =	sld [smem:$0x3FDB];
	_ =	sdelay $0x1  }
0x9a: {  	s5 =	simm.s32 $_scs_section_size  }
0x9b: {  	s6 =	simm.s32 $_size__tile_overlayer_lowered;
	s7 =	simm.s32 $_tile_overlayer_lowered  }
0x9c: {  	s22 =	simm.s32 $0x1BFF;
	s21 =	sshll.u32 s7, $0x1;
	s4 =	sadd.s32 s5, s19  }
0x9d: {  	s8 =	simm.s32 $0x0;
	s20 =	sshll.u32 s6, $0x1;
	s6 =	sadd.s32 s21, s4  }
0x9e: {  	[timem:s8], [sflag:s22] =	dma.local [hbm:s6], s20  }
0x9f: {  	_ =	swait.ge [sflag:s22], s20  }
0xa0: {  	s5 =	ssub.s32 $0x0, s20;
	[sflag:s22] =	ssyncset.done $0x0  }
0xa1: {  	[sflag:s22] =	ssyncadd.s32 s5;
	_ =	sdelay $0x1  }
0xa2: {  	s23 =	simm.s32 $0x1B8B  }
0xa3: {  	_ =	swait.ge [sflag:s23], $0x1  }
0xa4: {  	[sflag:s23] =	ssyncset.done $0x0  }
0xa5: {  	s25 =	simm.s32 $0x1B8E;
	s24 =	sld [smem:$0x3FFE];
	[sflag:s23] =	ssyncadd.s32 $0xFFFFFFFF  }
0xa6: {  	s26 =	simm.s32 $execute0_lowered;
	[smem:$0x3FD2] =	sst s25  }
0xa7: {  	s6 =	sshll.u32 s26, $0x1;
	_ =	strace $0x80000046;
	[dreg:$0x1] =	wrdreg $0xFFFFFFFF  }
0xa8: {  	s28 =	simm.s32 $_size_execute0_lowered;
	s4 =	sadd.s32 s4, s6;
	[dreg:$0x0] =	wrdreg $0x0  }
0xa9: {  	s6 =	sshll.u32 s28, $0x1;
	[dreg:$0x2] =	wrdreg s4  }
0xaa: {  	[dreg:$0x3] =	wrdreg s6  }
0xab: {  	[dreg:$0x4] =	wrdreg $0xC0  }
0xac: {  	_ =	task [dreg:s8], $0x5FFFF  }
0xad: {  	[dreg:$0x1] =	wrdreg $0xFFFFFFFF  }
0xae: {  	[dreg:$0x0] =	wrdreg $0x60  }
0xaf: {  	[dreg:$0x2] =	wrdreg s2  }
0xb0: {  	[dreg:$0x3] =	wrdreg s18  }
0xb1: {  	[dreg:$0x4] =	wrdreg s24  }
0xb2: {  	[dreg:$0x5] =	wrdreg $0x9  }
0xb3: {  	_ =	task.clear_ibuf [dreg:s8], $0x6FFFF;
	_ =	strace $0x90000046  }
0xb4: {  	s29 =	simm.s32 $0x9;
	_ =	strace $0x80000048  }
0xb5: {  	_ =	swait.ge [sflag:s29], $0x1  }
0xb6: {  	[sflag:s29] =	ssyncadd.s32 $0xFFFFFFFF  }
0xb7: {  	_ =	strace $0x90000048  }
0xb8: {  	_ =	sfence  }
0xb9: {  	s30 =	sld [smem:$0x0];
	_ =	sdelay $0x2  }
0xba: {  	s31 =	sshll.u32 s1, $0xD;
	s1 =	sshrl.u32 s1, $0x2  }
0xbb: {  	s3 =	sand.u32 $0x4000, s31;
	s1 =	sadd.s32 s1, s30  }
0xbc: {  	s0 =	sor.u32 s3, s0;
	s1 =	sshll.u32 s1, $0x11  }
0xbd: {  	s0 =	sor.u32 s1, s0  }
0xbe: {  	s0 =	sadd.s32 $0x8F2B, s0  }
0xbf: {  	[sflag:s0] =	ssyncadd.remote.s32 $0x1  }
0xc0: {  	_ =	sfence.sel $0xFFFF  }
0xc1: {  	[dreg:$0x0] =	wrdreg $0xFFFFFFFF;
	(pc) =	sbr.abs _section_cstart, $3  }
0xc2: {  	[dreg:$0x1] =	wrdreg $0xFFFFFFFF  }
0xc3: {  	_ =	task.clear_ibuf [dreg:s8], $0x2FFFF;
	_ =	strace $0x9FFFFFFF  }
0xc4: {  	(tm) =	ssettm $0x7FFFFFFF  }
0xc5: {  	_ =	shalt  }
tec
execute0_lowered:
.L_overlay_start_1:
0x0: {  	(tag) =	ssettag $0x1  }
0x1: {  	s0 =	srdreg.scid;
	s5 =	stileid.u32  }
0x2: {  	s20 =	rddreg [dreg:$0x2];
	s22 =	smul.u32 $0x1EA, s5  }
0x3: {  	s21 =	simm.s32 $0x0;
	s0 =	sand.u32 $0x1, s0;
	s4 =	smul.u32 $0xF500, s5  }
0x4: {  	s15 =	simm.s32 $0xBA80;
	s1 =	sshll.u32 s5, $0x1;
	s23 =	smul.u32 $0xF5, s0  }
0x5: {  	s31 =	simm.s32 $0x13A80;
	s1 =	sor.u32 s0, s1;
	s6 =	smul.u32 $0x7A800, s0  }
0x6: {  	s16 =	simm.s32 $0xFA80;
	[smem:$0x7FF] =	sst s21;
	s2 =	smul.u32 $0xF5, s1  }
0x7: {  	s8 =	sadd.s32 $0x400, s20;
	s25 =	ssub.s32 $0x2, s0;
	s0 =	smul.u32 $0x7A80, s0  }
0x8: {  	s3 =	smul.u32 $0x7A80, s1;
	[dreg:$0x5] =	wrdreg s2;
	s2 =	smin.u32 s2, $0x1D90  }
0x9: {  	s24 =	smul.u32 $0xF5000, s5;
	s7 =	sshrl.u32 s25, $0x1;
	s2 =	sadd.s32 $0xF5, s2  }
0xa: {  	s0 =	sadd.s32 s0, s4;
	[dreg:$0x7] =	wrdreg s3;
	s19 =	sshll.u32 s2, $0x7  }
0xb: {  	v0 =	vmov s3;
	s3 =	ssub.s32 s25, s7;
	s0 =	sor.u32 $0x10, s0;
	s1 =	smin.u32 s19, $0xF4240  }
0xc: {  	s29 =	smax.u32 s3, $0x1;
	[dreg:$0x6] =	wrdreg s2;
	v1 =	vmov s1;
	s1 =	sadd.s32 s23, s22  }
0xd: {  	v4 =	vimm.s32 $0xECA86420;
	v2 =	vimm.s32 $0xFFFFFFFF;
	v3 =	vimm.s32 $0x0;
	_ =	strace $0x80000047;
	[dreg:$0xa] =	wrdreg s29;
	s26 =	smin.u32 s1, $0x1D90  }
.Ltmp0:
0xe: {  	vm10 =	vcmask $0xB08;
	vm11 =	vcmask $0x1310;
	vm0 =	vmmov $0xff;
	[dreg:$0xb] =	wrdreg s0;
	s1 =	ssub.s32 s26, s1;
	(pc) =	sbr.rel .LBB2_1-.Ltmp0, $4  }
0xf: {  	v7 =	vimm.s32 $0x0;
	vm9 =	vmmov $0x1;
	vm8 =	vcmask $0x2F34;
	s28 =	sadd.s32 s6, s24;
	[dreg:$0x8] =	wrdreg s8;
	s1 =	sadd.s32 $0xF5, s1  }
0x10: {  	vm1 =	vcmask $0x373C;
	v5 =	vunpack.c.l.s4.s8 v4;
	v4 =	vlaneseq.u32;
	s21 =	simm.s32 $0x13BC0;
	[dreg:$0x9] =	wrdreg s1;
	s1 =	sshrl.u32 s28, $0x3  }
0x11: {  	v7 =	vsel vm0, $0xFFFFFFFF, v7;
	vm0 =	vcmask $0x3338;
	v6 =	vmul.u32 $0x2, v4;
	s4 =	simm.s32 $0x0;
	[dreg:$0x4] =	wrdreg s31;
	s30 =	sadd.s32 s1, s8  }
0x12: {  	v8 =	vmul.u32 $0x80, v4;
	v5 =	vunpack.c.0.s8.s32 v5;
	[tilespmem:$0x1FFF0] =	vst v7;
	v7 =	vimm.s32 $0x1;
	s22 =	simm.s32 $0x143C0;
	s1 =	simm.s32 $0x0;
	[dreg:$0xc] =	wrdreg s30  }
.LBB2_37:
0x13: {  	s1 =	rddreg [dreg:$0xd]  }
0x14: {  	s0 =	rddreg [dreg:$0xa];
	s1 =	sadd.s32 $0x1, s1  }
0x15: {  	p0 =	sne.s32 s1, s0  }
.Ltmp1:
0x16: {  	_ = 	snop;
	(pc) =	sbr.rel @!p0 .LBB2_38-.Ltmp1, $1  }
0x17: {  	_ =	sdelay $0x3  }
.LBB2_1:
0x18: {  	[dreg:$0xd] =	wrdreg s1  }
0x19: {  	s0 =	rddreg [dreg:$0x0];
	s31 =	simm.s32 $0x3  }
0x1a: {  	[tilespmem:s4], [sflag:$0x3] =	stream.linear.gather [hbm4b:s0+s4], $0x4000, $0x38;
	[tilespmem:$0x1A3C0] =	vst v63  }
0x1b: {  	_ =	swait.ge [sflag:s31], $0x4000  }
0x1c: {  	[sflag:s31] =	ssyncset.done $0x0  }
0x1d: {  	s0 =	simm.s32 $0x4020;
	[sflag:s31] =	ssyncadd.s32 $0xFFFFC000  }
0x1e: {  	[tilespmem:s0+$0xFFFFFFE0] =	vst v2  }
0x1f: {  	[tilespmem:s0+$0x10] =	vst v2  }
0x20: {  	s1 =	simm.s32 $0x0;
	[tilespmem:s0+$0x0] =	vst v2  }
.LBB2_2:
0x21: {  	s1 =	sadd.s32 $0x4, s1  }
0x22: {  	[tilespmem:s0+$0xFFFFFFF0] =	vst v2;
	s0 =	sadd.s32 $0x40, s0;
	p0 =	slt.u32 s1, $0x7A4  }
.Ltmp2:
0x23: {  	[tilespmem:s0+$0xFFFFFFE0] =	vst v2;
	(pc) =	sbr.rel @p0 .LBB2_2-.Ltmp2, $3  }
0x24: {  	_ =	sdelay $0x1  }
0x25: {  	[tilespmem:s0+$0x10] =	vst v2  }
0x26: {  	[tilespmem:s0+$0x0] =	vst v2  }
0x27: {  	[tilespmem:s0+$0xFFFFFFF0] =	vst v2  }
0x28: {  	[tilespmem:$0x13A80] =	vst v3  }
0x29: {  	[tilespmem:$0x13A90] =	vst v3  }
0x2a: {  	s1 =	simm.s32 $0xFFFFFFFE;
	s2 =	simm.s32 $0x10;
	[tilespmem:$0x13AA0] =	vst v3  }
0x2b: {  	s3 =	simm.s32 $0x10;
	s4 =	simm.s32 $0xFFFFFFFE;
	s6 =	simm.s32 $0x4000;
	[tilespmem:$0x13AB0] =	vst v3  }
.LBB2_4:
0x2c: {  	v9 =	vld [tilespmem:s3+$0xFFFFFFF0];
	_ =	sdelay $0x4  }
0x2d: {  	vm3 =	vge.s32 v9, v0;
	vm2 =	vlt.s32 v9, v1  }
0x2e: {  	vm3 =	vmand vm3, vm2  }
0x2f: {  	(xrf1) =	vunique.msk.u32 vm3, v9;
	_ =	sdelay $0xd  }
0x30: {  	_, v10, vm2 =	vpop (xrf1)  }
0x31: {  	v9 =	vsub.s32 v9, v0;
	vm2 =	vmand vm3, vm2  }
0x32: {  	v9 =	vnsel vm2, $0x0, v9;
	_ =	sdelay $0x2  }
0x33: {  	s0 =	sadd.s32 $0xFFFFFFF0, s2  }
0x34: {  	v10 =	vor.u32 s0, v4  }
0x35: {  	[tilespmem:v9+s6+$0x0] =	vst.idx.msk vm2, v10  }
0x36: {  	v9 =	vld [tilespmem:s3+$0x0];
	_ =	sdelay $0x4  }
0x37: {  	vm3 =	vge.s32 v9, v0;
	vm2 =	vlt.s32 v9, v1  }
0x38: {  	vm3 =	vmand vm3, vm2  }
0x39: {  	(xrf1) =	vunique.msk.u32 vm3, v9;
	_ =	sdelay $0xd  }
0x3a: {  	_, v10, vm2 =	vpop (xrf1)  }
0x3b: {  	s4 =	sadd.s32 $0x2, s4;
	v9 =	vsub.s32 v9, v0;
	vm2 =	vmand vm3, vm2  }
0x3c: {  	p0 =	slt.u32 s4, $0x3FE;
	v9 =	vnsel vm2, $0x0, v9  }
.Ltmp3:
0x3d: {  	_ = 	snop;
	(pc) =	sbr.rel @p0 .LBB2_4-.Ltmp3, $3  }
0x3e: {  	_ =	sdelay $0x1  }
0x3f: {  	s5 =	simm.s32 $0x0;
	v10 =	vor.u32 s2, v4  }
0x40: {  	s0 =	simm.s32 $0x4010;
	s3 =	sadd.s32 $0x20, s3;
	s2 =	sadd.s32 $0x20, s2;
	[tilespmem:v9+s6+$0x0] =	vst.idx.msk vm2, v10  }
0x41: {  	v9 =	vld [tilespmem:s0+$0xFFFFFFF0];
	_ =	sdelay $0x4  }
0x42: {  	vm2 =	vgt.s32 v9, $0xFFFFFFFF  }
0x43: {  	v10 =	vsel vm2, $0x1, v3  }
0x44: {  	(xrf0) =	vadd.scan.msk.s32 $0xffff, v10;
	_ =	sdelay $0x4  }
0x45: {  	v10 =	vsel vm2, $0xFFFFFFFF, v3  }
0x46: {  	v10 =	vadd.s32 s5, v10;
	v11, _, _ =	vpop (xrf0)  }
0x47: {  	v10 =	vadd.s32 v11, v10;
	_ =	sdelay $0x2  }
0x48: {  	s6 =	rddreg [dreg:$0xb]  }
0x49: {  	s2 =	sadd.s32 $0xFFFFFFF0, s6  }
0x4a: {  	v11 =	vxor.u32 $0x80000000, v11;
	[tilespmem:v10+s15+$0x0] =	vst.idx.msk vm2, v9;
	v9 =	vor.u32 s2, v4  }
0x4b: {  	(xrf0) =	vmax.scan.msk.u32 $0xffff, v11;
	[tilespmem:v10+s16+$0x0] =	vst.idx.msk vm2, v9  }
0x4c: {  	v9 =	vld [tilespmem:s0+$0x0];
	_ =	sdelay $0x4  }
0x4d: {  	v10, _, _ =	vpop (xrf0);
	vm2 =	vgt.s32 v9, $0xFFFFFFFF  }
0x4e: {  	(v2sf) =	vpush v10, $0xF;
	v10 =	vsel vm2, $0x1, v3  }
0x4f: {  	(xrf0) =	vadd.scan.msk.s32 $0xffff, v10;
	_ =	sdelay $0x5  }
0x50: {  	v10, _, _ =	vpop (xrf0)  }
0x51: {  	v11 =	vxor.u32 $0x80000000, v10  }
0x52: {  	(xrf0) =	vmax.scan.msk.u32 $0xffff, v11;
	_ =	sdelay $0x5  }
0x53: {  	s31 =	spop (v2sf);
	v11, _, _ =	vpop (xrf0)  }
0x54: {  	s2 =	sadd.s32 s31, s5;
	(v2sf) =	vpush v11, $0xF;
	v11 =	vsel vm2, $0xFFFFFFFF, v3  }
0x55: {  	s3 =	sadd.s32 $0x80000000, s2;
	v10 =	vadd.s32 v11, v10  }
0x56: {  	v10 =	vadd.s32 s3, v10;
	_ =	sdelay $0x4  }
0x57: {  	v11 =	vor.u32 s6, v4;
	[tilespmem:v10+s15+$0x0] =	vst.idx.msk vm2, v9  }
0x58: {  	s0 =	sadd.s32 $0x20, s0;
	[tilespmem:v10+s16+$0x0] =	vst.idx.msk vm2, v11  }
0x59: {  	v9 =	vld [tilespmem:s0+$0xFFFFFFF0];
	_ =	sdelay $0x4  }
0x5a: {  	vm2 =	vgt.s32 v9, $0xFFFFFFFF  }
0x5b: {  	v11 =	vsel vm2, $0x1, v3  }
0x5c: {  	(xrf0) =	vadd.scan.msk.s32 $0xffff, v11;
	_ =	sdelay $0x2  }
0x5d: {  	s1 =	sadd.s32 $0x2, s1;
	s4 =	spop (v2sf)  }
0x5e: {  	s2 =	sadd.s32 $0x2, s1;
	s1 =	smov.u32 s6;
	v10 =	vsel vm2, $0xFFFFFFFF, v3;
	s3 =	sadd.s32 s4, s3  }
.LBB2_6:
0x5f: {  	s2 =	sadd.s32 $0x2, s2;
	s3 =	sadd.s32 $0x80000000, s3;
	s1 =	sadd.s32 $0x20, s1  }
0x60: {  	p0 =	slt.u32 s2, $0x7A6;
	v10 =	vadd.s32 s3, v10;
	v11, _, _ =	vpop (xrf0)  }
0x61: {  	v10 =	vadd.s32 v11, v10;
	v11 =	vxor.u32 $0x80000000, v11  }
0x62: {  	(xrf0) =	vmax.scan.msk.u32 $0xffff, v11;
	_ =	sdelay $0x2  }
0x63: {  	s4 =	sadd.s32 $0xFFFFFFF0, s1  }
0x64: {  	v11 =	vor.u32 s4, v4;
	[tilespmem:v10+s15+$0x0] =	vst.idx.msk vm2, v9  }
0x65: {  	[tilespmem:v10+s16+$0x0] =	vst.idx.msk vm2, v11  }
0x66: {  	v9 =	vld [tilespmem:s0+$0x0];
	v10, _, _ =	vpop (xrf0)  }
0x67: {  	(v2sf) =	vpush v10, $0xF;
	_ =	sdelay $0x3  }
0x68: {  	vm2 =	vgt.s32 v9, $0xFFFFFFFF  }
0x69: {  	v10 =	vsel vm2, $0x1, v3  }
0x6a: {  	(xrf0) =	vadd.scan.msk.s32 $0xffff, v10;
	_ =	sdelay $0x5  }
0x6b: {  	v10, _, _ =	vpop (xrf0)  }
0x6c: {  	v11 =	vxor.u32 $0x80000000, v10  }
0x6d: {  	(xrf0) =	vmax.scan.msk.u32 $0xffff, v11  }
0x6e: {  	s4 =	spop (v2sf)  }
0x6f: {  	s3 =	sadd.s32 s4, s3  }
0x70: {  	v11 =	vsel vm2, $0xFFFFFFFF, v3  }
0x71: {  	v10 =	vadd.s32 v11, v10;
	s3 =	sadd.s32 $0x80000000, s3  }
0x72: {  	v10 =	vadd.s32 s3, v10  }
0x73: {  	v11, _, _ =	vpop (xrf0)  }
0x74: {  	(v2sf) =	vpush v11, $0xF;
	_ =	sdelay $0x2  }
0x75: {  	v11 =	vor.u32 s1, v4;
	[tilespmem:v10+s15+$0x0] =	vst.idx.msk vm2, v9  }
0x76: {  	s0 =	sadd.s32 $0x20, s0;
	[tilespmem:v10+s16+$0x0] =	vst.idx.msk vm2, v11  }
0x77: {  	v9 =	vld [tilespmem:s0+$0xFFFFFFF0];
	_ =	sdelay $0x4  }
0x78: {  	vm2 =	vgt.s32 v9, $0xFFFFFFFF  }
0x79: {  	v10 =	vsel vm2, $0xFFFFFFFF, v3;
	v11 =	vsel vm2, $0x1, v3  }
.Ltmp4:
0x7a: {  	(xrf0) =	vadd.scan.msk.s32 $0xffff, v11;
	(pc) =	sbr.rel @p0 .LBB2_6-.Ltmp4, $3  }
0x7b: {  	_ =	sdelay $0x1  }
0x7c: {  	s4 =	spop (v2sf)  }
0x7d: {  	s3 =	sadd.s32 s4, s3  }
0x7e: {  	s2 =	sadd.s32 $0x80000000, s3  }
0x7f: {  	v10 =	vadd.s32 s2, v10;
	v11, _, _ =	vpop (xrf0)  }
0x80: {  	v10 =	vadd.s32 v11, v10;
	_ =	sdelay $0x2  }
0x81: {  	s29 =	sadd.s32 $0x20, s1  }
0x82: {  	s1 =	sadd.s32 $0xFFFFFFF0, s29  }
0x83: {  	v12 =	vor.u32 s1, v4;
	[tilespmem:v10+s15+$0x0] =	vst.idx.msk vm2, v9  }
0x84: {  	[tilespmem:v10+s16+$0x0] =	vst.idx.msk vm2, v12  }
0x85: {  	v9 =	vld [tilespmem:s0+$0x0];
	_ =	sdelay $0x4  }
0x86: {  	v10 =	vxor.u32 $0x80000000, v11;
	vm2 =	vgt.s32 v9, $0xFFFFFFFF  }
0x87: {  	(xrf0) =	vmax.scan.msk.u32 $0xffff, v10;
	v10 =	vsel vm2, $0x1, v3  }
0x88: {  	(xrf0) =	vadd.scan.msk.s32 $0xffff, v10;
	_ =	sdelay $0x4  }
0x89: {  	v10, _, _ =	vpop (xrf0)  }
0x8a: {  	v11, _, _ =	vpop (xrf0)  }
0x8b: {  	v63 =	vxor.u32 $0x80000000, v11  }
0x8c: {  	(xrf0) =	vmax.scan.msk.u32 $0xffff, v63;
	_ =	sdelay $0x4  }
0x8d: {  	(v2sf) =	vpush v10, $0xF  }
0x8e: {  	v10, _, _ =	vpop (xrf0)  }
0x8f: {  	(v2sf) =	vpush v10, $0xF;
	_ =	sdelay $0xc  }
0x90: {  	s30 =	spop (v2sf)  }
0x91: {  	v10 =	vsel vm2, $0xFFFFFFFF, v3;
	s0 =	sadd.s32 s30, s2  }
0x92: {  	v10 =	vadd.s32 v10, v11;
	s0 =	sadd.s32 $0x80000000, s0;
	s31 =	spop (v2sf)  }
0x93: {  	v10 =	vadd.s32 s0, v10;
	s0 =	sadd.s32 s31, s0  }
0x94: {  	s1 =	sadd.s32 $0x80000000, s0  }
0x95: {  	p0 =	slt.s32 s1, $0x1  }
.Ltmp5:
0x96: {  	_ = 	snop;
	(pc) =	sbr.rel @p0 .LBB2_37-.Ltmp5, $3  }
0x97: {  	_ =	sdelay $0x1  }
0x98: {  	v11 =	vor.u32 s29, v4;
	[tilespmem:v10+s15+$0x0] =	vst.idx.msk vm2, v9  }
0x99: {  	s4 =	simm.s32 $0x0;
	[tilespmem:v10+s16+$0x0] =	vst.idx.msk vm2, v11  }
0x9a: {  	s0 =	sadd.s32 $0xF, s1  }
0x9b: {  	s2 =	sand.u32 $0xF, s0  }
0x9c: {  	s3 =	sshra.s32 s0, $0x1F;
	p0 =	slt.s32 s0, $0x0;
	p1 =	sne.s32 s2, $0x0  }
0x9d: {  	s31 =	sshrl.u32 s3, $0x1C;
	p0 =	por !p0, !p1  }
0x9e: {  	s2 =	simm.s32 $0x1;
	s0 =	sadd.s32 s31, s0;
	p0 =	por !p0, !p0  }
0x9f: {  	s0 =	sshra.s32 s0, $0x4;
	s2 =	simm.s32 @!p0 $0x0  }
0xa0: {  	s2 =	ssub.s32 s0, s2  }
0xa1: {  	v9 =	vld [tilespmem:$0x1FFF0];
	p0 =	slt.s32 s2, $0x1  }
.Ltmp6:
0xa2: {  	_ = 	snop;
	(pc) =	sbr.rel @p0 .LBB2_11-.Ltmp6, $4  }
0xa3: {  	_ = 	snop  }
0xa4: {  	vm3 =	vcmask $0x1B18;
	vm4 =	vcmask $0x300  }
0xa5: {  	vm5 =	vcmask $0x2320;
	vm6 =	vcmask $0x2B28;
	vm7 =	vcmask $0x3330  }
0xa6: {  	vm12 =	vcmask $0x3B38;
	vm14 =	vcmask $0x3734;
	vm13 =	vnez.u8 v9  }
0xa7: {  	v9 =	vmov s1;
	s3 =	simm.s32 $0xFA80;
	s5 =	simm.s32 $0x0  }
.LBB2_10:
0xa8: {  	v11 =	vld [tilespmem:s3+$0x0];
	_ =	sdelay $0x4  }
0xa9: {  	v10 =	vsub.s32 v11, v0  }
0xaa: {  	(v2sf) =	vpush v10, $0xD;
	_ =	sdelay $0x1  }
0xab: {  	(v2sf) =	vpush v10, $0xC;
	_ =	sdelay $0x1  }
0xac: {  	(v2sf) =	vpush v10, $0xE;
	_ =	sdelay $0x1  }
0xad: {  	(v2sf) =	vpush v10, $0xF;
	_ =	sdelay $0x1  }
0xae: {  	(v2sf) =	vpush v10, $0x9;
	_ =	sdelay $0x1  }
0xaf: {  	(v2sf) =	vpush v10, $0x8;
	_ =	sdelay $0x1  }
0xb0: {  	(v2sf) =	vpush v10, $0xA;
	_ =	sdelay $0x1  }
0xb1: {  	(v2sf) =	vpush v10, $0xB  }
0xb2: {  	(v2sf) =	vpush v10, $0x0;
	s1 =	spop (v2sf)  }
0xb3: {  	[dreg:$0x19] =	wrdreg s2;
	(v2sf) =	vpush v10, $0x1;
	s2 =	smulhi.u32 $0x2AAAAAAB, s1;
	s1 =	sshra.s32 s1, $0x1F  }
0xb4: {  	s4 =	spop (v2sf);
	s1 =	smul.u32 $0x2AAAAAAB, s1  }
0xb5: {  	s6 =	smulhi.u32 $0x2AAAAAAB, s4;
	s4 =	sshra.s32 s4, $0x1F  }
0xb6: {  	(v2sf) =	vpush v10, $0x2;
	s7 =	spop (v2sf);
	s4 =	smul.u32 $0x2AAAAAAB, s4  }
0xb7: {  	s9 =	smulhi.u32 $0x2AAAAAAB, s7;
	s7 =	sshra.s32 s7, $0x1F  }
0xb8: {  	(v2sf) =	vpush v10, $0x3;
	s8 =	spop (v2sf);
	s11 =	smul.u32 $0x2AAAAAAB, s7  }
0xb9: {  	s12 =	smulhi.u32 $0x2AAAAAAB, s8;
	s8 =	sshra.s32 s8, $0x1F  }
0xba: {  	(v2sf) =	vpush v10, $0x4;
	s10 =	spop (v2sf);
	s8 =	smul.u32 $0x2AAAAAAB, s8  }
0xbb: {  	s14 =	smulhi.u32 $0x2AAAAAAB, s10;
	s10 =	sshra.s32 s10, $0x1F  }
0xbc: {  	(v2sf) =	vpush v10, $0x5;
	s31 =	spop (v2sf);
	s10 =	smul.u32 $0x2AAAAAAB, s10  }
0xbd: {  	(v2sf) =	vpush v10, $0x6;
	s20 =	smulhi.u32 $0x2AAAAAAB, s31;
	s7 =	sshra.s32 s31, $0x1F  }
0xbe: {  	(v2sf) =	vpush v10, $0x7;
	s13 =	spop (v2sf);
	s24 =	smul.u32 $0x2AAAAAAB, s7  }
0xbf: {  	s26 =	smulhi.u32 $0x2AAAAAAB, s13;
	s0 =	sshra.s32 s13, $0x1F  }
0xc0: {  	s17 =	spop (v2sf);
	s28 =	smul.u32 $0x2AAAAAAB, s0  }
0xc1: {  	s18 =	spop (v2sf);
	s30 =	smulhi.u32 $0x2AAAAAAB, s17;
	s17 =	sshra.s32 s17, $0x1F  }
0xc2: {  	s0 =	sadd.s32 s1, s2;
	s19 =	spop (v2sf);
	s17 =	smul.u32 $0x2AAAAAAB, s17  }
0xc3: {  	s6 =	sadd.s32 s4, s6;
	[dreg:$0x1a] =	wrdreg s0;
	s31 =	smulhi.u32 $0x2AAAAAAB, s18  }
0xc4: {  	s4 =	sshra.s32 s18, $0x1F;
	s18 =	sshrl.u32 s0, $0x1F;
	s0 =	sshrl.u32 s6, $0x1F  }
0xc5: {  	s23 =	spop (v2sf);
	s1 =	smul.u32 $0x2AAAAAAB, s4;
	s4 =	sadd.s32 s11, s9  }
0xc6: {  	s9 =	smulhi.u32 $0x2AAAAAAB, s19;
	s11 =	sshra.s32 s19, $0x1F;
	s19 =	sadd.s32 s8, s12  }
0xc7: {  	s12 =	sadd.s32 s24, s20;
	s25 =	spop (v2sf);
	s8 =	smul.u32 $0x2AAAAAAB, s11  }
0xc8: {  	s11 =	sadd.s32 s10, s14;
	s10 =	smulhi.u32 $0x2AAAAAAB, s23;
	s14 =	sshra.s32 s23, $0x1F  }
0xc9: {  	s2 =	sshrl.u32 s4, $0x1F;
	s13 =	spop (v2sf);
	s20 =	smul.u32 $0x2AAAAAAB, s14  }
0xca: {  	s24 =	smulhi.u32 $0x2AAAAAAB, s25;
	s25 =	sshra.s32 s25, $0x1F;
	s1 =	sadd.s32 s1, s31  }
0xcb: {  	s25 =	smul.u32 $0x2AAAAAAB, s25;
	s31 =	sshra.s32 s13, $0x1F;
	s29 =	spop (v2sf)  }
0xcc: {  	s23 =	sshrl.u32 s19, $0x1F;
	s31 =	smul.u32 $0x2AAAAAAB, s31;
	s7 =	spop (v2sf)  }
0xcd: {  	v13 =	vmov s0;
	s17 =	sadd.s32 s17, s30;
	s0 =	smulhi.u32 $0x2AAAAAAB, s29;
	s30 =	spop (v2sf)  }
0xce: {  	s14 =	sadd.s32 s28, s26;
	s28 =	smulhi.u32 $0x2AAAAAAB, s30;
	s26 =	sshra.s32 s30, $0x1F  }
0xcf: {  	v13 =	vsel vm10, s18, v13;
	s8 =	sadd.s32 s8, s9;
	s18 =	sshra.s32 s29, $0x1F;
	s9 =	smul.u32 $0x2AAAAAAB, s26  }
0xd0: {  	v13 =	vsel vm11, s2, v13;
	s20 =	sadd.s32 s20, s10;
	s24 =	sadd.s32 s25, s24;
	s2 =	smul.u32 $0x2AAAAAAB, s18  }
0xd1: {  	s18 =	smulhi.u32 $0x2AAAAAAB, s7;
	s7 =	sshra.s32 s7, $0x1F;
	s10 =	sadd.s32 s9, s28  }
0xd2: {  	s26 =	smulhi.u32 $0x2AAAAAAB, s13;
	s13 =	sshrl.u32 s12, $0x1F;
	s25 =	sshra.s32 s10, $0x1F  }
0xd3: {  	vm2 =	vcmask $0x704;
	s30 =	sshrl.u32 s11, $0x1F;
	v15 =	vmov s13;
	s9 =	sshrl.u32 s14, $0x1F;
	v12 =	vmov s25;
	s25 =	sshra.s32 s1, $0x8  }
0xd4: {  	v13 =	vsel vm3, s23, v13;
	s26 =	sadd.s32 s31, s26;
	s31 =	sshrl.u32 s1, $0x1F;
	v15 =	vsel vm10, s30, v15;
	s1 =	sshra.s32 s1, $0x1F;
	v12 =	vsel vm4, s25, v12  }
0xd5: {  	s29 =	sshra.s32 s8, $0x8;
	s7 =	smul.u32 $0x2AAAAAAB, s7;
	v14 =	vmov s31;
	v15 =	vsel vm11, s9, v15;
	v12 =	vsel vm2, s1, v12  }
0xd6: {  	s30 =	sshra.s32 s6, $0x8;
	v14 =	vnsel vm4, $0x0, v14;
	s25 =	sshrl.u32 s8, $0x1F;
	s8 =	sshra.s32 s8, $0x1F;
	vm2 =	vcmask $0xF0C;
	v12 =	vsel vm10, s29, v12  }
0xd7: {  	s0 =	sadd.s32 s2, s0;
	s31 =	sshrl.u32 s20, $0x1F;
	v61 =	vmov s30;
	v14 =	vsel vm10, s25, v14;
	s25 =	sshra.s32 s20, $0x8;
	v12 =	vsel vm2, s8, v12  }
0xd8: {  	s28 =	sshrl.u32 s17, $0x1F;
	v14 =	vsel vm11, s31, v14;
	s29 =	sshrl.u32 s24, $0x1F;
	s31 =	sshra.s32 s20, $0x1F;
	vm2 =	vcmask $0x1714;
	v12 =	vsel vm11, s25, v12  }
0xd9: {  	s7 =	sadd.s32 s7, s18;
	s13 =	sshrl.u32 s26, $0x1F;
	v15 =	vsel vm3, s28, v15;
	s20 =	sshra.s32 s24, $0x8;
	v14 =	vsel vm3, s29, v14;
	v12 =	vsel vm2, s31, v12  }
0xda: {  	s23 =	sshrl.u32 s0, $0x1F;
	s28 =	sshrl.u32 s7, $0x1F;
	v14 =	vsel vm5, s13, v14;
	s25 =	sshra.s32 s24, $0x1F;
	vm2 =	vcmask $0x1F1C;
	v12 =	vsel vm3, s20, v12  }
0xdb: {  	v13 =	vcombine.low v15, v13;
	s29 =	sshra.s32 s26, $0x8;
	v14 =	vsel vm6, s23, v14;
	s31 =	sshra.s32 s12, $0x8;
	s12 =	rddreg [dreg:$0x1a];
	v12 =	vsel vm2, s25, v12  }
0xdc: {  	s9 =	sshra.s32 s26, $0x1F;
	v14 =	vsel vm7, s28, v14;
	s8 =	sshra.s32 s12, $0x8;
	vm2 =	vcmask $0x2724;
	v12 =	vsel vm5, s29, v12  }
0xdd: {  	s18 =	sshra.s32 s0, $0x8;
	s13 =	sshra.s32 s11, $0x8;
	v16 =	vmov s31;
	v15 =	vsel vm10, s8, v61;
	v12 =	vsel vm2, s9, v12  }
0xde: {  	s4 =	sshra.s32 s4, $0x8;
	s0 =	sshra.s32 s0, $0x1F;
	s20 =	sshra.s32 s14, $0x8;
	v16 =	vsel vm10, s13, v16;
	vm2 =	vcmask $0x2F2C;
	v12 =	vsel vm6, s18, v12  }
0xdf: {  	s24 =	sshra.s32 s17, $0x8;
	s23 =	sshra.s32 s19, $0x8;
	s25 =	sshra.s32 s7, $0x8;
	v15 =	vsel vm11, s4, v15;
	v16 =	vsel vm11, s20, v16;
	v12 =	vsel vm2, s0, v12  }
0xe0: {  	s26 =	sshrl.u32 s10, $0x1F;
	s29 =	sshra.s32 s7, $0x1F;
	v15 =	vsel vm3, s23, v15;
	v16 =	vsel vm3, s24, v16;
	v12 =	vsel vm7, s25, v12  }
0xe1: {  	s30 =	sshra.s32 s10, $0x8;
	v14 =	vsel vm12, s26, v14;
	v15 =	vcombine.low v16, v15;
	v12 =	vsel vm14, s29, v12  }
0xe2: {  	v13 =	vperm.xlane v13, v5;
	v14 =	vperm.xlane v14, v6;
	v12 =	vsel vm12, s30, v12  }
0xe3: {  	vm2 =	vne.s32 v11, v0;
	v15 =	vperm.xlane v15, v5;
	v12 =	vperm.xlane v12, v6  }
0xe4: {  	v11 =	vshra.s32 v10, $0x1F;
	v62 =	vsel vm2, $0x1, v3  }
0xe5: {  	v13 =	vsel vm13, v14, v13;
	v11 =	vor.u32 v62, v11;
	v12 =	vsel vm13, v12, v15  }
0xe6: {  	vm2 =	vne.s32 v11, $0x1;
	v11 =	vimm.s32 $0x0;
	v12 =	vadd.s32 v13, v12  }
0xe7: {  	v11 =	vsel vm2, $0xFFFFFFFF, v11;
	v63 =	vmul.u32 $0xFFFFFA00, v12  }
0xe8: {  	v10 =	vsub.s32 $0x0, v10;
	[tilespmem:$0x1FFE0] =	vst v11  }
0xe9: {  	vm2 =	vne.s32 v63, v10;
	v10 =	vld [tilespmem:$0x1FFE0];
	_ =	sdelay $0x4  }
0xea: {  	vm15 =	vnez.u8 v10  }
0xeb: {  	vm2 =	vmand vm2, vm15  }
0xec: {  	v10 =	vor.u32 s5, v4;
	v11 =	vsel vm2, $0xFFFFFFFF, v3  }
0xed: {  	s28 =	rddreg [dreg:$0x19];
	vm2 =	vlt.s32 v10, v9;
	v10 =	vadd.s32 v11, v12  }
0xee: {  	p0 =	sne.s32 s28, $0x1;
	v10 =	vnsel vm2, $0x3F, v10  }
.Ltmp7:
0xef: {  	_ = 	snop;
	(pc) =	sbr.rel @p0 .LBB2_10-.Ltmp7, $3  }
0xf0: {  	_ =	sdelay $0x1  }
0xf1: {  	s31 =	rddreg [dreg:$0x4]  }
0xf2: {  	s3 =	sadd.s32 $0x10, s3;
	s2 =	sadd.s32 $0xFFFFFFFF, s28;
	s5 =	sadd.s32 $0x10, s5;
	[tilespmem:v10+s31+$0x0] =	vst.idx.add.s32.msk vm2, v7  }
.LBB2_11:
0xf3: {  	v9 =	vld [tilespmem:$0x13A80];
	_ =	sdelay $0x4  }
0xf4: {  	(xrf0) =	vadd.scan.msk.s32 $0xffff, v9;
	_ =	sdelay $0x3  }
0xf5: {  	v10 =	vld [tilespmem:$0x13A90];
	_ =	sdelay $0x1  }
0xf6: {  	v11, _, _ =	vpop (xrf0)  }
0xf7: {  	v12 =	vxor.u32 $0x80000000, v11  }
0xf8: {  	(xrf0) =	vmax.scan.msk.u32 $0xffff, v12  }
0xf9: {  	(xrf0) =	vadd.scan.msk.s32 $0xffff, v10;
	_ =	sdelay $0x3  }
0xfa: {  	v61 =	vld [tilespmem:$0x13AA0]  }
0xfb: {  	v13, _, _ =	vpop (xrf0)  }
0xfc: {  	v14, _, _ =	vpop (xrf0)  }
0xfd: {  	v15 =	vxor.u32 $0x80000000, v14  }
0xfe: {  	(xrf0) =	vmax.scan.msk.u32 $0xffff, v15  }
0xff: {  	(xrf0) =	vadd.scan.msk.s32 $0xffff, v61;
	_ =	sdelay $0x4  }
0x100: {  	v15, _, _ =	vpop (xrf0)  }
0x101: {  	v16, _, _ =	vpop (xrf0)  }
0x102: {  	v17 =	vxor.u32 $0x80000000, v16  }
0x103: {  	(xrf0) =	vmax.scan.msk.u32 $0xffff, v17;
	_ =	sdelay $0x3  }
0x104: {  	(v2sf) =	vpush v13, $0xF  }
0x105: {  	(v2sf) =	vpush v15, $0xF  }
0x106: {  	v62, _, _ =	vpop (xrf0)  }
0x107: {  	(v2sf) =	vpush v62, $0xF;
	_ =	sdelay $0x5  }
0x108: {  	v63 =	vld [tilespmem:$0x13AB0];
	_ =	sdelay $0x4  }
0x109: {  	(xrf0) =	vadd.scan.msk.s32 $0xffff, v63  }
0x10a: {  	s0 =	spop (v2sf)  }
0x10b: {  	v9 =	vsub.s32 v11, v9;
	[tilespmem:$0x13B00] =	vst v11;
	s0 =	sxor.u32 $0x80000000, s0;
	s1 =	spop (v2sf)  }
0x10c: {  	[tilespmem:$0x13AC0] =	vst v9;
	v9 =	vadd.s32 s0, v14;
	s0 =	sadd.s32 s1, s0  }
0x10d: {  	v10 =	vsub.s32 v9, v10;
	[tilespmem:$0x13B10] =	vst v9;
	s0 =	sadd.s32 $0x80000000, s0;
	s30 =	spop (v2sf)  }
.Ltmp8:
0x10e: {  	[tilespmem:$0x13AD0] =	vst v10;
	v10 =	vadd.s32 s0, v16;
	s0 =	sadd.s32 s30, s0;
	(pc) =	sbr.rel .LBB2_12-.Ltmp8, $4  }
0x10f: {  	v11, _, _ =	vpop (xrf0);
	v9 =	vsub.s32 v10, v61;
	[tilespmem:$0x13B20] =	vst v10;
	s0 =	sadd.s32 $0x80000000, s0  }
0x110: {  	s2 =	rddreg [dreg:$0xc];
	[tilespmem:$0x13AE0] =	vst v9;
	v9 =	vadd.s32 s0, v11  }
0x111: {  	s3 =	simm.s32 $0x0;
	s31 =	rddreg [dreg:$0x9];
	v10 =	vsub.s32 v9, v63;
	[tilespmem:$0x13B30] =	vst v9  }
0x112: {  	s4 =	simm.s32 $0x0;
	s5 =	simm.s32 $0x2;
	[dreg:$0x10] =	wrdreg s31;
	[tilespmem:$0x13AF0] =	vst v10  }
.LBB2_40:
0x113: {  	s0 =	rddreg [dreg:$0x14]  }
0x114: {  	s1 =	rddreg [dreg:$0x8];
	s0 =	sshll.u32 s0, $0x8  }
0x115: {  	s4 =	simm.s32 $0x0;
	s5 =	simm.s32 $0x2;
	s0 =	sadd.s32 s1, s0  }
0x116: {  	[hbm4b:s0+s4] =	stream.linear.scatter [tilespmem:s22], [sflag:$0x2], $0x6000, $0x38;
	[tilespmem:$0x1A3C0] =	vst v63  }
0x117: {  	_ =	swait.ge [sflag:s5], $0x6000  }
0x118: {  	[sflag:s5] =	ssyncset.done $0x0;
	s3 =	rddreg [dreg:$0xe]  }
0x119: {  	s2 =	rddreg [dreg:$0xf];
	[sflag:s5] =	ssyncadd.s32 $0xFFFFA000  }
.LBB2_36:
0x11a: {  	s3 =	sadd.s32 $0x1, s3  }
0x11b: {  	p0 =	sne.s32 s3, $0x15  }
.Ltmp9:
0x11c: {  	_ = 	snop;
	(pc) =	sbr.rel @!p0 .LBB2_37-.Ltmp9, $4  }
0x11d: {  	_ = 	snop  }
0x11e: {  	s0 =	rddreg [dreg:$0x10]  }
0x11f: {  	s0 =	sadd.s32 $0xFFFFFFF4, s0  }
0x120: {  	s2 =	sadd.s32 $0xC00, s2;
	[dreg:$0x10] =	wrdreg s0  }
.LBB2_12:
0x121: {  	s0 =	sand.u32 $0x10, s3  }
0x122: {  	v9 =	vld [tilespmem:s0+$0x13AC0]  }
0x123: {  	v10 =	vld [tilespmem:s0+$0x13B00];
	_ =	sdelay $0x1  }
0x124: {  	s31 =	sand.u32 $0xF, s3  }
0x125: {  	v11 =	vmov s31  }
0x126: {  	vm2 =	veq.s32 v11, v4;
	v9 =	vxor.u32 $0x80000000, v9  }
0x127: {  	v10 =	vxor.u32 $0x80000000, v10;
	v9 =	vnsel vm2, $0x0, v9  }
0x128: {  	(xrf0) =	vmax.scan.msk.u32 $0xffff, v9;
	v9 =	vnsel vm2, $0x0, v10  }
0x129: {  	(xrf0) =	vmax.scan.msk.u32 $0xffff, v9;
	_ =	sdelay $0x4  }
0x12a: {  	v9, _, _ =	vpop (xrf0)  }
0x12b: {  	(v2sf) =	vpush v9, $0xF;
	v9, _, _ =	vpop (xrf0)  }
0x12c: {  	(v2sf) =	vpush v9, $0xF;
	_ =	sdelay $0xd  }
0x12d: {  	s1 =	spop (v2sf)  }
0x12e: {  	s0 =	spop (v2sf)  }
0x12f: {  	s1 =	sxor.u32 $0x80000000, s1;
	s6 =	sxor.u32 $0x80000000, s0  }
0x130: {  	p0 =	sle.s32 s6, s1  }
.Ltmp10:
0x131: {  	_ = 	snop;
	(pc) =	sbr.rel @p0 .LBB2_36-.Ltmp10, $3  }
0x132: {  	_ =	sdelay $0x1  }
0x133: {  	[dreg:$0x11] =	wrdreg s1  }
0x134: {  	[dreg:$0x13] =	wrdreg s6  }
0x135: {  	s1 =	smul.u32 $0xC, s3;
	s30 =	rddreg [dreg:$0x5]  }
0x136: {  	s31 =	rddreg [dreg:$0x6]  }
0x137: {  	s6 =	sadd.s32 s30, s1;
	s1 =	rddreg [dreg:$0x10]  }
0x138: {  	p0 =	sgt.s32 s1, $0x1;
	s7 =	ssub.s32 s31, s6  }
0x139: {  	s1 =	simm.s32 @!p0 $0x1;
	p0 =	sgt.s32 s7, $0xB  }
.Ltmp11:
0x13a: {  	[dreg:$0xf] =	wrdreg s2;
	(pc) =	sbr.rel @p0 .LBB2_39-.Ltmp11, $4  }
0x13b: {  	[dreg:$0xe] =	wrdreg s3;
	s2 =	smov.u32 s6  }
0x13c: {  	[dreg:$0x14] =	wrdreg s2  }
0x13d: {  	[dreg:$0x15] =	wrdreg s7;
	s1 =	smin.u32 s1, $0xC  }
0x13e: {  	[dreg:$0x12] =	wrdreg s1  }
0x13f: {  	p1 =	sgt.s32 s7, $0x0  }
.Ltmp12:
0x140: {  	_ = 	snop;
	(pc) =	sbr.rel @!p1 .LBB2_18-.Ltmp12, $2  }
0x141: {  	_ =	sdelay $0x2  }
0x142: {  	s1 =	simm.s32 $0x143C0  }
0x143: {  	s2 =	rddreg [dreg:$0x12]  }
0x144: {  	p1 =	sne.s32 s2, $0x1  }
.Ltmp13:
0x145: {  	_ = 	snop;
	(pc) =	sbr.rel @!p1 .LBB2_17-.Ltmp13, $4  }
0x146: {  	s3 =	rddreg [dreg:$0xf]  }
0x147: {  	[tilespmem:s1], [sflag:$0x2] =	stream.linear.gather [hbm4b:s3+s4], $0x800, $0x38;
	[tilespmem:$0x1A3C0] =	vst v63  }
0x148: {  	_ =	swait.ge [sflag:s5], $0x800  }
0x149: {  	s2 =	sadd.s32 $0xFFFFFFFF, s2;
	[sflag:s5] =	ssyncset.done $0x0  }
.LBB2_16:
0x14a: {  	[sflag:s5] =	ssyncadd.s32 $0xFFFFF800  }
0x14b: {  	s1 =	sadd.s32 $0x800, s1;
	s3 =	sadd.s32 $0x100, s3;
	p1 =	sne.s32 s2, $0x1  }
.Ltmp14:
0x14c: {  	s2 =	sadd.s32 $0xFFFFFFFF, s2;
	(pc) =	sbr.rel @p1 .LBB2_16-.Ltmp14, $4  }
0x14d: {  	_ = 	snop  }
0x14e: {  	[tilespmem:s1], [sflag:$0x2] =	stream.linear.gather [hbm4b:s3+s4], $0x800, $0x38;
	[tilespmem:$0x1A3C0] =	vst v63  }
0x14f: {  	_ =	swait.ge [sflag:s5], $0x800  }
0x150: {  	[sflag:s5] =	ssyncset.done $0x0  }
.LBB2_17:
.Ltmp15:
0x151: {  	(pc) =	sbr.rel .LBB2_18-.Ltmp15, $2  }
0x152: {  	_ =	sdelay $0x2  }
0x153: {  	[sflag:s5] =	ssyncadd.s32 $0xFFFFF800  }
.LBB2_39:
0x154: {  	s1 =	sshll.u32 s2, $0x8;
	s31 =	rddreg [dreg:$0x8]  }
0x155: {  	s1 =	sadd.s32 s31, s1  }
0x156: {  	[tilespmem:s22], [sflag:$0x2] =	stream.linear.gather [hbm4b:s1+s4], $0x6000, $0x38;
	[tilespmem:$0x1A3C0] =	vst v63  }
0x157: {  	_ =	swait.ge [sflag:s5], $0x6000  }
0x158: {  	[sflag:s5] =	ssyncset.done $0x0  }
0x159: {  	[sflag:s5] =	ssyncadd.s32 $0xFFFFA000  }
.LBB2_18:
0x15a: {  	s1 =	rddreg [dreg:$0x11]  }
0x15b: {  	s2 =	rddreg [dreg:$0x13]  }
0x15c: {  	s1 =	ssub.s32 s2, s1  }
0x15d: {  	s1 =	sadd.s32 $0x7F, s1  }
0x15e: {  	s30 =	sand.u32 $0x7F, s1  }
0x15f: {  	s3 =	sshra.s32 s1, $0x1F;
	p1 =	slt.s32 s1, $0x1;
	p2 =	sne.s32 s30, $0x0  }
0x160: {  	s31 =	sshrl.u32 s3, $0x19;
	p1 =	por !p1, !p2  }
0x161: {  	s2 =	simm.s32 $0x1;
	s1 =	sadd.s32 s31, s1;
	p1 =	por !p1, !p1  }
0x162: {  	s1 =	sshra.s32 s1, $0x7;
	s2 =	simm.s32 @!p1 $0x0  }
0x163: {  	s1 =	ssub.s32 s1, s2  }
0x164: {  	p1 =	slt.s32 s1, $0x1  }
.Ltmp16:
0x165: {  	_ = 	snop;
	(pc) =	sbr.rel @p1 .LBB2_31-.Ltmp16, $2  }
0x166: {  	_ =	sdelay $0x2  }
0x167: {  	[dreg:$0x16] =	wrdreg s1  }
.Ltmp17:
0x168: {  	s1 =	rddreg [dreg:$0xe];
	(pc) =	sbr.rel .LBB2_20-.Ltmp17, $4  }
0x169: {  	s1 =	smul.u32 $0x600, s1  }
0x16a: {  	s2 =	rddreg [dreg:$0x7]  }
0x16b: {  	s0 =	sadd.s32 $0x7FFFFFFF, s0;
	s1 =	sadd.s32 s2, s1  }
0x16c: {  	s20 =	simm.s32 $0x0;
	s23 =	rddreg [dreg:$0x11];
	v9 =	vmov s0;
	v10 =	vmov s1  }
.LBB2_24:
0x16d: {  	vm13 =	vcmask $0xB10  }
.LBB2_29:
0x16e: {  	_ =	sdelay $0x2  }
0x16f: {  	v58 =	vsel vm13, $0x80000000, v15;
	vm14 =	vcmask $0xF14  }
0x170: {  	[tilespmem:v17+s22+$0x0] =	vst.idx.msk @p1 $0xffff, v18;
	vm15 =	vcmask $0x1318;
	vm3 =	vcmask $0x171C;
	vm4 =	vcmask $0x1B20  }
0x171: {  	vm5 =	vcmask $0x1F24;
	vm6 =	vcmask $0x2328;
	vm7 =	vcmask $0x272C;
	v11 =	vld.idx.msk [tilespmem:v16+s16+$0x0], $0xffff  }
0x172: {  	vm12 =	vcmask $0x2B30;
	v29 =	vsel vm8, $0x80000000, v15;
	v31 =	vsel vm0, $0x80000000, v15  }
0x173: {  	v34 =	vsel vm1, $0x80000000, v15;
	v59 =	vsel vm14, $0x80000000, v15;
	v16 =	vxor.u32 $0x80000000, v58  }
0x174: {  	v60 =	vsel vm15, $0x80000000, v15;
	v19 =	vsel vm3, $0x80000000, v15;
	v17 =	vxor.u32 $0x80000000, v59;
	(xrf0) =	vmax.scan.msk.u32 $0xffff, v16  }
0x175: {  	v20 =	vsel vm4, $0x80000000, v15;
	v61 =	vsel vm5, $0x80000000, v15;
	v18 =	vxor.u32 $0x80000000, v60;
	(xrf0) =	vmax.scan.msk.u32 $0xffff, v17  }
0x176: {  	v62 =	vsel vm6, $0x80000000, v15;
	v19 =	vxor.u32 $0x80000000, v19;
	(xrf0) =	vmax.scan.msk.u32 $0xffff, v18;
	v63 =	vsub.s32 v11, v10  }
0x177: {  	v21 =	vsel vm7, $0x80000000, v15;
	v20 =	vxor.u32 $0x80000000, v20;
	(xrf0) =	vmax.scan.msk.u32 $0xffff, v19;
	v27 =	vshra.s32 v63, $0x1F  }
0x178: {  	v22 =	vsel vm12, $0x80000000, v15;
	v16 =	vxor.u32 $0x80000000, v61;
	(xrf0) =	vmax.scan.msk.u32 $0xffff, v20;
	v28 =	vshrl.u32 v27, $0x19  }
0x179: {  	v17 =	vxor.u32 $0x80000000, v62;
	vm10 =	vne.s32 v11, v10;
	(xrf0) =	vmax.scan.msk.u32 $0xffff, v16;
	v11 =	vadd.s32 v28, v63  }
0x17a: {  	v21 =	vxor.u32 $0x80000000, v21;
	v30 =	vsel vm10, $0x1, v3;
	v23, _, _ =	vpop (xrf0);
	(xrf0) =	vmax.scan.msk.u32 $0xffff, v17;
	v11 =	vshra.s32 v11, $0x7  }
0x17b: {  	v22 =	vxor.u32 $0x80000000, v22;
	v19 =	vor.u32 v30, v27;
	v32, _, _ =	vpop (xrf0);
	(xrf0) =	vmax.scan.msk.u32 $0xffff, v21;
	v33 =	vshll.u32 v11, $0x7  }
0x17c: {  	v16 =	vxor.u32 $0x80000000, v29;
	vm10 =	vne.s32 v19, $0x1;
	v24, _, _ =	vpop (xrf0);
	(xrf0) =	vmax.scan.msk.u32 $0xffff, v22;
	vm11 =	vne.s32 v63, v33  }
0x17d: {  	v37 =	vsel vm2, $0x80000000, v15;
	v17 =	vxor.u32 $0x80000000, v31;
	v35, _, _ =	vpop (xrf0);
	(xrf0) =	vmax.scan.msk.u32 $0xffff, v16;
	vm10 =	vmand vm11, vm10  }
0x17e: {  	v36 =	vxor.u32 $0x80000000, v34;
	(v2sf) =	vpush v23, $0xF;
	v38, _, _ =	vpop (xrf0);
	(xrf0) =	vmax.scan.msk.u32 $0xffff, v17;
	v39 =	vsel vm10, $0xFFFFFFFF, v3  }
0x17f: {  	v15 =	vxor.u32 $0x80000000, v37;
	(v2sf) =	vpush v32, $0xF;
	v40, _, _ =	vpop (xrf0);
	(xrf0) =	vmax.scan.msk.u32 $0xffff, v36;
	v11 =	vadd.s32 v39, v11  }
0x180: {  	v43 =	vand.u32 $0x7F, v63;
	(v2sf) =	vpush v24, $0xF;
	v41, _, _ =	vpop (xrf0);
	(xrf0) =	vmax.scan.msk.u32 $0xffff, v15;
	v11 =	vshll.u32 v11, $0xB  }
0x181: {  	(v2sf) =	vpush v35, $0xF;
	(xrf0) =	vmax.scan.msk.u32 $0xffff, v14;
	v42, _, _ =	vpop (xrf0);
	v15 =	vor.u32 v43, v11  }
0x182: {  	(v2sf) =	vpush v38, $0xF;
	v44, _, _ =	vpop (xrf0);
	v11 =	vnsel vm9, $0x80000000, v15  }
0x183: {  	(v2sf) =	vpush v40, $0xF;
	vm10 =	vcmask $0x308;
	v45, _, _ =	vpop (xrf0);
	v11 =	vxor.u32 $0x80000000, v11  }
0x184: {  	(v2sf) =	vpush v41, $0xF;
	(xrf0) =	vmax.scan.msk.u32 $0xffff, v13;
	v14, _, _ =	vpop (xrf0);
	v46 =	vsel vm10, $0x80000000, v15;
	vm10 =	vcmask $0x70C  }
0x185: {  	(v2sf) =	vpush v42, $0xF;
	v47 =	vsel vm10, $0x80000000, v15;
	v13, _, _ =	vpop (xrf0);
	v16 =	vxor.u32 $0x80000000, v46;
	(xrf0) =	vmax.scan.msk.u32 $0xffff, v11  }
0x186: {  	(v2sf) =	vpush v44, $0xF;
	v48 =	vsel vm13, $0x80000000, v15;
	v17 =	vxor.u32 $0x80000000, v47;
	v11, _, _ =	vpop (xrf0);
	(xrf0) =	vmax.scan.msk.u32 $0xffff, v16  }
0x187: {  	(v2sf) =	vpush v45, $0xF;
	v49 =	vsel vm14, $0x80000000, v15;
	v18 =	vxor.u32 $0x80000000, v48;
	v50, _, _ =	vpop (xrf0);
	(xrf0) =	vmax.scan.msk.u32 $0xffff, v17  }
0x188: {  	v51 =	vsel vm15, $0x80000000, v15;
	v16 =	vxor.u32 $0x80000000, v49;
	(v2sf) =	vpush v50, $0xF;
	(xrf0) =	vmax.scan.msk.u32 $0xffff, v18  }
0x189: {  	v52 =	vsel vm3, $0x80000000, v15;
	v17 =	vxor.u32 $0x80000000, v51;
	(xrf0) =	vmax.scan.msk.u32 $0xffff, v16  }
0x18a: {  	v53 =	vsel vm4, $0x80000000, v15;
	v18 =	vxor.u32 $0x80000000, v52;
	v54, _, _ =	vpop (xrf0);
	(xrf0) =	vmax.scan.msk.u32 $0xffff, v17  }
0x18b: {  	v16 =	vxor.u32 $0x80000000, v53;
	(v2sf) =	vpush v54, $0xF;
	v55, _, _ =	vpop (xrf0);
	(xrf0) =	vmax.scan.msk.u32 $0xffff, v18  }
0x18c: {  	(v2sf) =	vpush v55, $0xF;
	v56, _, _ =	vpop (xrf0);
	(xrf0) =	vmax.scan.msk.u32 $0xffff, v16  }
0x18d: {  	s7 =	spop (v2sf);
	(v2sf) =	vpush v56, $0xF;
	v57, _, _ =	vpop (xrf0);
	(xrf0) =	vmax.scan.msk.u32 $0xffff, v12  }
0x18e: {  	s8 =	spop (v2sf);
	(v2sf) =	vpush v57, $0xF;
	v58, _, _ =	vpop (xrf0)  }
0x18f: {  	s9 =	spop (v2sf);
	(v2sf) =	vpush v58, $0xF;
	v59, _, _ =	vpop (xrf0)  }
0x190: {  	s6 =	spop (v2sf);
	(v2sf) =	vpush v59, $0xF;
	v60, _, _ =	vpop (xrf0)  }
0x191: {  	s5 =	spop (v2sf);
	(v2sf) =	vpush v60, $0xF;
	v61, _, _ =	vpop (xrf0)  }
0x192: {  	s3 =	spop (v2sf);
	(v2sf) =	vpush v61, $0xF;
	v62, _, _ =	vpop (xrf0)  }
0x193: {  	s0 =	spop (v2sf);
	v63, _, _ =	vpop (xrf0);
	(v2sf) =	vpush v62, $0xF  }
0x194: {  	s4 =	spop (v2sf);
	(v2sf) =	vpush v63, $0xF  }
0x195: {  	s2 =	spop (v2sf)  }
0x196: {  	s1 =	spop (v2sf)  }
0x197: {  	s10 =	spop (v2sf)  }
0x198: {  	s10 =	sshll.u32 s10, $0x4  }
0x199: {  	v19 =	vor.u32 s10, v4  }
0x19a: {  	s29 =	spop (v2sf)  }
0x19b: {  	s11 =	spop (v2sf)  }
0x19c: {  	s12 =	spop (v2sf)  }
0x19d: {  	s11 =	sxor.u32 $0x80000000, s11;
	s13 =	spop (v2sf)  }
0x19e: {  	s10 =	sshll.u32 s29, $0x4;
	v20 =	vadd.s32 s11, v8;
	v12 =	vld.idx.msk [tilespmem:v19+s21+$0x0], $0xffff;
	s30 =	spop (v2sf)  }
0x19f: {  	v21 =	vor.u32 s10, v4;
	s31 =	spop (v2sf)  }
0x1a0: {  	s14 =	spop (v2sf)  }
0x1a1: {  	s17 =	spop (v2sf)  }
0x1a2: {  	s18 =	spop (v2sf)  }
0x1a3: {  	s12 =	sxor.u32 $0x80000000, s12;
	[tilespmem:v20+s22+$0x0] =	vst.idx.msk $0xffff, v12;
	s19 =	spop (v2sf)  }
0x1a4: {  	v22 =	vadd.s32 s12, v8;
	v16 =	vld.idx.msk [tilespmem:v21+s21+$0x0], $0xffff;
	s19 =	sshll.u32 s19, $0x4  }
0x1a5: {  	v23 =	vor.u32 s19, v4;
	_ =	sdelay $0x3  }
0x1a6: {  	s24 =	sxor.u32 $0x80000000, s13;
	[tilespmem:v22+s22+$0x0] =	vst.idx.msk $0xffff, v16  }
0x1a7: {  	s7 =	sshll.u32 s7, $0x4;
	v24 =	vadd.s32 s24, v8;
	v16 =	vld.idx.msk [tilespmem:v23+s21+$0x0], $0xffff  }
0x1a8: {  	v25 =	vor.u32 s7, v4;
	_ =	sdelay $0x3  }
0x1a9: {  	s25 =	sxor.u32 $0x80000000, s30;
	[tilespmem:v24+s22+$0x0] =	vst.idx.msk $0xffff, v16  }
0x1aa: {  	s26 =	sshll.u32 s8, $0x4;
	v26 =	vadd.s32 s25, v8;
	v16 =	vld.idx.msk [tilespmem:v25+s21+$0x0], $0xffff  }
0x1ab: {  	v27 =	vor.u32 s26, v4;
	_ =	sdelay $0x2  }
0x1ac: {  	v28 =	vsel vm5, $0x80000000, v15  }
0x1ad: {  	v18 =	vxor.u32 $0x80000000, v28;
	s28 =	sxor.u32 $0x80000000, s31;
	[tilespmem:v26+s22+$0x0] =	vst.idx.msk $0xffff, v16  }
0x1ae: {  	(xrf0) =	vmax.scan.msk.u32 $0xffff, v18;
	s29 =	sshll.u32 s9, $0x4;
	v29 =	vadd.s32 s28, v8;
	v16 =	vld.idx.msk [tilespmem:v27+s21+$0x0], $0xffff  }
0x1af: {  	v30 =	vor.u32 s29, v4;
	_ =	sdelay $0x2  }
0x1b0: {  	v31 =	vsel vm6, $0x80000000, v15  }
0x1b1: {  	v18 =	vxor.u32 $0x80000000, v31;
	s30 =	sxor.u32 $0x80000000, s14;
	[tilespmem:v29+s22+$0x0] =	vst.idx.msk $0xffff, v16  }
0x1b2: {  	s6 =	sshll.u32 s6, $0x4;
	(xrf0) =	vmax.scan.msk.u32 $0xffff, v18;
	v33, _, _ =	vpop (xrf0);
	v32 =	vadd.s32 s30, v8;
	v17 =	vld.idx.msk [tilespmem:v30+s21+$0x0], $0xffff  }
0x1b3: {  	v34 =	vor.u32 s6, v4;
	(v2sf) =	vpush v33, $0xF;
	_ =	sdelay $0x2  }
0x1b4: {  	v35 =	vsel vm7, $0x80000000, v15  }
0x1b5: {  	s31 =	sxor.u32 $0x80000000, s17;
	v16 =	vxor.u32 $0x80000000, v35;
	[tilespmem:v32+s22+$0x0] =	vst.idx.msk $0xffff, v17  }
0x1b6: {  	s5 =	sshll.u32 s5, $0x4;
	v37, _, _ =	vpop (xrf0);
	v36 =	vadd.s32 s31, v8;
	(xrf0) =	vmax.scan.msk.u32 $0xffff, v16;
	v17 =	vld.idx.msk [tilespmem:v34+s21+$0x0], $0xffff  }
0x1b7: {  	v38 =	vor.u32 s5, v4;
	(v2sf) =	vpush v37, $0xF;
	_ =	sdelay $0x2  }
0x1b8: {  	v39 =	vsel vm12, $0x80000000, v15  }
0x1b9: {  	s6 =	sxor.u32 $0x80000000, s18;
	v16 =	vxor.u32 $0x80000000, v39;
	[tilespmem:v36+s22+$0x0] =	vst.idx.msk $0xffff, v17  }
0x1ba: {  	s3 =	sshll.u32 s3, $0x4;
	v40 =	vadd.s32 s6, v8;
	(xrf0) =	vmax.scan.msk.u32 $0xffff, v16;
	v41, _, _ =	vpop (xrf0);
	v17 =	vld.idx.msk [tilespmem:v38+s21+$0x0], $0xffff  }
0x1bb: {  	v42 =	vsel vm8, $0x80000000, v15;
	v43 =	vor.u32 s3, v4;
	(v2sf) =	vpush v41, $0xF  }
0x1bc: {  	v44 =	vsel vm0, $0x80000000, v15;
	v18 =	vxor.u32 $0x80000000, v42  }
0x1bd: {  	v45 =	vsel vm1, $0x80000000, v15;
	v19 =	vxor.u32 $0x80000000, v44;
	(xrf0) =	vmax.scan.msk.u32 $0xffff, v18  }
0x1be: {  	v15 =	vsel vm2, $0x80000000, v15;
	v46 =	vxor.u32 $0x80000000, v45;
	s7 =	spop (v2sf);
	(xrf0) =	vmax.scan.msk.u32 $0xffff, v19  }
0x1bf: {  	v15 =	vxor.u32 $0x80000000, v15;
	s3 =	sxor.u32 $0x80000000, s7;
	(xrf0) =	vmax.scan.msk.u32 $0xffff, v46;
	[tilespmem:v40+s22+$0x0] =	vst.idx.msk $0xffff, v17  }
0x1c0: {  	s0 =	sshll.u32 s0, $0x4;
	v49 =	vadd.s32 s3, v8;
	(xrf0) =	vmax.scan.msk.u32 $0xffff, v15;
	v47, _, _ =	vpop (xrf0);
	v48 =	vld.idx.msk [tilespmem:v43+s21+$0x0], $0xffff  }
0x1c1: {  	v50 =	vor.u32 s0, v4;
	(v2sf) =	vpush v47, $0xF;
	_ =	sdelay $0x1  }
0x1c2: {  	v51, _, _ =	vpop (xrf0)  }
0x1c3: {  	s8 =	spop (v2sf);
	(v2sf) =	vpush v51, $0xF;
	v52, _, _ =	vpop (xrf0)  }
0x1c4: {  	s0 =	sxor.u32 $0x80000000, s8;
	(v2sf) =	vpush v52, $0xF;
	v53, _, _ =	vpop (xrf0);
	[tilespmem:v49+s22+$0x0] =	vst.idx.msk $0xffff, v48  }
0x1c5: {  	s9 =	sshll.u32 s4, $0x4;
	v55 =	vadd.s32 s0, v8;
	(v2sf) =	vpush v53, $0xF;
	v54, _, _ =	vpop (xrf0);
	v12 =	vld.idx.msk [tilespmem:v50+s21+$0x0], $0xffff  }
0x1c6: {  	v56 =	vor.u32 s9, v4;
	(v2sf) =	vpush v54, $0xF  }
0x1c7: {  	(v2sf) =	vpush v14, $0xF;
	_ =	sdelay $0x1  }
0x1c8: {  	s10 =	spop (v2sf)  }
0x1c9: {  	s0 =	sxor.u32 $0x80000000, s10;
	[tilespmem:v55+s22+$0x0] =	vst.idx.msk $0xffff, v12  }
0x1ca: {  	s2 =	sshll.u32 s2, $0x4;
	v57 =	vadd.s32 s0, v8;
	v12 =	vld.idx.msk [tilespmem:v56+s21+$0x0], $0xffff  }
0x1cb: {  	v58 =	vor.u32 s2, v4  }
0x1cc: {  	(v2sf) =	vpush v13, $0xF;
	_ =	sdelay $0x1  }
0x1cd: {  	s11 =	spop (v2sf)  }
0x1ce: {  	s0 =	sxor.u32 $0x80000000, s11;
	[tilespmem:v57+s22+$0x0] =	vst.idx.msk $0xffff, v12  }
0x1cf: {  	s1 =	sshll.u32 s1, $0x4;
	v59 =	vadd.s32 s0, v8;
	v12 =	vld.idx.msk [tilespmem:v58+s21+$0x0], $0xffff  }
0x1d0: {  	v60 =	vor.u32 s1, v4;
	s12 =	spop (v2sf)  }
0x1d1: {  	(v2sf) =	vpush v11, $0xF;
	s13 =	spop (v2sf)  }
0x1d2: {  	s14 =	spop (v2sf)  }
0x1d3: {  	s17 =	spop (v2sf)  }
0x1d4: {  	s0 =	sxor.u32 $0x80000000, s12;
	s18 =	spop (v2sf);
	[tilespmem:v59+s22+$0x0] =	vst.idx.msk $0xffff, v12  }
0x1d5: {  	v11 =	vadd.s32 s0, v8;
	s19 =	sshll.u32 s18, $0x4;
	v12 =	vld.idx.msk [tilespmem:v60+s21+$0x0], $0xffff  }
0x1d6: {  	v61 =	vor.u32 s19, v4;
	_ =	sdelay $0x3  }
0x1d7: {  	s24 =	sxor.u32 $0x80000000, s13;
	s25 =	spop (v2sf);
	[tilespmem:v11+s22+$0x0] =	vst.idx.msk $0xffff, v12  }
0x1d8: {  	s26 =	sshll.u32 s25, $0x4;
	v11 =	vadd.s32 s24, v8;
	v12 =	vld.idx.msk [tilespmem:v61+s21+$0x0], $0xffff  }
0x1d9: {  	v62 =	vor.u32 s26, v4;
	_ =	sdelay $0x3  }
0x1da: {  	s28 =	sxor.u32 $0x80000000, s14;
	s29 =	spop (v2sf);
	[tilespmem:v11+s22+$0x0] =	vst.idx.msk $0xffff, v12  }
0x1db: {  	s30 =	sshll.u32 s29, $0x4;
	v11 =	vadd.s32 s28, v8;
	v12 =	vld.idx.msk [tilespmem:v62+s21+$0x0], $0xffff  }
0x1dc: {  	v63 =	vor.u32 s30, v4;
	_ =	sdelay $0x3  }
0x1dd: {  	s31 =	sxor.u32 $0x80000000, s17;
	[tilespmem:v11+s22+$0x0] =	vst.idx.msk $0xffff, v12  }
0x1de: {  	v11 =	vadd.s32 s31, v8;
	v12 =	vld.idx.msk [tilespmem:v63+s21+$0x0], $0xffff;
	_ =	sdelay $0x4  }
0x1df: {  	vm11 =	vcmask $0x1310;
	vm10 =	vcmask $0xB08;
	[tilespmem:v11+s22+$0x0] =	vst.idx.msk $0xffff, v12  }
.LBB2_30:
0x1e0: {  	s20 =	sadd.s32 $0x1, s20;
	s0 =	rddreg [dreg:$0x16]  }
0x1e1: {  	p1 =	sne.s32 s20, s0  }
.Ltmp18:
0x1e2: {  	_ = 	snop;
	(pc) =	sbr.rel @!p1 .LBB2_31-.Ltmp18, $2  }
0x1e3: {  	_ =	sdelay $0x2  }
0x1e4: {  	s23 =	sadd.s32 $0x80, s23  }
.LBB2_20:
0x1e5: {  	v11 =	vadd.s32 s23, v4  }
0x1e6: {  	vm2 =	vlt.s32 v11, v9  }
0x1e7: {  	v16 =	vsel vm2, v11, v9;
	_ =	sdelay $0x2  }
0x1e8: {  	s0 =	sshll.u32 s20, $0x7  }
0x1e9: {  	s1 =	rddreg [dreg:$0x11];
	s2 =	sadd.s32 $0x10, s23;
	s4 =	simm.s32 $0x80  }
0x1ea: {  	s3 =	simm.s32 $0x0;
	s0 =	sadd.s32 s1, s0;
	s1 =	simm.s32 $0x40;
	v12 =	vadd.s32 s2, v4;
	v11 =	vld.idx.msk [tilespmem:v16+s15+$0x0], $0xffff  }
.LBB2_21:
0x1eb: {  	p1 =	sne.s32 s4, $0x1C0;
	vm2 =	vlt.s32 v12, v9  }
0x1ec: {  	v13 =	vsel vm2, v12, v9  }
.Ltmp19:
0x1ed: {  	(pc) =	sbr.rel @p1 .LBB2_21-.Ltmp19, $4  }
0x1ee: {  	_ = 	snop  }
0x1ef: {  	s5 =	sshra.s32 s3, $0x2;
	s3 =	smov.u32 s1;
	s1 =	smov.u32 s4  }
0x1f0: {  	s2 =	sadd.s32 $0x10, s2;
	[tilespmem:s5+$0x13B40] =	vst v11  }
0x1f1: {  	s4 =	sadd.s32 $0x40, s4;
	v12 =	vadd.s32 s2, v4;
	v11 =	vld.idx.msk [tilespmem:v13+s15+$0x0], $0xffff  }
0x1f2: {  	vm2 =	vlt.s32 v12, v9  }
0x1f3: {  	v12 =	vsel vm2, v12, v9;
	_ =	sdelay $0x2  }
0x1f4: {  	s2 =	sshra.s32 s3, $0x2  }
0x1f5: {  	[tilespmem:s2+$0x13B40] =	vst v11  }
0x1f6: {  	v11 =	vld.idx.msk [tilespmem:v12+s15+$0x0], $0xffff;
	_ =	sdelay $0x3  }
0x1f7: {  	s1 =	sshra.s32 s1, $0x2;
	s28 =	rddreg [dreg:$0x13]  }
0x1f8: {  	[tilespmem:s1+$0x13B40] =	vst v11;
	s1 =	ssub.s32 s28, s0  }
0x1f9: {  	p1 =	slt.s32 s1, $0x80  }
0x1fa: {  	p2 =	slt.s32 s1, $0xFFFFFFF2;
	s1 =	simm.s32 @!p1 $0x80  }
0x1fb: {  	s1 =	sadd.s32 $0xF, s1  }
0x1fc: {  	s29 =	sand.u32 $0xF, s1  }
0x1fd: {  	s30 =	sshra.s32 s1, $0x1F;
	p6 =	sne.s32 s29, $0x0  }
0x1fe: {  	s2 =	sshrl.u32 s30, $0x1C;
	p1 =	por !p2, !p6  }
0x1ff: {  	s1 =	sadd.s32 s2, s1;
	s2 =	simm.s32 $0x1;
	p1 =	por !p1, !p1  }
0x200: {  	s1 =	sshra.s32 s1, $0x4;
	s2 =	simm.s32 @!p1 $0x0  }
0x201: {  	s1 =	ssub.s32 s1, s2  }
0x202: {  	s24 =	rddreg [dreg:$0x1];
	s25 =	simm.s32 $0x80;
	p1 =	slt.s32 s1, $0x1  }
.Ltmp20:
0x203: {  	s26 =	simm.s32 $0x13B40;
	s31 =	simm.s32 $0x1;
	(pc) =	sbr.rel @p1 .LBB2_30-.Ltmp20, $4  }
0x204: {  	[tilespmem:s21], [sflag:$0x1] =	stream.indirect.gather [hbm4b:s24+s25], $0x10, s26, s25, $0xb8;
	[tilespmem:$0x1A3C0] =	vst v63  }
0x205: {  	_ =	swait.ge [sflag:s31], $0x800  }
0x206: {  	[sflag:s31] =	ssyncset.done $0x0  }
0x207: {  	[sflag:s31] =	ssyncadd.s32 $0xFFFFF800  }
0x208: {  	p2 =	sne.s32 s1, $0x1  }
.Ltmp21:
0x209: {  	_ = 	snop;
	(pc) =	sbr.rel @!p2 .LBB2_24-.Ltmp21, $4  }
0x20a: {  	v11 =	vmov s0;
	vm2 =	vmmov $0x7fff  }
0x20b: {  	vm11 =	vcmask $0x308;
	vm3 =	vcmask $0x70C;
	v15 =	vsub.s32 v16, v11  }
0x20c: {  	v12 =	vnsel vm9, $0x80000000, v15;
	v13 =	vsel vm11, $0x80000000, v15;
	v17 =	vsel vm3, $0x80000000, v15  }
0x20d: {  	s10 =	sadd.s32 $0xFFFFFFFF, s1;
	p1 =	por $0x0, $0x0;
	v14 =	vxor.u32 $0x80000000, v12;
	v13 =	vxor.u32 $0x80000000, v13;
	v12 =	vxor.u32 $0x80000000, v17  }
0x20e: {  	_ =	sdelay $0x3  }
0x20f: {  	v16 =	vld.idx.msk [tilespmem:v16+s16+$0x0], $0xffff;
	vm13 =	vcmask $0xB10  }
0x210: {  	vm14 =	vcmask $0xF14;
	v17 =	vsel vm13, $0x80000000, v15  }
0x211: {  	vm15 =	vcmask $0x1318;
	v18 =	vsel vm14, $0x80000000, v15;
	v17 =	vxor.u32 $0x80000000, v17  }
0x212: {  	vm3 =	vcmask $0x171C;
	v19 =	vsel vm15, $0x80000000, v15;
	v18 =	vxor.u32 $0x80000000, v18;
	(xrf0) =	vmax.scan.msk.u32 $0xffff, v17  }
0x213: {  	v20 =	vsel vm3, $0x80000000, v15;
	v19 =	vxor.u32 $0x80000000, v19;
	(xrf0) =	vmax.scan.msk.u32 $0xffff, v18  }
0x214: {  	v20 =	vxor.u32 $0x80000000, v20;
	(xrf0) =	vmax.scan.msk.u32 $0xffff, v19;
	v19 =	vsub.s32 v16, v10;
	vm10 =	vne.s32 v16, v10  }
0x215: {  	(xrf0) =	vmax.scan.msk.u32 $0xffff, v20;
	v20 =	vshra.s32 v19, $0x1F;
	v58 =	vsel vm10, $0x1, v3  }
0x216: {  	v57 =	vshrl.u32 v20, $0x19;
	v20 =	vor.u32 v58, v20  }
0x217: {  	vm10 =	vne.s32 v20, $0x1;
	v20 =	vimm.s32 $0x0  }
0x218: {  	vm4 =	vcmask $0x1B20;
	v20 =	vsel vm10, $0xFFFFFFFF, v20  }
0x219: {  	vm5 =	vcmask $0x1F24;
	vm6 =	vcmask $0x2328;
	vm7 =	vcmask $0x272C;
	[tilespmem:$0x1FFD0] =	vst v20  }
0x21a: {  	vm12 =	vcmask $0x2B30;
	v21 =	vsel vm4, $0x80000000, v15;
	v22 =	vsel vm7, $0x80000000, v15;
	v20 =	vld [tilespmem:$0x1FFD0]  }
0x21b: {  	v23 =	vsel vm12, $0x80000000, v15;
	v21 =	vxor.u32 $0x80000000, v21;
	v17 =	vsel vm5, $0x80000000, v15  }
0x21c: {  	v22 =	vxor.u32 $0x80000000, v22;
	v17 =	vxor.u32 $0x80000000, v17;
	v18 =	vsel vm6, $0x80000000, v15;
	(xrf0) =	vmax.scan.msk.u32 $0xffff, v21  }
0x21d: {  	v23 =	vxor.u32 $0x80000000, v23;
	v18 =	vxor.u32 $0x80000000, v18;
	(xrf0) =	vmax.scan.msk.u32 $0xffff, v17;
	v16 =	vadd.s32 v57, v19  }
0x21e: {  	v17 =	vsel vm8, $0x80000000, v15;
	v24, _, _ =	vpop (xrf0);
	(xrf0) =	vmax.scan.msk.u32 $0xffff, v18;
	v16 =	vshra.s32 v16, $0x7;
	v18 =	vsel vm0, $0x80000000, v15  }
0x21f: {  	v17 =	vxor.u32 $0x80000000, v17;
	v59, _, _ =	vpop (xrf0);
	(xrf0) =	vmax.scan.msk.u32 $0xffff, v22;
	vm11 =	vnez.u8 v20;
	v20 =	vsel vm1, $0x80000000, v15  }
0x220: {  	v60 =	vshll.u32 v16, $0x7;
	v18 =	vxor.u32 $0x80000000, v18;
	(v2sf) =	vpush v24, $0xF;
	v25, _, _ =	vpop (xrf0);
	(xrf0) =	vmax.scan.msk.u32 $0xffff, v23  }
0x221: {  	vm10 =	vne.s32 v19, v60;
	(v2sf) =	vpush v59, $0xF;
	v61, _, _ =	vpop (xrf0);
	(xrf0) =	vmax.scan.msk.u32 $0xffff, v17  }
0x222: {  	v15 =	vsel vm2, $0x80000000, v15;
	vm10 =	vmand vm10, vm11;
	v17 =	vxor.u32 $0x80000000, v20;
	v20, _, _ =	vpop (xrf0);
	(xrf0) =	vmax.scan.msk.u32 $0xffff, v18  }
0x223: {  	(v2sf) =	vpush v25, $0xF;
	v15 =	vxor.u32 $0x80000000, v15;
	v18, _, _ =	vpop (xrf0);
	(xrf0) =	vmax.scan.msk.u32 $0xffff, v17;
	v17 =	vsel vm10, $0xFFFFFFFF, v3  }
0x224: {  	(v2sf) =	vpush v61, $0xF;
	v62, _, _ =	vpop (xrf0);
	(xrf0) =	vmax.scan.msk.u32 $0xffff, v15;
	v15 =	vadd.s32 v17, v16  }
0x225: {  	vm11 =	vcmask $0x308;
	v16 =	vand.u32 $0x7F, v19;
	(xrf0) =	vmax.scan.msk.u32 $0xffff, v14;
	v14, _, _ =	vpop (xrf0);
	v15 =	vshll.u32 v15, $0xB  }
0x226: {  	(v2sf) =	vpush v20, $0xF;
	vm10 =	vcmask $0x70C;
	v17, _, _ =	vpop (xrf0);
	v16 =	vor.u32 v16, v15  }
0x227: {  	(v2sf) =	vpush v18, $0xF;
	(xrf0) =	vmax.scan.msk.u32 $0xffff, v13;
	v18, _, _ =	vpop (xrf0);
	v19 =	vnsel vm9, $0x80000000, v16;
	v13 =	vsel vm10, $0x80000000, v16  }
0x228: {  	(v2sf) =	vpush v62, $0xF;
	v20 =	vsel vm11, $0x80000000, v16;
	v15, _, _ =	vpop (xrf0);
	v19 =	vxor.u32 $0x80000000, v19  }
0x229: {  	(v2sf) =	vpush v14, $0xF;
	v20 =	vxor.u32 $0x80000000, v20;
	v14, _, _ =	vpop (xrf0);
	(xrf0) =	vmax.scan.msk.u32 $0xffff, v19  }
0x22a: {  	(v2sf) =	vpush v17, $0xF;
	v17 =	vxor.u32 $0x80000000, v13;
	v19 =	vsel vm13, $0x80000000, v16;
	v13, _, _ =	vpop (xrf0);
	(xrf0) =	vmax.scan.msk.u32 $0xffff, v20  }
0x22b: {  	(v2sf) =	vpush v18, $0xF;
	v18 =	vsel vm14, $0x80000000, v16;
	v19 =	vxor.u32 $0x80000000, v19;
	(xrf0) =	vmax.scan.msk.u32 $0xffff, v17  }
0x22c: {  	v18 =	vxor.u32 $0x80000000, v18;
	v20, _, _ =	vpop (xrf0);
	(xrf0) =	vmax.scan.msk.u32 $0xffff, v19  }
0x22d: {  	v17 =	vsel vm15, $0x80000000, v16;
	(v2sf) =	vpush v20, $0xF;
	(xrf0) =	vmax.scan.msk.u32 $0xffff, v18;
	v18 =	vsel vm4, $0x80000000, v16  }
0x22e: {  	v17 =	vxor.u32 $0x80000000, v17;
	v19 =	vsel vm3, $0x80000000, v16  }
0x22f: {  	v20, _, _ =	vpop (xrf0);
	v19 =	vxor.u32 $0x80000000, v19;
	(xrf0) =	vmax.scan.msk.u32 $0xffff, v17;
	v17 =	vxor.u32 $0x80000000, v18  }
0x230: {  	(v2sf) =	vpush v20, $0xF;
	v18, _, _ =	vpop (xrf0);
	(xrf0) =	vmax.scan.msk.u32 $0xffff, v19  }
0x231: {  	(v2sf) =	vpush v18, $0xF;
	v18, _, _ =	vpop (xrf0);
	(xrf0) =	vmax.scan.msk.u32 $0xffff, v17  }
0x232: {  	s7 =	spop (v2sf);
	(v2sf) =	vpush v18, $0xF;
	v17, _, _ =	vpop (xrf0);
	(xrf0) =	vmax.scan.msk.u32 $0xffff, v12  }
0x233: {  	s8 =	spop (v2sf);
	(v2sf) =	vpush v17, $0xF;
	v12, _, _ =	vpop (xrf0)  }
0x234: {  	s9 =	spop (v2sf);
	(v2sf) =	vpush v12, $0xF;
	v12, _, _ =	vpop (xrf0)  }
0x235: {  	s6 =	spop (v2sf);
	(v2sf) =	vpush v12, $0xF;
	v12, _, _ =	vpop (xrf0)  }
0x236: {  	s5 =	spop (v2sf);
	(v2sf) =	vpush v12, $0xF;
	v12, _, _ =	vpop (xrf0)  }
0x237: {  	s3 =	spop (v2sf);
	(v2sf) =	vpush v12, $0xF;
	v12, _, _ =	vpop (xrf0)  }
0x238: {  	s0 =	spop (v2sf);
	v17, _, _ =	vpop (xrf0);
	(v2sf) =	vpush v12, $0xF  }
0x239: {  	s4 =	spop (v2sf);
	(v2sf) =	vpush v17, $0xF  }
0x23a: {  	s2 =	spop (v2sf)  }
0x23b: {  	s1 =	spop (v2sf)  }
0x23c: {  	s11 =	spop (v2sf)  }
0x23d: {  	s11 =	sshll.u32 s11, $0x4  }
0x23e: {  	v12 =	vor.u32 s11, v4  }
0x23f: {  	s28 =	spop (v2sf)  }
0x240: {  	s12 =	spop (v2sf)  }
0x241: {  	s13 =	spop (v2sf)  }
0x242: {  	s12 =	sxor.u32 $0x80000000, s12;
	s14 =	spop (v2sf)  }
0x243: {  	s11 =	sshll.u32 s28, $0x4;
	v12 =	vld.idx.msk [tilespmem:v12+s21+$0x0], $0xffff;
	v17 =	vadd.s32 s12, v8;
	s29 =	spop (v2sf)  }
0x244: {  	v18 =	vor.u32 s11, v4;
	s30 =	spop (v2sf)  }
0x245: {  	s17 =	spop (v2sf)  }
0x246: {  	s18 =	spop (v2sf)  }
0x247: {  	s19 =	spop (v2sf)  }
0x248: {  	s13 =	sxor.u32 $0x80000000, s13;
	[tilespmem:v17+s22+$0x0] =	vst.idx.msk $0xffff, v12;
	s31 =	spop (v2sf)  }
0x249: {  	[dreg:$0x17] =	wrdreg s20;
	v12 =	vadd.s32 s13, v8;
	v17 =	vld.idx.msk [tilespmem:v18+s21+$0x0], $0xffff;
	s20 =	sshll.u32 s31, $0x4  }
0x24a: {  	v18 =	vor.u32 s20, v4;
	_ =	sdelay $0x3  }
0x24b: {  	s24 =	sxor.u32 $0x80000000, s14;
	[tilespmem:v12+s22+$0x0] =	vst.idx.msk $0xffff, v17  }
0x24c: {  	s7 =	sshll.u32 s7, $0x4;
	v12 =	vadd.s32 s24, v8;
	v17 =	vld.idx.msk [tilespmem:v18+s21+$0x0], $0xffff  }
0x24d: {  	v18 =	vor.u32 s7, v4;
	_ =	sdelay $0x3  }
0x24e: {  	s25 =	sxor.u32 $0x80000000, s29;
	[tilespmem:v12+s22+$0x0] =	vst.idx.msk $0xffff, v17  }
0x24f: {  	s26 =	sshll.u32 s8, $0x4;
	v12 =	vadd.s32 s25, v8;
	v17 =	vld.idx.msk [tilespmem:v18+s21+$0x0], $0xffff  }
0x250: {  	v18 =	vor.u32 s26, v4;
	_ =	sdelay $0x2  }
0x251: {  	v19 =	vsel vm5, $0x80000000, v16  }
0x252: {  	v19 =	vxor.u32 $0x80000000, v19;
	s28 =	sxor.u32 $0x80000000, s30;
	[tilespmem:v12+s22+$0x0] =	vst.idx.msk $0xffff, v17  }
0x253: {  	(xrf0) =	vmax.scan.msk.u32 $0xffff, v19;
	s29 =	sshll.u32 s9, $0x4;
	v12 =	vadd.s32 s28, v8;
	v17 =	vld.idx.msk [tilespmem:v18+s21+$0x0], $0xffff  }
0x254: {  	v18 =	vor.u32 s29, v4;
	_ =	sdelay $0x2  }
0x255: {  	v19 =	vsel vm6, $0x80000000, v16  }
0x256: {  	v19 =	vxor.u32 $0x80000000, v19;
	s30 =	sxor.u32 $0x80000000, s17;
	[tilespmem:v12+s22+$0x0] =	vst.idx.msk $0xffff, v17  }
0x257: {  	s6 =	sshll.u32 s6, $0x4;
	(xrf0) =	vmax.scan.msk.u32 $0xffff, v19;
	v12 =	vadd.s32 s30, v8;
	v17, _, _ =	vpop (xrf0);
	v18 =	vld.idx.msk [tilespmem:v18+s21+$0x0], $0xffff  }
0x258: {  	v19 =	vor.u32 s6, v4;
	(v2sf) =	vpush v17, $0xF  }
0x259: {  	v17 =	vsel vm7, $0x80000000, v16  }
0x25a: {  	v17 =	vxor.u32 $0x80000000, v17;
	_ =	sdelay $0x1  }
0x25b: {  	s31 =	sxor.u32 $0x80000000, s18;
	[tilespmem:v12+s22+$0x0] =	vst.idx.msk $0xffff, v18  }
0x25c: {  	s5 =	sshll.u32 s5, $0x4;
	(xrf0) =	vmax.scan.msk.u32 $0xffff, v17;
	v17, _, _ =	vpop (xrf0);
	v12 =	vadd.s32 s31, v8;
	v18 =	vld.idx.msk [tilespmem:v19+s21+$0x0], $0xffff  }
0x25d: {  	(v2sf) =	vpush v17, $0xF;
	v19 =	vor.u32 s5, v4  }
0x25e: {  	v17 =	vsel vm12, $0x80000000, v16  }
0x25f: {  	v17 =	vxor.u32 $0x80000000, v17;
	_ =	sdelay $0x1  }
0x260: {  	s7 =	sxor.u32 $0x80000000, s19;
	[tilespmem:v12+s22+$0x0] =	vst.idx.msk $0xffff, v18  }
0x261: {  	s3 =	sshll.u32 s3, $0x4;
	(xrf0) =	vmax.scan.msk.u32 $0xffff, v17;
	v17, _, _ =	vpop (xrf0);
	v12 =	vadd.s32 s7, v8;
	v18 =	vld.idx.msk [tilespmem:v19+s21+$0x0], $0xffff  }
0x262: {  	(v2sf) =	vpush v17, $0xF;
	v17 =	vor.u32 s3, v4;
	v19 =	vsel vm8, $0x80000000, v16  }
0x263: {  	v20 =	vsel vm0, $0x80000000, v16;
	v19 =	vxor.u32 $0x80000000, v19  }
0x264: {  	v63 =	vsel vm1, $0x80000000, v16;
	v20 =	vxor.u32 $0x80000000, v20;
	(xrf0) =	vmax.scan.msk.u32 $0xffff, v19  }
0x265: {  	v16 =	vsel vm2, $0x80000000, v16;
	v19 =	vxor.u32 $0x80000000, v63;
	(xrf0) =	vmax.scan.msk.u32 $0xffff, v20;
	s8 =	spop (v2sf)  }
0x266: {  	v16 =	vxor.u32 $0x80000000, v16;
	(xrf0) =	vmax.scan.msk.u32 $0xffff, v19;
	s3 =	sxor.u32 $0x80000000, s8;
	[tilespmem:v12+s22+$0x0] =	vst.idx.msk $0xffff, v18  }
0x267: {  	s0 =	sshll.u32 s0, $0x4;
	(xrf0) =	vmax.scan.msk.u32 $0xffff, v16;
	v12, _, _ =	vpop (xrf0);
	v16 =	vld.idx.msk [tilespmem:v17+s21+$0x0], $0xffff;
	v17 =	vadd.s32 s3, v8  }
0x268: {  	(v2sf) =	vpush v12, $0xF;
	v12 =	vor.u32 s0, v4;
	_ =	sdelay $0x1  }
0x269: {  	v18, _, _ =	vpop (xrf0)  }
0x26a: {  	s9 =	spop (v2sf);
	(v2sf) =	vpush v18, $0xF;
	v18, _, _ =	vpop (xrf0)  }
0x26b: {  	s0 =	sxor.u32 $0x80000000, s9;
	(v2sf) =	vpush v18, $0xF;
	v18, _, _ =	vpop (xrf0);
	[tilespmem:v17+s22+$0x0] =	vst.idx.msk $0xffff, v16  }
0x26c: {  	s11 =	sshll.u32 s4, $0x4;
	(v2sf) =	vpush v18, $0xF;
	v16, _, _ =	vpop (xrf0);
	v17 =	vadd.s32 s0, v8;
	v12 =	vld.idx.msk [tilespmem:v12+s21+$0x0], $0xffff  }
0x26d: {  	(v2sf) =	vpush v16, $0xF;
	v16 =	vor.u32 s11, v4  }
0x26e: {  	(v2sf) =	vpush v15, $0xF;
	_ =	sdelay $0x1  }
0x26f: {  	s12 =	spop (v2sf)  }
0x270: {  	s0 =	sxor.u32 $0x80000000, s12;
	[tilespmem:v17+s22+$0x0] =	vst.idx.msk $0xffff, v12  }
0x271: {  	s2 =	sshll.u32 s2, $0x4;
	v15 =	vadd.s32 s0, v8;
	v12 =	vld.idx.msk [tilespmem:v16+s21+$0x0], $0xffff  }
0x272: {  	v16 =	vor.u32 s2, v4  }
0x273: {  	(v2sf) =	vpush v14, $0xF;
	_ =	sdelay $0x1  }
0x274: {  	s13 =	spop (v2sf)  }
0x275: {  	s0 =	sxor.u32 $0x80000000, s13;
	[tilespmem:v15+s22+$0x0] =	vst.idx.msk $0xffff, v12  }
0x276: {  	s1 =	sshll.u32 s1, $0x4;
	v14 =	vadd.s32 s0, v8;
	v12 =	vld.idx.msk [tilespmem:v16+s21+$0x0], $0xffff  }
0x277: {  	v15 =	vor.u32 s1, v4;
	s14 =	spop (v2sf)  }
0x278: {  	(v2sf) =	vpush v13, $0xF;
	s17 =	spop (v2sf)  }
0x279: {  	s18 =	spop (v2sf)  }
0x27a: {  	s19 =	spop (v2sf)  }
0x27b: {  	s0 =	sxor.u32 $0x80000000, s14;
	s20 =	spop (v2sf);
	[tilespmem:v14+s22+$0x0] =	vst.idx.msk $0xffff, v12  }
0x27c: {  	v12 =	vadd.s32 s0, v8;
	s24 =	sshll.u32 s20, $0x4;
	v13 =	vld.idx.msk [tilespmem:v15+s21+$0x0], $0xffff  }
0x27d: {  	v14 =	vor.u32 s24, v4;
	_ =	sdelay $0x3  }
0x27e: {  	s25 =	sxor.u32 $0x80000000, s17;
	s26 =	spop (v2sf);
	[tilespmem:v12+s22+$0x0] =	vst.idx.msk $0xffff, v13  }
0x27f: {  	s28 =	sshll.u32 s26, $0x4;
	v12 =	vadd.s32 s25, v8;
	v13 =	vld.idx.msk [tilespmem:v14+s21+$0x0], $0xffff  }
0x280: {  	v14 =	vor.u32 s28, v4;
	_ =	sdelay $0x3  }
0x281: {  	s29 =	sxor.u32 $0x80000000, s18;
	s30 =	spop (v2sf);
	[tilespmem:v12+s22+$0x0] =	vst.idx.msk $0xffff, v13  }
0x282: {  	s1 =	sshll.u32 s30, $0x4;
	v13 =	vadd.s32 s29, v8;
	v12 =	vld.idx.msk [tilespmem:v14+s21+$0x0], $0xffff  }
0x283: {  	v14 =	vor.u32 s1, v4;
	_ =	sdelay $0x2  }
0x284: {  	s12 =	sadd.s32 $0x10, s23  }
0x285: {  	p2 =	sne.s32 s10, $0x1;
	s31 =	sxor.u32 $0x80000000, s19;
	v15 =	vadd.s32 s12, v4;
	[tilespmem:v13+s22+$0x0] =	vst.idx.msk $0xffff, v12  }
.Ltmp22:
0x286: {  	v17 =	vadd.s32 s31, v8;
	vm10 =	vlt.s32 v15, v9;
	v18 =	vld.idx.msk [tilespmem:v14+s21+$0x0], $0xffff;
	(pc) =	sbr.rel @!p2 .LBB2_26-.Ltmp22, $4  }
0x287: {  	v16 =	vsel vm10, v15, v9  }
0x288: {  	vm10 =	vcmask $0x70C;
	v15 =	vsub.s32 v16, v11  }
0x289: {  	v19 =	vsel vm10, $0x80000000, v15;
	v12 =	vnsel vm9, $0x80000000, v15;
	v13 =	vsel vm11, $0x80000000, v15  }
0x28a: {  	[dreg:$0x18] =	wrdreg s23;
	s10 =	sadd.s32 $0xFFFFFFFF, s10;
	p1 =	por $0x1, $0x1;
	v14 =	vxor.u32 $0x80000000, v12;
	v13 =	vxor.u32 $0x80000000, v13;
	v12 =	vxor.u32 $0x80000000, v19  }
.LBB2_27:
0x28b: {  	p2 =	sne.s32 s10, $0x1;
	s10 =	sadd.s32 $0xFFFFFFFF, s10;
	v19 =	vsel vm13, $0x80000000, v15;
	v20 =	vsel vm14, $0x80000000, v15;
	v21 =	vsel vm15, $0x80000000, v15;
	[tilespmem:v17+s22+$0x0] =	vst.idx.msk $0xffff, v18  }
0x28c: {  	v16 =	vld.idx.msk [tilespmem:v16+s16+$0x0], $0xffff;
	v17 =	vxor.u32 $0x80000000, v19;
	v18 =	vxor.u32 $0x80000000, v20;
	v19 =	vxor.u32 $0x80000000, v21  }
0x28d: {  	v22 =	vsel vm5, $0x80000000, v15;
	v20 =	vsel vm3, $0x80000000, v15;
	v21 =	vsel vm4, $0x80000000, v15;
	(xrf0) =	vmax.scan.msk.u32 $0xffff, v17  }
0x28e: {  	v17 =	vxor.u32 $0x80000000, v20;
	v20 =	vxor.u32 $0x80000000, v21;
	v21 =	vxor.u32 $0x80000000, v22;
	(xrf0) =	vmax.scan.msk.u32 $0xffff, v18  }
0x28f: {  	v23 =	vsel vm12, $0x80000000, v15;
	v22 =	vsel vm7, $0x80000000, v15;
	v18 =	vsel vm6, $0x80000000, v15;
	(xrf0) =	vmax.scan.msk.u32 $0xffff, v19  }
0x290: {  	v18 =	vxor.u32 $0x80000000, v18;
	v19 =	vxor.u32 $0x80000000, v22;
	v22 =	vxor.u32 $0x80000000, v23;
	(xrf0) =	vmax.scan.msk.u32 $0xffff, v17  }
0x291: {  	v24 =	vsel vm1, $0x80000000, v15;
	v23 =	vsel vm0, $0x80000000, v15;
	v17 =	vsel vm8, $0x80000000, v15;
	(xrf0) =	vmax.scan.msk.u32 $0xffff, v20  }
0x292: {  	v20 =	vsub.s32 v16, v10;
	vm10 =	vne.s32 v16, v10;
	v16 =	vxor.u32 $0x80000000, v17;
	(xrf0) =	vmax.scan.msk.u32 $0xffff, v21  }
0x293: {  	v23 =	vxor.u32 $0x80000000, v23;
	v17 =	vshra.s32 v20, $0x1F;
	v26 =	vsel vm10, $0x1, v3;
	v25, _, _ =	vpop (xrf0);
	(xrf0) =	vmax.scan.msk.u32 $0xffff, v18  }
0x294: {  	v18 =	vshrl.u32 v17, $0x19;
	v17 =	vor.u32 v26, v17;
	(v2sf) =	vpush v25, $0xF;
	v21, _, _ =	vpop (xrf0);
	(xrf0) =	vmax.scan.msk.u32 $0xffff, v19  }
0x295: {  	v18 =	vadd.s32 v18, v20;
	v19 =	vxor.u32 $0x80000000, v24;
	(v2sf) =	vpush v21, $0xF;
	v21, _, _ =	vpop (xrf0);
	(xrf0) =	vmax.scan.msk.u32 $0xffff, v22  }
0x296: {  	v15 =	vsel vm2, $0x80000000, v15;
	v18 =	vshra.s32 v18, $0x7;
	(v2sf) =	vpush v21, $0xF;
	v21, _, _ =	vpop (xrf0);
	(xrf0) =	vmax.scan.msk.u32 $0xffff, v16  }
0x297: {  	v15 =	vxor.u32 $0x80000000, v15;
	v22 =	vshll.u32 v18, $0x7;
	(v2sf) =	vpush v21, $0xF;
	v21, _, _ =	vpop (xrf0);
	(xrf0) =	vmax.scan.msk.u32 $0xffff, v23  }
0x298: {  	vm10 =	vne.s32 v17, $0x1;
	vm11 =	vne.s32 v20, v22;
	(v2sf) =	vpush v21, $0xF;
	v16, _, _ =	vpop (xrf0);
	(xrf0) =	vmax.scan.msk.u32 $0xffff, v19  }
0x299: {  	vm10 =	vmand vm11, vm10;
	vm11 =	vcmask $0x308;
	(v2sf) =	vpush v16, $0xF;
	v16, _, _ =	vpop (xrf0);
	(xrf0) =	vmax.scan.msk.u32 $0xffff, v15  }
0x29a: {  	v15 =	vsel vm10, $0xFFFFFFFF, v3;
	(xrf0) =	vmax.scan.msk.u32 $0xffff, v14;
	(v2sf) =	vpush v16, $0xF;
	v14, _, _ =	vpop (xrf0)  }
0x29b: {  	v15 =	vadd.s32 v15, v18;
	(v2sf) =	vpush v14, $0xF;
	v14, _, _ =	vpop (xrf0)  }
0x29c: {  	v16 =	vand.u32 $0x7F, v20;
	v21 =	vshll.u32 v15, $0xB;
	(v2sf) =	vpush v14, $0xF;
	v14, _, _ =	vpop (xrf0)  }
0x29d: {  	vm10 =	vcmask $0x70C;
	v16 =	vor.u32 v16, v21;
	(v2sf) =	vpush v14, $0xF;
	v14, _, _ =	vpop (xrf0)  }
0x29e: {  	v24 =	vnsel vm9, $0x80000000, v16;
	v18 =	vsel vm11, $0x80000000, v16;
	v19 =	vsel vm10, $0x80000000, v16;
	v15, _, _ =	vpop (xrf0)  }
0x29f: {  	v23 =	vxor.u32 $0x80000000, v24;
	v18 =	vxor.u32 $0x80000000, v18;
	v19 =	vxor.u32 $0x80000000, v19;
	(xrf0) =	vmax.scan.msk.u32 $0xffff, v13;
	v13, _, _ =	vpop (xrf0)  }
0x2a0: {  	v20 =	vsel vm13, $0x80000000, v16;
	v21 =	vsel vm14, $0x80000000, v16;
	v22 =	vsel vm15, $0x80000000, v16;
	(xrf0) =	vmax.scan.msk.u32 $0xffff, v23;
	v17, _, _ =	vpop (xrf0)  }
0x2a1: {  	v20 =	vxor.u32 $0x80000000, v20;
	v21 =	vxor.u32 $0x80000000, v21;
	(v2sf) =	vpush v17, $0xF;
	(xrf0) =	vmax.scan.msk.u32 $0xffff, v18  }
0x2a2: {  	v17 =	vxor.u32 $0x80000000, v22;
	v18 =	vsel vm3, $0x80000000, v16;
	v22 =	vsel vm4, $0x80000000, v16;
	(xrf0) =	vmax.scan.msk.u32 $0xffff, v19  }
0x2a3: {  	v18 =	vxor.u32 $0x80000000, v18;
	v19 =	vxor.u32 $0x80000000, v22;
	v22 =	vsel vm5, $0x80000000, v16;
	(xrf0) =	vmax.scan.msk.u32 $0xffff, v20;
	s0 =	spop (v2sf)  }
0x2a4: {  	v23 =	vsel vm7, $0x80000000, v16;
	v20 =	vxor.u32 $0x80000000, v22;
	v22 =	vsel vm6, $0x80000000, v16;
	s31 =	sshll.u32 s0, $0x4;
	(xrf0) =	vmax.scan.msk.u32 $0xffff, v21;
	s0 =	spop (v2sf)  }
0x2a5: {  	v21 =	vxor.u32 $0x80000000, v22;
	v22 =	vxor.u32 $0x80000000, v23;
	v23 =	vsel vm12, $0x80000000, v16;
	s29 =	sshll.u32 s0, $0x4;
	v24, _, _ =	vpop (xrf0);
	(xrf0) =	vmax.scan.msk.u32 $0xffff, v17;
	s0 =	spop (v2sf)  }
0x2a6: {  	v17 =	vxor.u32 $0x80000000, v23;
	v23 =	vsel vm8, $0x80000000, v16;
	s14 =	sshll.u32 s0, $0x4;
	v25, _, _ =	vpop (xrf0);
	(v2sf) =	vpush v24, $0xF;
	(xrf0) =	vmax.scan.msk.u32 $0xffff, v18;
	s0 =	spop (v2sf)  }
0x2a7: {  	v26 =	vsel vm0, $0x80000000, v16;
	v18 =	vxor.u32 $0x80000000, v23;
	s8 =	sshll.u32 s0, $0x4;
	(v2sf) =	vpush v25, $0xF;
	v24, _, _ =	vpop (xrf0);
	(xrf0) =	vmax.scan.msk.u32 $0xffff, v19;
	s0 =	spop (v2sf)  }
0x2a8: {  	v19 =	vxor.u32 $0x80000000, v26;
	v25 =	vsel vm1, $0x80000000, v16;
	s2 =	sshll.u32 s0, $0x4;
	(v2sf) =	vpush v24, $0xF;
	v24, _, _ =	vpop (xrf0);
	(xrf0) =	vmax.scan.msk.u32 $0xffff, v12;
	s0 =	spop (v2sf)  }
0x2a9: {  	v16 =	vsel vm2, $0x80000000, v16;
	v12 =	vxor.u32 $0x80000000, v25;
	s1 =	sshll.u32 s0, $0x4;
	(v2sf) =	vpush v24, $0xF;
	v23, _, _ =	vpop (xrf0);
	(xrf0) =	vmax.scan.msk.u32 $0xffff, v20;
	s0 =	spop (v2sf)  }
0x2aa: {  	v16 =	vxor.u32 $0x80000000, v16;
	s23 =	sshll.u32 s0, $0x4;
	(v2sf) =	vpush v23, $0xF;
	v20, _, _ =	vpop (xrf0);
	(xrf0) =	vmax.scan.msk.u32 $0xffff, v21;
	s0 =	spop (v2sf)  }
0x2ab: {  	s4 =	sshll.u32 s0, $0x4;
	(v2sf) =	vpush v20, $0xF;
	v20, _, _ =	vpop (xrf0);
	(xrf0) =	vmax.scan.msk.u32 $0xffff, v22;
	s0 =	spop (v2sf)  }
0x2ac: {  	s11 =	sshll.u32 s0, $0x4;
	(v2sf) =	vpush v20, $0xF;
	v20, _, _ =	vpop (xrf0);
	(xrf0) =	vmax.scan.msk.u32 $0xffff, v17;
	s0 =	spop (v2sf)  }
0x2ad: {  	s13 =	sshll.u32 s0, $0x4;
	(v2sf) =	vpush v20, $0xF;
	v17, _, _ =	vpop (xrf0);
	(xrf0) =	vmax.scan.msk.u32 $0xffff, v18  }
0x2ae: {  	v18, _, _ =	vpop (xrf0);
	(v2sf) =	vpush v17, $0xF;
	(xrf0) =	vmax.scan.msk.u32 $0xffff, v19  }
0x2af: {  	(v2sf) =	vpush v18, $0xF;
	v17, _, _ =	vpop (xrf0);
	(xrf0) =	vmax.scan.msk.u32 $0xffff, v12  }
0x2b0: {  	s0 =	spop (v2sf);
	(v2sf) =	vpush v17, $0xF;
	v12, _, _ =	vpop (xrf0);
	(xrf0) =	vmax.scan.msk.u32 $0xffff, v16  }
0x2b1: {  	s0 =	sshll.u32 s0, $0x4;
	(v2sf) =	vpush v12, $0xF;
	v12, _, _ =	vpop (xrf0)  }
0x2b2: {  	v16 =	vor.u32 s0, v4;
	(v2sf) =	vpush v12, $0xF;
	v12, _, _ =	vpop (xrf0)  }
0x2b3: {  	(v2sf) =	vpush v12, $0xF;
	v12, _, _ =	vpop (xrf0)  }
0x2b4: {  	(v2sf) =	vpush v12, $0xF;
	v12, _, _ =	vpop (xrf0)  }
0x2b5: {  	s0 =	spop (v2sf);
	(v2sf) =	vpush v12, $0xF;
	v12, _, _ =	vpop (xrf0)  }
0x2b6: {  	s0 =	sshll.u32 s0, $0x4;
	s3 =	spop (v2sf);
	(v2sf) =	vpush v12, $0xF;
	v12, _, _ =	vpop (xrf0)  }
0x2b7: {  	s3 =	sxor.u32 $0x80000000, s3;
	v16 =	vld.idx.msk [tilespmem:v16+s21+$0x0], $0xffff;
	s5 =	spop (v2sf);
	(v2sf) =	vpush v12, $0xF  }
0x2b8: {  	v12 =	vadd.s32 s3, v8;
	s5 =	sxor.u32 $0x80000000, s5;
	s3 =	spop (v2sf);
	(v2sf) =	vpush v14, $0xF  }
0x2b9: {  	v14 =	vor.u32 s0, v4;
	s19 =	sxor.u32 $0x80000000, s3;
	s0 =	spop (v2sf);
	(v2sf) =	vpush v15, $0xF  }
0x2ba: {  	s18 =	sxor.u32 $0x80000000, s0;
	s0 =	spop (v2sf);
	(v2sf) =	vpush v13, $0xF  }
0x2bb: {  	s7 =	sxor.u32 $0x80000000, s0;
	s0 =	spop (v2sf)  }
0x2bc: {  	s28 =	sxor.u32 $0x80000000, s0;
	s0 =	spop (v2sf)  }
0x2bd: {  	[tilespmem:v12+s22+$0x0] =	vst.idx.msk $0xffff, v16;
	s3 =	sxor.u32 $0x80000000, s0;
	s0 =	spop (v2sf)  }
0x2be: {  	v12 =	vld.idx.msk [tilespmem:v14+s21+$0x0], $0xffff;
	s9 =	sxor.u32 $0x80000000, s0;
	s0 =	spop (v2sf)  }
0x2bf: {  	v13 =	vadd.s32 s5, v8;
	s0 =	sshll.u32 s0, $0x4;
	s5 =	spop (v2sf)  }
0x2c0: {  	v14 =	vor.u32 s0, v4;
	s30 =	sxor.u32 $0x80000000, s5;
	s0 =	spop (v2sf)  }
0x2c1: {  	s0 =	sxor.u32 $0x80000000, s0;
	s5 =	spop (v2sf)  }
0x2c2: {  	s17 =	sxor.u32 $0x80000000, s5;
	s5 =	spop (v2sf)  }
0x2c3: {  	s26 =	sxor.u32 $0x80000000, s5;
	s5 =	spop (v2sf)  }
0x2c4: {  	[tilespmem:v13+s22+$0x0] =	vst.idx.msk $0xffff, v12;
	s20 =	sxor.u32 $0x80000000, s5;
	s5 =	spop (v2sf)  }
0x2c5: {  	v12 =	vld.idx.msk [tilespmem:v14+s21+$0x0], $0xffff;
	s6 =	sxor.u32 $0x80000000, s5;
	s5 =	spop (v2sf)  }
0x2c6: {  	v13 =	vadd.s32 s19, v8;
	s5 =	sxor.u32 $0x80000000, s5;
	s19 =	spop (v2sf)  }
0x2c7: {  	v14 =	vor.u32 s31, v4;
	s31 =	sxor.u32 $0x80000000, s19;
	s19 =	spop (v2sf)  }
0x2c8: {  	s24 =	sshll.u32 s19, $0x4;
	s19 =	spop (v2sf)  }
0x2c9: {  	s25 =	sshll.u32 s19, $0x4;
	s19 =	spop (v2sf)  }
0x2ca: {  	s19 =	sshll.u32 s19, $0x4  }
0x2cb: {  	[tilespmem:v13+s22+$0x0] =	vst.idx.msk $0xffff, v12  }
0x2cc: {  	v12 =	vld.idx.msk [tilespmem:v14+s21+$0x0], $0xffff  }
0x2cd: {  	v13 =	vadd.s32 s18, v8  }
0x2ce: {  	v14 =	vor.u32 s29, v4;
	_ =	sdelay $0x3  }
0x2cf: {  	[tilespmem:v13+s22+$0x0] =	vst.idx.msk $0xffff, v12  }
0x2d0: {  	v12 =	vld.idx.msk [tilespmem:v14+s21+$0x0], $0xffff  }
0x2d1: {  	v13 =	vadd.s32 s7, v8  }
0x2d2: {  	v14 =	vor.u32 s14, v4;
	_ =	sdelay $0x3  }
0x2d3: {  	[tilespmem:v13+s22+$0x0] =	vst.idx.msk $0xffff, v12  }
0x2d4: {  	v12 =	vld.idx.msk [tilespmem:v14+s21+$0x0], $0xffff  }
0x2d5: {  	v13 =	vadd.s32 s28, v8  }
0x2d6: {  	v14 =	vor.u32 s8, v4;
	_ =	sdelay $0x3  }
0x2d7: {  	[tilespmem:v13+s22+$0x0] =	vst.idx.msk $0xffff, v12  }
0x2d8: {  	v12 =	vld.idx.msk [tilespmem:v14+s21+$0x0], $0xffff  }
0x2d9: {  	v13 =	vadd.s32 s3, v8  }
0x2da: {  	v14 =	vor.u32 s2, v4;
	_ =	sdelay $0x3  }
0x2db: {  	[tilespmem:v13+s22+$0x0] =	vst.idx.msk $0xffff, v12  }
0x2dc: {  	v12 =	vld.idx.msk [tilespmem:v14+s21+$0x0], $0xffff  }
0x2dd: {  	v13 =	vadd.s32 s9, v8  }
0x2de: {  	v14 =	vor.u32 s1, v4;
	_ =	sdelay $0x3  }
0x2df: {  	[tilespmem:v13+s22+$0x0] =	vst.idx.msk $0xffff, v12  }
0x2e0: {  	v12 =	vld.idx.msk [tilespmem:v14+s21+$0x0], $0xffff  }
0x2e1: {  	v13 =	vadd.s32 s30, v8  }
0x2e2: {  	v14 =	vor.u32 s23, v4;
	_ =	sdelay $0x3  }
0x2e3: {  	[tilespmem:v13+s22+$0x0] =	vst.idx.msk $0xffff, v12  }
0x2e4: {  	v12 =	vld.idx.msk [tilespmem:v14+s21+$0x0], $0xffff  }
0x2e5: {  	v13 =	vadd.s32 s0, v8  }
0x2e6: {  	v14 =	vor.u32 s4, v4;
	_ =	sdelay $0x3  }
0x2e7: {  	[tilespmem:v13+s22+$0x0] =	vst.idx.msk $0xffff, v12  }
0x2e8: {  	v12 =	vld.idx.msk [tilespmem:v14+s21+$0x0], $0xffff  }
0x2e9: {  	v13 =	vadd.s32 s17, v8  }
0x2ea: {  	v14 =	vor.u32 s11, v4;
	_ =	sdelay $0x3  }
0x2eb: {  	[tilespmem:v13+s22+$0x0] =	vst.idx.msk $0xffff, v12  }
0x2ec: {  	v12 =	vld.idx.msk [tilespmem:v14+s21+$0x0], $0xffff  }
0x2ed: {  	v13 =	vadd.s32 s26, v8  }
0x2ee: {  	v14 =	vor.u32 s13, v4;
	_ =	sdelay $0x3  }
0x2ef: {  	[tilespmem:v13+s22+$0x0] =	vst.idx.msk $0xffff, v12  }
0x2f0: {  	v12 =	vld.idx.msk [tilespmem:v14+s21+$0x0], $0xffff  }
0x2f1: {  	v13 =	vadd.s32 s20, v8  }
0x2f2: {  	v14 =	vor.u32 s24, v4;
	_ =	sdelay $0x3  }
0x2f3: {  	[tilespmem:v13+s22+$0x0] =	vst.idx.msk $0xffff, v12  }
0x2f4: {  	v12 =	vld.idx.msk [tilespmem:v14+s21+$0x0], $0xffff  }
0x2f5: {  	v13 =	vadd.s32 s6, v8  }
0x2f6: {  	v14 =	vor.u32 s25, v4;
	_ =	sdelay $0x3  }
0x2f7: {  	[tilespmem:v13+s22+$0x0] =	vst.idx.msk $0xffff, v12  }
0x2f8: {  	v12 =	vld.idx.msk [tilespmem:v14+s21+$0x0], $0xffff  }
0x2f9: {  	v13 =	vadd.s32 s5, v8  }
0x2fa: {  	v14 =	vor.u32 s19, v4;
	_ =	sdelay $0x3  }
0x2fb: {  	s12 =	sadd.s32 $0x10, s12;
	[tilespmem:v13+s22+$0x0] =	vst.idx.msk $0xffff, v12  }
0x2fc: {  	v12 =	vadd.s32 s12, v4;
	v18 =	vld.idx.msk [tilespmem:v14+s21+$0x0], $0xffff  }
.Ltmp23:
0x2fd: {  	v17 =	vadd.s32 s31, v8;
	vm10 =	vlt.s32 v12, v9;
	(pc) =	sbr.rel @p2 .LBB2_27-.Ltmp23, $4  }
0x2fe: {  	v16 =	vsel vm10, v12, v9  }
0x2ff: {  	vm10 =	vcmask $0x70C;
	v15 =	vsub.s32 v16, v11  }
0x300: {  	v12 =	vnsel vm9, $0x80000000, v15;
	v13 =	vsel vm11, $0x80000000, v15;
	v19 =	vsel vm10, $0x80000000, v15  }
0x301: {  	v14 =	vxor.u32 $0x80000000, v12;
	v13 =	vxor.u32 $0x80000000, v13;
	v12 =	vxor.u32 $0x80000000, v19  }
.Ltmp24:
0x302: {  	(pc) =	sbr.rel .LBB2_29-.Ltmp24, $3  }
0x303: {  	_ =	sdelay $0x1  }
0x304: {  	s20 =	rddreg [dreg:$0x17]  }
0x305: {  	s23 =	rddreg [dreg:$0x18]  }
.LBB2_26:
.Ltmp25:
0x306: {  	(pc) =	sbr.rel .LBB2_29-.Ltmp25, $3  }
0x307: {  	_ =	sdelay $0x1  }
0x308: {  	s20 =	rddreg [dreg:$0x17]  }
0x309: {  	s23 =	rddreg [dreg:$0x18]  }
.LBB2_31:
.Ltmp26:
0x30a: {  	(pc) =	sbr.rel @p0 .LBB2_40-.Ltmp26, $2  }
0x30b: {  	_ =	sdelay $0x2  }
0x30c: {  	s0 =	rddreg [dreg:$0x15]  }
0x30d: {  	p0 =	sgt.s32 s0, $0x0  }
.Ltmp27:
0x30e: {  	_ = 	snop;
	(pc) =	sbr.rel @!p0 .LBB2_36-.Ltmp27, $3  }
0x30f: {  	_ =	sdelay $0x1  }
0x310: {  	s0 =	simm.s32 $0x143C0;
	s3 =	rddreg [dreg:$0xe]  }
0x311: {  	s4 =	simm.s32 $0x0;
	s5 =	simm.s32 $0x2;
	s2 =	rddreg [dreg:$0xf]  }
0x312: {  	s1 =	rddreg [dreg:$0x12]  }
0x313: {  	p0 =	sne.s32 s1, $0x1  }
.Ltmp28:
0x314: {  	_ = 	snop;
	(pc) =	sbr.rel @!p0 .LBB2_35-.Ltmp28, $4  }
0x315: {  	_ = 	snop  }
0x316: {  	[hbm4b:s2+s4] =	stream.linear.scatter [tilespmem:s0], [sflag:$0x2], $0x800, $0x38;
	[tilespmem:$0x1A3C0] =	vst v63  }
0x317: {  	_ =	swait.ge [sflag:s5], $0x800  }
0x318: {  	s1 =	sadd.s32 $0xFFFFFFFF, s1;
	[sflag:s5] =	ssyncset.done $0x0  }
.LBB2_34:
0x319: {  	[sflag:s5] =	ssyncadd.s32 $0xFFFFF800  }
0x31a: {  	s0 =	sadd.s32 $0x800, s0;
	s2 =	sadd.s32 $0x100, s2;
	p0 =	sne.s32 s1, $0x1  }
.Ltmp29:
0x31b: {  	s1 =	sadd.s32 $0xFFFFFFFF, s1;
	(pc) =	sbr.rel @p0 .LBB2_34-.Ltmp29, $4  }
0x31c: {  	_ = 	snop  }
0x31d: {  	[hbm4b:s2+s4] =	stream.linear.scatter [tilespmem:s0], [sflag:$0x2], $0x800, $0x38;
	[tilespmem:$0x1A3C0] =	vst v63  }
0x31e: {  	_ =	swait.ge [sflag:s5], $0x800  }
0x31f: {  	[sflag:s5] =	ssyncset.done $0x0  }
.LBB2_35:
.Ltmp30:
0x320: {  	(pc) =	sbr.rel .LBB2_36-.Ltmp30, $2  }
0x321: {  	_ =	sdelay $0x2  }
0x322: {  	[sflag:s5] =	ssyncadd.s32 $0xFFFFF800;
	s2 =	rddreg [dreg:$0xf]  }
.LBB2_38:
0x323: {  	_ =	sfence.sel $0x180000  }
0x324: {  	[bflag:$0x0] =	sbarrier.arrive $0xFFFF  }
0x325: {  	_ =	strace $0x90000047  }
0x326: {  	s0 =	stileid.u32;
	[bflag:$0x2] =	sbarrier.arrive $0xFFFF  }
0x327: {  	p0 =	sne.s32 s0, $0x0;
	s0 =	rddreg [dreg:$0x3]  }
0x328: {  	s0 =	sadd.s32 @!p0 $0x100000, s0  }
0x329: {  	[sflag:s0] =	ssyncadd.tile.s32 @!p0 $0x1;
	_ =	shalt  }
.Lfunc_end2:
_tile_overlayer_lowered:
.L_overlay_start_2:
0x32a: {  	(tag) =	ssettag $0x2  }
0x32b: {  	s0 =	rddreg [dreg:$0x0];
	s2 =	stileid.u32  }
0x32c: {  	s1 =	rddreg [dreg:$0x1];
	p0 =	sne.s32 s2, $0x0  }
0x32d: {  	s3 =	rddreg [dreg:$0x2];
	[bflag:$0x3] =	sbarrier.arrive $0xFFFF;
	s2 =	simm.s32 @!p0 $0x1C03  }
0x32e: {  	[timem:s3], [sflag:s2] =	dma.local @!p0 [hbm:s0], s1  }
0x32f: {  	s0 =	simm.s32 @!p0 $0x3  }
0x330: {  	_ =	swait.ge @!p0 [sflag:s0], s1  }
0x331: {  	s1 =	ssub.s32 @!p0 $0x0, s1;
	[sflag:s0] =	ssyncset.done @!p0 $0x0  }
0x332: {  	[sflag:s0] =	ssyncadd.s32 @!p0 s1  }
0x333: {  	[bflag:$0x3] =	sbarrier.arrive $0xFFFF  }
0x334: {  	_ =	shalt  }

</sc_bundles>
